<compile_context>
chip_gen: v7x
topology: tpu7x:2x2x1
jax: 0.10.2.dev20260603
libtpu: 0.0.44.dev20260713+nightly
codegen_flags: <defaults>
</compile_context>

<pallas_src>
import functools

import jax
import jax.numpy as jnp
from jax import lax
from jax.experimental import pallas as pl
from jax.experimental.pallas import tpu as pltpu
from jax.experimental.pallas import tpu_sc as plsc

N_NODES = 100000
NE = 3200000
NQ = 200000

W = 32
SHIFT = 12
RPW = 1 << SHIFT
NBINS = W * RPW
NP = 200704
QPAD_SRC = NBINS - 1
NE_P = 25088 * 128
EROWS_W = 784
OFFS_N = 100352
DUMP = NP
ST_ROWS = 16
ST_N = ST_ROWS * 128
WL = 6144
QK1 = 229376

_mesh = plsc.VectorSubcoreMesh(core_axis_name="c", subcore_axis_name="s")


def _wid():
    return lax.axis_index("c") * 16 + lax.axis_index("s")


def _iota16():
    return lax.iota(jnp.int32, 16)


def _rank_base():
    cnt, _ = plsc.scan_count(jnp.zeros((16,), jnp.int32))
    return jnp.min(cnt)


@functools.partial(
    pl.kernel,
    out_type=(
        jax.ShapeDtypeStruct((NBINS,), jnp.int32),
        jax.ShapeDtypeStruct((NBINS,), jnp.int32),
        jax.ShapeDtypeStruct((256,), jnp.int32),
        jax.ShapeDtypeStruct((256,), jnp.int32),
        jax.ShapeDtypeStruct((W * 8192,), jnp.int32),
        jax.ShapeDtypeStruct((W * 8192,), jnp.int32),
        jax.ShapeDtypeStruct((1024,), jnp.int32),
    ),
    mesh=_mesh,
    compiler_params=pltpu.CompilerParams(needs_layout_passes=False),
    scratch_types=[
        pltpu.VMEM((8192,), jnp.int32),
        pltpu.VMEM((QK1 // 32,), jnp.int32),
        pltpu.VMEM((QK1 // 32,), jnp.int32),
        pltpu.VMEM((128,), jnp.int32),
        pltpu.VMEM((128,), jnp.int32),
        pltpu.VMEM((8192,), jnp.int32),
        pltpu.VMEM((8192,), jnp.int32),
        pltpu.VMEM((32,), jnp.int32),
        pltpu.VMEM((32,), jnp.int32),
        pltpu.VMEM((32,), jnp.int32),
        pltpu.VMEM_SHARED((NBINS,), jnp.int32),
    ],
)
def _k1(qsrc_hbm, qdst_hbm, hist0_hbm, hist1_hbm, stot0_hbm, stot1_hbm,
        qsv_hbm, qsd_hbm, pcnts_hbm,
        zbuf, qbuf, qdbuf, qrow, ones, sv, sd, h32, cur32, cbuf, spm_hist):
    cid = lax.axis_index("c")
    tid = lax.axis_index("s")
    wid = cid * 16 + tid
    io = _iota16()
    rb = _rank_base()
    z = jnp.zeros((16,), jnp.int32)

    def zero_body(i, _):
        zbuf[pl.ds(i * 16, 16)] = z
        return 0

    lax.fori_loop(0, 512, zero_body, 0)
    pltpu.sync_copy(zbuf, spm_hist.at[pl.ds(tid * 8192, 8192)])

    def ones_body(i, _):
        ones[pl.ds(i * 16, 16)] = jnp.ones((16,), jnp.int32)
        return 0

    lax.fori_loop(0, 8, ones_body, 0)
    pltpu.sync_copy(qsrc_hbm.at[pl.ds(wid * (QK1 // 32), QK1 // 32)], qbuf)
    pltpu.sync_copy(qdst_hbm.at[pl.ds(wid * (QK1 // 32), QK1 // 32)], qdbuf)
    plsc.subcore_barrier()

    def add_body(j, _):
        def cp(k, _):
            qrow[pl.ds(k * 16, 16)] = qbuf[pl.ds(j * 128 + k * 16, 16)]
            return 0

        lax.fori_loop(0, 8, cp, 0)
        pltpu.sync_copy(ones, spm_hist.at[qrow], add=True)
        return 0

    lax.fori_loop(0, QK1 // 32 // 128, add_body, 0)
    plsc.subcore_barrier()

    pltpu.sync_copy(spm_hist.at[pl.ds(tid * 8192, 8192)], zbuf)

    @pl.when(cid == 0)
    def _():
        pltpu.sync_copy(zbuf, hist0_hbm.at[pl.ds(tid * 8192, 8192)])

    @pl.when(cid == 1)
    def _():
        pltpu.sync_copy(zbuf, hist1_hbm.at[pl.ds(tid * 8192, 8192)])

    def sum_body(i, acc):
        a, b = acc
        v = zbuf[pl.ds(i * 16, 16)]
        s = jnp.sum(v, dtype=jnp.int32)
        return (a + jnp.where(i < 256, s, 0), b + jnp.where(i >= 256, s, 0))

    t0, t1 = lax.fori_loop(0, 512, sum_body, (jnp.int32(0), jnp.int32(0)))
    io = _iota16()
    tv = jnp.where(io == 0, t0, 0) + jnp.where(io == 1, t1, 0)
    zbuf[pl.ds(0, 16)] = tv

    @pl.when(cid == 0)
    def _():
        pltpu.sync_copy(zbuf.at[pl.ds(0, 16)], stot0_hbm.at[pl.ds(tid * 16, 16)])

    @pl.when(cid == 1)
    def _():
        pltpu.sync_copy(zbuf.at[pl.ds(0, 16)], stot1_hbm.at[pl.ds(tid * 16, 16)])

    cbuf[pl.ds(0, 16)] = z
    cbuf[pl.ds(16, 16)] = z

    @pl.when(wid < 28)
    def _():
        h32[pl.ds(0, 16)] = z
        h32[pl.ds(16, 16)] = z

        def cnt_body(v, _):
            v = lax.convert_element_type(v, jnp.int32)
            o = lax.shift_right_logical(qbuf[pl.ds(v * 16, 16)],
                                        jnp.int32(SHIFT))
            rank, last = plsc.scan_count(o)
            plsc.addupdate_scatter(h32, [o], rank - rb + 1, mask=last)
            return 0

        lax.fori_loop(0, QK1 // 32 // 16, cnt_body, 0)

        h0v = h32[pl.ds(0, 16)]
        h1v = h32[pl.ds(16, 16)]
        pc0 = (h0v + 7) & jnp.int32(-8)
        pc1 = (h1v + 7) & jnp.int32(-8)
        e0 = plsc.cumsum(pc0) - pc0
        e1 = plsc.cumsum(pc1) - pc1 + jnp.sum(pc0, dtype=jnp.int32)
        cur32[pl.ds(0, 16)] = e0
        cur32[pl.ds(16, 16)] = e1
        cbuf[pl.ds(0, 16)] = pc0
        cbuf[pl.ds(16, 16)] = pc1

        def sv_init(i, _):
            sv[pl.ds(i * 16, 16)] = jnp.full((16,), -1, jnp.int32)
            return 0

        lax.fori_loop(0, 512, sv_init, 0)

        def place_body(v, _):
            v = lax.convert_element_type(v, jnp.int32)
            s = qbuf[pl.ds(v * 16, 16)]
            d = qdbuf[pl.ds(v * 16, 16)]
            o = lax.shift_right_logical(s, jnp.int32(SHIFT))
            rank, last = plsc.scan_count(o)
            c0 = plsc.load_gather(cur32, [o])
            pos = c0 + (rank - rb)
            plsc.store_scatter(cur32, [o], pos + 1, mask=last)
            qidx = wid * (QK1 // 32) + v * 16 + io
            packed = lax.shift_left(s & jnp.int32(RPW - 1),
                                    jnp.int32(18)) | qidx
            plsc.store_scatter(sv, [pos], packed)
            plsc.store_scatter(sd, [pos], d)
            return 0

        lax.fori_loop(0, QK1 // 32 // 16, place_body, 0)
        pltpu.sync_copy(sv, qsv_hbm.at[pl.ds(wid * 8192, 8192)])
        pltpu.sync_copy(sd, qsd_hbm.at[pl.ds(wid * 8192, 8192)])

    pltpu.sync_copy(cbuf, pcnts_hbm.at[pl.ds(wid * 32, 32)])


@functools.partial(
    pl.kernel,
    out_type=(
        jax.ShapeDtypeStruct((NBINS,), jnp.int32),
        jax.ShapeDtypeStruct((NP + 128,), jnp.int32),
        jax.ShapeDtypeStruct((NP + 128,), jnp.int32),
    ),
    mesh=_mesh,
    compiler_params=pltpu.CompilerParams(needs_layout_passes=False),
    scratch_types=[
        pltpu.VMEM((4096,), jnp.int32),
        pltpu.VMEM((4096,), jnp.int32),
        pltpu.VMEM((4096,), jnp.int32),
        pltpu.VMEM((256,), jnp.int32),
        pltpu.VMEM((256,), jnp.int32),
        pltpu.VMEM((512,), jnp.int32),
        pltpu.VMEM((512,), jnp.int32),
        pltpu.VMEM((1024,), jnp.int32),
        pltpu.VMEM((ST_N,), jnp.int32),
        pltpu.VMEM((ST_N,), jnp.int32),
        pltpu.VMEM((ST_N,), jnp.int32),
        pltpu.VMEM((128,), jnp.int32),
        pltpu.VMEM((128,), jnp.int32),
        pltpu.VMEM((128,), jnp.int32),
    ],
)
def _k2(hist0_hbm, hist1_hbm, stot0_hbm, stot1_hbm, qsv_hbm, qsd_hbm,
        pcnts_hbm, offs_hbm, bqdst_hbm, bslot_hbm, h0, h1, cur, s0, s1,
        qs, qd, pbuf, st_pos, st_dst, st_qidx, fp, fd, fq):
    wid = _wid()
    rb = _rank_base()
    io = _iota16()

    pltpu.sync_copy(stot0_hbm, s0)
    pltpu.sync_copy(stot1_hbm, s1)

    def base_body(t, acc):
        t = lax.convert_element_type(t, jnp.int32)
        v = s0[pl.ds(t * 16, 16)] + s1[pl.ds(t * 16, 16)]
        m = (io < 2) & (2 * t + io < wid)
        return acc + jnp.sum(jnp.where(m, v, 0), dtype=jnp.int32)

    base = lax.fori_loop(0, 16, base_body, jnp.int32(0))

    pltpu.sync_copy(hist0_hbm.at[pl.ds(wid * 4096, 4096)], h0)
    pltpu.sync_copy(hist1_hbm.at[pl.ds(wid * 4096, 4096)], h1)

    def scan_body(i, carry):
        v = h0[pl.ds(i * 16, 16)] + h1[pl.ds(i * 16, 16)]
        inc = plsc.cumsum(v)
        excl = carry + (inc - v)
        h0[pl.ds(i * 16, 16)] = base + excl
        cur[pl.ds(i * 16, 16)] = base + excl
        return carry + jnp.sum(v, dtype=jnp.int32)

    lax.fori_loop(0, 256, scan_body, jnp.int32(0))
    pltpu.sync_copy(h0, offs_hbm.at[pl.ds(wid * 4096, 4096)])

    def flush_row(j, _):
        jb = (lax.convert_element_type(j, jnp.int32)
              & jnp.int32(ST_ROWS - 1)) * 128

        def cp(k, _):
            fp[pl.ds(k * 16, 16)] = st_pos[pl.ds(jb + k * 16, 16)]
            fd[pl.ds(k * 16, 16)] = st_dst[pl.ds(jb + k * 16, 16)]
            fq[pl.ds(k * 16, 16)] = st_qidx[pl.ds(jb + k * 16, 16)]
            return 0

        lax.fori_loop(0, 8, cp, 0)
        pltpu.sync_copy(fd, bqdst_hbm.at[fp])
        pltpu.sync_copy(fp, bslot_hbm.at[fq])
        return 0

    pltpu.sync_copy(pcnts_hbm, pbuf)

    def seg_body(w1, carry):
        w1 = lax.convert_element_type(w1, jnp.int32)
        cnt, flushed = carry
        r0 = pbuf[pl.ds(w1 * 32, 16)]
        r1 = pbuf[pl.ds(w1 * 32 + 16, 16)]
        segoff = (jnp.sum(jnp.where(io < wid, r0, 0), dtype=jnp.int32)
                  + jnp.sum(jnp.where(io < wid - 16, r1, 0),
                            dtype=jnp.int32))
        rsel = jnp.where(wid < 16, r0, r1)
        myc = jnp.sum(jnp.where(io == (wid & 15), rsel, 0), dtype=jnp.int32)
        base_r = pl.multiple_of(w1 * 8192 + segoff, 8)

        def chunk_body(j, carry2):
            j = lax.convert_element_type(j, jnp.int32)
            cnt, flushed = carry2
            pltpu.sync_copy(qsv_hbm.at[pl.ds(base_r + j * 512, 512)], qs)
            pltpu.sync_copy(qsd_hbm.at[pl.ds(base_r + j * 512, 512)], qd)

            def vec_body(v, cnt):
                v = lax.convert_element_type(v, jnp.int32)
                packed = qs[pl.ds(v * 16, 16)]
                m = ((j * 512 + v * 16 + io) < myc) & (packed >= 0)
                rel = lax.shift_right_logical(packed, jnp.int32(18)) & jnp.int32(RPW - 1)
                qidx = packed & jnp.int32(0x3FFFF)
                d = qd[pl.ds(v * 16, 16)]
                rank, lastm = plsc.scan_count(rel, m)
                c0 = plsc.load_gather(cur, [rel], mask=m)
                pos = c0 + (rank - rb)
                plsc.store_scatter(cur, [rel], pos + 1, mask=m & lastm)
                inc = plsc.cumsum(m.astype(jnp.int32))
                lane = (cnt + inc - 1) & jnp.int32(ST_N - 1)
                plsc.store_scatter(st_pos, [lane], pos, mask=m)
                plsc.store_scatter(st_dst, [lane], d, mask=m)
                plsc.store_scatter(st_qidx, [lane], qidx, mask=m)
                return cnt + jnp.sum(m.astype(jnp.int32), dtype=jnp.int32)

            cnt = lax.fori_loop(0, 32, vec_body, cnt)
            full = lax.shift_right_logical(cnt, jnp.int32(7))
            lax.fori_loop(flushed, full, flush_row, 0)
            return (cnt, full)

        nch = lax.shift_right_logical(myc + 511, jnp.int32(9))
        return lax.fori_loop(0, nch, chunk_body, (cnt, flushed))

    cnt, flushed = lax.fori_loop(0, 32, seg_body,
                                 (jnp.int32(0), jnp.int32(0)))

    @pl.when(cnt > flushed * 128)
    def _():
        jb = (flushed & jnp.int32(ST_ROWS - 1)) * 128
        rem = cnt & 127

        def pad_body(k, _):
            k = lax.convert_element_type(k, jnp.int32)
            lane = k * 16 + io
            x = st_pos[pl.ds(jb + k * 16, 16)]
            st_pos[pl.ds(jb + k * 16, 16)] = jnp.where(lane >= rem, DUMP, x)
            y = st_qidx[pl.ds(jb + k * 16, 16)]
            st_qidx[pl.ds(jb + k * 16, 16)] = jnp.where(lane >= rem, DUMP, y)
            return 0

        lax.fori_loop(0, 8, pad_body, 0)
        flush_row(flushed, 0)


@functools.partial(
    pl.kernel,
    out_type=(
        jax.ShapeDtypeStruct((NP + 128,), jnp.float32),
        jax.ShapeDtypeStruct((NP + 128,), jnp.float32),
    ),
    mesh=_mesh,
    compiler_params=pltpu.CompilerParams(needs_layout_passes=False),
    scratch_types=[
        pltpu.VMEM((OFFS_N,), jnp.int32),
        pltpu.VMEM((2048,), jnp.int32),
        pltpu.VMEM((2048,), jnp.int32),
        pltpu.VMEM((2048,), jnp.int32),
        pltpu.VMEM((2048,), jnp.int32),
        pltpu.VMEM((2048,), jnp.int32),
        pltpu.VMEM((WL,), jnp.int32),
        pltpu.VMEM((WL,), jnp.int32),
        pltpu.VMEM((WL,), jnp.int32),
        pltpu.VMEM((128,), jnp.int32),
        pltpu.VMEM((128,), jnp.float32),
        pltpu.VMEM((1024,), jnp.float32),
        pltpu.SemaphoreType.DMA,
    ],
)
def _k3(esrc_hbm, edst_hbm, offs_hbm, bqdst_hbm, mark0_hbm, mark1_hbm,
        offs, es, ed, apos, aend, aslot, wl, wlslot, gath, mbuf, onesf,
        zerof, sem):
    cid = lax.axis_index("c")
    tid = lax.axis_index("s")
    wid = cid * 16 + tid
    io = _iota16()
    zf = jnp.zeros((16,), jnp.float32)

    def zf_body(i, _):
        zerof[pl.ds(i * 16, 16)] = zf
        return 0

    lax.fori_loop(0, 64, zf_body, 0)

    def zero_marks(mark_hbm):
        def zb(i, _):
            pltpu.sync_copy(zerof,
                            mark_hbm.at[pl.ds(tid * 12552 + i * 1024, 1024)])
            return 0
        lax.fori_loop(0, 12, zb, 0)
        pltpu.sync_copy(zerof.at[pl.ds(0, 264)],
                        mark_hbm.at[pl.ds(tid * 12552 + 12288, 264)])

    @pl.when(cid == 0)
    def _():
        zero_marks(mark0_hbm)

    @pl.when(cid == 1)
    def _():
        zero_marks(mark1_hbm)

    def mb_body(i, _):
        mbuf[pl.ds(i * 16, 16)] = jnp.full((16,), DUMP, jnp.int32)
        onesf[pl.ds(i * 16, 16)] = jnp.ones((16,), jnp.float32)
        return 0

    lax.fori_loop(0, 8, mb_body, 0)
    pltpu.sync_copy(offs_hbm.at[pl.ds(0, OFFS_N)], offs)
    plsc.subcore_barrier()

    def flush_marks(mcnt):
        @pl.when(mcnt > 0)
        def _():
            @pl.when(cid == 0)
            def _():
                pltpu.sync_copy(onesf, mark0_hbm.at[mbuf])

            @pl.when(cid == 1)
            def _():
                pltpu.sync_copy(onesf, mark1_hbm.at[mbuf])

            def rst(i, _):
                mbuf[pl.ds(i * 16, 16)] = jnp.full((16,), DUMP, jnp.int32)
                return 0

            lax.fori_loop(0, 8, rst, 0)

    ebase = wid * (EROWS_W * 128)

    def chunk_body(c, mcnt):
        pltpu.sync_copy(esrc_hbm.at[pl.ds(ebase + c * 2048, 2048)], es)
        pltpu.sync_copy(edst_hbm.at[pl.ds(ebase + c * 2048, 2048)], ed)

        def init_body(v, acnt):
            v = lax.convert_element_type(v, jnp.int32)
            s = es[pl.ds(v * 16, 16)]
            st = plsc.load_gather(offs, [s])
            en = plsc.load_gather(offs, [s + 1])
            m = en > st
            inc = plsc.cumsum(m.astype(jnp.int32))
            lane = acnt + inc - 1
            plsc.store_scatter(apos, [lane], st, mask=m)
            plsc.store_scatter(aend, [lane], en, mask=m)
            plsc.store_scatter(aslot, [lane], v * 16 + io, mask=m)
            return acnt + jnp.sum(m.astype(jnp.int32), dtype=jnp.int32)

        acnt = lax.fori_loop(0, 128, init_body, jnp.int32(0))

        def wave_cond(carry):
            acnt, _ = carry
            return acnt > 0

        def wave_body(carry):
            acnt, mcnt = carry

            def em_cond(c2):
                acnt, wcnt = c2
                return (acnt > 0) & (wcnt + acnt <= WL)

            def em_body(c2):
                acnt, wcnt = c2
                nv = lax.shift_right_logical(acnt + 15, jnp.int32(4))

                def emv(k, ncnt):
                    k = lax.convert_element_type(k, jnp.int32)
                    valid = (k * 16 + io) < acnt
                    p = apos[pl.ds(k * 16, 16)]
                    en = aend[pl.ds(k * 16, 16)]
                    sl = aslot[pl.ds(k * 16, 16)]
                    wl[pl.ds(wcnt + k * 16, 16)] = jnp.where(valid, p, DUMP)
                    wlslot[pl.ds(wcnt + k * 16, 16)] = jnp.where(valid, sl, 0)
                    keep = valid & (p + 1 < en)
                    kinc = plsc.cumsum(keep.astype(jnp.int32))
                    lane = ncnt + kinc - 1
                    plsc.store_scatter(apos, [lane], p + 1, mask=keep)
                    plsc.store_scatter(aend, [lane], en, mask=keep)
                    plsc.store_scatter(aslot, [lane], sl, mask=keep)
                    return ncnt + jnp.sum(keep.astype(jnp.int32),
                                          dtype=jnp.int32)

                nxt = lax.fori_loop(0, nv, emv, jnp.int32(0))
                return (nxt, wcnt + ((acnt + 15) & jnp.int32(-16)))

            acnt, wcnt = lax.while_loop(em_cond, em_body,
                                        (acnt, jnp.int32(0)))

            wpad = (wcnt + 127) & jnp.int32(-128)

            def padv(k, _):
                k = lax.convert_element_type(k, jnp.int32)
                wl[pl.ds(wcnt + k * 16, 16)] = jnp.full((16,), DUMP,
                                                        jnp.int32)
                return 0

            lax.fori_loop(0, lax.shift_right_logical(wpad - wcnt,
                                                     jnp.int32(4)), padv, 0)
            nr = lax.shift_right_logical(wpad, jnp.int32(7))

            def fire(j, _):
                pltpu.async_copy(bqdst_hbm.at[wl.at[pl.ds(j * 128, 128)]],
                                 gath.at[pl.ds(j * 128, 128)], sem)
                return 0

            lax.fori_loop(0, nr, fire, 0)

            def drain(j, _):
                pltpu.make_async_copy(
                    bqdst_hbm.at[pl.ds(0, 128)],
                    gath.at[pl.ds(j * 128, 128)], sem).wait()
                return 0

            lax.fori_loop(0, nr, drain, 0)

            def cmp_body(k, mcnt):
                k = lax.convert_element_type(k, jnp.int32)
                p = wl[pl.ds(k * 16, 16)]
                g = gath[pl.ds(k * 16, 16)]
                sl = wlslot[pl.ds(k * 16, 16)]
                d = plsc.load_gather(ed, [sl])
                mm = (p != DUMP) & (g == d)
                minc = plsc.cumsum(mm.astype(jnp.int32))
                plsc.store_scatter(mbuf, [mcnt + minc - 1], p, mask=mm)
                mcnt = mcnt + jnp.sum(mm.astype(jnp.int32), dtype=jnp.int32)
                flush_marks(jnp.where(mcnt >= 112, mcnt, 0))
                return jnp.where(mcnt >= 112, 0, mcnt)

            mcnt = lax.fori_loop(
                0, lax.shift_right_logical(wcnt + 15, jnp.int32(4)),
                cmp_body, mcnt)
            return (acnt, mcnt)

        _, mcnt = lax.while_loop(wave_cond, wave_body, (acnt, mcnt))
        return mcnt

    mcnt = lax.fori_loop(0, 49, chunk_body, jnp.int32(0))
    flush_marks(mcnt)


@functools.partial(
    pl.kernel,
    out_type=jax.ShapeDtypeStruct((NP,), jnp.float32),
    mesh=_mesh,
    compiler_params=pltpu.CompilerParams(needs_layout_passes=False),
    scratch_types=[
        pltpu.VMEM((6272,), jnp.int32),
        pltpu.VMEM((6272,), jnp.float32),
        pltpu.VMEM((6272,), jnp.float32),
        pltpu.VMEM((6272,), jnp.float32),
        pltpu.SemaphoreType.DMA,
    ],
)
def _k4(bslot_hbm, mark0_hbm, mark1_hbm, pred_hbm, sbuf, g0, g1, pbuf, sem):
    wid = _wid()
    base = wid * 6272
    pltpu.sync_copy(bslot_hbm.at[pl.ds(base, 6272)], sbuf)

    def fire(j, _):
        pltpu.async_copy(mark0_hbm.at[sbuf.at[pl.ds(j * 128, 128)]],
                         g0.at[pl.ds(j * 128, 128)], sem)
        pltpu.async_copy(mark1_hbm.at[sbuf.at[pl.ds(j * 128, 128)]],
                         g1.at[pl.ds(j * 128, 128)], sem)
        pltpu.make_async_copy(mark0_hbm.at[pl.ds(0, 128)],
                              g0.at[pl.ds(j * 128, 128)], sem).wait()
        pltpu.make_async_copy(mark1_hbm.at[pl.ds(0, 128)],
                              g1.at[pl.ds(j * 128, 128)], sem).wait()
        return 0

    lax.fori_loop(0, 49, fire, 0)

    def out_body(v, _):
        a = g0[pl.ds(v * 16, 16)]
        b = g1[pl.ds(v * 16, 16)]
        pbuf[pl.ds(v * 16, 16)] = jnp.where(a + b > 0.0, 1.0, 0.0)
        return 0

    lax.fori_loop(0, 392, out_body, 0)
    pltpu.sync_copy(pbuf, pred_hbm.at[pl.ds(base, 6272)])


def kernel(edge_index, ts, query_edge_index):
    del ts
    with jax.enable_x64(False):
        e_src = edge_index[0].astype(jnp.int32)
        e_dst = edge_index[1].astype(jnp.int32)
        q_src = query_edge_index[0].astype(jnp.int32)
        q_dst = query_edge_index[1].astype(jnp.int32)

        qsrc_p = jnp.concatenate(
            [q_src, jnp.full((NP - NQ,), QPAD_SRC, jnp.int32)])
        qdst_p = jnp.concatenate([q_dst, jnp.full((NP - NQ,), -2, jnp.int32)])
        esrc_p = jnp.concatenate([e_src, jnp.zeros((NE_P - NE,), jnp.int32)])
        edst_p = jnp.concatenate([e_dst, jnp.full((NE_P - NE,), -1, jnp.int32)])
        qsrc_k1 = jnp.concatenate(
            [qsrc_p, jnp.full((QK1 - NP,), QPAD_SRC, jnp.int32)])
        qdst_k1 = jnp.concatenate(
            [qdst_p, jnp.full((QK1 - NP,), -2, jnp.int32)])

        hist0, hist1, stot0, stot1, qsv, qsd, pcnts = _k1(qsrc_k1, qdst_k1)
        offs, bqdst, bslot = _k2(hist0, hist1, stot0, stot1, qsv, qsd, pcnts)
        mark0, mark1 = _k3(esrc_p, edst_p, offs, bqdst)
        pred = _k4(bslot[:NP], mark0, mark1)
        return pred[:NQ]

# --- scband reference (transcript-rebuilt; emitter-appended) ---
"""Pipeline reference for scband-edge-bank-predictor-19533511262533 (READ-ONLY COPY).

The authoritative reference and input builder live on the scoring server;
editing this copy changes nothing except your own understanding.
"""

import jax, jax.numpy as jnp
import numpy as np

jax.config.update("jax_enable_x64", True)

N_NODES = 100000
N_EDGES = 3200000
N_QUERIES = 200000
POS_PROB = 1.0


def setup_inputs(seed: int = 0) -> dict:
    key = jax.random.key(seed)
    k1, k2, k3 = jax.random.split(key, 3)
    edge_index = jax.random.randint(k1, (2, N_EDGES), 0, N_NODES, dtype=jnp.int64)
    ts = jax.random.uniform(k2, (N_EDGES,), dtype=jnp.float32)
    query_edge_index = jax.random.randint(k3, (2, N_QUERIES), 0, N_NODES, dtype=jnp.int64)
    return {"edge_index": edge_index, "ts": ts, "query_edge_index": query_edge_index}


def reference(edge_index, ts, query_edge_index):
    # --- update_memory ('unlimited' mode) ---
    # Memory holds the set of all observed (src, dst) pairs plus their timestamps.
    # Duplicates in the stream collapse to the same key, matching the original
    # semantics where already-seen edges are not re-inserted.
    mem_keys = edge_index[0] * N_NODES + edge_index[1]  # unique pair encoding (int64)
    order = jnp.argsort(mem_keys)
    sorted_keys = jnp.take(mem_keys, order)
    sorted_ts = jnp.take(ts, order)  # memory[1]: timestamps kept alongside edges

    # --- predict_link ---
    # Edges present in memory get pos_prob, all others get 0.0 (exact set
    # membership via binary search over the sorted key memory).
    q_keys = query_edge_index[0] * N_NODES + query_edge_index[1]
    pos = jnp.searchsorted(sorted_keys, q_keys, side="left")
    pos_c = jnp.clip(pos, 0, sorted_keys.shape[0] - 1)
    found = jnp.take(sorted_keys, pos_c) == q_keys
    pred = jnp.where(found, jnp.float32(POS_PROB), jnp.float32(0.0))
    # sorted_ts is the materialized memory state (used by fixed_time_window mode);
    # the prediction itself only depends on membership in 'unlimited' mode.
    del sorted_ts
    return pred

if __name__ == "__main__":
    import jax
    _d = setup_inputs()
    print(jax.jit(kernel)(*tuple(_d.values())))

</pallas_src>

<mosaic_0001>
#map = affine_map<(d0, d1) -> (0)>
module attributes {stable_mosaic.version = 14 : i64} {
  func.func @_k3(%arg0: i32, %arg1: i32, %arg2: memref<3211264xi32, #tpu.memory_space<hbm>>, %arg3: memref<3211264xi32, #tpu.memory_space<hbm>>, %arg4: memref<131072xi32, #tpu.memory_space<hbm>>, %arg5: memref<200832xi32, #tpu.memory_space<hbm>>, %arg6: memref<200832xf32, #tpu.memory_space<hbm>>, %arg7: memref<200832xf32, #tpu.memory_space<hbm>>, %arg8: memref<100352xi32, #tpu.memory_space<vmem>>, %arg9: memref<2048xi32, #tpu.memory_space<vmem>>, %arg10: memref<2048xi32, #tpu.memory_space<vmem>>, %arg11: memref<2048xi32, #tpu.memory_space<vmem>>, %arg12: memref<2048xi32, #tpu.memory_space<vmem>>, %arg13: memref<2048xi32, #tpu.memory_space<vmem>>, %arg14: memref<6144xi32, #tpu.memory_space<vmem>>, %arg15: memref<6144xi32, #tpu.memory_space<vmem>>, %arg16: memref<6144xi32, #tpu.memory_space<vmem>>, %arg17: memref<128xi32, #tpu.memory_space<vmem>>, %arg18: memref<128xf32, #tpu.memory_space<vmem>>, %arg19: memref<1024xf32, #tpu.memory_space<vmem>>, %arg20: memref<!tpu.dma_semaphore, #tpu.memory_space<semaphore_mem>>) attributes {dimension_semantics = [#tpu.dimension_semantics<core_parallel>, #tpu.dimension_semantics<subcore_parallel>], iteration_bounds = array<i64: 2, 16>, scalar_prefetch = 0 : i64, scratch_operands = 13 : i64, tpu.core_type = #tpu.core_type<sc_vector_subcore>, window_params = [{transform_indices = #map}, {transform_indices = #map}, {transform_indices = #map}, {transform_indices = #map}, {transform_indices = #map}, {transform_indices = #map}]} {
    %mul3A = arith.constant 16 : i32
    %mul3A_0 = arith.muli %arg0, %mul3A : i32
    %add3A = arith.addi %mul3A_0, %arg1 : i32
    %iota3A = tpu.iota {dimensions = array<i32: 0>} : vector<16xi32>
    %broadcast_in_dim3A = arith.constant 0.000000e+00 : f32
    %broadcast_in_dim3A_1 = vector.broadcast %broadcast_in_dim3A : f32 to vector<16xf32>
    %scan3A = arith.constant 0 : i32
    %scan3A_2 = arith.constant 0 : i32
    %scan3A_3 = arith.constant 64 : i32
    %scan3A_4 = arith.addi %scan3A_2, %scan3A_3 : i32
    %scan3A_5 = arith.constant 1 : i32
    %scan3A_6 = scf.for %scan3A_35 = %scan3A_2 to %scan3A_4 step %scan3A_5 iter_args(%scan3A_36 = %scan3A) -> (i32)  : i32 {
      %mul3A_37 = arith.constant 16 : i32
      %mul3A_38 = arith.muli %scan3A_35, %mul3A_37 : i32
      %swap3A = arith.index_cast %mul3A_38 : i32 to index
      %swap3A_39 = tpu.vector_load %arg19[%swap3A] {strides = array<i32>} : memref<1024xf32, #tpu.memory_space<vmem>>, vector<16xf32>,
      tpu.vector_store %arg19[%swap3A], %broadcast_in_dim3A_1 {strides = array<i32>} : memref<1024xf32, #tpu.memory_space<vmem>>, vector<16xf32>,
      %scan3A_40 = arith.constant 0 : i32
      scf.yield %scan3A_40 : i32
    }
    %scan3A_7 = arith.constant 64 : i32
    %eq3A = arith.constant 0 : i32
    %eq3A_8 = arith.cmpi eq, %arg0, %eq3A : i32
    %convert_element_type3A = arith.extui %eq3A_8 : i1 to i32
    %cond3A = arith.constant 0 : i32
    %cond3A_9 = arith.cmpi ne, %convert_element_type3A, %cond3A : i32
    scf.if %cond3A_9 {
      %scan3A_35 = arith.constant 0 : i32
      %scan3A_36 = arith.constant 0 : i32
      %scan3A_37 = arith.constant 12 : i32
      %scan3A_38 = arith.addi %scan3A_36, %scan3A_37 : i32
      %scan3A_39 = arith.constant 1 : i32
      %scan3A_40 = scf.for %scan3A_46 = %scan3A_36 to %scan3A_38 step %scan3A_39 iter_args(%scan3A_47 = %scan3A_35) -> (i32)  : i32 {
        %mul3A_48 = arith.constant 12552 : i32
        %mul3A_49 = arith.muli %arg1, %mul3A_48 : i32
        %mul3A_50 = arith.constant 1024 : i32
        %mul3A_51 = arith.muli %scan3A_46, %mul3A_50 : i32
        %add3A_52 = arith.addi %mul3A_49, %mul3A_51 : i32
        "tpu.region"() ({
          %run_scoped3A = tpu.sem_alloc : memref<!tpu.dma_semaphore, #tpu.memory_space<semaphore_mem>>
          %dma_start3A = tpu.memref_slice %arg6[%add3A_52] : memref<200832xf32, #tpu.memory_space<hbm>> -> memref<1024xf32, #tpu.memory_space<hbm>>
          %dma_start3A_54 = tpu.memref_slice %arg6[%add3A_52] : memref<200832xf32, #tpu.memory_space<hbm>> -> memref<1024xf32, #tpu.memory_space<hbm>>
          tpu.enqueue_dma source(%arg19 : memref<1024xf32, #tpu.memory_space<vmem>>) target(%dma_start3A_54 : memref<1024xf32, #tpu.memory_space<hbm>>) target_semaphore(%run_scoped3A : memref<!tpu.dma_semaphore, #tpu.memory_space<semaphore_mem>>)
          %dma_wait3A = tpu.memref_slice %arg6[%add3A_52] : memref<200832xf32, #tpu.memory_space<hbm>> -> memref<1024xf32, #tpu.memory_space<hbm>>
          %dma_wait3A_55 = tpu.memref_slice %arg6[%add3A_52] : memref<200832xf32, #tpu.memory_space<hbm>> -> memref<1024xf32, #tpu.memory_space<hbm>>
          tpu.wait_dma2 semaphore(%run_scoped3A : memref<!tpu.dma_semaphore, #tpu.memory_space<semaphore_mem>>) src(%arg19 : memref<1024xf32, #tpu.memory_space<vmem>>) dst(%dma_wait3A_55 : memref<1024xf32, #tpu.memory_space<hbm>>)
          tpu.yield
        }) : () -> ()
        %scan3A_53 = arith.constant 0 : i32
        scf.yield %scan3A_53 : i32
      }
      %scan3A_41 = arith.constant 12 : i32
      %mul3A_42 = arith.constant 12552 : i32
      %mul3A_43 = arith.muli %arg1, %mul3A_42 : i32
      %add3A_44 = arith.constant 12288 : i32
      %add3A_45 = arith.addi %mul3A_43, %add3A_44 : i32
      "tpu.region"() ({
        %run_scoped3A = tpu.sem_alloc : memref<!tpu.dma_semaphore, #tpu.memory_space<semaphore_mem>>
        %dma_start3A = arith.constant 0 : i32
        %dma_start3A_46 = tpu.memref_slice %arg19[%dma_start3A] : memref<1024xf32, #tpu.memory_space<vmem>> -> memref<264xf32, #tpu.memory_space<vmem>>
        %dma_start3A_47 = tpu.memref_slice %arg6[%add3A_45] : memref<200832xf32, #tpu.memory_space<hbm>> -> memref<264xf32, #tpu.memory_space<hbm>>
        %dma_start3A_48 = tpu.memref_slice %arg6[%add3A_45] : memref<200832xf32, #tpu.memory_space<hbm>> -> memref<264xf32, #tpu.memory_space<hbm>>
        %dma_start3A_49 = arith.constant 0 : i32
        %dma_start3A_50 = tpu.memref_slice %arg19[%dma_start3A_49] : memref<1024xf32, #tpu.memory_space<vmem>> -> memref<264xf32, #tpu.memory_space<vmem>>
        tpu.enqueue_dma source(%dma_start3A_50 : memref<264xf32, #tpu.memory_space<vmem>>) target(%dma_start3A_48 : memref<264xf32, #tpu.memory_space<hbm>>) target_semaphore(%run_scoped3A : memref<!tpu.dma_semaphore, #tpu.memory_space<semaphore_mem>>)
        %dma_wait3A = arith.constant 0 : i32
        %dma_wait3A_51 = tpu.memref_slice %arg19[%dma_wait3A] : memref<1024xf32, #tpu.memory_space<vmem>> -> memref<264xf32, #tpu.memory_space<vmem>>
        %dma_wait3A_52 = tpu.memref_slice %arg6[%add3A_45] : memref<200832xf32, #tpu.memory_space<hbm>> -> memref<264xf32, #tpu.memory_space<hbm>>
        %dma_wait3A_53 = tpu.memref_slice %arg6[%add3A_45] : memref<200832xf32, #tpu.memory_space<hbm>> -> memref<264xf32, #tpu.memory_space<hbm>>
        %dma_wait3A_54 = arith.constant 0 : i32
        %dma_wait3A_55 = tpu.memref_slice %arg19[%dma_wait3A_54] : memref<1024xf32, #tpu.memory_space<vmem>> -> memref<264xf32, #tpu.memory_space<vmem>>
        tpu.wait_dma2 semaphore(%run_scoped3A : memref<!tpu.dma_semaphore, #tpu.memory_space<semaphore_mem>>) src(%dma_wait3A_55 : memref<264xf32, #tpu.memory_space<vmem>>) dst(%dma_wait3A_53 : memref<264xf32, #tpu.memory_space<hbm>>)
        tpu.yield
      }) : () -> ()
    } else {
    }
    %eq3A_10 = arith.constant 1 : i32
    %eq3A_11 = arith.cmpi eq, %arg0, %eq3A_10 : i32
    %convert_element_type3A_12 = arith.extui %eq3A_11 : i1 to i32
    %cond3A_13 = arith.constant 0 : i32
    %cond3A_14 = arith.cmpi ne, %convert_element_type3A_12, %cond3A_13 : i32
    scf.if %cond3A_14 {
      %scan3A_35 = arith.constant 0 : i32
      %scan3A_36 = arith.constant 0 : i32
      %scan3A_37 = arith.constant 12 : i32
      %scan3A_38 = arith.addi %scan3A_36, %scan3A_37 : i32
      %scan3A_39 = arith.constant 1 : i32
      %scan3A_40 = scf.for %scan3A_46 = %scan3A_36 to %scan3A_38 step %scan3A_39 iter_args(%scan3A_47 = %scan3A_35) -> (i32)  : i32 {
        %mul3A_48 = arith.constant 12552 : i32
        %mul3A_49 = arith.muli %arg1, %mul3A_48 : i32
        %mul3A_50 = arith.constant 1024 : i32
        %mul3A_51 = arith.muli %scan3A_46, %mul3A_50 : i32
        %add3A_52 = arith.addi %mul3A_49, %mul3A_51 : i32
        "tpu.region"() ({
          %run_scoped3A = tpu.sem_alloc : memref<!tpu.dma_semaphore, #tpu.memory_space<semaphore_mem>>
          %dma_start3A = tpu.memref_slice %arg7[%add3A_52] : memref<200832xf32, #tpu.memory_space<hbm>> -> memref<1024xf32, #tpu.memory_space<hbm>>
          %dma_start3A_54 = tpu.memref_slice %arg7[%add3A_52] : memref<200832xf32, #tpu.memory_space<hbm>> -> memref<1024xf32, #tpu.memory_space<hbm>>
          tpu.enqueue_dma source(%arg19 : memref<1024xf32, #tpu.memory_space<vmem>>) target(%dma_start3A_54 : memref<1024xf32, #tpu.memory_space<hbm>>) target_semaphore(%run_scoped3A : memref<!tpu.dma_semaphore, #tpu.memory_space<semaphore_mem>>)
          %dma_wait3A = tpu.memref_slice %arg7[%add3A_52] : memref<200832xf32, #tpu.memory_space<hbm>> -> memref<1024xf32, #tpu.memory_space<hbm>>
          %dma_wait3A_55 = tpu.memref_slice %arg7[%add3A_52] : memref<200832xf32, #tpu.memory_space<hbm>> -> memref<1024xf32, #tpu.memory_space<hbm>>
          tpu.wait_dma2 semaphore(%run_scoped3A : memref<!tpu.dma_semaphore, #tpu.memory_space<semaphore_mem>>) src(%arg19 : memref<1024xf32, #tpu.memory_space<vmem>>) dst(%dma_wait3A_55 : memref<1024xf32, #tpu.memory_space<hbm>>)
          tpu.yield
        }) : () -> ()
        %scan3A_53 = arith.constant 0 : i32
        scf.yield %scan3A_53 : i32
      }
      %scan3A_41 = arith.constant 12 : i32
      %mul3A_42 = arith.constant 12552 : i32
      %mul3A_43 = arith.muli %arg1, %mul3A_42 : i32
      %add3A_44 = arith.constant 12288 : i32
      %add3A_45 = arith.addi %mul3A_43, %add3A_44 : i32
      "tpu.region"() ({
        %run_scoped3A = tpu.sem_alloc : memref<!tpu.dma_semaphore, #tpu.memory_space<semaphore_mem>>
        %dma_start3A = arith.constant 0 : i32
        %dma_start3A_46 = tpu.memref_slice %arg19[%dma_start3A] : memref<1024xf32, #tpu.memory_space<vmem>> -> memref<264xf32, #tpu.memory_space<vmem>>
        %dma_start3A_47 = tpu.memref_slice %arg7[%add3A_45] : memref<200832xf32, #tpu.memory_space<hbm>> -> memref<264xf32, #tpu.memory_space<hbm>>
        %dma_start3A_48 = tpu.memref_slice %arg7[%add3A_45] : memref<200832xf32, #tpu.memory_space<hbm>> -> memref<264xf32, #tpu.memory_space<hbm>>
        %dma_start3A_49 = arith.constant 0 : i32
        %dma_start3A_50 = tpu.memref_slice %arg19[%dma_start3A_49] : memref<1024xf32, #tpu.memory_space<vmem>> -> memref<264xf32, #tpu.memory_space<vmem>>
        tpu.enqueue_dma source(%dma_start3A_50 : memref<264xf32, #tpu.memory_space<vmem>>) target(%dma_start3A_48 : memref<264xf32, #tpu.memory_space<hbm>>) target_semaphore(%run_scoped3A : memref<!tpu.dma_semaphore, #tpu.memory_space<semaphore_mem>>)
        %dma_wait3A = arith.constant 0 : i32
        %dma_wait3A_51 = tpu.memref_slice %arg19[%dma_wait3A] : memref<1024xf32, #tpu.memory_space<vmem>> -> memref<264xf32, #tpu.memory_space<vmem>>
        %dma_wait3A_52 = tpu.memref_slice %arg7[%add3A_45] : memref<200832xf32, #tpu.memory_space<hbm>> -> memref<264xf32, #tpu.memory_space<hbm>>
        %dma_wait3A_53 = tpu.memref_slice %arg7[%add3A_45] : memref<200832xf32, #tpu.memory_space<hbm>> -> memref<264xf32, #tpu.memory_space<hbm>>
        %dma_wait3A_54 = arith.constant 0 : i32
        %dma_wait3A_55 = tpu.memref_slice %arg19[%dma_wait3A_54] : memref<1024xf32, #tpu.memory_space<vmem>> -> memref<264xf32, #tpu.memory_space<vmem>>
        tpu.wait_dma2 semaphore(%run_scoped3A : memref<!tpu.dma_semaphore, #tpu.memory_space<semaphore_mem>>) src(%dma_wait3A_55 : memref<264xf32, #tpu.memory_space<vmem>>) dst(%dma_wait3A_53 : memref<264xf32, #tpu.memory_space<hbm>>)
        tpu.yield
      }) : () -> ()
    } else {
    }
    %scan3A_15 = arith.constant 0 : i32
    %scan3A_16 = arith.constant 0 : i32
    %scan3A_17 = arith.constant 8 : i32
    %scan3A_18 = arith.addi %scan3A_16, %scan3A_17 : i32
    %scan3A_19 = arith.constant 1 : i32
    %scan3A_20 = scf.for %scan3A_35 = %scan3A_16 to %scan3A_18 step %scan3A_19 iter_args(%scan3A_36 = %scan3A_15) -> (i32)  : i32 {
      %broadcast_in_dim3A_37 = arith.constant 200704 : i32
      %broadcast_in_dim3A_38 = vector.broadcast %broadcast_in_dim3A_37 : i32 to vector<16xi32>
      %mul3A_39 = arith.constant 16 : i32
      %mul3A_40 = arith.muli %scan3A_35, %mul3A_39 : i32
      %swap3A = arith.index_cast %mul3A_40 : i32 to index
      %swap3A_41 = tpu.vector_load %arg17[%swap3A] {strides = array<i32>} : memref<128xi32, #tpu.memory_space<vmem>>, vector<16xi32>,
      tpu.vector_store %arg17[%swap3A], %broadcast_in_dim3A_38 {strides = array<i32>} : memref<128xi32, #tpu.memory_space<vmem>>, vector<16xi32>,
      %broadcast_in_dim3A_42 = arith.constant 1.000000e+00 : f32
      %broadcast_in_dim3A_43 = vector.broadcast %broadcast_in_dim3A_42 : f32 to vector<16xf32>
      %mul3A_44 = arith.constant 16 : i32
      %mul3A_45 = arith.muli %scan3A_35, %mul3A_44 : i32
      %swap3A_46 = arith.index_cast %mul3A_45 : i32 to index
      %swap3A_47 = tpu.vector_load %arg18[%swap3A_46] {strides = array<i32>} : memref<128xf32, #tpu.memory_space<vmem>>, vector<16xf32>,
      tpu.vector_store %arg18[%swap3A_46], %broadcast_in_dim3A_43 {strides = array<i32>} : memref<128xf32, #tpu.memory_space<vmem>>, vector<16xf32>,
      %scan3A_48 = arith.constant 0 : i32
      scf.yield %scan3A_48 : i32
    }
    %scan3A_21 = arith.constant 8 : i32
    "tpu.region"() ({
      %run_scoped3A = tpu.sem_alloc : memref<!tpu.dma_semaphore, #tpu.memory_space<semaphore_mem>>
      %dma_start3A = arith.constant 0 : i32
      %dma_start3A_35 = tpu.memref_slice %arg4[%dma_start3A] : memref<131072xi32, #tpu.memory_space<hbm>> -> memref<100352xi32, #tpu.memory_space<hbm>>
      %dma_start3A_36 = arith.constant 0 : i32
      %dma_start3A_37 = tpu.memref_slice %arg4[%dma_start3A_36] : memref<131072xi32, #tpu.memory_space<hbm>> -> memref<100352xi32, #tpu.memory_space<hbm>>
      tpu.enqueue_dma source(%dma_start3A_37 : memref<100352xi32, #tpu.memory_space<hbm>>) target(%arg8 : memref<100352xi32, #tpu.memory_space<vmem>>) target_semaphore(%run_scoped3A : memref<!tpu.dma_semaphore, #tpu.memory_space<semaphore_mem>>)
      %dma_wait3A = arith.constant 0 : i32
      %dma_wait3A_38 = tpu.memref_slice %arg4[%dma_wait3A] : memref<131072xi32, #tpu.memory_space<hbm>> -> memref<100352xi32, #tpu.memory_space<hbm>>
      %dma_wait3A_39 = arith.constant 0 : i32
      %dma_wait3A_40 = tpu.memref_slice %arg4[%dma_wait3A_39] : memref<131072xi32, #tpu.memory_space<hbm>> -> memref<100352xi32, #tpu.memory_space<hbm>>
      tpu.wait_dma2 semaphore(%run_scoped3A : memref<!tpu.dma_semaphore, #tpu.memory_space<semaphore_mem>>) src(%dma_wait3A_40 : memref<100352xi32, #tpu.memory_space<hbm>>) dst(%arg8 : memref<100352xi32, #tpu.memory_space<vmem>>)
      tpu.yield
    }) : () -> ()
    %barrier3A = arith.constant 0 : index
    tpu.barrier barrier_id(%barrier3A)
    %mul3A_22 = arith.constant 100352 : i32
    %mul3A_23 = arith.muli %add3A, %mul3A_22 : i32
    %scan3A_24 = arith.constant 0 : i32
    %scan3A_25 = arith.constant 0 : i32
    %scan3A_26 = arith.constant 49 : i32
    %scan3A_27 = arith.addi %scan3A_25, %scan3A_26 : i32
    %scan3A_28 = arith.constant 1 : i32
    %scan3A_29 = scf.for %scan3A_35 = %scan3A_25 to %scan3A_27 step %scan3A_28 iter_args(%scan3A_36 = %scan3A_24) -> (i32)  : i32 {
      %mul3A_37 = arith.constant 2048 : i32
      %mul3A_38 = arith.muli %scan3A_35, %mul3A_37 : i32
      %add3A_39 = arith.addi %mul3A_23, %mul3A_38 : i32
      "tpu.region"() ({
        %run_scoped3A = tpu.sem_alloc : memref<!tpu.dma_semaphore, #tpu.memory_space<semaphore_mem>>
        %dma_start3A = tpu.memref_slice %arg2[%add3A_39] : memref<3211264xi32, #tpu.memory_space<hbm>> -> memref<2048xi32, #tpu.memory_space<hbm>>
        %dma_start3A_50 = tpu.memref_slice %arg2[%add3A_39] : memref<3211264xi32, #tpu.memory_space<hbm>> -> memref<2048xi32, #tpu.memory_space<hbm>>
        tpu.enqueue_dma source(%dma_start3A_50 : memref<2048xi32, #tpu.memory_space<hbm>>) target(%arg9 : memref<2048xi32, #tpu.memory_space<vmem>>) target_semaphore(%run_scoped3A : memref<!tpu.dma_semaphore, #tpu.memory_space<semaphore_mem>>)
        %dma_wait3A = tpu.memref_slice %arg2[%add3A_39] : memref<3211264xi32, #tpu.memory_space<hbm>> -> memref<2048xi32, #tpu.memory_space<hbm>>
        %dma_wait3A_51 = tpu.memref_slice %arg2[%add3A_39] : memref<3211264xi32, #tpu.memory_space<hbm>> -> memref<2048xi32, #tpu.memory_space<hbm>>
        tpu.wait_dma2 semaphore(%run_scoped3A : memref<!tpu.dma_semaphore, #tpu.memory_space<semaphore_mem>>) src(%dma_wait3A_51 : memref<2048xi32, #tpu.memory_space<hbm>>) dst(%arg9 : memref<2048xi32, #tpu.memory_space<vmem>>)
        tpu.yield
      }) : () -> ()
      %mul3A_40 = arith.constant 2048 : i32
      %mul3A_41 = arith.muli %scan3A_35, %mul3A_40 : i32
      %add3A_42 = arith.addi %mul3A_23, %mul3A_41 : i32
      "tpu.region"() ({
        %run_scoped3A = tpu.sem_alloc : memref<!tpu.dma_semaphore, #tpu.memory_space<semaphore_mem>>
        %dma_start3A = tpu.memref_slice %arg3[%add3A_42] : memref<3211264xi32, #tpu.memory_space<hbm>> -> memref<2048xi32, #tpu.memory_space<hbm>>
        %dma_start3A_50 = tpu.memref_slice %arg3[%add3A_42] : memref<3211264xi32, #tpu.memory_space<hbm>> -> memref<2048xi32, #tpu.memory_space<hbm>>
        tpu.enqueue_dma source(%dma_start3A_50 : memref<2048xi32, #tpu.memory_space<hbm>>) target(%arg10 : memref<2048xi32, #tpu.memory_space<vmem>>) target_semaphore(%run_scoped3A : memref<!tpu.dma_semaphore, #tpu.memory_space<semaphore_mem>>)
        %dma_wait3A = tpu.memref_slice %arg3[%add3A_42] : memref<3211264xi32, #tpu.memory_space<hbm>> -> memref<2048xi32, #tpu.memory_space<hbm>>
        %dma_wait3A_51 = tpu.memref_slice %arg3[%add3A_42] : memref<3211264xi32, #tpu.memory_space<hbm>> -> memref<2048xi32, #tpu.memory_space<hbm>>
        tpu.wait_dma2 semaphore(%run_scoped3A : memref<!tpu.dma_semaphore, #tpu.memory_space<semaphore_mem>>) src(%dma_wait3A_51 : memref<2048xi32, #tpu.memory_space<hbm>>) dst(%arg10 : memref<2048xi32, #tpu.memory_space<vmem>>)
        tpu.yield
      }) : () -> ()
      %scan3A_43 = arith.constant 0 : i32
      %scan3A_44 = arith.constant 0 : i32
      %scan3A_45 = arith.constant 128 : i32
      %scan3A_46 = arith.addi %scan3A_44, %scan3A_45 : i32
      %scan3A_47 = arith.constant 1 : i32
      %scan3A_48 = scf.for %scan3A_50 = %scan3A_44 to %scan3A_46 step %scan3A_47 iter_args(%scan3A_51 = %scan3A_43) -> (i32)  : i32 {
        %mul3A_52 = arith.constant 16 : i32
        %mul3A_53 = arith.muli %scan3A_50, %mul3A_52 : i32
        %get3A = arith.index_cast %mul3A_53 : i32 to index
        %get3A_54 = tpu.vector_load %arg9[%get3A] {strides = array<i32>} : memref<2048xi32, #tpu.memory_space<vmem>>, vector<16xi32>,
        %gather3A = tpu.vector_load_idx %arg8[%get3A_54] : memref<100352xi32, #tpu.memory_space<vmem>>[vector<16xi32>], vector<16xi32>,
        %add3A_55 = arith.constant 1 : i32
        %add3A_56 = vector.broadcast %add3A_55 : i32 to vector<16xi32>
        %add3A_57 = arith.addi %get3A_54, %add3A_56 : vector<16xi32>
        %gather3A_58 = tpu.vector_load_idx %arg8[%add3A_57] : memref<100352xi32, #tpu.memory_space<vmem>>[vector<16xi32>], vector<16xi32>,
        %gt3A_59 = arith.cmpi sgt, %gather3A_58, %gather3A : vector<16xi32>
        %convert_element_type3A_60 = arith.extui %gt3A_59 : vector<16xi1> to vector<16xi32>
        %broadcast_in_dim3A_61 = arith.constant true
        %broadcast_in_dim3A_62 = vector.broadcast %broadcast_in_dim3A_61 : i1 to vector<16xi1>
        %masked_cumsum3A = tpu.scan <sum>, %convert_element_type3A_60 masked %broadcast_in_dim3A_62 : vector<16xi32>, vector<16xi1> -> vector<16xi32>
        %add3A_63 = vector.broadcast %scan3A_51 : i32 to vector<16xi32>
        %add3A_64 = arith.addi %add3A_63, %masked_cumsum3A : vector<16xi32>
        %sub3A = arith.constant 1 : i32
        %sub3A_65 = vector.broadcast %sub3A : i32 to vector<16xi32>
        %sub3A_66 = arith.subi %add3A_64, %sub3A_65 : vector<16xi32>
        tpu.vector_store_idx %arg11[%sub3A_66], %gather3A masked %gt3A_59 : memref<2048xi32, #tpu.memory_space<vmem>>[vector<16xi32>], vector<16xi32>, vector<16xi1>
        tpu.vector_store_idx %arg12[%sub3A_66], %gather3A_58 masked %gt3A_59 : memref<2048xi32, #tpu.memory_space<vmem>>[vector<16xi32>], vector<16xi32>, vector<16xi1>
        %mul3A_67 = arith.constant 16 : i32
        %mul3A_68 = arith.muli %scan3A_50, %mul3A_67 : i32
        %add3A_69 = vector.broadcast %mul3A_68 : i32 to vector<16xi32>
        %add3A_70 = arith.addi %add3A_69, %iota3A : vector<16xi32>
        tpu.vector_store_idx %arg13[%sub3A_66], %add3A_70 masked %gt3A_59 : memref<2048xi32, #tpu.memory_space<vmem>>[vector<16xi32>], vector<16xi32>, vector<16xi1>
        %convert_element_type3A_71 = arith.extui %gt3A_59 : vector<16xi1> to vector<16xi32>
        %reduce_sum3A = arith.constant true
        %reduce_sum3A_72 = vector.broadcast %reduce_sum3A : i1 to vector<16xi1>
        %reduce_sum3A_73 = tpu.scan <sum>, %convert_element_type3A_71 masked %reduce_sum3A_72 : vector<16xi32>, vector<16xi1> -> vector<16xi32>
        %reduce_sum3A_74 = vector.extract %reduce_sum3A_73[15] : i32 from vector<16xi32>
        %add3A_75 = arith.addi %scan3A_51, %reduce_sum3A_74 : i32
        scf.yield %add3A_75 : i32
      }
      %scan3A_49 = arith.constant 128 : i32
      %while3A:2 = scf.while (%while3A_50 = %scan3A_48, %while3A_51 = %scan3A_36) : (i32, i32) -> (i32, i32) {
        %gt3A_52 = arith.constant 0 : i32
        %gt3A_53 = arith.cmpi sgt, %while3A_50, %gt3A_52 : i32
        scf.condition(%gt3A_53) %while3A_50, %while3A_51 : i32, i32
      } do {
      ^bb0(%while3A_50: i32, %while3A_51: i32):
        %while3A_52 = arith.constant 0 : i32
        %while3A_53:2 = scf.while (%while3A_111 = %while3A_50, %while3A_112 = %while3A_52) : (i32, i32) -> (i32, i32) {
          %gt3A_113 = arith.constant 0 : i32
          %gt3A_114 = arith.cmpi sgt, %while3A_111, %gt3A_113 : i32
          %add3A_115 = arith.addi %while3A_112, %while3A_111 : i32
          %le3A = arith.constant 6144 : i32
          %le3A_116 = arith.cmpi sle, %add3A_115, %le3A : i32
          %and3A_117 = arith.andi %gt3A_114, %le3A_116 : i1
          scf.condition(%and3A_117) %while3A_111, %while3A_112 : i32, i32
        } do {
        ^bb0(%while3A_111: i32, %while3A_112: i32):
          %add3A_113 = arith.constant 15 : i32
          %add3A_114 = arith.addi %while3A_111, %add3A_113 : i32
          %shift_right_logical3A_115 = arith.constant 4 : i32
          %shift_right_logical3A_116 = arith.shrui %add3A_114, %shift_right_logical3A_115 : i32
          %while3A_117 = arith.constant 0 : i32
          %while3A_118 = arith.constant 0 : i32
          %while3A_119 = arith.subi %shift_right_logical3A_116, %while3A_117 : i32
          %while3A_120 = arith.addi %while3A_117, %while3A_119 : i32
          %while3A_121 = arith.constant 1 : i32
          %while3A_122 = arith.divsi %while3A_119, %while3A_121 : i32
          %while3A_123 = arith.muli %while3A_122, %while3A_121 : i32
          %while3A_124 = arith.addi %while3A_117, %while3A_123 : i32
          %while3A_125 = arith.constant 1 : i32
          %while3A_126 = scf.for %while3A_134 = %while3A_117 to %while3A_124 step %while3A_125 iter_args(%while3A_135 = %while3A_118) -> (i32)  : i32 {
            %mul3A_136 = arith.constant 16 : i32
            %mul3A_137 = arith.muli %while3A_134, %mul3A_136 : i32
            %add3A_138 = vector.broadcast %mul3A_137 : i32 to vector<16xi32>
            %add3A_139 = arith.addi %add3A_138, %iota3A : vector<16xi32>
            %lt3A = vector.broadcast %while3A_111 : i32 to vector<16xi32>
            %lt3A_140 = arith.cmpi slt, %add3A_139, %lt3A : vector<16xi32>
            %mul3A_141 = arith.constant 16 : i32
            %mul3A_142 = arith.muli %while3A_134, %mul3A_141 : i32
            %get3A = arith.index_cast %mul3A_142 : i32 to index
            %get3A_143 = tpu.vector_load %arg11[%get3A] {strides = array<i32>} : memref<2048xi32, #tpu.memory_space<vmem>>, vector<16xi32>,
            %mul3A_144 = arith.constant 16 : i32
            %mul3A_145 = arith.muli %while3A_134, %mul3A_144 : i32
            %get3A_146 = arith.index_cast %mul3A_145 : i32 to index
            %get3A_147 = tpu.vector_load %arg12[%get3A_146] {strides = array<i32>} : memref<2048xi32, #tpu.memory_space<vmem>>, vector<16xi32>,
            %mul3A_148 = arith.constant 16 : i32
            %mul3A_149 = arith.muli %while3A_134, %mul3A_148 : i32
            %get3A_150 = arith.index_cast %mul3A_149 : i32 to index
            %get3A_151 = tpu.vector_load %arg13[%get3A_150] {strides = array<i32>} : memref<2048xi32, #tpu.memory_space<vmem>>, vector<16xi32>,
            %jit3A = arith.constant 200704 : i32
            %broadcast_in_dim3A_152 = vector.broadcast %jit3A : i32 to vector<16xi32>
            %select_n3A = arith.select %lt3A_140, %get3A_143, %broadcast_in_dim3A_152 : vector<16xi1>, vector<16xi32>
            %mul3A_153 = arith.constant 16 : i32
            %mul3A_154 = arith.muli %while3A_134, %mul3A_153 : i32
            %add3A_155 = arith.addi %while3A_112, %mul3A_154 : i32
            %swap3A = arith.index_cast %add3A_155 : i32 to index
            %swap3A_156 = tpu.vector_load %arg14[%swap3A] {strides = array<i32>} : memref<6144xi32, #tpu.memory_space<vmem>>, vector<16xi32>,
            tpu.vector_store %arg14[%swap3A], %select_n3A {strides = array<i32>} : memref<6144xi32, #tpu.memory_space<vmem>>, vector<16xi32>,
            %jit3A_157 = arith.constant 0 : i32
            %broadcast_in_dim3A_158 = vector.broadcast %jit3A_157 : i32 to vector<16xi32>
            %select_n3A_159 = arith.select %lt3A_140, %get3A_151, %broadcast_in_dim3A_158 : vector<16xi1>, vector<16xi32>
            %mul3A_160 = arith.constant 16 : i32
            %mul3A_161 = arith.muli %while3A_134, %mul3A_160 : i32
            %add3A_162 = arith.addi %while3A_112, %mul3A_161 : i32
            %swap3A_163 = arith.index_cast %add3A_162 : i32 to index
            %swap3A_164 = tpu.vector_load %arg15[%swap3A_163] {strides = array<i32>} : memref<6144xi32, #tpu.memory_space<vmem>>, vector<16xi32>,
            tpu.vector_store %arg15[%swap3A_163], %select_n3A_159 {strides = array<i32>} : memref<6144xi32, #tpu.memory_space<vmem>>, vector<16xi32>,
            %add3A_165 = arith.constant 1 : i32
            %add3A_166 = vector.broadcast %add3A_165 : i32 to vector<16xi32>
            %add3A_167 = arith.addi %get3A_143, %add3A_166 : vector<16xi32>
            %lt3A_168 = arith.cmpi slt, %add3A_167, %get3A_147 : vector<16xi32>
            %and3A_169 = arith.andi %lt3A_140, %lt3A_168 : vector<16xi1>
            %convert_element_type3A_170 = arith.extui %and3A_169 : vector<16xi1> to vector<16xi32>
            %broadcast_in_dim3A_171 = arith.constant true
            %broadcast_in_dim3A_172 = vector.broadcast %broadcast_in_dim3A_171 : i1 to vector<16xi1>
            %masked_cumsum3A = tpu.scan <sum>, %convert_element_type3A_170 masked %broadcast_in_dim3A_172 : vector<16xi32>, vector<16xi1> -> vector<16xi32>
            %add3A_173 = vector.broadcast %while3A_135 : i32 to vector<16xi32>
            %add3A_174 = arith.addi %add3A_173, %masked_cumsum3A : vector<16xi32>
            %sub3A_175 = arith.constant 1 : i32
            %sub3A_176 = vector.broadcast %sub3A_175 : i32 to vector<16xi32>
            %sub3A_177 = arith.subi %add3A_174, %sub3A_176 : vector<16xi32>
            %add3A_178 = arith.constant 1 : i32
            %add3A_179 = vector.broadcast %add3A_178 : i32 to vector<16xi32>
            %add3A_180 = arith.addi %get3A_143, %add3A_179 : vector<16xi32>
            tpu.vector_store_idx %arg11[%sub3A_177], %add3A_180 masked %and3A_169 : memref<2048xi32, #tpu.memory_space<vmem>>[vector<16xi32>], vector<16xi32>, vector<16xi1>
            tpu.vector_store_idx %arg12[%sub3A_177], %get3A_147 masked %and3A_169 : memref<2048xi32, #tpu.memory_space<vmem>>[vector<16xi32>], vector<16xi32>, vector<16xi1>
            tpu.vector_store_idx %arg13[%sub3A_177], %get3A_151 masked %and3A_169 : memref<2048xi32, #tpu.memory_space<vmem>>[vector<16xi32>], vector<16xi32>, vector<16xi1>
            %convert_element_type3A_181 = arith.extui %and3A_169 : vector<16xi1> to vector<16xi32>
            %reduce_sum3A = arith.constant true
            %reduce_sum3A_182 = vector.broadcast %reduce_sum3A : i1 to vector<16xi1>
            %reduce_sum3A_183 = tpu.scan <sum>, %convert_element_type3A_181 masked %reduce_sum3A_182 : vector<16xi32>, vector<16xi1> -> vector<16xi32>
            %reduce_sum3A_184 = vector.extract %reduce_sum3A_183[15] : i32 from vector<16xi32>
            %add3A_185 = arith.addi %while3A_135, %reduce_sum3A_184 : i32
            scf.yield %add3A_185 : i32
          }
          %while3A_127 = arith.constant 1 : i32
          %while3A_128 = scf.for %while3A_134 = %while3A_124 to %while3A_120 step %while3A_127 iter_args(%while3A_135 = %while3A_126) -> (i32)  : i32 {
            %mul3A_136 = arith.constant 16 : i32
            %mul3A_137 = arith.muli %while3A_134, %mul3A_136 : i32
            %add3A_138 = vector.broadcast %mul3A_137 : i32 to vector<16xi32>
            %add3A_139 = arith.addi %add3A_138, %iota3A : vector<16xi32>
            %lt3A = vector.broadcast %while3A_111 : i32 to vector<16xi32>
            %lt3A_140 = arith.cmpi slt, %add3A_139, %lt3A : vector<16xi32>
            %mul3A_141 = arith.constant 16 : i32
            %mul3A_142 = arith.muli %while3A_134, %mul3A_141 : i32
            %get3A = arith.index_cast %mul3A_142 : i32 to index
            %get3A_143 = tpu.vector_load %arg11[%get3A] {strides = array<i32>} : memref<2048xi32, #tpu.memory_space<vmem>>, vector<16xi32>,
            %mul3A_144 = arith.constant 16 : i32
            %mul3A_145 = arith.muli %while3A_134, %mul3A_144 : i32
            %get3A_146 = arith.index_cast %mul3A_145 : i32 to index
            %get3A_147 = tpu.vector_load %arg12[%get3A_146] {strides = array<i32>} : memref<2048xi32, #tpu.memory_space<vmem>>, vector<16xi32>,
            %mul3A_148 = arith.constant 16 : i32
            %mul3A_149 = arith.muli %while3A_134, %mul3A_148 : i32
            %get3A_150 = arith.index_cast %mul3A_149 : i32 to index
            %get3A_151 = tpu.vector_load %arg13[%get3A_150] {strides = array<i32>} : memref<2048xi32, #tpu.memory_space<vmem>>, vector<16xi32>,
            %jit3A = arith.constant 200704 : i32
            %broadcast_in_dim3A_152 = vector.broadcast %jit3A : i32 to vector<16xi32>
            %select_n3A = arith.select %lt3A_140, %get3A_143, %broadcast_in_dim3A_152 : vector<16xi1>, vector<16xi32>
            %mul3A_153 = arith.constant 16 : i32
            %mul3A_154 = arith.muli %while3A_134, %mul3A_153 : i32
            %add3A_155 = arith.addi %while3A_112, %mul3A_154 : i32
            %swap3A = arith.index_cast %add3A_155 : i32 to index
            %swap3A_156 = tpu.vector_load %arg14[%swap3A] {strides = array<i32>} : memref<6144xi32, #tpu.memory_space<vmem>>, vector<16xi32>,
            tpu.vector_store %arg14[%swap3A], %select_n3A {strides = array<i32>} : memref<6144xi32, #tpu.memory_space<vmem>>, vector<16xi32>,
            %jit3A_157 = arith.constant 0 : i32
            %broadcast_in_dim3A_158 = vector.broadcast %jit3A_157 : i32 to vector<16xi32>
            %select_n3A_159 = arith.select %lt3A_140, %get3A_151, %broadcast_in_dim3A_158 : vector<16xi1>, vector<16xi32>
            %mul3A_160 = arith.constant 16 : i32
            %mul3A_161 = arith.muli %while3A_134, %mul3A_160 : i32
            %add3A_162 = arith.addi %while3A_112, %mul3A_161 : i32
            %swap3A_163 = arith.index_cast %add3A_162 : i32 to index
            %swap3A_164 = tpu.vector_load %arg15[%swap3A_163] {strides = array<i32>} : memref<6144xi32, #tpu.memory_space<vmem>>, vector<16xi32>,
            tpu.vector_store %arg15[%swap3A_163], %select_n3A_159 {strides = array<i32>} : memref<6144xi32, #tpu.memory_space<vmem>>, vector<16xi32>,
            %add3A_165 = arith.constant 1 : i32
            %add3A_166 = vector.broadcast %add3A_165 : i32 to vector<16xi32>
            %add3A_167 = arith.addi %get3A_143, %add3A_166 : vector<16xi32>
            %lt3A_168 = arith.cmpi slt, %add3A_167, %get3A_147 : vector<16xi32>
            %and3A_169 = arith.andi %lt3A_140, %lt3A_168 : vector<16xi1>
            %convert_element_type3A_170 = arith.extui %and3A_169 : vector<16xi1> to vector<16xi32>
            %broadcast_in_dim3A_171 = arith.constant true
            %broadcast_in_dim3A_172 = vector.broadcast %broadcast_in_dim3A_171 : i1 to vector<16xi1>
            %masked_cumsum3A = tpu.scan <sum>, %convert_element_type3A_170 masked %broadcast_in_dim3A_172 : vector<16xi32>, vector<16xi1> -> vector<16xi32>
            %add3A_173 = vector.broadcast %while3A_135 : i32 to vector<16xi32>
            %add3A_174 = arith.addi %add3A_173, %masked_cumsum3A : vector<16xi32>
            %sub3A_175 = arith.constant 1 : i32
            %sub3A_176 = vector.broadcast %sub3A_175 : i32 to vector<16xi32>
            %sub3A_177 = arith.subi %add3A_174, %sub3A_176 : vector<16xi32>
            %add3A_178 = arith.constant 1 : i32
            %add3A_179 = vector.broadcast %add3A_178 : i32 to vector<16xi32>
            %add3A_180 = arith.addi %get3A_143, %add3A_179 : vector<16xi32>
            tpu.vector_store_idx %arg11[%sub3A_177], %add3A_180 masked %and3A_169 : memref<2048xi32, #tpu.memory_space<vmem>>[vector<16xi32>], vector<16xi32>, vector<16xi1>
            tpu.vector_store_idx %arg12[%sub3A_177], %get3A_147 masked %and3A_169 : memref<2048xi32, #tpu.memory_space<vmem>>[vector<16xi32>], vector<16xi32>, vector<16xi1>
            tpu.vector_store_idx %arg13[%sub3A_177], %get3A_151 masked %and3A_169 : memref<2048xi32, #tpu.memory_space<vmem>>[vector<16xi32>], vector<16xi32>, vector<16xi1>
            %convert_element_type3A_181 = arith.extui %and3A_169 : vector<16xi1> to vector<16xi32>
            %reduce_sum3A = arith.constant true
            %reduce_sum3A_182 = vector.broadcast %reduce_sum3A : i1 to vector<16xi1>
            %reduce_sum3A_183 = tpu.scan <sum>, %convert_element_type3A_181 masked %reduce_sum3A_182 : vector<16xi32>, vector<16xi1> -> vector<16xi32>
            %reduce_sum3A_184 = vector.extract %reduce_sum3A_183[15] : i32 from vector<16xi32>
            %add3A_185 = arith.addi %while3A_135, %reduce_sum3A_184 : i32
            scf.yield %add3A_185 : i32
          }
          %add3A_129 = arith.constant 15 : i32
          %add3A_130 = arith.addi %while3A_111, %add3A_129 : i32
          %and3A_131 = arith.constant -16 : i32
          %and3A_132 = arith.andi %add3A_130, %and3A_131 : i32
          %add3A_133 = arith.addi %while3A_112, %and3A_132 : i32
          scf.yield %while3A_128, %add3A_133 : i32, i32
        }
        %add3A_54 = arith.constant 127 : i32
        %add3A_55 = arith.addi %while3A_53#1, %add3A_54 : i32
        %and3A = arith.constant -128 : i32
        %and3A_56 = arith.andi %add3A_55, %and3A : i32
        %sub3A = arith.subi %and3A_56, %while3A_53#1 : i32
        %shift_right_logical3A = arith.constant 4 : i32
        %shift_right_logical3A_57 = arith.shrui %sub3A, %shift_right_logical3A : i32
        %while3A_58 = arith.constant 0 : i32
        %while3A_59 = arith.constant 0 : i32
        %while3A_60 = arith.subi %shift_right_logical3A_57, %while3A_58 : i32
        %while3A_61 = arith.addi %while3A_58, %while3A_60 : i32
        %while3A_62 = arith.constant 1 : i32
        %while3A_63 = arith.divsi %while3A_60, %while3A_62 : i32
        %while3A_64 = arith.muli %while3A_63, %while3A_62 : i32
        %while3A_65 = arith.addi %while3A_58, %while3A_64 : i32
        %while3A_66 = arith.constant 1 : i32
        %while3A_67 = scf.for %while3A_111 = %while3A_58 to %while3A_65 step %while3A_66 iter_args(%while3A_112 = %while3A_59) -> (i32)  : i32 {
          %broadcast_in_dim3A_113 = arith.constant 200704 : i32
          %broadcast_in_dim3A_114 = vector.broadcast %broadcast_in_dim3A_113 : i32 to vector<16xi32>
          %mul3A_115 = arith.constant 16 : i32
          %mul3A_116 = arith.muli %while3A_111, %mul3A_115 : i32
          %add3A_117 = arith.addi %while3A_53#1, %mul3A_116 : i32
          %swap3A = arith.index_cast %add3A_117 : i32 to index
          %swap3A_118 = tpu.vector_load %arg14[%swap3A] {strides = array<i32>} : memref<6144xi32, #tpu.memory_space<vmem>>, vector<16xi32>,
          tpu.vector_store %arg14[%swap3A], %broadcast_in_dim3A_114 {strides = array<i32>} : memref<6144xi32, #tpu.memory_space<vmem>>, vector<16xi32>,
          %while3A_119 = arith.constant 0 : i32
          scf.yield %while3A_119 : i32
        }
        %while3A_68 = arith.constant 1 : i32
        %while3A_69 = scf.for %while3A_111 = %while3A_65 to %while3A_61 step %while3A_68 iter_args(%while3A_112 = %while3A_67) -> (i32)  : i32 {
          %broadcast_in_dim3A_113 = arith.constant 200704 : i32
          %broadcast_in_dim3A_114 = vector.broadcast %broadcast_in_dim3A_113 : i32 to vector<16xi32>
          %mul3A_115 = arith.constant 16 : i32
          %mul3A_116 = arith.muli %while3A_111, %mul3A_115 : i32
          %add3A_117 = arith.addi %while3A_53#1, %mul3A_116 : i32
          %swap3A = arith.index_cast %add3A_117 : i32 to index
          %swap3A_118 = tpu.vector_load %arg14[%swap3A] {strides = array<i32>} : memref<6144xi32, #tpu.memory_space<vmem>>, vector<16xi32>,
          tpu.vector_store %arg14[%swap3A], %broadcast_in_dim3A_114 {strides = array<i32>} : memref<6144xi32, #tpu.memory_space<vmem>>, vector<16xi32>,
          %while3A_119 = arith.constant 0 : i32
          scf.yield %while3A_119 : i32
        }
        %shift_right_logical3A_70 = arith.constant 7 : i32
        %shift_right_logical3A_71 = arith.shrui %and3A_56, %shift_right_logical3A_70 : i32
        %while3A_72 = arith.constant 0 : i32
        %while3A_73 = arith.constant 0 : i32
        %while3A_74 = arith.subi %shift_right_logical3A_71, %while3A_72 : i32
        %while3A_75 = arith.addi %while3A_72, %while3A_74 : i32
        %while3A_76 = arith.constant 1 : i32
        %while3A_77 = arith.divsi %while3A_74, %while3A_76 : i32
        %while3A_78 = arith.muli %while3A_77, %while3A_76 : i32
        %while3A_79 = arith.addi %while3A_72, %while3A_78 : i32
        %while3A_80 = arith.constant 1 : i32
        %while3A_81 = scf.for %while3A_111 = %while3A_72 to %while3A_79 step %while3A_80 iter_args(%while3A_112 = %while3A_73) -> (i32)  : i32 {
          %mul3A_113 = arith.constant 128 : i32
          %mul3A_114 = arith.muli %while3A_111, %mul3A_113 : i32
          %mul3A_115 = arith.constant 128 : i32
          %mul3A_116 = arith.muli %while3A_111, %mul3A_115 : i32
          %dma_start3A = tpu.memref_slice %arg16[%mul3A_116] : memref<6144xi32, #tpu.memory_space<vmem>> -> memref<128xi32, #tpu.memory_space<vmem>>
          %dma_start3A_117 = tpu.memref_slice %arg14[%mul3A_114] : memref<6144xi32, #tpu.memory_space<vmem>> -> memref<128xi32, #tpu.memory_space<vmem>>
          %dma_start3A_118 = arith.constant 0 : i32
          %dma_start3A_119 = tpu.memref_slice %arg5[%dma_start3A_118] : memref<200832xi32, #tpu.memory_space<hbm>> -> memref<200832xi32, #tpu.memory_space<hbm>>
          tpu.enqueue_indirect_dma source(%dma_start3A_119 : memref<200832xi32, #tpu.memory_space<hbm>>) target(%dma_start3A : memref<128xi32, #tpu.memory_space<vmem>>) offsets(%dma_start3A_117 : memref<128xi32, #tpu.memory_space<vmem>>) semaphore(%arg20 : memref<!tpu.dma_semaphore, #tpu.memory_space<semaphore_mem>>)
          %while3A_120 = arith.constant 0 : i32
          scf.yield %while3A_120 : i32
        }
        %while3A_82 = arith.constant 1 : i32
        %while3A_83 = scf.for %while3A_111 = %while3A_79 to %while3A_75 step %while3A_82 iter_args(%while3A_112 = %while3A_81) -> (i32)  : i32 {
          %mul3A_113 = arith.constant 128 : i32
          %mul3A_114 = arith.muli %while3A_111, %mul3A_113 : i32
          %mul3A_115 = arith.constant 128 : i32
          %mul3A_116 = arith.muli %while3A_111, %mul3A_115 : i32
          %dma_start3A = tpu.memref_slice %arg16[%mul3A_116] : memref<6144xi32, #tpu.memory_space<vmem>> -> memref<128xi32, #tpu.memory_space<vmem>>
          %dma_start3A_117 = tpu.memref_slice %arg14[%mul3A_114] : memref<6144xi32, #tpu.memory_space<vmem>> -> memref<128xi32, #tpu.memory_space<vmem>>
          %dma_start3A_118 = arith.constant 0 : i32
          %dma_start3A_119 = tpu.memref_slice %arg5[%dma_start3A_118] : memref<200832xi32, #tpu.memory_space<hbm>> -> memref<200832xi32, #tpu.memory_space<hbm>>
          tpu.enqueue_indirect_dma source(%dma_start3A_119 : memref<200832xi32, #tpu.memory_space<hbm>>) target(%dma_start3A : memref<128xi32, #tpu.memory_space<vmem>>) offsets(%dma_start3A_117 : memref<128xi32, #tpu.memory_space<vmem>>) semaphore(%arg20 : memref<!tpu.dma_semaphore, #tpu.memory_space<semaphore_mem>>)
          %while3A_120 = arith.constant 0 : i32
          scf.yield %while3A_120 : i32
        }
        %while3A_84 = arith.constant 0 : i32
        %while3A_85 = arith.constant 0 : i32
        %while3A_86 = arith.subi %shift_right_logical3A_71, %while3A_84 : i32
        %while3A_87 = arith.addi %while3A_84, %while3A_86 : i32
        %while3A_88 = arith.constant 1 : i32
        %while3A_89 = arith.divsi %while3A_86, %while3A_88 : i32
        %while3A_90 = arith.muli %while3A_89, %while3A_88 : i32
        %while3A_91 = arith.addi %while3A_84, %while3A_90 : i32
        %while3A_92 = arith.constant 1 : i32
        %while3A_93 = scf.for %while3A_111 = %while3A_84 to %while3A_91 step %while3A_92 iter_args(%while3A_112 = %while3A_85) -> (i32)  : i32 {
          %mul3A_113 = arith.constant 128 : i32
          %mul3A_114 = arith.muli %while3A_111, %mul3A_113 : i32
          %dma_wait3A = tpu.memref_slice %arg16[%mul3A_114] : memref<6144xi32, #tpu.memory_space<vmem>> -> memref<128xi32, #tpu.memory_space<vmem>>
          %dma_wait3A_115 = arith.constant 0 : i32
          %dma_wait3A_116 = tpu.memref_slice %arg5[%dma_wait3A_115] : memref<200832xi32, #tpu.memory_space<hbm>> -> memref<128xi32, #tpu.memory_space<hbm>>
          %dma_wait3A_117 = tpu.memref_slice %arg16[%mul3A_114] : memref<6144xi32, #tpu.memory_space<vmem>> -> memref<128xi32, #tpu.memory_space<vmem>>
          %dma_wait3A_118 = arith.constant 0 : i32
          %dma_wait3A_119 = tpu.memref_slice %arg5[%dma_wait3A_118] : memref<200832xi32, #tpu.memory_space<hbm>> -> memref<128xi32, #tpu.memory_space<hbm>>
          tpu.wait_dma2 semaphore(%arg20 : memref<!tpu.dma_semaphore, #tpu.memory_space<semaphore_mem>>) src(%dma_wait3A_119 : memref<128xi32, #tpu.memory_space<hbm>>) dst(%dma_wait3A_117 : memref<128xi32, #tpu.memory_space<vmem>>)
          %while3A_120 = arith.constant 0 : i32
          scf.yield %while3A_120 : i32
        }
        %while3A_94 = arith.constant 1 : i32
        %while3A_95 = scf.for %while3A_111 = %while3A_91 to %while3A_87 step %while3A_94 iter_args(%while3A_112 = %while3A_93) -> (i32)  : i32 {
          %mul3A_113 = arith.constant 128 : i32
          %mul3A_114 = arith.muli %while3A_111, %mul3A_113 : i32
          %dma_wait3A = tpu.memref_slice %arg16[%mul3A_114] : memref<6144xi32, #tpu.memory_space<vmem>> -> memref<128xi32, #tpu.memory_space<vmem>>
          %dma_wait3A_115 = arith.constant 0 : i32
          %dma_wait3A_116 = tpu.memref_slice %arg5[%dma_wait3A_115] : memref<200832xi32, #tpu.memory_space<hbm>> -> memref<128xi32, #tpu.memory_space<hbm>>
          %dma_wait3A_117 = tpu.memref_slice %arg16[%mul3A_114] : memref<6144xi32, #tpu.memory_space<vmem>> -> memref<128xi32, #tpu.memory_space<vmem>>
          %dma_wait3A_118 = arith.constant 0 : i32
          %dma_wait3A_119 = tpu.memref_slice %arg5[%dma_wait3A_118] : memref<200832xi32, #tpu.memory_space<hbm>> -> memref<128xi32, #tpu.memory_space<hbm>>
          tpu.wait_dma2 semaphore(%arg20 : memref<!tpu.dma_semaphore, #tpu.memory_space<semaphore_mem>>) src(%dma_wait3A_119 : memref<128xi32, #tpu.memory_space<hbm>>) dst(%dma_wait3A_117 : memref<128xi32, #tpu.memory_space<vmem>>)
          %while3A_120 = arith.constant 0 : i32
          scf.yield %while3A_120 : i32
        }
        %add3A_96 = arith.constant 15 : i32
        %add3A_97 = arith.addi %while3A_53#1, %add3A_96 : i32
        %shift_right_logical3A_98 = arith.constant 4 : i32
        %shift_right_logical3A_99 = arith.shrui %add3A_97, %shift_right_logical3A_98 : i32
        %while3A_100 = arith.constant 0 : i32
        %while3A_101 = arith.subi %shift_right_logical3A_99, %while3A_100 : i32
        %while3A_102 = arith.addi %while3A_100, %while3A_101 : i32
        %while3A_103 = arith.constant 1 : i32
        %while3A_104 = arith.divsi %while3A_101, %while3A_103 : i32
        %while3A_105 = arith.muli %while3A_104, %while3A_103 : i32
        %while3A_106 = arith.addi %while3A_100, %while3A_105 : i32
        %while3A_107 = arith.constant 1 : i32
        %while3A_108 = scf.for %while3A_111 = %while3A_100 to %while3A_106 step %while3A_107 iter_args(%while3A_112 = %while3A_51) -> (i32)  : i32 {
          %mul3A_113 = arith.constant 16 : i32
          %mul3A_114 = arith.muli %while3A_111, %mul3A_113 : i32
          %get3A = arith.index_cast %mul3A_114 : i32 to index
          %get3A_115 = tpu.vector_load %arg14[%get3A] {strides = array<i32>} : memref<6144xi32, #tpu.memory_space<vmem>>, vector<16xi32>,
          %mul3A_116 = arith.constant 16 : i32
          %mul3A_117 = arith.muli %while3A_111, %mul3A_116 : i32
          %get3A_118 = arith.index_cast %mul3A_117 : i32 to index
          %get3A_119 = tpu.vector_load %arg16[%get3A_118] {strides = array<i32>} : memref<6144xi32, #tpu.memory_space<vmem>>, vector<16xi32>,
          %mul3A_120 = arith.constant 16 : i32
          %mul3A_121 = arith.muli %while3A_111, %mul3A_120 : i32
          %get3A_122 = arith.index_cast %mul3A_121 : i32 to index
          %get3A_123 = tpu.vector_load %arg15[%get3A_122] {strides = array<i32>} : memref<6144xi32, #tpu.memory_space<vmem>>, vector<16xi32>,
          %gather3A = tpu.vector_load_idx %arg10[%get3A_123] : memref<2048xi32, #tpu.memory_space<vmem>>[vector<16xi32>], vector<16xi32>,
          %ne3A = arith.constant 200704 : i32
          %ne3A_124 = vector.broadcast %ne3A : i32 to vector<16xi32>
          %ne3A_125 = arith.cmpi ne, %get3A_115, %ne3A_124 : vector<16xi32>
          %eq3A_126 = arith.cmpi eq, %get3A_119, %gather3A : vector<16xi32>
          %and3A_127 = arith.andi %ne3A_125, %eq3A_126 : vector<16xi1>
          %convert_element_type3A_128 = arith.extui %and3A_127 : vector<16xi1> to vector<16xi32>
          %broadcast_in_dim3A_129 = arith.constant true
          %broadcast_in_dim3A_130 = vector.broadcast %broadcast_in_dim3A_129 : i1 to vector<16xi1>
          %masked_cumsum3A = tpu.scan <sum>, %convert_element_type3A_128 masked %broadcast_in_dim3A_130 : vector<16xi32>, vector<16xi1> -> vector<16xi32>
          %add3A_131 = vector.broadcast %while3A_112 : i32 to vector<16xi32>
          %add3A_132 = arith.addi %add3A_131, %masked_cumsum3A : vector<16xi32>
          %sub3A_133 = arith.constant 1 : i32
          %sub3A_134 = vector.broadcast %sub3A_133 : i32 to vector<16xi32>
          %sub3A_135 = arith.subi %add3A_132, %sub3A_134 : vector<16xi32>
          tpu.vector_store_idx %arg17[%sub3A_135], %get3A_115 masked %and3A_127 : memref<128xi32, #tpu.memory_space<vmem>>[vector<16xi32>], vector<16xi32>, vector<16xi1>
          %convert_element_type3A_136 = arith.extui %and3A_127 : vector<16xi1> to vector<16xi32>
          %reduce_sum3A = arith.constant true
          %reduce_sum3A_137 = vector.broadcast %reduce_sum3A : i1 to vector<16xi1>
          %reduce_sum3A_138 = tpu.scan <sum>, %convert_element_type3A_136 masked %reduce_sum3A_137 : vector<16xi32>, vector<16xi1> -> vector<16xi32>
          %reduce_sum3A_139 = vector.extract %reduce_sum3A_138[15] : i32 from vector<16xi32>
          %add3A_140 = arith.addi %while3A_112, %reduce_sum3A_139 : i32
          %ge3A = arith.constant 112 : i32
          %ge3A_141 = arith.cmpi sge, %add3A_140, %ge3A : i32
          %jit3A = arith.constant 0 : i32
          %select_n3A = arith.select %ge3A_141, %add3A_140, %jit3A : i32
          %gt3A_142 = arith.constant 0 : i32
          %gt3A_143 = arith.cmpi sgt, %select_n3A, %gt3A_142 : i32
          %convert_element_type3A_144 = arith.extui %gt3A_143 : i1 to i32
          %cond3A_145 = arith.constant 0 : i32
          %cond3A_146 = arith.cmpi ne, %convert_element_type3A_144, %cond3A_145 : i32
          scf.if %cond3A_146 {
            %eq3A_151 = arith.constant 0 : i32
            %eq3A_152 = arith.cmpi eq, %arg0, %eq3A_151 : i32
            %convert_element_type3A_153 = arith.extui %eq3A_152 : i1 to i32
            %cond3A_154 = arith.constant 0 : i32
            %cond3A_155 = arith.cmpi ne, %convert_element_type3A_153, %cond3A_154 : i32
            scf.if %cond3A_155 {
              "tpu.region"() ({
                %run_scoped3A = tpu.sem_alloc : memref<!tpu.dma_semaphore, #tpu.memory_space<semaphore_mem>>
                %dma_start3A = arith.constant 0 : i32
                %dma_start3A_168 = tpu.memref_slice %arg6[%dma_start3A] : memref<200832xf32, #tpu.memory_space<hbm>> -> memref<200832xf32, #tpu.memory_space<hbm>>
                tpu.enqueue_indirect_dma source(%arg18 : memref<128xf32, #tpu.memory_space<vmem>>) target(%dma_start3A_168 : memref<200832xf32, #tpu.memory_space<hbm>>) offsets(%arg17 : memref<128xi32, #tpu.memory_space<vmem>>) semaphore(%run_scoped3A : memref<!tpu.dma_semaphore, #tpu.memory_space<semaphore_mem>>)
                %dma_wait3A = arith.constant 0 : i32
                %dma_wait3A_169 = tpu.memref_slice %arg6[%dma_wait3A] : memref<200832xf32, #tpu.memory_space<hbm>> -> memref<200832xf32, #tpu.memory_space<hbm>>
                tpu.wait_indirect_dma semaphore(%run_scoped3A : memref<!tpu.dma_semaphore, #tpu.memory_space<semaphore_mem>>) src(%arg18 : memref<128xf32, #tpu.memory_space<vmem>>) dst(%dma_wait3A_169 : memref<200832xf32, #tpu.memory_space<hbm>>)
                tpu.yield
              }) : () -> ()
            } else {
            }
            %eq3A_156 = arith.constant 1 : i32
            %eq3A_157 = arith.cmpi eq, %arg0, %eq3A_156 : i32
            %convert_element_type3A_158 = arith.extui %eq3A_157 : i1 to i32
            %cond3A_159 = arith.constant 0 : i32
            %cond3A_160 = arith.cmpi ne, %convert_element_type3A_158, %cond3A_159 : i32
            scf.if %cond3A_160 {
              "tpu.region"() ({
                %run_scoped3A = tpu.sem_alloc : memref<!tpu.dma_semaphore, #tpu.memory_space<semaphore_mem>>
                %dma_start3A = arith.constant 0 : i32
                %dma_start3A_168 = tpu.memref_slice %arg7[%dma_start3A] : memref<200832xf32, #tpu.memory_space<hbm>> -> memref<200832xf32, #tpu.memory_space<hbm>>
                tpu.enqueue_indirect_dma source(%arg18 : memref<128xf32, #tpu.memory_space<vmem>>) target(%dma_start3A_168 : memref<200832xf32, #tpu.memory_space<hbm>>) offsets(%arg17 : memref<128xi32, #tpu.memory_space<vmem>>) semaphore(%run_scoped3A : memref<!tpu.dma_semaphore, #tpu.memory_space<semaphore_mem>>)
                %dma_wait3A = arith.constant 0 : i32
                %dma_wait3A_169 = tpu.memref_slice %arg7[%dma_wait3A] : memref<200832xf32, #tpu.memory_space<hbm>> -> memref<200832xf32, #tpu.memory_space<hbm>>
                tpu.wait_indirect_dma semaphore(%run_scoped3A : memref<!tpu.dma_semaphore, #tpu.memory_space<semaphore_mem>>) src(%arg18 : memref<128xf32, #tpu.memory_space<vmem>>) dst(%dma_wait3A_169 : memref<200832xf32, #tpu.memory_space<hbm>>)
                tpu.yield
              }) : () -> ()
            } else {
            }
            %scan3A_161 = arith.constant 0 : i32
            %scan3A_162 = arith.constant 0 : i32
            %scan3A_163 = arith.constant 8 : i32
            %scan3A_164 = arith.addi %scan3A_162, %scan3A_163 : i32
            %scan3A_165 = arith.constant 1 : i32
            %scan3A_166 = scf.for %scan3A_168 = %scan3A_162 to %scan3A_164 step %scan3A_165 iter_args(%scan3A_169 = %scan3A_161) -> (i32)  : i32 {
              %broadcast_in_dim3A_170 = arith.constant 200704 : i32
              %broadcast_in_dim3A_171 = vector.broadcast %broadcast_in_dim3A_170 : i32 to vector<16xi32>
              %mul3A_172 = arith.constant 16 : i32
              %mul3A_173 = arith.muli %scan3A_168, %mul3A_172 : i32
              %swap3A = arith.index_cast %mul3A_173 : i32 to index
              %swap3A_174 = tpu.vector_load %arg17[%swap3A] {strides = array<i32>} : memref<128xi32, #tpu.memory_space<vmem>>, vector<16xi32>,
              tpu.vector_store %arg17[%swap3A], %broadcast_in_dim3A_171 {strides = array<i32>} : memref<128xi32, #tpu.memory_space<vmem>>, vector<16xi32>,
              %scan3A_175 = arith.constant 0 : i32
              scf.yield %scan3A_175 : i32
            }
            %scan3A_167 = arith.constant 8 : i32
          } else {
          }
          %ge3A_147 = arith.constant 112 : i32
          %ge3A_148 = arith.cmpi sge, %add3A_140, %ge3A_147 : i32
          %jit3A_149 = arith.constant 0 : i32
          %select_n3A_150 = arith.select %ge3A_148, %jit3A_149, %add3A_140 : i32
          scf.yield %select_n3A_150 : i32
        }
        %while3A_109 = arith.constant 1 : i32
        %while3A_110 = scf.for %while3A_111 = %while3A_106 to %while3A_102 step %while3A_109 iter_args(%while3A_112 = %while3A_108) -> (i32)  : i32 {
          %mul3A_113 = arith.constant 16 : i32
          %mul3A_114 = arith.muli %while3A_111, %mul3A_113 : i32
          %get3A = arith.index_cast %mul3A_114 : i32 to index
          %get3A_115 = tpu.vector_load %arg14[%get3A] {strides = array<i32>} : memref<6144xi32, #tpu.memory_space<vmem>>, vector<16xi32>,
          %mul3A_116 = arith.constant 16 : i32
          %mul3A_117 = arith.muli %while3A_111, %mul3A_116 : i32
          %get3A_118 = arith.index_cast %mul3A_117 : i32 to index
          %get3A_119 = tpu.vector_load %arg16[%get3A_118] {strides = array<i32>} : memref<6144xi32, #tpu.memory_space<vmem>>, vector<16xi32>,
          %mul3A_120 = arith.constant 16 : i32
          %mul3A_121 = arith.muli %while3A_111, %mul3A_120 : i32
          %get3A_122 = arith.index_cast %mul3A_121 : i32 to index
          %get3A_123 = tpu.vector_load %arg15[%get3A_122] {strides = array<i32>} : memref<6144xi32, #tpu.memory_space<vmem>>, vector<16xi32>,
          %gather3A = tpu.vector_load_idx %arg10[%get3A_123] : memref<2048xi32, #tpu.memory_space<vmem>>[vector<16xi32>], vector<16xi32>,
          %ne3A = arith.constant 200704 : i32
          %ne3A_124 = vector.broadcast %ne3A : i32 to vector<16xi32>
          %ne3A_125 = arith.cmpi ne, %get3A_115, %ne3A_124 : vector<16xi32>
          %eq3A_126 = arith.cmpi eq, %get3A_119, %gather3A : vector<16xi32>
          %and3A_127 = arith.andi %ne3A_125, %eq3A_126 : vector<16xi1>
          %convert_element_type3A_128 = arith.extui %and3A_127 : vector<16xi1> to vector<16xi32>
          %broadcast_in_dim3A_129 = arith.constant true
          %broadcast_in_dim3A_130 = vector.broadcast %broadcast_in_dim3A_129 : i1 to vector<16xi1>
          %masked_cumsum3A = tpu.scan <sum>, %convert_element_type3A_128 masked %broadcast_in_dim3A_130 : vector<16xi32>, vector<16xi1> -> vector<16xi32>
          %add3A_131 = vector.broadcast %while3A_112 : i32 to vector<16xi32>
          %add3A_132 = arith.addi %add3A_131, %masked_cumsum3A : vector<16xi32>
          %sub3A_133 = arith.constant 1 : i32
          %sub3A_134 = vector.broadcast %sub3A_133 : i32 to vector<16xi32>
          %sub3A_135 = arith.subi %add3A_132, %sub3A_134 : vector<16xi32>
          tpu.vector_store_idx %arg17[%sub3A_135], %get3A_115 masked %and3A_127 : memref<128xi32, #tpu.memory_space<vmem>>[vector<16xi32>], vector<16xi32>, vector<16xi1>
          %convert_element_type3A_136 = arith.extui %and3A_127 : vector<16xi1> to vector<16xi32>
          %reduce_sum3A = arith.constant true
          %reduce_sum3A_137 = vector.broadcast %reduce_sum3A : i1 to vector<16xi1>
          %reduce_sum3A_138 = tpu.scan <sum>, %convert_element_type3A_136 masked %reduce_sum3A_137 : vector<16xi32>, vector<16xi1> -> vector<16xi32>
          %reduce_sum3A_139 = vector.extract %reduce_sum3A_138[15] : i32 from vector<16xi32>
          %add3A_140 = arith.addi %while3A_112, %reduce_sum3A_139 : i32
          %ge3A = arith.constant 112 : i32
          %ge3A_141 = arith.cmpi sge, %add3A_140, %ge3A : i32
          %jit3A = arith.constant 0 : i32
          %select_n3A = arith.select %ge3A_141, %add3A_140, %jit3A : i32
          %gt3A_142 = arith.constant 0 : i32
          %gt3A_143 = arith.cmpi sgt, %select_n3A, %gt3A_142 : i32
          %convert_element_type3A_144 = arith.extui %gt3A_143 : i1 to i32
          %cond3A_145 = arith.constant 0 : i32
          %cond3A_146 = arith.cmpi ne, %convert_element_type3A_144, %cond3A_145 : i32
          scf.if %cond3A_146 {
            %eq3A_151 = arith.constant 0 : i32
            %eq3A_152 = arith.cmpi eq, %arg0, %eq3A_151 : i32
            %convert_element_type3A_153 = arith.extui %eq3A_152 : i1 to i32
            %cond3A_154 = arith.constant 0 : i32
            %cond3A_155 = arith.cmpi ne, %convert_element_type3A_153, %cond3A_154 : i32
            scf.if %cond3A_155 {
              "tpu.region"() ({
                %run_scoped3A = tpu.sem_alloc : memref<!tpu.dma_semaphore, #tpu.memory_space<semaphore_mem>>
                %dma_start3A = arith.constant 0 : i32
                %dma_start3A_168 = tpu.memref_slice %arg6[%dma_start3A] : memref<200832xf32, #tpu.memory_space<hbm>> -> memref<200832xf32, #tpu.memory_space<hbm>>
                tpu.enqueue_indirect_dma source(%arg18 : memref<128xf32, #tpu.memory_space<vmem>>) target(%dma_start3A_168 : memref<200832xf32, #tpu.memory_space<hbm>>) offsets(%arg17 : memref<128xi32, #tpu.memory_space<vmem>>) semaphore(%run_scoped3A : memref<!tpu.dma_semaphore, #tpu.memory_space<semaphore_mem>>)
                %dma_wait3A = arith.constant 0 : i32
                %dma_wait3A_169 = tpu.memref_slice %arg6[%dma_wait3A] : memref<200832xf32, #tpu.memory_space<hbm>> -> memref<200832xf32, #tpu.memory_space<hbm>>
                tpu.wait_indirect_dma semaphore(%run_scoped3A : memref<!tpu.dma_semaphore, #tpu.memory_space<semaphore_mem>>) src(%arg18 : memref<128xf32, #tpu.memory_space<vmem>>) dst(%dma_wait3A_169 : memref<200832xf32, #tpu.memory_space<hbm>>)
                tpu.yield
              }) : () -> ()
            } else {
            }
            %eq3A_156 = arith.constant 1 : i32
            %eq3A_157 = arith.cmpi eq, %arg0, %eq3A_156 : i32
            %convert_element_type3A_158 = arith.extui %eq3A_157 : i1 to i32
            %cond3A_159 = arith.constant 0 : i32
            %cond3A_160 = arith.cmpi ne, %convert_element_type3A_158, %cond3A_159 : i32
            scf.if %cond3A_160 {
              "tpu.region"() ({
                %run_scoped3A = tpu.sem_alloc : memref<!tpu.dma_semaphore, #tpu.memory_space<semaphore_mem>>
                %dma_start3A = arith.constant 0 : i32
                %dma_start3A_168 = tpu.memref_slice %arg7[%dma_start3A] : memref<200832xf32, #tpu.memory_space<hbm>> -> memref<200832xf32, #tpu.memory_space<hbm>>
                tpu.enqueue_indirect_dma source(%arg18 : memref<128xf32, #tpu.memory_space<vmem>>) target(%dma_start3A_168 : memref<200832xf32, #tpu.memory_space<hbm>>) offsets(%arg17 : memref<128xi32, #tpu.memory_space<vmem>>) semaphore(%run_scoped3A : memref<!tpu.dma_semaphore, #tpu.memory_space<semaphore_mem>>)
                %dma_wait3A = arith.constant 0 : i32
                %dma_wait3A_169 = tpu.memref_slice %arg7[%dma_wait3A] : memref<200832xf32, #tpu.memory_space<hbm>> -> memref<200832xf32, #tpu.memory_space<hbm>>
                tpu.wait_indirect_dma semaphore(%run_scoped3A : memref<!tpu.dma_semaphore, #tpu.memory_space<semaphore_mem>>) src(%arg18 : memref<128xf32, #tpu.memory_space<vmem>>) dst(%dma_wait3A_169 : memref<200832xf32, #tpu.memory_space<hbm>>)
                tpu.yield
              }) : () -> ()
            } else {
            }
            %scan3A_161 = arith.constant 0 : i32
            %scan3A_162 = arith.constant 0 : i32
            %scan3A_163 = arith.constant 8 : i32
            %scan3A_164 = arith.addi %scan3A_162, %scan3A_163 : i32
            %scan3A_165 = arith.constant 1 : i32
            %scan3A_166 = scf.for %scan3A_168 = %scan3A_162 to %scan3A_164 step %scan3A_165 iter_args(%scan3A_169 = %scan3A_161) -> (i32)  : i32 {
              %broadcast_in_dim3A_170 = arith.constant 200704 : i32
              %broadcast_in_dim3A_171 = vector.broadcast %broadcast_in_dim3A_170 : i32 to vector<16xi32>
              %mul3A_172 = arith.constant 16 : i32
              %mul3A_173 = arith.muli %scan3A_168, %mul3A_172 : i32
              %swap3A = arith.index_cast %mul3A_173 : i32 to index
              %swap3A_174 = tpu.vector_load %arg17[%swap3A] {strides = array<i32>} : memref<128xi32, #tpu.memory_space<vmem>>, vector<16xi32>,
              tpu.vector_store %arg17[%swap3A], %broadcast_in_dim3A_171 {strides = array<i32>} : memref<128xi32, #tpu.memory_space<vmem>>, vector<16xi32>,
              %scan3A_175 = arith.constant 0 : i32
              scf.yield %scan3A_175 : i32
            }
            %scan3A_167 = arith.constant 8 : i32
          } else {
          }
          %ge3A_147 = arith.constant 112 : i32
          %ge3A_148 = arith.cmpi sge, %add3A_140, %ge3A_147 : i32
          %jit3A_149 = arith.constant 0 : i32
          %select_n3A_150 = arith.select %ge3A_148, %jit3A_149, %add3A_140 : i32
          scf.yield %select_n3A_150 : i32
        }
        scf.yield %while3A_53#0, %while3A_110 : i32, i32
      }
      scf.yield %while3A#1 : i32
    }
    %scan3A_30 = arith.constant 49 : i32
    %gt3A = arith.constant 0 : i32
    %gt3A_31 = arith.cmpi sgt, %scan3A_29, %gt3A : i32
    %convert_element_type3A_32 = arith.extui %gt3A_31 : i1 to i32
    %cond3A_33 = arith.constant 0 : i32
    %cond3A_34 = arith.cmpi ne, %convert_element_type3A_32, %cond3A_33 : i32
    scf.if %cond3A_34 {
      %eq3A_35 = arith.constant 0 : i32
      %eq3A_36 = arith.cmpi eq, %arg0, %eq3A_35 : i32
      %convert_element_type3A_37 = arith.extui %eq3A_36 : i1 to i32
      %cond3A_38 = arith.constant 0 : i32
      %cond3A_39 = arith.cmpi ne, %convert_element_type3A_37, %cond3A_38 : i32
      scf.if %cond3A_39 {
        "tpu.region"() ({
          %run_scoped3A = tpu.sem_alloc : memref<!tpu.dma_semaphore, #tpu.memory_space<semaphore_mem>>
          %dma_start3A = arith.constant 0 : i32
          %dma_start3A_52 = tpu.memref_slice %arg6[%dma_start3A] : memref<200832xf32, #tpu.memory_space<hbm>> -> memref<200832xf32, #tpu.memory_space<hbm>>
          tpu.enqueue_indirect_dma source(%arg18 : memref<128xf32, #tpu.memory_space<vmem>>) target(%dma_start3A_52 : memref<200832xf32, #tpu.memory_space<hbm>>) offsets(%arg17 : memref<128xi32, #tpu.memory_space<vmem>>) semaphore(%run_scoped3A : memref<!tpu.dma_semaphore, #tpu.memory_space<semaphore_mem>>)
          %dma_wait3A = arith.constant 0 : i32
          %dma_wait3A_53 = tpu.memref_slice %arg6[%dma_wait3A] : memref<200832xf32, #tpu.memory_space<hbm>> -> memref<200832xf32, #tpu.memory_space<hbm>>
          tpu.wait_indirect_dma semaphore(%run_scoped3A : memref<!tpu.dma_semaphore, #tpu.memory_space<semaphore_mem>>) src(%arg18 : memref<128xf32, #tpu.memory_space<vmem>>) dst(%dma_wait3A_53 : memref<200832xf32, #tpu.memory_space<hbm>>)
          tpu.yield
        }) : () -> ()
      } else {
      }
      %eq3A_40 = arith.constant 1 : i32
      %eq3A_41 = arith.cmpi eq, %arg0, %eq3A_40 : i32
      %convert_element_type3A_42 = arith.extui %eq3A_41 : i1 to i32
      %cond3A_43 = arith.constant 0 : i32
      %cond3A_44 = arith.cmpi ne, %convert_element_type3A_42, %cond3A_43 : i32
      scf.if %cond3A_44 {
        "tpu.region"() ({
          %run_scoped3A = tpu.sem_alloc : memref<!tpu.dma_semaphore, #tpu.memory_space<semaphore_mem>>
          %dma_start3A = arith.constant 0 : i32
          %dma_start3A_52 = tpu.memref_slice %arg7[%dma_start3A] : memref<200832xf32, #tpu.memory_space<hbm>> -> memref<200832xf32, #tpu.memory_space<hbm>>
          tpu.enqueue_indirect_dma source(%arg18 : memref<128xf32, #tpu.memory_space<vmem>>) target(%dma_start3A_52 : memref<200832xf32, #tpu.memory_space<hbm>>) offsets(%arg17 : memref<128xi32, #tpu.memory_space<vmem>>) semaphore(%run_scoped3A : memref<!tpu.dma_semaphore, #tpu.memory_space<semaphore_mem>>)
          %dma_wait3A = arith.constant 0 : i32
          %dma_wait3A_53 = tpu.memref_slice %arg7[%dma_wait3A] : memref<200832xf32, #tpu.memory_space<hbm>> -> memref<200832xf32, #tpu.memory_space<hbm>>
          tpu.wait_indirect_dma semaphore(%run_scoped3A : memref<!tpu.dma_semaphore, #tpu.memory_space<semaphore_mem>>) src(%arg18 : memref<128xf32, #tpu.memory_space<vmem>>) dst(%dma_wait3A_53 : memref<200832xf32, #tpu.memory_space<hbm>>)
          tpu.yield
        }) : () -> ()
      } else {
      }
      %scan3A_45 = arith.constant 0 : i32
      %scan3A_46 = arith.constant 0 : i32
      %scan3A_47 = arith.constant 8 : i32
      %scan3A_48 = arith.addi %scan3A_46, %scan3A_47 : i32
      %scan3A_49 = arith.constant 1 : i32
      %scan3A_50 = scf.for %scan3A_52 = %scan3A_46 to %scan3A_48 step %scan3A_49 iter_args(%scan3A_53 = %scan3A_45) -> (i32)  : i32 {
        %broadcast_in_dim3A_54 = arith.constant 200704 : i32
        %broadcast_in_dim3A_55 = vector.broadcast %broadcast_in_dim3A_54 : i32 to vector<16xi32>
        %mul3A_56 = arith.constant 16 : i32
        %mul3A_57 = arith.muli %scan3A_52, %mul3A_56 : i32
        %swap3A = arith.index_cast %mul3A_57 : i32 to index
        %swap3A_58 = tpu.vector_load %arg17[%swap3A] {strides = array<i32>} : memref<128xi32, #tpu.memory_space<vmem>>, vector<16xi32>,
        tpu.vector_store %arg17[%swap3A], %broadcast_in_dim3A_55 {strides = array<i32>} : memref<128xi32, #tpu.memory_space<vmem>>, vector<16xi32>,
        %scan3A_59 = arith.constant 0 : i32
        scf.yield %scan3A_59 : i32
      }
      %scan3A_51 = arith.constant 8 : i32
    } else {
    }
    return
  }
}

#map = affine_map<(d0, d1) -> (0)>
module attributes {stable_mosaic.version = 14 : i64} {
  func.func @_k2(%arg0: i32, %arg1: i32, %arg2: memref<131072xi32, #tpu.memory_space<hbm>>, %arg3: memref<131072xi32, #tpu.memory_space<hbm>>, %arg4: memref<256xi32, #tpu.memory_space<hbm>>, %arg5: memref<256xi32, #tpu.memory_space<hbm>>, %arg6: memref<262144xi32, #tpu.memory_space<hbm>>, %arg7: memref<262144xi32, #tpu.memory_space<hbm>>, %arg8: memref<1024xi32, #tpu.memory_space<hbm>>, %arg9: memref<131072xi32, #tpu.memory_space<hbm>>, %arg10: memref<200832xi32, #tpu.memory_space<hbm>>, %arg11: memref<200832xi32, #tpu.memory_space<hbm>>, %arg12: memref<4096xi32, #tpu.memory_space<vmem>>, %arg13: memref<4096xi32, #tpu.memory_space<vmem>>, %arg14: memref<4096xi32, #tpu.memory_space<vmem>>, %arg15: memref<256xi32, #tpu.memory_space<vmem>>, %arg16: memref<256xi32, #tpu.memory_space<vmem>>, %arg17: memref<512xi32, #tpu.memory_space<vmem>>, %arg18: memref<512xi32, #tpu.memory_space<vmem>>, %arg19: memref<1024xi32, #tpu.memory_space<vmem>>, %arg20: memref<2048xi32, #tpu.memory_space<vmem>>, %arg21: memref<2048xi32, #tpu.memory_space<vmem>>, %arg22: memref<2048xi32, #tpu.memory_space<vmem>>, %arg23: memref<128xi32, #tpu.memory_space<vmem>>, %arg24: memref<128xi32, #tpu.memory_space<vmem>>, %arg25: memref<128xi32, #tpu.memory_space<vmem>>) attributes {dimension_semantics = [#tpu.dimension_semantics<core_parallel>, #tpu.dimension_semantics<subcore_parallel>], iteration_bounds = array<i64: 2, 16>, scalar_prefetch = 0 : i64, scratch_operands = 14 : i64, tpu.core_type = #tpu.core_type<sc_vector_subcore>, window_params = [{transform_indices = #map}, {transform_indices = #map}, {transform_indices = #map}, {transform_indices = #map}, {transform_indices = #map}, {transform_indices = #map}, {transform_indices = #map}, {transform_indices = #map}, {transform_indices = #map}, {transform_indices = #map}]} {
    %mul3A = arith.constant 16 : i32
    %mul3A_0 = arith.muli %arg0, %mul3A : i32
    %add3A = arith.addi %mul3A_0, %arg1 : i32
    %broadcast_in_dim3A = arith.constant 0 : i32
    %broadcast_in_dim3A_1 = vector.broadcast %broadcast_in_dim3A : i32 to vector<16xi32>
    %broadcast_in_dim3A_2 = arith.constant true
    %broadcast_in_dim3A_3 = vector.broadcast %broadcast_in_dim3A_2 : i1 to vector<16xi1>
    %unique3A, %unique3A_4 = tpu.scan_count mask(%broadcast_in_dim3A_3 : vector<16xi1>) value(%broadcast_in_dim3A_1 : vector<16xi32>) : vector<16xi1>, vector<16xi32>
    %reduce_min3A = arith.constant true
    %reduce_min3A_5 = vector.broadcast %reduce_min3A : i1 to vector<16xi1>
    %reduce_min3A_6 = arith.constant -2147483648 : i32
    %reduce_min3A_7 = vector.broadcast %reduce_min3A_6 : i32 to vector<16xi32>
    %reduce_min3A_8 = arith.xori %unique3A_4, %reduce_min3A_7 : vector<16xi32>
    %reduce_min3A_9 = tpu.scan <min>, %reduce_min3A_8 masked %reduce_min3A_5 : vector<16xi32>, vector<16xi1> -> vector<16xi32>
    %reduce_min3A_10 = arith.xori %reduce_min3A_9, %reduce_min3A_7 : vector<16xi32>
    %reduce_min3A_11 = vector.extract %reduce_min3A_10[15] : i32 from vector<16xi32>
    %iota3A = tpu.iota {dimensions = array<i32: 0>} : vector<16xi32>
    "tpu.region"() ({
      %run_scoped3A = tpu.sem_alloc : memref<!tpu.dma_semaphore, #tpu.memory_space<semaphore_mem>>
      tpu.enqueue_dma source(%arg4 : memref<256xi32, #tpu.memory_space<hbm>>) target(%arg15 : memref<256xi32, #tpu.memory_space<vmem>>) target_semaphore(%run_scoped3A : memref<!tpu.dma_semaphore, #tpu.memory_space<semaphore_mem>>)
      tpu.wait_dma2 semaphore(%run_scoped3A : memref<!tpu.dma_semaphore, #tpu.memory_space<semaphore_mem>>) src(%arg4 : memref<256xi32, #tpu.memory_space<hbm>>) dst(%arg15 : memref<256xi32, #tpu.memory_space<vmem>>)
      tpu.yield
    }) : () -> ()
    "tpu.region"() ({
      %run_scoped3A = tpu.sem_alloc : memref<!tpu.dma_semaphore, #tpu.memory_space<semaphore_mem>>
      tpu.enqueue_dma source(%arg5 : memref<256xi32, #tpu.memory_space<hbm>>) target(%arg16 : memref<256xi32, #tpu.memory_space<vmem>>) target_semaphore(%run_scoped3A : memref<!tpu.dma_semaphore, #tpu.memory_space<semaphore_mem>>)
      tpu.wait_dma2 semaphore(%run_scoped3A : memref<!tpu.dma_semaphore, #tpu.memory_space<semaphore_mem>>) src(%arg5 : memref<256xi32, #tpu.memory_space<hbm>>) dst(%arg16 : memref<256xi32, #tpu.memory_space<vmem>>)
      tpu.yield
    }) : () -> ()
    %scan3A = arith.constant 0 : i32
    %scan3A_12 = arith.constant 0 : i32
    %scan3A_13 = arith.constant 16 : i32
    %scan3A_14 = arith.addi %scan3A_12, %scan3A_13 : i32
    %scan3A_15 = arith.constant 1 : i32
    %scan3A_16 = scf.for %scan3A_42 = %scan3A_12 to %scan3A_14 step %scan3A_15 iter_args(%scan3A_43 = %scan3A) -> (i32)  : i32 {
      %mul3A_44 = arith.constant 16 : i32
      %mul3A_45 = arith.muli %scan3A_42, %mul3A_44 : i32
      %get3A = arith.index_cast %mul3A_45 : i32 to index
      %get3A_46 = tpu.vector_load %arg15[%get3A] {strides = array<i32>} : memref<256xi32, #tpu.memory_space<vmem>>, vector<16xi32>,
      %mul3A_47 = arith.constant 16 : i32
      %mul3A_48 = arith.muli %scan3A_42, %mul3A_47 : i32
      %get3A_49 = arith.index_cast %mul3A_48 : i32 to index
      %get3A_50 = tpu.vector_load %arg16[%get3A_49] {strides = array<i32>} : memref<256xi32, #tpu.memory_space<vmem>>, vector<16xi32>,
      %add3A_51 = arith.addi %get3A_46, %get3A_50 : vector<16xi32>
      %lt3A = arith.constant 2 : i32
      %lt3A_52 = vector.broadcast %lt3A : i32 to vector<16xi32>
      %lt3A_53 = arith.cmpi slt, %iota3A, %lt3A_52 : vector<16xi32>
      %mul3A_54 = arith.constant 2 : i32
      %mul3A_55 = arith.muli %mul3A_54, %scan3A_42 : i32
      %add3A_56 = vector.broadcast %mul3A_55 : i32 to vector<16xi32>
      %add3A_57 = arith.addi %add3A_56, %iota3A : vector<16xi32>
      %lt3A_58 = vector.broadcast %add3A : i32 to vector<16xi32>
      %lt3A_59 = arith.cmpi slt, %add3A_57, %lt3A_58 : vector<16xi32>
      %and3A = arith.andi %lt3A_53, %lt3A_59 : vector<16xi1>
      %jit3A = arith.constant 0 : i32
      %broadcast_in_dim3A_60 = vector.broadcast %jit3A : i32 to vector<16xi32>
      %select_n3A = arith.select %and3A, %add3A_51, %broadcast_in_dim3A_60 : vector<16xi1>, vector<16xi32>
      %reduce_sum3A = arith.constant true
      %reduce_sum3A_61 = vector.broadcast %reduce_sum3A : i1 to vector<16xi1>
      %reduce_sum3A_62 = tpu.scan <sum>, %select_n3A masked %reduce_sum3A_61 : vector<16xi32>, vector<16xi1> -> vector<16xi32>
      %reduce_sum3A_63 = vector.extract %reduce_sum3A_62[15] : i32 from vector<16xi32>
      %add3A_64 = arith.addi %scan3A_43, %reduce_sum3A_63 : i32
      scf.yield %add3A_64 : i32
    }
    %scan3A_17 = arith.constant 16 : i32
    %mul3A_18 = arith.constant 4096 : i32
    %mul3A_19 = arith.muli %add3A, %mul3A_18 : i32
    "tpu.region"() ({
      %run_scoped3A = tpu.sem_alloc : memref<!tpu.dma_semaphore, #tpu.memory_space<semaphore_mem>>
      %dma_start3A = tpu.memref_slice %arg2[%mul3A_19] : memref<131072xi32, #tpu.memory_space<hbm>> -> memref<4096xi32, #tpu.memory_space<hbm>>
      %dma_start3A_42 = tpu.memref_slice %arg2[%mul3A_19] : memref<131072xi32, #tpu.memory_space<hbm>> -> memref<4096xi32, #tpu.memory_space<hbm>>
      tpu.enqueue_dma source(%dma_start3A_42 : memref<4096xi32, #tpu.memory_space<hbm>>) target(%arg12 : memref<4096xi32, #tpu.memory_space<vmem>>) target_semaphore(%run_scoped3A : memref<!tpu.dma_semaphore, #tpu.memory_space<semaphore_mem>>)
      %dma_wait3A = tpu.memref_slice %arg2[%mul3A_19] : memref<131072xi32, #tpu.memory_space<hbm>> -> memref<4096xi32, #tpu.memory_space<hbm>>
      %dma_wait3A_43 = tpu.memref_slice %arg2[%mul3A_19] : memref<131072xi32, #tpu.memory_space<hbm>> -> memref<4096xi32, #tpu.memory_space<hbm>>
      tpu.wait_dma2 semaphore(%run_scoped3A : memref<!tpu.dma_semaphore, #tpu.memory_space<semaphore_mem>>) src(%dma_wait3A_43 : memref<4096xi32, #tpu.memory_space<hbm>>) dst(%arg12 : memref<4096xi32, #tpu.memory_space<vmem>>)
      tpu.yield
    }) : () -> ()
    %mul3A_20 = arith.constant 4096 : i32
    %mul3A_21 = arith.muli %add3A, %mul3A_20 : i32
    "tpu.region"() ({
      %run_scoped3A = tpu.sem_alloc : memref<!tpu.dma_semaphore, #tpu.memory_space<semaphore_mem>>
      %dma_start3A = tpu.memref_slice %arg3[%mul3A_21] : memref<131072xi32, #tpu.memory_space<hbm>> -> memref<4096xi32, #tpu.memory_space<hbm>>
      %dma_start3A_42 = tpu.memref_slice %arg3[%mul3A_21] : memref<131072xi32, #tpu.memory_space<hbm>> -> memref<4096xi32, #tpu.memory_space<hbm>>
      tpu.enqueue_dma source(%dma_start3A_42 : memref<4096xi32, #tpu.memory_space<hbm>>) target(%arg13 : memref<4096xi32, #tpu.memory_space<vmem>>) target_semaphore(%run_scoped3A : memref<!tpu.dma_semaphore, #tpu.memory_space<semaphore_mem>>)
      %dma_wait3A = tpu.memref_slice %arg3[%mul3A_21] : memref<131072xi32, #tpu.memory_space<hbm>> -> memref<4096xi32, #tpu.memory_space<hbm>>
      %dma_wait3A_43 = tpu.memref_slice %arg3[%mul3A_21] : memref<131072xi32, #tpu.memory_space<hbm>> -> memref<4096xi32, #tpu.memory_space<hbm>>
      tpu.wait_dma2 semaphore(%run_scoped3A : memref<!tpu.dma_semaphore, #tpu.memory_space<semaphore_mem>>) src(%dma_wait3A_43 : memref<4096xi32, #tpu.memory_space<hbm>>) dst(%arg13 : memref<4096xi32, #tpu.memory_space<vmem>>)
      tpu.yield
    }) : () -> ()
    %scan3A_22 = arith.constant 0 : i32
    %scan3A_23 = arith.constant 0 : i32
    %scan3A_24 = arith.constant 256 : i32
    %scan3A_25 = arith.addi %scan3A_23, %scan3A_24 : i32
    %scan3A_26 = arith.constant 1 : i32
    %scan3A_27 = scf.for %scan3A_42 = %scan3A_23 to %scan3A_25 step %scan3A_26 iter_args(%scan3A_43 = %scan3A_22) -> (i32)  : i32 {
      %mul3A_44 = arith.constant 16 : i32
      %mul3A_45 = arith.muli %scan3A_42, %mul3A_44 : i32
      %get3A = arith.index_cast %mul3A_45 : i32 to index
      %get3A_46 = tpu.vector_load %arg12[%get3A] {strides = array<i32>} : memref<4096xi32, #tpu.memory_space<vmem>>, vector<16xi32>,
      %mul3A_47 = arith.constant 16 : i32
      %mul3A_48 = arith.muli %scan3A_42, %mul3A_47 : i32
      %get3A_49 = arith.index_cast %mul3A_48 : i32 to index
      %get3A_50 = tpu.vector_load %arg13[%get3A_49] {strides = array<i32>} : memref<4096xi32, #tpu.memory_space<vmem>>, vector<16xi32>,
      %add3A_51 = arith.addi %get3A_46, %get3A_50 : vector<16xi32>
      %broadcast_in_dim3A_52 = arith.constant true
      %broadcast_in_dim3A_53 = vector.broadcast %broadcast_in_dim3A_52 : i1 to vector<16xi1>
      %masked_cumsum3A = tpu.scan <sum>, %add3A_51 masked %broadcast_in_dim3A_53 : vector<16xi32>, vector<16xi1> -> vector<16xi32>
      %sub3A = arith.subi %masked_cumsum3A, %add3A_51 : vector<16xi32>
      %add3A_54 = vector.broadcast %scan3A_43 : i32 to vector<16xi32>
      %add3A_55 = arith.addi %add3A_54, %sub3A : vector<16xi32>
      %add3A_56 = vector.broadcast %scan3A_16 : i32 to vector<16xi32>
      %add3A_57 = arith.addi %add3A_56, %add3A_55 : vector<16xi32>
      %mul3A_58 = arith.constant 16 : i32
      %mul3A_59 = arith.muli %scan3A_42, %mul3A_58 : i32
      %swap3A = arith.index_cast %mul3A_59 : i32 to index
      %swap3A_60 = tpu.vector_load %arg12[%swap3A] {strides = array<i32>} : memref<4096xi32, #tpu.memory_space<vmem>>, vector<16xi32>,
      tpu.vector_store %arg12[%swap3A], %add3A_57 {strides = array<i32>} : memref<4096xi32, #tpu.memory_space<vmem>>, vector<16xi32>,
      %add3A_61 = vector.broadcast %scan3A_16 : i32 to vector<16xi32>
      %add3A_62 = arith.addi %add3A_61, %add3A_55 : vector<16xi32>
      %mul3A_63 = arith.constant 16 : i32
      %mul3A_64 = arith.muli %scan3A_42, %mul3A_63 : i32
      %swap3A_65 = arith.index_cast %mul3A_64 : i32 to index
      %swap3A_66 = tpu.vector_load %arg14[%swap3A_65] {strides = array<i32>} : memref<4096xi32, #tpu.memory_space<vmem>>, vector<16xi32>,
      tpu.vector_store %arg14[%swap3A_65], %add3A_62 {strides = array<i32>} : memref<4096xi32, #tpu.memory_space<vmem>>, vector<16xi32>,
      %reduce_sum3A = arith.constant true
      %reduce_sum3A_67 = vector.broadcast %reduce_sum3A : i1 to vector<16xi1>
      %reduce_sum3A_68 = tpu.scan <sum>, %add3A_51 masked %reduce_sum3A_67 : vector<16xi32>, vector<16xi1> -> vector<16xi32>
      %reduce_sum3A_69 = vector.extract %reduce_sum3A_68[15] : i32 from vector<16xi32>
      %add3A_70 = arith.addi %scan3A_43, %reduce_sum3A_69 : i32
      scf.yield %add3A_70 : i32
    }
    %scan3A_28 = arith.constant 256 : i32
    %mul3A_29 = arith.constant 4096 : i32
    %mul3A_30 = arith.muli %add3A, %mul3A_29 : i32
    "tpu.region"() ({
      %run_scoped3A = tpu.sem_alloc : memref<!tpu.dma_semaphore, #tpu.memory_space<semaphore_mem>>
      %dma_start3A = tpu.memref_slice %arg9[%mul3A_30] : memref<131072xi32, #tpu.memory_space<hbm>> -> memref<4096xi32, #tpu.memory_space<hbm>>
      %dma_start3A_42 = tpu.memref_slice %arg9[%mul3A_30] : memref<131072xi32, #tpu.memory_space<hbm>> -> memref<4096xi32, #tpu.memory_space<hbm>>
      tpu.enqueue_dma source(%arg12 : memref<4096xi32, #tpu.memory_space<vmem>>) target(%dma_start3A_42 : memref<4096xi32, #tpu.memory_space<hbm>>) target_semaphore(%run_scoped3A : memref<!tpu.dma_semaphore, #tpu.memory_space<semaphore_mem>>)
      %dma_wait3A = tpu.memref_slice %arg9[%mul3A_30] : memref<131072xi32, #tpu.memory_space<hbm>> -> memref<4096xi32, #tpu.memory_space<hbm>>
      %dma_wait3A_43 = tpu.memref_slice %arg9[%mul3A_30] : memref<131072xi32, #tpu.memory_space<hbm>> -> memref<4096xi32, #tpu.memory_space<hbm>>
      tpu.wait_dma2 semaphore(%run_scoped3A : memref<!tpu.dma_semaphore, #tpu.memory_space<semaphore_mem>>) src(%arg12 : memref<4096xi32, #tpu.memory_space<vmem>>) dst(%dma_wait3A_43 : memref<4096xi32, #tpu.memory_space<hbm>>)
      tpu.yield
    }) : () -> ()
    "tpu.region"() ({
      %run_scoped3A = tpu.sem_alloc : memref<!tpu.dma_semaphore, #tpu.memory_space<semaphore_mem>>
      tpu.enqueue_dma source(%arg8 : memref<1024xi32, #tpu.memory_space<hbm>>) target(%arg19 : memref<1024xi32, #tpu.memory_space<vmem>>) target_semaphore(%run_scoped3A : memref<!tpu.dma_semaphore, #tpu.memory_space<semaphore_mem>>)
      tpu.wait_dma2 semaphore(%run_scoped3A : memref<!tpu.dma_semaphore, #tpu.memory_space<semaphore_mem>>) src(%arg8 : memref<1024xi32, #tpu.memory_space<hbm>>) dst(%arg19 : memref<1024xi32, #tpu.memory_space<vmem>>)
      tpu.yield
    }) : () -> ()
    %scan3A_31 = arith.constant 0 : i32
    %scan3A_32 = arith.constant 0 : i32
    %scan3A_33 = arith.constant 0 : i32
    %scan3A_34 = arith.constant 32 : i32
    %scan3A_35 = arith.addi %scan3A_33, %scan3A_34 : i32
    %scan3A_36 = arith.constant 1 : i32
    %scan3A_37:2 = scf.for %scan3A_42 = %scan3A_33 to %scan3A_35 step %scan3A_36 iter_args(%scan3A_43 = %scan3A_31, %scan3A_44 = %scan3A_32) -> (i32, i32)  : i32 {
      %mul3A_45 = arith.constant 32 : i32
      %mul3A_46 = arith.muli %scan3A_42, %mul3A_45 : i32
      %get3A = arith.index_cast %mul3A_46 : i32 to index
      %get3A_47 = tpu.vector_load %arg19[%get3A] {strides = array<i32>} : memref<1024xi32, #tpu.memory_space<vmem>>, vector<16xi32>,
      %mul3A_48 = arith.constant 32 : i32
      %mul3A_49 = arith.muli %scan3A_42, %mul3A_48 : i32
      %add3A_50 = arith.constant 16 : i32
      %add3A_51 = arith.addi %mul3A_49, %add3A_50 : i32
      %get3A_52 = arith.index_cast %add3A_51 : i32 to index
      %get3A_53 = tpu.vector_load %arg19[%get3A_52] {strides = array<i32>} : memref<1024xi32, #tpu.memory_space<vmem>>, vector<16xi32>,
      %lt3A = vector.broadcast %add3A : i32 to vector<16xi32>
      %lt3A_54 = arith.cmpi slt, %iota3A, %lt3A : vector<16xi32>
      %jit3A = arith.constant 0 : i32
      %broadcast_in_dim3A_55 = vector.broadcast %jit3A : i32 to vector<16xi32>
      %select_n3A = arith.select %lt3A_54, %get3A_47, %broadcast_in_dim3A_55 : vector<16xi1>, vector<16xi32>
      %reduce_sum3A = arith.constant true
      %reduce_sum3A_56 = vector.broadcast %reduce_sum3A : i1 to vector<16xi1>
      %reduce_sum3A_57 = tpu.scan <sum>, %select_n3A masked %reduce_sum3A_56 : vector<16xi32>, vector<16xi1> -> vector<16xi32>
      %reduce_sum3A_58 = vector.extract %reduce_sum3A_57[15] : i32 from vector<16xi32>
      %sub3A = arith.constant 16 : i32
      %sub3A_59 = arith.subi %add3A, %sub3A : i32
      %lt3A_60 = vector.broadcast %sub3A_59 : i32 to vector<16xi32>
      %lt3A_61 = arith.cmpi slt, %iota3A, %lt3A_60 : vector<16xi32>
      %jit3A_62 = arith.constant 0 : i32
      %broadcast_in_dim3A_63 = vector.broadcast %jit3A_62 : i32 to vector<16xi32>
      %select_n3A_64 = arith.select %lt3A_61, %get3A_53, %broadcast_in_dim3A_63 : vector<16xi1>, vector<16xi32>
      %reduce_sum3A_65 = arith.constant true
      %reduce_sum3A_66 = vector.broadcast %reduce_sum3A_65 : i1 to vector<16xi1>
      %reduce_sum3A_67 = tpu.scan <sum>, %select_n3A_64 masked %reduce_sum3A_66 : vector<16xi32>, vector<16xi1> -> vector<16xi32>
      %reduce_sum3A_68 = vector.extract %reduce_sum3A_67[15] : i32 from vector<16xi32>
      %add3A_69 = arith.addi %reduce_sum3A_58, %reduce_sum3A_68 : i32
      %lt3A_70 = arith.constant 16 : i32
      %lt3A_71 = arith.cmpi slt, %add3A, %lt3A_70 : i32
      %select_n3A_72 = arith.select %lt3A_71, %get3A_47, %get3A_53 : vector<16xi32>
      %and3A = arith.constant 15 : i32
      %and3A_73 = arith.andi %add3A, %and3A : i32
      %eq3A = vector.broadcast %and3A_73 : i32 to vector<16xi32>
      %eq3A_74 = arith.cmpi eq, %iota3A, %eq3A : vector<16xi32>
      %jit3A_75 = arith.constant 0 : i32
      %broadcast_in_dim3A_76 = vector.broadcast %jit3A_75 : i32 to vector<16xi32>
      %select_n3A_77 = arith.select %eq3A_74, %select_n3A_72, %broadcast_in_dim3A_76 : vector<16xi1>, vector<16xi32>
      %reduce_sum3A_78 = arith.constant true
      %reduce_sum3A_79 = vector.broadcast %reduce_sum3A_78 : i1 to vector<16xi1>
      %reduce_sum3A_80 = tpu.scan <sum>, %select_n3A_77 masked %reduce_sum3A_79 : vector<16xi32>, vector<16xi1> -> vector<16xi32>
      %reduce_sum3A_81 = vector.extract %reduce_sum3A_80[15] : i32 from vector<16xi32>
      %mul3A_82 = arith.constant 8192 : i32
      %mul3A_83 = arith.muli %scan3A_42, %mul3A_82 : i32
      %add3A_84 = arith.addi %mul3A_83, %add3A_69 : i32
      %multiple_of3A = tpu.assume_multiple %add3A_84, 8 : i32
      %add3A_85 = arith.constant 511 : i32
      %add3A_86 = arith.addi %reduce_sum3A_81, %add3A_85 : i32
      %shift_right_logical3A = arith.constant 9 : i32
      %shift_right_logical3A_87 = arith.shrui %add3A_86, %shift_right_logical3A : i32
      %while3A = arith.constant 0 : i32
      %while3A_88 = arith.subi %shift_right_logical3A_87, %while3A : i32
      %while3A_89 = arith.addi %while3A, %while3A_88 : i32
      %while3A_90 = arith.constant 1 : i32
      %while3A_91 = arith.divsi %while3A_88, %while3A_90 : i32
      %while3A_92 = arith.muli %while3A_91, %while3A_90 : i32
      %while3A_93 = arith.addi %while3A, %while3A_92 : i32
      %while3A_94 = arith.constant 1 : i32
      %while3A_95:2 = scf.for %while3A_98 = %while3A to %while3A_93 step %while3A_94 iter_args(%while3A_99 = %scan3A_43, %while3A_100 = %scan3A_44) -> (i32, i32)  : i32 {
        %mul3A_101 = arith.constant 512 : i32
        %mul3A_102 = arith.muli %while3A_98, %mul3A_101 : i32
        %add3A_103 = arith.addi %multiple_of3A, %mul3A_102 : i32
        "tpu.region"() ({
          %run_scoped3A = tpu.sem_alloc : memref<!tpu.dma_semaphore, #tpu.memory_space<semaphore_mem>>
          %dma_start3A = tpu.memref_slice %arg6[%add3A_103] : memref<262144xi32, #tpu.memory_space<hbm>> -> memref<512xi32, #tpu.memory_space<hbm>>
          %dma_start3A_126 = tpu.memref_slice %arg6[%add3A_103] : memref<262144xi32, #tpu.memory_space<hbm>> -> memref<512xi32, #tpu.memory_space<hbm>>
          tpu.enqueue_dma source(%dma_start3A_126 : memref<512xi32, #tpu.memory_space<hbm>>) target(%arg17 : memref<512xi32, #tpu.memory_space<vmem>>) target_semaphore(%run_scoped3A : memref<!tpu.dma_semaphore, #tpu.memory_space<semaphore_mem>>)
          %dma_wait3A = tpu.memref_slice %arg6[%add3A_103] : memref<262144xi32, #tpu.memory_space<hbm>> -> memref<512xi32, #tpu.memory_space<hbm>>
          %dma_wait3A_127 = tpu.memref_slice %arg6[%add3A_103] : memref<262144xi32, #tpu.memory_space<hbm>> -> memref<512xi32, #tpu.memory_space<hbm>>
          tpu.wait_dma2 semaphore(%run_scoped3A : memref<!tpu.dma_semaphore, #tpu.memory_space<semaphore_mem>>) src(%dma_wait3A_127 : memref<512xi32, #tpu.memory_space<hbm>>) dst(%arg17 : memref<512xi32, #tpu.memory_space<vmem>>)
          tpu.yield
        }) : () -> ()
        %mul3A_104 = arith.constant 512 : i32
        %mul3A_105 = arith.muli %while3A_98, %mul3A_104 : i32
        %add3A_106 = arith.addi %multiple_of3A, %mul3A_105 : i32
        "tpu.region"() ({
          %run_scoped3A = tpu.sem_alloc : memref<!tpu.dma_semaphore, #tpu.memory_space<semaphore_mem>>
          %dma_start3A = tpu.memref_slice %arg7[%add3A_106] : memref<262144xi32, #tpu.memory_space<hbm>> -> memref<512xi32, #tpu.memory_space<hbm>>
          %dma_start3A_126 = tpu.memref_slice %arg7[%add3A_106] : memref<262144xi32, #tpu.memory_space<hbm>> -> memref<512xi32, #tpu.memory_space<hbm>>
          tpu.enqueue_dma source(%dma_start3A_126 : memref<512xi32, #tpu.memory_space<hbm>>) target(%arg18 : memref<512xi32, #tpu.memory_space<vmem>>) target_semaphore(%run_scoped3A : memref<!tpu.dma_semaphore, #tpu.memory_space<semaphore_mem>>)
          %dma_wait3A = tpu.memref_slice %arg7[%add3A_106] : memref<262144xi32, #tpu.memory_space<hbm>> -> memref<512xi32, #tpu.memory_space<hbm>>
          %dma_wait3A_127 = tpu.memref_slice %arg7[%add3A_106] : memref<262144xi32, #tpu.memory_space<hbm>> -> memref<512xi32, #tpu.memory_space<hbm>>
          tpu.wait_dma2 semaphore(%run_scoped3A : memref<!tpu.dma_semaphore, #tpu.memory_space<semaphore_mem>>) src(%dma_wait3A_127 : memref<512xi32, #tpu.memory_space<hbm>>) dst(%arg18 : memref<512xi32, #tpu.memory_space<vmem>>)
          tpu.yield
        }) : () -> ()
        %scan3A_107 = arith.constant 0 : i32
        %scan3A_108 = arith.constant 32 : i32
        %scan3A_109 = arith.addi %scan3A_107, %scan3A_108 : i32
        %scan3A_110 = arith.constant 1 : i32
        %scan3A_111 = scf.for %scan3A_126 = %scan3A_107 to %scan3A_109 step %scan3A_110 iter_args(%scan3A_127 = %while3A_99) -> (i32)  : i32 {
          %mul3A_128 = arith.constant 16 : i32
          %mul3A_129 = arith.muli %scan3A_126, %mul3A_128 : i32
          %get3A_130 = arith.index_cast %mul3A_129 : i32 to index
          %get3A_131 = tpu.vector_load %arg17[%get3A_130] {strides = array<i32>} : memref<512xi32, #tpu.memory_space<vmem>>, vector<16xi32>,
          %mul3A_132 = arith.constant 512 : i32
          %mul3A_133 = arith.muli %while3A_98, %mul3A_132 : i32
          %mul3A_134 = arith.constant 16 : i32
          %mul3A_135 = arith.muli %scan3A_126, %mul3A_134 : i32
          %add3A_136 = arith.addi %mul3A_133, %mul3A_135 : i32
          %add3A_137 = vector.broadcast %add3A_136 : i32 to vector<16xi32>
          %add3A_138 = arith.addi %add3A_137, %iota3A : vector<16xi32>
          %lt3A_139 = vector.broadcast %reduce_sum3A_81 : i32 to vector<16xi32>
          %lt3A_140 = arith.cmpi slt, %add3A_138, %lt3A_139 : vector<16xi32>
          %ge3A = arith.constant 0 : i32
          %ge3A_141 = vector.broadcast %ge3A : i32 to vector<16xi32>
          %ge3A_142 = arith.cmpi sge, %get3A_131, %ge3A_141 : vector<16xi32>
          %and3A_143 = arith.andi %lt3A_140, %ge3A_142 : vector<16xi1>
          %shift_right_logical3A_144 = arith.constant 18 : i32
          %shift_right_logical3A_145 = vector.broadcast %shift_right_logical3A_144 : i32 to vector<16xi32>
          %shift_right_logical3A_146 = arith.shrui %get3A_131, %shift_right_logical3A_145 : vector<16xi32>
          %and3A_147 = arith.constant 4095 : i32
          %and3A_148 = vector.broadcast %and3A_147 : i32 to vector<16xi32>
          %and3A_149 = arith.andi %shift_right_logical3A_146, %and3A_148 : vector<16xi32>
          %and3A_150 = arith.constant 262143 : i32
          %and3A_151 = vector.broadcast %and3A_150 : i32 to vector<16xi32>
          %and3A_152 = arith.andi %get3A_131, %and3A_151 : vector<16xi32>
          %mul3A_153 = arith.constant 16 : i32
          %mul3A_154 = arith.muli %scan3A_126, %mul3A_153 : i32
          %get3A_155 = arith.index_cast %mul3A_154 : i32 to index
          %get3A_156 = tpu.vector_load %arg18[%get3A_155] {strides = array<i32>} : memref<512xi32, #tpu.memory_space<vmem>>, vector<16xi32>,
          %unique3A_157, %unique3A_158 = tpu.scan_count mask(%and3A_143 : vector<16xi1>) value(%and3A_149 : vector<16xi32>) : vector<16xi1>, vector<16xi32>
          %gather3A = tpu.vector_load_idx %arg14[%and3A_149] masked %and3A_143 : memref<4096xi32, #tpu.memory_space<vmem>>[vector<16xi32>], vector<16xi32>, vector<16xi1>
          %sub3A_159 = vector.broadcast %reduce_min3A_11 : i32 to vector<16xi32>
          %sub3A_160 = arith.subi %unique3A_158, %sub3A_159 : vector<16xi32>
          %add3A_161 = arith.addi %gather3A, %sub3A_160 : vector<16xi32>
          %add3A_162 = arith.constant 1 : i32
          %add3A_163 = vector.broadcast %add3A_162 : i32 to vector<16xi32>
          %add3A_164 = arith.addi %add3A_161, %add3A_163 : vector<16xi32>
          %and3A_165 = arith.andi %and3A_143, %unique3A_157 : vector<16xi1>
          tpu.vector_store_idx %arg14[%and3A_149], %add3A_164 masked %and3A_165 : memref<4096xi32, #tpu.memory_space<vmem>>[vector<16xi32>], vector<16xi32>, vector<16xi1>
          %convert_element_type3A_166 = arith.extui %and3A_143 : vector<16xi1> to vector<16xi32>
          %broadcast_in_dim3A_167 = arith.constant true
          %broadcast_in_dim3A_168 = vector.broadcast %broadcast_in_dim3A_167 : i1 to vector<16xi1>
          %masked_cumsum3A = tpu.scan <sum>, %convert_element_type3A_166 masked %broadcast_in_dim3A_168 : vector<16xi32>, vector<16xi1> -> vector<16xi32>
          %add3A_169 = vector.broadcast %scan3A_127 : i32 to vector<16xi32>
          %add3A_170 = arith.addi %add3A_169, %masked_cumsum3A : vector<16xi32>
          %sub3A_171 = arith.constant 1 : i32
          %sub3A_172 = vector.broadcast %sub3A_171 : i32 to vector<16xi32>
          %sub3A_173 = arith.subi %add3A_170, %sub3A_172 : vector<16xi32>
          %and3A_174 = arith.constant 2047 : i32
          %and3A_175 = vector.broadcast %and3A_174 : i32 to vector<16xi32>
          %and3A_176 = arith.andi %sub3A_173, %and3A_175 : vector<16xi32>
          tpu.vector_store_idx %arg20[%and3A_176], %add3A_161 masked %and3A_143 : memref<2048xi32, #tpu.memory_space<vmem>>[vector<16xi32>], vector<16xi32>, vector<16xi1>
          tpu.vector_store_idx %arg21[%and3A_176], %get3A_156 masked %and3A_143 : memref<2048xi32, #tpu.memory_space<vmem>>[vector<16xi32>], vector<16xi32>, vector<16xi1>
          tpu.vector_store_idx %arg22[%and3A_176], %and3A_152 masked %and3A_143 : memref<2048xi32, #tpu.memory_space<vmem>>[vector<16xi32>], vector<16xi32>, vector<16xi1>
          %convert_element_type3A_177 = arith.extui %and3A_143 : vector<16xi1> to vector<16xi32>
          %reduce_sum3A_178 = arith.constant true
          %reduce_sum3A_179 = vector.broadcast %reduce_sum3A_178 : i1 to vector<16xi1>
          %reduce_sum3A_180 = tpu.scan <sum>, %convert_element_type3A_177 masked %reduce_sum3A_179 : vector<16xi32>, vector<16xi1> -> vector<16xi32>
          %reduce_sum3A_181 = vector.extract %reduce_sum3A_180[15] : i32 from vector<16xi32>
          %add3A_182 = arith.addi %scan3A_127, %reduce_sum3A_181 : i32
          scf.yield %add3A_182 : i32
        }
        %scan3A_112 = arith.constant 32 : i32
        %shift_right_logical3A_113 = arith.constant 7 : i32
        %shift_right_logical3A_114 = arith.shrui %scan3A_111, %shift_right_logical3A_113 : i32
        %while3A_115 = arith.constant 0 : i32
        %while3A_116 = arith.subi %shift_right_logical3A_114, %while3A_100 : i32
        %while3A_117 = arith.addi %while3A_100, %while3A_116 : i32
        %while3A_118 = arith.constant 1 : i32
        %while3A_119 = arith.divsi %while3A_116, %while3A_118 : i32
        %while3A_120 = arith.muli %while3A_119, %while3A_118 : i32
        %while3A_121 = arith.addi %while3A_100, %while3A_120 : i32
        %while3A_122 = arith.constant 1 : i32
        %while3A_123 = scf.for %while3A_126 = %while3A_100 to %while3A_121 step %while3A_122 iter_args(%while3A_127 = %while3A_115) -> (i32)  : i32 {
          %and3A_128 = arith.constant 15 : i32
          %and3A_129 = arith.andi %while3A_126, %and3A_128 : i32
          %mul3A_130 = arith.constant 128 : i32
          %mul3A_131 = arith.muli %and3A_129, %mul3A_130 : i32
          %scan3A_132 = arith.constant 0 : i32
          %scan3A_133 = arith.constant 0 : i32
          %scan3A_134 = arith.constant 8 : i32
          %scan3A_135 = arith.addi %scan3A_133, %scan3A_134 : i32
          %scan3A_136 = arith.constant 1 : i32
          %scan3A_137 = scf.for %scan3A_140 = %scan3A_133 to %scan3A_135 step %scan3A_136 iter_args(%scan3A_141 = %scan3A_132) -> (i32)  : i32 {
            %mul3A_142 = arith.constant 16 : i32
            %mul3A_143 = arith.muli %scan3A_140, %mul3A_142 : i32
            %add3A_144 = arith.addi %mul3A_131, %mul3A_143 : i32
            %get3A_145 = arith.index_cast %add3A_144 : i32 to index
            %get3A_146 = tpu.vector_load %arg20[%get3A_145] {strides = array<i32>} : memref<2048xi32, #tpu.memory_space<vmem>>, vector<16xi32>,
            %mul3A_147 = arith.constant 16 : i32
            %mul3A_148 = arith.muli %scan3A_140, %mul3A_147 : i32
            %swap3A = arith.index_cast %mul3A_148 : i32 to index
            %swap3A_149 = tpu.vector_load %arg23[%swap3A] {strides = array<i32>} : memref<128xi32, #tpu.memory_space<vmem>>, vector<16xi32>,
            tpu.vector_store %arg23[%swap3A], %get3A_146 {strides = array<i32>} : memref<128xi32, #tpu.memory_space<vmem>>, vector<16xi32>,
            %mul3A_150 = arith.constant 16 : i32
            %mul3A_151 = arith.muli %scan3A_140, %mul3A_150 : i32
            %add3A_152 = arith.addi %mul3A_131, %mul3A_151 : i32
            %get3A_153 = arith.index_cast %add3A_152 : i32 to index
            %get3A_154 = tpu.vector_load %arg21[%get3A_153] {strides = array<i32>} : memref<2048xi32, #tpu.memory_space<vmem>>, vector<16xi32>,
            %mul3A_155 = arith.constant 16 : i32
            %mul3A_156 = arith.muli %scan3A_140, %mul3A_155 : i32
            %swap3A_157 = arith.index_cast %mul3A_156 : i32 to index
            %swap3A_158 = tpu.vector_load %arg24[%swap3A_157] {strides = array<i32>} : memref<128xi32, #tpu.memory_space<vmem>>, vector<16xi32>,
            tpu.vector_store %arg24[%swap3A_157], %get3A_154 {strides = array<i32>} : memref<128xi32, #tpu.memory_space<vmem>>, vector<16xi32>,
            %mul3A_159 = arith.constant 16 : i32
            %mul3A_160 = arith.muli %scan3A_140, %mul3A_159 : i32
            %add3A_161 = arith.addi %mul3A_131, %mul3A_160 : i32
            %get3A_162 = arith.index_cast %add3A_161 : i32 to index
            %get3A_163 = tpu.vector_load %arg22[%get3A_162] {strides = array<i32>} : memref<2048xi32, #tpu.memory_space<vmem>>, vector<16xi32>,
            %mul3A_164 = arith.constant 16 : i32
            %mul3A_165 = arith.muli %scan3A_140, %mul3A_164 : i32
            %swap3A_166 = arith.index_cast %mul3A_165 : i32 to index
            %swap3A_167 = tpu.vector_load %arg25[%swap3A_166] {strides = array<i32>} : memref<128xi32, #tpu.memory_space<vmem>>, vector<16xi32>,
            tpu.vector_store %arg25[%swap3A_166], %get3A_163 {strides = array<i32>} : memref<128xi32, #tpu.memory_space<vmem>>, vector<16xi32>,
            %scan3A_168 = arith.constant 0 : i32
            scf.yield %scan3A_168 : i32
          }
          %scan3A_138 = arith.constant 8 : i32
          "tpu.region"() ({
            %run_scoped3A = tpu.sem_alloc : memref<!tpu.dma_semaphore, #tpu.memory_space<semaphore_mem>>
            %dma_start3A = arith.constant 0 : i32
            %dma_start3A_140 = tpu.memref_slice %arg10[%dma_start3A] : memref<200832xi32, #tpu.memory_space<hbm>> -> memref<200832xi32, #tpu.memory_space<hbm>>
            tpu.enqueue_indirect_dma source(%arg24 : memref<128xi32, #tpu.memory_space<vmem>>) target(%dma_start3A_140 : memref<200832xi32, #tpu.memory_space<hbm>>) offsets(%arg23 : memref<128xi32, #tpu.memory_space<vmem>>) semaphore(%run_scoped3A : memref<!tpu.dma_semaphore, #tpu.memory_space<semaphore_mem>>)
            %dma_wait3A = arith.constant 0 : i32
            %dma_wait3A_141 = tpu.memref_slice %arg10[%dma_wait3A] : memref<200832xi32, #tpu.memory_space<hbm>> -> memref<200832xi32, #tpu.memory_space<hbm>>
            tpu.wait_indirect_dma semaphore(%run_scoped3A : memref<!tpu.dma_semaphore, #tpu.memory_space<semaphore_mem>>) src(%arg24 : memref<128xi32, #tpu.memory_space<vmem>>) dst(%dma_wait3A_141 : memref<200832xi32, #tpu.memory_space<hbm>>)
            tpu.yield
          }) : () -> ()
          "tpu.region"() ({
            %run_scoped3A = tpu.sem_alloc : memref<!tpu.dma_semaphore, #tpu.memory_space<semaphore_mem>>
            %dma_start3A = arith.constant 0 : i32
            %dma_start3A_140 = tpu.memref_slice %arg11[%dma_start3A] : memref<200832xi32, #tpu.memory_space<hbm>> -> memref<200832xi32, #tpu.memory_space<hbm>>
            tpu.enqueue_indirect_dma source(%arg23 : memref<128xi32, #tpu.memory_space<vmem>>) target(%dma_start3A_140 : memref<200832xi32, #tpu.memory_space<hbm>>) offsets(%arg25 : memref<128xi32, #tpu.memory_space<vmem>>) semaphore(%run_scoped3A : memref<!tpu.dma_semaphore, #tpu.memory_space<semaphore_mem>>)
            %dma_wait3A = arith.constant 0 : i32
            %dma_wait3A_141 = tpu.memref_slice %arg11[%dma_wait3A] : memref<200832xi32, #tpu.memory_space<hbm>> -> memref<200832xi32, #tpu.memory_space<hbm>>
            tpu.wait_indirect_dma semaphore(%run_scoped3A : memref<!tpu.dma_semaphore, #tpu.memory_space<semaphore_mem>>) src(%arg23 : memref<128xi32, #tpu.memory_space<vmem>>) dst(%dma_wait3A_141 : memref<200832xi32, #tpu.memory_space<hbm>>)
            tpu.yield
          }) : () -> ()
          %while3A_139 = arith.constant 0 : i32
          scf.yield %while3A_139 : i32
        }
        %while3A_124 = arith.constant 1 : i32
        %while3A_125 = scf.for %while3A_126 = %while3A_121 to %while3A_117 step %while3A_124 iter_args(%while3A_127 = %while3A_123) -> (i32)  : i32 {
          %and3A_128 = arith.constant 15 : i32
          %and3A_129 = arith.andi %while3A_126, %and3A_128 : i32
          %mul3A_130 = arith.constant 128 : i32
          %mul3A_131 = arith.muli %and3A_129, %mul3A_130 : i32
          %scan3A_132 = arith.constant 0 : i32
          %scan3A_133 = arith.constant 0 : i32
          %scan3A_134 = arith.constant 8 : i32
          %scan3A_135 = arith.addi %scan3A_133, %scan3A_134 : i32
          %scan3A_136 = arith.constant 1 : i32
          %scan3A_137 = scf.for %scan3A_140 = %scan3A_133 to %scan3A_135 step %scan3A_136 iter_args(%scan3A_141 = %scan3A_132) -> (i32)  : i32 {
            %mul3A_142 = arith.constant 16 : i32
            %mul3A_143 = arith.muli %scan3A_140, %mul3A_142 : i32
            %add3A_144 = arith.addi %mul3A_131, %mul3A_143 : i32
            %get3A_145 = arith.index_cast %add3A_144 : i32 to index
            %get3A_146 = tpu.vector_load %arg20[%get3A_145] {strides = array<i32>} : memref<2048xi32, #tpu.memory_space<vmem>>, vector<16xi32>,
            %mul3A_147 = arith.constant 16 : i32
            %mul3A_148 = arith.muli %scan3A_140, %mul3A_147 : i32
            %swap3A = arith.index_cast %mul3A_148 : i32 to index
            %swap3A_149 = tpu.vector_load %arg23[%swap3A] {strides = array<i32>} : memref<128xi32, #tpu.memory_space<vmem>>, vector<16xi32>,
            tpu.vector_store %arg23[%swap3A], %get3A_146 {strides = array<i32>} : memref<128xi32, #tpu.memory_space<vmem>>, vector<16xi32>,
            %mul3A_150 = arith.constant 16 : i32
            %mul3A_151 = arith.muli %scan3A_140, %mul3A_150 : i32
            %add3A_152 = arith.addi %mul3A_131, %mul3A_151 : i32
            %get3A_153 = arith.index_cast %add3A_152 : i32 to index
            %get3A_154 = tpu.vector_load %arg21[%get3A_153] {strides = array<i32>} : memref<2048xi32, #tpu.memory_space<vmem>>, vector<16xi32>,
            %mul3A_155 = arith.constant 16 : i32
            %mul3A_156 = arith.muli %scan3A_140, %mul3A_155 : i32
            %swap3A_157 = arith.index_cast %mul3A_156 : i32 to index
            %swap3A_158 = tpu.vector_load %arg24[%swap3A_157] {strides = array<i32>} : memref<128xi32, #tpu.memory_space<vmem>>, vector<16xi32>,
            tpu.vector_store %arg24[%swap3A_157], %get3A_154 {strides = array<i32>} : memref<128xi32, #tpu.memory_space<vmem>>, vector<16xi32>,
            %mul3A_159 = arith.constant 16 : i32
            %mul3A_160 = arith.muli %scan3A_140, %mul3A_159 : i32
            %add3A_161 = arith.addi %mul3A_131, %mul3A_160 : i32
            %get3A_162 = arith.index_cast %add3A_161 : i32 to index
            %get3A_163 = tpu.vector_load %arg22[%get3A_162] {strides = array<i32>} : memref<2048xi32, #tpu.memory_space<vmem>>, vector<16xi32>,
            %mul3A_164 = arith.constant 16 : i32
            %mul3A_165 = arith.muli %scan3A_140, %mul3A_164 : i32
            %swap3A_166 = arith.index_cast %mul3A_165 : i32 to index
            %swap3A_167 = tpu.vector_load %arg25[%swap3A_166] {strides = array<i32>} : memref<128xi32, #tpu.memory_space<vmem>>, vector<16xi32>,
            tpu.vector_store %arg25[%swap3A_166], %get3A_163 {strides = array<i32>} : memref<128xi32, #tpu.memory_space<vmem>>, vector<16xi32>,
            %scan3A_168 = arith.constant 0 : i32
            scf.yield %scan3A_168 : i32
          }
          %scan3A_138 = arith.constant 8 : i32
          "tpu.region"() ({
            %run_scoped3A = tpu.sem_alloc : memref<!tpu.dma_semaphore, #tpu.memory_space<semaphore_mem>>
            %dma_start3A = arith.constant 0 : i32
            %dma_start3A_140 = tpu.memref_slice %arg10[%dma_start3A] : memref<200832xi32, #tpu.memory_space<hbm>> -> memref<200832xi32, #tpu.memory_space<hbm>>
            tpu.enqueue_indirect_dma source(%arg24 : memref<128xi32, #tpu.memory_space<vmem>>) target(%dma_start3A_140 : memref<200832xi32, #tpu.memory_space<hbm>>) offsets(%arg23 : memref<128xi32, #tpu.memory_space<vmem>>) semaphore(%run_scoped3A : memref<!tpu.dma_semaphore, #tpu.memory_space<semaphore_mem>>)
            %dma_wait3A = arith.constant 0 : i32
            %dma_wait3A_141 = tpu.memref_slice %arg10[%dma_wait3A] : memref<200832xi32, #tpu.memory_space<hbm>> -> memref<200832xi32, #tpu.memory_space<hbm>>
            tpu.wait_indirect_dma semaphore(%run_scoped3A : memref<!tpu.dma_semaphore, #tpu.memory_space<semaphore_mem>>) src(%arg24 : memref<128xi32, #tpu.memory_space<vmem>>) dst(%dma_wait3A_141 : memref<200832xi32, #tpu.memory_space<hbm>>)
            tpu.yield
          }) : () -> ()
          "tpu.region"() ({
            %run_scoped3A = tpu.sem_alloc : memref<!tpu.dma_semaphore, #tpu.memory_space<semaphore_mem>>
            %dma_start3A = arith.constant 0 : i32
            %dma_start3A_140 = tpu.memref_slice %arg11[%dma_start3A] : memref<200832xi32, #tpu.memory_space<hbm>> -> memref<200832xi32, #tpu.memory_space<hbm>>
            tpu.enqueue_indirect_dma source(%arg23 : memref<128xi32, #tpu.memory_space<vmem>>) target(%dma_start3A_140 : memref<200832xi32, #tpu.memory_space<hbm>>) offsets(%arg25 : memref<128xi32, #tpu.memory_space<vmem>>) semaphore(%run_scoped3A : memref<!tpu.dma_semaphore, #tpu.memory_space<semaphore_mem>>)
            %dma_wait3A = arith.constant 0 : i32
            %dma_wait3A_141 = tpu.memref_slice %arg11[%dma_wait3A] : memref<200832xi32, #tpu.memory_space<hbm>> -> memref<200832xi32, #tpu.memory_space<hbm>>
            tpu.wait_indirect_dma semaphore(%run_scoped3A : memref<!tpu.dma_semaphore, #tpu.memory_space<semaphore_mem>>) src(%arg23 : memref<128xi32, #tpu.memory_space<vmem>>) dst(%dma_wait3A_141 : memref<200832xi32, #tpu.memory_space<hbm>>)
            tpu.yield
          }) : () -> ()
          %while3A_139 = arith.constant 0 : i32
          scf.yield %while3A_139 : i32
        }
        scf.yield %scan3A_111, %shift_right_logical3A_114 : i32, i32
      }
      %while3A_96 = arith.constant 1 : i32
      %while3A_97:2 = scf.for %while3A_98 = %while3A_93 to %while3A_89 step %while3A_96 iter_args(%while3A_99 = %while3A_95#0, %while3A_100 = %while3A_95#1) -> (i32, i32)  : i32 {
        %mul3A_101 = arith.constant 512 : i32
        %mul3A_102 = arith.muli %while3A_98, %mul3A_101 : i32
        %add3A_103 = arith.addi %multiple_of3A, %mul3A_102 : i32
        "tpu.region"() ({
          %run_scoped3A = tpu.sem_alloc : memref<!tpu.dma_semaphore, #tpu.memory_space<semaphore_mem>>
          %dma_start3A = tpu.memref_slice %arg6[%add3A_103] : memref<262144xi32, #tpu.memory_space<hbm>> -> memref<512xi32, #tpu.memory_space<hbm>>
          %dma_start3A_126 = tpu.memref_slice %arg6[%add3A_103] : memref<262144xi32, #tpu.memory_space<hbm>> -> memref<512xi32, #tpu.memory_space<hbm>>
          tpu.enqueue_dma source(%dma_start3A_126 : memref<512xi32, #tpu.memory_space<hbm>>) target(%arg17 : memref<512xi32, #tpu.memory_space<vmem>>) target_semaphore(%run_scoped3A : memref<!tpu.dma_semaphore, #tpu.memory_space<semaphore_mem>>)
          %dma_wait3A = tpu.memref_slice %arg6[%add3A_103] : memref<262144xi32, #tpu.memory_space<hbm>> -> memref<512xi32, #tpu.memory_space<hbm>>
          %dma_wait3A_127 = tpu.memref_slice %arg6[%add3A_103] : memref<262144xi32, #tpu.memory_space<hbm>> -> memref<512xi32, #tpu.memory_space<hbm>>
          tpu.wait_dma2 semaphore(%run_scoped3A : memref<!tpu.dma_semaphore, #tpu.memory_space<semaphore_mem>>) src(%dma_wait3A_127 : memref<512xi32, #tpu.memory_space<hbm>>) dst(%arg17 : memref<512xi32, #tpu.memory_space<vmem>>)
          tpu.yield
        }) : () -> ()
        %mul3A_104 = arith.constant 512 : i32
        %mul3A_105 = arith.muli %while3A_98, %mul3A_104 : i32
        %add3A_106 = arith.addi %multiple_of3A, %mul3A_105 : i32
        "tpu.region"() ({
          %run_scoped3A = tpu.sem_alloc : memref<!tpu.dma_semaphore, #tpu.memory_space<semaphore_mem>>
          %dma_start3A = tpu.memref_slice %arg7[%add3A_106] : memref<262144xi32, #tpu.memory_space<hbm>> -> memref<512xi32, #tpu.memory_space<hbm>>
          %dma_start3A_126 = tpu.memref_slice %arg7[%add3A_106] : memref<262144xi32, #tpu.memory_space<hbm>> -> memref<512xi32, #tpu.memory_space<hbm>>
          tpu.enqueue_dma source(%dma_start3A_126 : memref<512xi32, #tpu.memory_space<hbm>>) target(%arg18 : memref<512xi32, #tpu.memory_space<vmem>>) target_semaphore(%run_scoped3A : memref<!tpu.dma_semaphore, #tpu.memory_space<semaphore_mem>>)
          %dma_wait3A = tpu.memref_slice %arg7[%add3A_106] : memref<262144xi32, #tpu.memory_space<hbm>> -> memref<512xi32, #tpu.memory_space<hbm>>
          %dma_wait3A_127 = tpu.memref_slice %arg7[%add3A_106] : memref<262144xi32, #tpu.memory_space<hbm>> -> memref<512xi32, #tpu.memory_space<hbm>>
          tpu.wait_dma2 semaphore(%run_scoped3A : memref<!tpu.dma_semaphore, #tpu.memory_space<semaphore_mem>>) src(%dma_wait3A_127 : memref<512xi32, #tpu.memory_space<hbm>>) dst(%arg18 : memref<512xi32, #tpu.memory_space<vmem>>)
          tpu.yield
        }) : () -> ()
        %scan3A_107 = arith.constant 0 : i32
        %scan3A_108 = arith.constant 32 : i32
        %scan3A_109 = arith.addi %scan3A_107, %scan3A_108 : i32
        %scan3A_110 = arith.constant 1 : i32
        %scan3A_111 = scf.for %scan3A_126 = %scan3A_107 to %scan3A_109 step %scan3A_110 iter_args(%scan3A_127 = %while3A_99) -> (i32)  : i32 {
          %mul3A_128 = arith.constant 16 : i32
          %mul3A_129 = arith.muli %scan3A_126, %mul3A_128 : i32
          %get3A_130 = arith.index_cast %mul3A_129 : i32 to index
          %get3A_131 = tpu.vector_load %arg17[%get3A_130] {strides = array<i32>} : memref<512xi32, #tpu.memory_space<vmem>>, vector<16xi32>,
          %mul3A_132 = arith.constant 512 : i32
          %mul3A_133 = arith.muli %while3A_98, %mul3A_132 : i32
          %mul3A_134 = arith.constant 16 : i32
          %mul3A_135 = arith.muli %scan3A_126, %mul3A_134 : i32
          %add3A_136 = arith.addi %mul3A_133, %mul3A_135 : i32
          %add3A_137 = vector.broadcast %add3A_136 : i32 to vector<16xi32>
          %add3A_138 = arith.addi %add3A_137, %iota3A : vector<16xi32>
          %lt3A_139 = vector.broadcast %reduce_sum3A_81 : i32 to vector<16xi32>
          %lt3A_140 = arith.cmpi slt, %add3A_138, %lt3A_139 : vector<16xi32>
          %ge3A = arith.constant 0 : i32
          %ge3A_141 = vector.broadcast %ge3A : i32 to vector<16xi32>
          %ge3A_142 = arith.cmpi sge, %get3A_131, %ge3A_141 : vector<16xi32>
          %and3A_143 = arith.andi %lt3A_140, %ge3A_142 : vector<16xi1>
          %shift_right_logical3A_144 = arith.constant 18 : i32
          %shift_right_logical3A_145 = vector.broadcast %shift_right_logical3A_144 : i32 to vector<16xi32>
          %shift_right_logical3A_146 = arith.shrui %get3A_131, %shift_right_logical3A_145 : vector<16xi32>
          %and3A_147 = arith.constant 4095 : i32
          %and3A_148 = vector.broadcast %and3A_147 : i32 to vector<16xi32>
          %and3A_149 = arith.andi %shift_right_logical3A_146, %and3A_148 : vector<16xi32>
          %and3A_150 = arith.constant 262143 : i32
          %and3A_151 = vector.broadcast %and3A_150 : i32 to vector<16xi32>
          %and3A_152 = arith.andi %get3A_131, %and3A_151 : vector<16xi32>
          %mul3A_153 = arith.constant 16 : i32
          %mul3A_154 = arith.muli %scan3A_126, %mul3A_153 : i32
          %get3A_155 = arith.index_cast %mul3A_154 : i32 to index
          %get3A_156 = tpu.vector_load %arg18[%get3A_155] {strides = array<i32>} : memref<512xi32, #tpu.memory_space<vmem>>, vector<16xi32>,
          %unique3A_157, %unique3A_158 = tpu.scan_count mask(%and3A_143 : vector<16xi1>) value(%and3A_149 : vector<16xi32>) : vector<16xi1>, vector<16xi32>
          %gather3A = tpu.vector_load_idx %arg14[%and3A_149] masked %and3A_143 : memref<4096xi32, #tpu.memory_space<vmem>>[vector<16xi32>], vector<16xi32>, vector<16xi1>
          %sub3A_159 = vector.broadcast %reduce_min3A_11 : i32 to vector<16xi32>
          %sub3A_160 = arith.subi %unique3A_158, %sub3A_159 : vector<16xi32>
          %add3A_161 = arith.addi %gather3A, %sub3A_160 : vector<16xi32>
          %add3A_162 = arith.constant 1 : i32
          %add3A_163 = vector.broadcast %add3A_162 : i32 to vector<16xi32>
          %add3A_164 = arith.addi %add3A_161, %add3A_163 : vector<16xi32>
          %and3A_165 = arith.andi %and3A_143, %unique3A_157 : vector<16xi1>
          tpu.vector_store_idx %arg14[%and3A_149], %add3A_164 masked %and3A_165 : memref<4096xi32, #tpu.memory_space<vmem>>[vector<16xi32>], vector<16xi32>, vector<16xi1>
          %convert_element_type3A_166 = arith.extui %and3A_143 : vector<16xi1> to vector<16xi32>
          %broadcast_in_dim3A_167 = arith.constant true
          %broadcast_in_dim3A_168 = vector.broadcast %broadcast_in_dim3A_167 : i1 to vector<16xi1>
          %masked_cumsum3A = tpu.scan <sum>, %convert_element_type3A_166 masked %broadcast_in_dim3A_168 : vector<16xi32>, vector<16xi1> -> vector<16xi32>
          %add3A_169 = vector.broadcast %scan3A_127 : i32 to vector<16xi32>
          %add3A_170 = arith.addi %add3A_169, %masked_cumsum3A : vector<16xi32>
          %sub3A_171 = arith.constant 1 : i32
          %sub3A_172 = vector.broadcast %sub3A_171 : i32 to vector<16xi32>
          %sub3A_173 = arith.subi %add3A_170, %sub3A_172 : vector<16xi32>
          %and3A_174 = arith.constant 2047 : i32
          %and3A_175 = vector.broadcast %and3A_174 : i32 to vector<16xi32>
          %and3A_176 = arith.andi %sub3A_173, %and3A_175 : vector<16xi32>
          tpu.vector_store_idx %arg20[%and3A_176], %add3A_161 masked %and3A_143 : memref<2048xi32, #tpu.memory_space<vmem>>[vector<16xi32>], vector<16xi32>, vector<16xi1>
          tpu.vector_store_idx %arg21[%and3A_176], %get3A_156 masked %and3A_143 : memref<2048xi32, #tpu.memory_space<vmem>>[vector<16xi32>], vector<16xi32>, vector<16xi1>
          tpu.vector_store_idx %arg22[%and3A_176], %and3A_152 masked %and3A_143 : memref<2048xi32, #tpu.memory_space<vmem>>[vector<16xi32>], vector<16xi32>, vector<16xi1>
          %convert_element_type3A_177 = arith.extui %and3A_143 : vector<16xi1> to vector<16xi32>
          %reduce_sum3A_178 = arith.constant true
          %reduce_sum3A_179 = vector.broadcast %reduce_sum3A_178 : i1 to vector<16xi1>
          %reduce_sum3A_180 = tpu.scan <sum>, %convert_element_type3A_177 masked %reduce_sum3A_179 : vector<16xi32>, vector<16xi1> -> vector<16xi32>
          %reduce_sum3A_181 = vector.extract %reduce_sum3A_180[15] : i32 from vector<16xi32>
          %add3A_182 = arith.addi %scan3A_127, %reduce_sum3A_181 : i32
          scf.yield %add3A_182 : i32
        }
        %scan3A_112 = arith.constant 32 : i32
        %shift_right_logical3A_113 = arith.constant 7 : i32
        %shift_right_logical3A_114 = arith.shrui %scan3A_111, %shift_right_logical3A_113 : i32
        %while3A_115 = arith.constant 0 : i32
        %while3A_116 = arith.subi %shift_right_logical3A_114, %while3A_100 : i32
        %while3A_117 = arith.addi %while3A_100, %while3A_116 : i32
        %while3A_118 = arith.constant 1 : i32
        %while3A_119 = arith.divsi %while3A_116, %while3A_118 : i32
        %while3A_120 = arith.muli %while3A_119, %while3A_118 : i32
        %while3A_121 = arith.addi %while3A_100, %while3A_120 : i32
        %while3A_122 = arith.constant 1 : i32
        %while3A_123 = scf.for %while3A_126 = %while3A_100 to %while3A_121 step %while3A_122 iter_args(%while3A_127 = %while3A_115) -> (i32)  : i32 {
          %and3A_128 = arith.constant 15 : i32
          %and3A_129 = arith.andi %while3A_126, %and3A_128 : i32
          %mul3A_130 = arith.constant 128 : i32
          %mul3A_131 = arith.muli %and3A_129, %mul3A_130 : i32
          %scan3A_132 = arith.constant 0 : i32
          %scan3A_133 = arith.constant 0 : i32
          %scan3A_134 = arith.constant 8 : i32
          %scan3A_135 = arith.addi %scan3A_133, %scan3A_134 : i32
          %scan3A_136 = arith.constant 1 : i32
          %scan3A_137 = scf.for %scan3A_140 = %scan3A_133 to %scan3A_135 step %scan3A_136 iter_args(%scan3A_141 = %scan3A_132) -> (i32)  : i32 {
            %mul3A_142 = arith.constant 16 : i32
            %mul3A_143 = arith.muli %scan3A_140, %mul3A_142 : i32
            %add3A_144 = arith.addi %mul3A_131, %mul3A_143 : i32
            %get3A_145 = arith.index_cast %add3A_144 : i32 to index
            %get3A_146 = tpu.vector_load %arg20[%get3A_145] {strides = array<i32>} : memref<2048xi32, #tpu.memory_space<vmem>>, vector<16xi32>,
            %mul3A_147 = arith.constant 16 : i32
            %mul3A_148 = arith.muli %scan3A_140, %mul3A_147 : i32
            %swap3A = arith.index_cast %mul3A_148 : i32 to index
            %swap3A_149 = tpu.vector_load %arg23[%swap3A] {strides = array<i32>} : memref<128xi32, #tpu.memory_space<vmem>>, vector<16xi32>,
            tpu.vector_store %arg23[%swap3A], %get3A_146 {strides = array<i32>} : memref<128xi32, #tpu.memory_space<vmem>>, vector<16xi32>,
            %mul3A_150 = arith.constant 16 : i32
            %mul3A_151 = arith.muli %scan3A_140, %mul3A_150 : i32
            %add3A_152 = arith.addi %mul3A_131, %mul3A_151 : i32
            %get3A_153 = arith.index_cast %add3A_152 : i32 to index
            %get3A_154 = tpu.vector_load %arg21[%get3A_153] {strides = array<i32>} : memref<2048xi32, #tpu.memory_space<vmem>>, vector<16xi32>,
            %mul3A_155 = arith.constant 16 : i32
            %mul3A_156 = arith.muli %scan3A_140, %mul3A_155 : i32
            %swap3A_157 = arith.index_cast %mul3A_156 : i32 to index
            %swap3A_158 = tpu.vector_load %arg24[%swap3A_157] {strides = array<i32>} : memref<128xi32, #tpu.memory_space<vmem>>, vector<16xi32>,
            tpu.vector_store %arg24[%swap3A_157], %get3A_154 {strides = array<i32>} : memref<128xi32, #tpu.memory_space<vmem>>, vector<16xi32>,
            %mul3A_159 = arith.constant 16 : i32
            %mul3A_160 = arith.muli %scan3A_140, %mul3A_159 : i32
            %add3A_161 = arith.addi %mul3A_131, %mul3A_160 : i32
            %get3A_162 = arith.index_cast %add3A_161 : i32 to index
            %get3A_163 = tpu.vector_load %arg22[%get3A_162] {strides = array<i32>} : memref<2048xi32, #tpu.memory_space<vmem>>, vector<16xi32>,
            %mul3A_164 = arith.constant 16 : i32
            %mul3A_165 = arith.muli %scan3A_140, %mul3A_164 : i32
            %swap3A_166 = arith.index_cast %mul3A_165 : i32 to index
            %swap3A_167 = tpu.vector_load %arg25[%swap3A_166] {strides = array<i32>} : memref<128xi32, #tpu.memory_space<vmem>>, vector<16xi32>,
            tpu.vector_store %arg25[%swap3A_166], %get3A_163 {strides = array<i32>} : memref<128xi32, #tpu.memory_space<vmem>>, vector<16xi32>,
            %scan3A_168 = arith.constant 0 : i32
            scf.yield %scan3A_168 : i32
          }
          %scan3A_138 = arith.constant 8 : i32
          "tpu.region"() ({
            %run_scoped3A = tpu.sem_alloc : memref<!tpu.dma_semaphore, #tpu.memory_space<semaphore_mem>>
            %dma_start3A = arith.constant 0 : i32
            %dma_start3A_140 = tpu.memref_slice %arg10[%dma_start3A] : memref<200832xi32, #tpu.memory_space<hbm>> -> memref<200832xi32, #tpu.memory_space<hbm>>
            tpu.enqueue_indirect_dma source(%arg24 : memref<128xi32, #tpu.memory_space<vmem>>) target(%dma_start3A_140 : memref<200832xi32, #tpu.memory_space<hbm>>) offsets(%arg23 : memref<128xi32, #tpu.memory_space<vmem>>) semaphore(%run_scoped3A : memref<!tpu.dma_semaphore, #tpu.memory_space<semaphore_mem>>)
            %dma_wait3A = arith.constant 0 : i32
            %dma_wait3A_141 = tpu.memref_slice %arg10[%dma_wait3A] : memref<200832xi32, #tpu.memory_space<hbm>> -> memref<200832xi32, #tpu.memory_space<hbm>>
            tpu.wait_indirect_dma semaphore(%run_scoped3A : memref<!tpu.dma_semaphore, #tpu.memory_space<semaphore_mem>>) src(%arg24 : memref<128xi32, #tpu.memory_space<vmem>>) dst(%dma_wait3A_141 : memref<200832xi32, #tpu.memory_space<hbm>>)
            tpu.yield
          }) : () -> ()
          "tpu.region"() ({
            %run_scoped3A = tpu.sem_alloc : memref<!tpu.dma_semaphore, #tpu.memory_space<semaphore_mem>>
            %dma_start3A = arith.constant 0 : i32
            %dma_start3A_140 = tpu.memref_slice %arg11[%dma_start3A] : memref<200832xi32, #tpu.memory_space<hbm>> -> memref<200832xi32, #tpu.memory_space<hbm>>
            tpu.enqueue_indirect_dma source(%arg23 : memref<128xi32, #tpu.memory_space<vmem>>) target(%dma_start3A_140 : memref<200832xi32, #tpu.memory_space<hbm>>) offsets(%arg25 : memref<128xi32, #tpu.memory_space<vmem>>) semaphore(%run_scoped3A : memref<!tpu.dma_semaphore, #tpu.memory_space<semaphore_mem>>)
            %dma_wait3A = arith.constant 0 : i32
            %dma_wait3A_141 = tpu.memref_slice %arg11[%dma_wait3A] : memref<200832xi32, #tpu.memory_space<hbm>> -> memref<200832xi32, #tpu.memory_space<hbm>>
            tpu.wait_indirect_dma semaphore(%run_scoped3A : memref<!tpu.dma_semaphore, #tpu.memory_space<semaphore_mem>>) src(%arg23 : memref<128xi32, #tpu.memory_space<vmem>>) dst(%dma_wait3A_141 : memref<200832xi32, #tpu.memory_space<hbm>>)
            tpu.yield
          }) : () -> ()
          %while3A_139 = arith.constant 0 : i32
          scf.yield %while3A_139 : i32
        }
        %while3A_124 = arith.constant 1 : i32
        %while3A_125 = scf.for %while3A_126 = %while3A_121 to %while3A_117 step %while3A_124 iter_args(%while3A_127 = %while3A_123) -> (i32)  : i32 {
          %and3A_128 = arith.constant 15 : i32
          %and3A_129 = arith.andi %while3A_126, %and3A_128 : i32
          %mul3A_130 = arith.constant 128 : i32
          %mul3A_131 = arith.muli %and3A_129, %mul3A_130 : i32
          %scan3A_132 = arith.constant 0 : i32
          %scan3A_133 = arith.constant 0 : i32
          %scan3A_134 = arith.constant 8 : i32
          %scan3A_135 = arith.addi %scan3A_133, %scan3A_134 : i32
          %scan3A_136 = arith.constant 1 : i32
          %scan3A_137 = scf.for %scan3A_140 = %scan3A_133 to %scan3A_135 step %scan3A_136 iter_args(%scan3A_141 = %scan3A_132) -> (i32)  : i32 {
            %mul3A_142 = arith.constant 16 : i32
            %mul3A_143 = arith.muli %scan3A_140, %mul3A_142 : i32
            %add3A_144 = arith.addi %mul3A_131, %mul3A_143 : i32
            %get3A_145 = arith.index_cast %add3A_144 : i32 to index
            %get3A_146 = tpu.vector_load %arg20[%get3A_145] {strides = array<i32>} : memref<2048xi32, #tpu.memory_space<vmem>>, vector<16xi32>,
            %mul3A_147 = arith.constant 16 : i32
            %mul3A_148 = arith.muli %scan3A_140, %mul3A_147 : i32
            %swap3A = arith.index_cast %mul3A_148 : i32 to index
            %swap3A_149 = tpu.vector_load %arg23[%swap3A] {strides = array<i32>} : memref<128xi32, #tpu.memory_space<vmem>>, vector<16xi32>,
            tpu.vector_store %arg23[%swap3A], %get3A_146 {strides = array<i32>} : memref<128xi32, #tpu.memory_space<vmem>>, vector<16xi32>,
            %mul3A_150 = arith.constant 16 : i32
            %mul3A_151 = arith.muli %scan3A_140, %mul3A_150 : i32
            %add3A_152 = arith.addi %mul3A_131, %mul3A_151 : i32
            %get3A_153 = arith.index_cast %add3A_152 : i32 to index
            %get3A_154 = tpu.vector_load %arg21[%get3A_153] {strides = array<i32>} : memref<2048xi32, #tpu.memory_space<vmem>>, vector<16xi32>,
            %mul3A_155 = arith.constant 16 : i32
            %mul3A_156 = arith.muli %scan3A_140, %mul3A_155 : i32
            %swap3A_157 = arith.index_cast %mul3A_156 : i32 to index
            %swap3A_158 = tpu.vector_load %arg24[%swap3A_157] {strides = array<i32>} : memref<128xi32, #tpu.memory_space<vmem>>, vector<16xi32>,
            tpu.vector_store %arg24[%swap3A_157], %get3A_154 {strides = array<i32>} : memref<128xi32, #tpu.memory_space<vmem>>, vector<16xi32>,
            %mul3A_159 = arith.constant 16 : i32
            %mul3A_160 = arith.muli %scan3A_140, %mul3A_159 : i32
            %add3A_161 = arith.addi %mul3A_131, %mul3A_160 : i32
            %get3A_162 = arith.index_cast %add3A_161 : i32 to index
            %get3A_163 = tpu.vector_load %arg22[%get3A_162] {strides = array<i32>} : memref<2048xi32, #tpu.memory_space<vmem>>, vector<16xi32>,
            %mul3A_164 = arith.constant 16 : i32
            %mul3A_165 = arith.muli %scan3A_140, %mul3A_164 : i32
            %swap3A_166 = arith.index_cast %mul3A_165 : i32 to index
            %swap3A_167 = tpu.vector_load %arg25[%swap3A_166] {strides = array<i32>} : memref<128xi32, #tpu.memory_space<vmem>>, vector<16xi32>,
            tpu.vector_store %arg25[%swap3A_166], %get3A_163 {strides = array<i32>} : memref<128xi32, #tpu.memory_space<vmem>>, vector<16xi32>,
            %scan3A_168 = arith.constant 0 : i32
            scf.yield %scan3A_168 : i32
          }
          %scan3A_138 = arith.constant 8 : i32
          "tpu.region"() ({
            %run_scoped3A = tpu.sem_alloc : memref<!tpu.dma_semaphore, #tpu.memory_space<semaphore_mem>>
            %dma_start3A = arith.constant 0 : i32
            %dma_start3A_140 = tpu.memref_slice %arg10[%dma_start3A] : memref<200832xi32, #tpu.memory_space<hbm>> -> memref<200832xi32, #tpu.memory_space<hbm>>
            tpu.enqueue_indirect_dma source(%arg24 : memref<128xi32, #tpu.memory_space<vmem>>) target(%dma_start3A_140 : memref<200832xi32, #tpu.memory_space<hbm>>) offsets(%arg23 : memref<128xi32, #tpu.memory_space<vmem>>) semaphore(%run_scoped3A : memref<!tpu.dma_semaphore, #tpu.memory_space<semaphore_mem>>)
            %dma_wait3A = arith.constant 0 : i32
            %dma_wait3A_141 = tpu.memref_slice %arg10[%dma_wait3A] : memref<200832xi32, #tpu.memory_space<hbm>> -> memref<200832xi32, #tpu.memory_space<hbm>>
            tpu.wait_indirect_dma semaphore(%run_scoped3A : memref<!tpu.dma_semaphore, #tpu.memory_space<semaphore_mem>>) src(%arg24 : memref<128xi32, #tpu.memory_space<vmem>>) dst(%dma_wait3A_141 : memref<200832xi32, #tpu.memory_space<hbm>>)
            tpu.yield
          }) : () -> ()
          "tpu.region"() ({
            %run_scoped3A = tpu.sem_alloc : memref<!tpu.dma_semaphore, #tpu.memory_space<semaphore_mem>>
            %dma_start3A = arith.constant 0 : i32
            %dma_start3A_140 = tpu.memref_slice %arg11[%dma_start3A] : memref<200832xi32, #tpu.memory_space<hbm>> -> memref<200832xi32, #tpu.memory_space<hbm>>
            tpu.enqueue_indirect_dma source(%arg23 : memref<128xi32, #tpu.memory_space<vmem>>) target(%dma_start3A_140 : memref<200832xi32, #tpu.memory_space<hbm>>) offsets(%arg25 : memref<128xi32, #tpu.memory_space<vmem>>) semaphore(%run_scoped3A : memref<!tpu.dma_semaphore, #tpu.memory_space<semaphore_mem>>)
            %dma_wait3A = arith.constant 0 : i32
            %dma_wait3A_141 = tpu.memref_slice %arg11[%dma_wait3A] : memref<200832xi32, #tpu.memory_space<hbm>> -> memref<200832xi32, #tpu.memory_space<hbm>>
            tpu.wait_indirect_dma semaphore(%run_scoped3A : memref<!tpu.dma_semaphore, #tpu.memory_space<semaphore_mem>>) src(%arg23 : memref<128xi32, #tpu.memory_space<vmem>>) dst(%dma_wait3A_141 : memref<200832xi32, #tpu.memory_space<hbm>>)
            tpu.yield
          }) : () -> ()
          %while3A_139 = arith.constant 0 : i32
          scf.yield %while3A_139 : i32
        }
        scf.yield %scan3A_111, %shift_right_logical3A_114 : i32, i32
      }
      scf.yield %while3A_97#0, %while3A_97#1 : i32, i32
    }
    %scan3A_38 = arith.constant 32 : i32
    %mul3A_39 = arith.constant 128 : i32
    %mul3A_40 = arith.muli %scan3A_37#1, %mul3A_39 : i32
    %gt3A = arith.cmpi sgt, %scan3A_37#0, %mul3A_40 : i32
    %convert_element_type3A = arith.extui %gt3A : i1 to i32
    %cond3A = arith.constant 0 : i32
    %cond3A_41 = arith.cmpi ne, %convert_element_type3A, %cond3A : i32
    scf.if %cond3A_41 {
      %and3A = arith.constant 15 : i32
      %and3A_42 = arith.andi %scan3A_37#1, %and3A : i32
      %mul3A_43 = arith.constant 128 : i32
      %mul3A_44 = arith.muli %and3A_42, %mul3A_43 : i32
      %and3A_45 = arith.constant 127 : i32
      %and3A_46 = arith.andi %scan3A_37#0, %and3A_45 : i32
      %scan3A_47 = arith.constant 0 : i32
      %scan3A_48 = arith.constant 0 : i32
      %scan3A_49 = arith.constant 8 : i32
      %scan3A_50 = arith.addi %scan3A_48, %scan3A_49 : i32
      %scan3A_51 = arith.constant 1 : i32
      %scan3A_52 = scf.for %scan3A_65 = %scan3A_48 to %scan3A_50 step %scan3A_51 iter_args(%scan3A_66 = %scan3A_47) -> (i32)  : i32 {
        %mul3A_67 = arith.constant 16 : i32
        %mul3A_68 = arith.muli %scan3A_65, %mul3A_67 : i32
        %add3A_69 = vector.broadcast %mul3A_68 : i32 to vector<16xi32>
        %add3A_70 = arith.addi %add3A_69, %iota3A : vector<16xi32>
        %mul3A_71 = arith.constant 16 : i32
        %mul3A_72 = arith.muli %scan3A_65, %mul3A_71 : i32
        %add3A_73 = arith.addi %mul3A_44, %mul3A_72 : i32
        %get3A = arith.index_cast %add3A_73 : i32 to index
        %get3A_74 = tpu.vector_load %arg20[%get3A] {strides = array<i32>} : memref<2048xi32, #tpu.memory_space<vmem>>, vector<16xi32>,
        %ge3A = vector.broadcast %and3A_46 : i32 to vector<16xi32>
        %ge3A_75 = arith.cmpi sge, %add3A_70, %ge3A : vector<16xi32>
        %jit3A = arith.constant 200704 : i32
        %broadcast_in_dim3A_76 = vector.broadcast %jit3A : i32 to vector<16xi32>
        %select_n3A = arith.select %ge3A_75, %broadcast_in_dim3A_76, %get3A_74 : vector<16xi1>, vector<16xi32>
        %mul3A_77 = arith.constant 16 : i32
        %mul3A_78 = arith.muli %scan3A_65, %mul3A_77 : i32
        %add3A_79 = arith.addi %mul3A_44, %mul3A_78 : i32
        %swap3A = arith.index_cast %add3A_79 : i32 to index
        %swap3A_80 = tpu.vector_load %arg20[%swap3A] {strides = array<i32>} : memref<2048xi32, #tpu.memory_space<vmem>>, vector<16xi32>,
        tpu.vector_store %arg20[%swap3A], %select_n3A {strides = array<i32>} : memref<2048xi32, #tpu.memory_space<vmem>>, vector<16xi32>,
        %mul3A_81 = arith.constant 16 : i32
        %mul3A_82 = arith.muli %scan3A_65, %mul3A_81 : i32
        %add3A_83 = arith.addi %mul3A_44, %mul3A_82 : i32
        %get3A_84 = arith.index_cast %add3A_83 : i32 to index
        %get3A_85 = tpu.vector_load %arg22[%get3A_84] {strides = array<i32>} : memref<2048xi32, #tpu.memory_space<vmem>>, vector<16xi32>,
        %ge3A_86 = vector.broadcast %and3A_46 : i32 to vector<16xi32>
        %ge3A_87 = arith.cmpi sge, %add3A_70, %ge3A_86 : vector<16xi32>
        %jit3A_88 = arith.constant 200704 : i32
        %broadcast_in_dim3A_89 = vector.broadcast %jit3A_88 : i32 to vector<16xi32>
        %select_n3A_90 = arith.select %ge3A_87, %broadcast_in_dim3A_89, %get3A_85 : vector<16xi1>, vector<16xi32>
        %mul3A_91 = arith.constant 16 : i32
        %mul3A_92 = arith.muli %scan3A_65, %mul3A_91 : i32
        %add3A_93 = arith.addi %mul3A_44, %mul3A_92 : i32
        %swap3A_94 = arith.index_cast %add3A_93 : i32 to index
        %swap3A_95 = tpu.vector_load %arg22[%swap3A_94] {strides = array<i32>} : memref<2048xi32, #tpu.memory_space<vmem>>, vector<16xi32>,
        tpu.vector_store %arg22[%swap3A_94], %select_n3A_90 {strides = array<i32>} : memref<2048xi32, #tpu.memory_space<vmem>>, vector<16xi32>,
        %scan3A_96 = arith.constant 0 : i32
        scf.yield %scan3A_96 : i32
      }
      %scan3A_53 = arith.constant 8 : i32
      %and3A_54 = arith.constant 15 : i32
      %and3A_55 = arith.andi %scan3A_37#1, %and3A_54 : i32
      %mul3A_56 = arith.constant 128 : i32
      %mul3A_57 = arith.muli %and3A_55, %mul3A_56 : i32
      %scan3A_58 = arith.constant 0 : i32
      %scan3A_59 = arith.constant 0 : i32
      %scan3A_60 = arith.constant 8 : i32
      %scan3A_61 = arith.addi %scan3A_59, %scan3A_60 : i32
      %scan3A_62 = arith.constant 1 : i32
      %scan3A_63 = scf.for %scan3A_65 = %scan3A_59 to %scan3A_61 step %scan3A_62 iter_args(%scan3A_66 = %scan3A_58) -> (i32)  : i32 {
        %mul3A_67 = arith.constant 16 : i32
        %mul3A_68 = arith.muli %scan3A_65, %mul3A_67 : i32
        %add3A_69 = arith.addi %mul3A_57, %mul3A_68 : i32
        %get3A = arith.index_cast %add3A_69 : i32 to index
        %get3A_70 = tpu.vector_load %arg20[%get3A] {strides = array<i32>} : memref<2048xi32, #tpu.memory_space<vmem>>, vector<16xi32>,
        %mul3A_71 = arith.constant 16 : i32
        %mul3A_72 = arith.muli %scan3A_65, %mul3A_71 : i32
        %swap3A = arith.index_cast %mul3A_72 : i32 to index
        %swap3A_73 = tpu.vector_load %arg23[%swap3A] {strides = array<i32>} : memref<128xi32, #tpu.memory_space<vmem>>, vector<16xi32>,
        tpu.vector_store %arg23[%swap3A], %get3A_70 {strides = array<i32>} : memref<128xi32, #tpu.memory_space<vmem>>, vector<16xi32>,
        %mul3A_74 = arith.constant 16 : i32
        %mul3A_75 = arith.muli %scan3A_65, %mul3A_74 : i32
        %add3A_76 = arith.addi %mul3A_57, %mul3A_75 : i32
        %get3A_77 = arith.index_cast %add3A_76 : i32 to index
        %get3A_78 = tpu.vector_load %arg21[%get3A_77] {strides = array<i32>} : memref<2048xi32, #tpu.memory_space<vmem>>, vector<16xi32>,
        %mul3A_79 = arith.constant 16 : i32
        %mul3A_80 = arith.muli %scan3A_65, %mul3A_79 : i32
        %swap3A_81 = arith.index_cast %mul3A_80 : i32 to index
        %swap3A_82 = tpu.vector_load %arg24[%swap3A_81] {strides = array<i32>} : memref<128xi32, #tpu.memory_space<vmem>>, vector<16xi32>,
        tpu.vector_store %arg24[%swap3A_81], %get3A_78 {strides = array<i32>} : memref<128xi32, #tpu.memory_space<vmem>>, vector<16xi32>,
        %mul3A_83 = arith.constant 16 : i32
        %mul3A_84 = arith.muli %scan3A_65, %mul3A_83 : i32
        %add3A_85 = arith.addi %mul3A_57, %mul3A_84 : i32
        %get3A_86 = arith.index_cast %add3A_85 : i32 to index
        %get3A_87 = tpu.vector_load %arg22[%get3A_86] {strides = array<i32>} : memref<2048xi32, #tpu.memory_space<vmem>>, vector<16xi32>,
        %mul3A_88 = arith.constant 16 : i32
        %mul3A_89 = arith.muli %scan3A_65, %mul3A_88 : i32
        %swap3A_90 = arith.index_cast %mul3A_89 : i32 to index
        %swap3A_91 = tpu.vector_load %arg25[%swap3A_90] {strides = array<i32>} : memref<128xi32, #tpu.memory_space<vmem>>, vector<16xi32>,
        tpu.vector_store %arg25[%swap3A_90], %get3A_87 {strides = array<i32>} : memref<128xi32, #tpu.memory_space<vmem>>, vector<16xi32>,
        %scan3A_92 = arith.constant 0 : i32
        scf.yield %scan3A_92 : i32
      }
      %scan3A_64 = arith.constant 8 : i32
      "tpu.region"() ({
        %run_scoped3A = tpu.sem_alloc : memref<!tpu.dma_semaphore, #tpu.memory_space<semaphore_mem>>
        %dma_start3A = arith.constant 0 : i32
        %dma_start3A_65 = tpu.memref_slice %arg10[%dma_start3A] : memref<200832xi32, #tpu.memory_space<hbm>> -> memref<200832xi32, #tpu.memory_space<hbm>>
        tpu.enqueue_indirect_dma source(%arg24 : memref<128xi32, #tpu.memory_space<vmem>>) target(%dma_start3A_65 : memref<200832xi32, #tpu.memory_space<hbm>>) offsets(%arg23 : memref<128xi32, #tpu.memory_space<vmem>>) semaphore(%run_scoped3A : memref<!tpu.dma_semaphore, #tpu.memory_space<semaphore_mem>>)
        %dma_wait3A = arith.constant 0 : i32
        %dma_wait3A_66 = tpu.memref_slice %arg10[%dma_wait3A] : memref<200832xi32, #tpu.memory_space<hbm>> -> memref<200832xi32, #tpu.memory_space<hbm>>
        tpu.wait_indirect_dma semaphore(%run_scoped3A : memref<!tpu.dma_semaphore, #tpu.memory_space<semaphore_mem>>) src(%arg24 : memref<128xi32, #tpu.memory_space<vmem>>) dst(%dma_wait3A_66 : memref<200832xi32, #tpu.memory_space<hbm>>)
        tpu.yield
      }) : () -> ()
      "tpu.region"() ({
        %run_scoped3A = tpu.sem_alloc : memref<!tpu.dma_semaphore, #tpu.memory_space<semaphore_mem>>
        %dma_start3A = arith.constant 0 : i32
        %dma_start3A_65 = tpu.memref_slice %arg11[%dma_start3A] : memref<200832xi32, #tpu.memory_space<hbm>> -> memref<200832xi32, #tpu.memory_space<hbm>>
        tpu.enqueue_indirect_dma source(%arg23 : memref<128xi32, #tpu.memory_space<vmem>>) target(%dma_start3A_65 : memref<200832xi32, #tpu.memory_space<hbm>>) offsets(%arg25 : memref<128xi32, #tpu.memory_space<vmem>>) semaphore(%run_scoped3A : memref<!tpu.dma_semaphore, #tpu.memory_space<semaphore_mem>>)
        %dma_wait3A = arith.constant 0 : i32
        %dma_wait3A_66 = tpu.memref_slice %arg11[%dma_wait3A] : memref<200832xi32, #tpu.memory_space<hbm>> -> memref<200832xi32, #tpu.memory_space<hbm>>
        tpu.wait_indirect_dma semaphore(%run_scoped3A : memref<!tpu.dma_semaphore, #tpu.memory_space<semaphore_mem>>) src(%arg23 : memref<128xi32, #tpu.memory_space<vmem>>) dst(%dma_wait3A_66 : memref<200832xi32, #tpu.memory_space<hbm>>)
        tpu.yield
      }) : () -> ()
    } else {
    }
    return
  }
}

#map = affine_map<(d0, d1) -> (0)>
module attributes {stable_mosaic.version = 14 : i64} {
  func.func @_k4(%arg0: i32, %arg1: i32, %arg2: memref<200704xi32, #tpu.memory_space<hbm>>, %arg3: memref<200832xf32, #tpu.memory_space<hbm>>, %arg4: memref<200832xf32, #tpu.memory_space<hbm>>, %arg5: memref<200704xf32, #tpu.memory_space<hbm>>, %arg6: memref<6272xi32, #tpu.memory_space<vmem>>, %arg7: memref<6272xf32, #tpu.memory_space<vmem>>, %arg8: memref<6272xf32, #tpu.memory_space<vmem>>, %arg9: memref<6272xf32, #tpu.memory_space<vmem>>, %arg10: memref<!tpu.dma_semaphore, #tpu.memory_space<semaphore_mem>>) attributes {dimension_semantics = [#tpu.dimension_semantics<core_parallel>, #tpu.dimension_semantics<subcore_parallel>], iteration_bounds = array<i64: 2, 16>, scalar_prefetch = 0 : i64, scratch_operands = 5 : i64, tpu.core_type = #tpu.core_type<sc_vector_subcore>, window_params = [{transform_indices = #map}, {transform_indices = #map}, {transform_indices = #map}, {transform_indices = #map}]} {
    %mul3A = arith.constant 16 : i32
    %mul3A_0 = arith.muli %arg0, %mul3A : i32
    %add3A = arith.addi %mul3A_0, %arg1 : i32
    %mul3A_1 = arith.constant 6272 : i32
    %mul3A_2 = arith.muli %add3A, %mul3A_1 : i32
    "tpu.region"() ({
      %run_scoped3A = tpu.sem_alloc : memref<!tpu.dma_semaphore, #tpu.memory_space<semaphore_mem>>
      %dma_start3A = tpu.memref_slice %arg2[%mul3A_2] : memref<200704xi32, #tpu.memory_space<hbm>> -> memref<6272xi32, #tpu.memory_space<hbm>>
      %dma_start3A_16 = tpu.memref_slice %arg2[%mul3A_2] : memref<200704xi32, #tpu.memory_space<hbm>> -> memref<6272xi32, #tpu.memory_space<hbm>>
      tpu.enqueue_dma source(%dma_start3A_16 : memref<6272xi32, #tpu.memory_space<hbm>>) target(%arg6 : memref<6272xi32, #tpu.memory_space<vmem>>) target_semaphore(%run_scoped3A : memref<!tpu.dma_semaphore, #tpu.memory_space<semaphore_mem>>)
      %dma_wait3A = tpu.memref_slice %arg2[%mul3A_2] : memref<200704xi32, #tpu.memory_space<hbm>> -> memref<6272xi32, #tpu.memory_space<hbm>>
      %dma_wait3A_17 = tpu.memref_slice %arg2[%mul3A_2] : memref<200704xi32, #tpu.memory_space<hbm>> -> memref<6272xi32, #tpu.memory_space<hbm>>
      tpu.wait_dma2 semaphore(%run_scoped3A : memref<!tpu.dma_semaphore, #tpu.memory_space<semaphore_mem>>) src(%dma_wait3A_17 : memref<6272xi32, #tpu.memory_space<hbm>>) dst(%arg6 : memref<6272xi32, #tpu.memory_space<vmem>>)
      tpu.yield
    }) : () -> ()
    %scan3A = arith.constant 0 : i32
    %scan3A_3 = arith.constant 0 : i32
    %scan3A_4 = arith.constant 49 : i32
    %scan3A_5 = arith.addi %scan3A_3, %scan3A_4 : i32
    %scan3A_6 = arith.constant 1 : i32
    %scan3A_7 = scf.for %scan3A_16 = %scan3A_3 to %scan3A_5 step %scan3A_6 iter_args(%scan3A_17 = %scan3A) -> (i32)  : i32 {
      %mul3A_18 = arith.constant 128 : i32
      %mul3A_19 = arith.muli %scan3A_16, %mul3A_18 : i32
      %mul3A_20 = arith.constant 128 : i32
      %mul3A_21 = arith.muli %scan3A_16, %mul3A_20 : i32
      %dma_start3A = tpu.memref_slice %arg7[%mul3A_21] : memref<6272xf32, #tpu.memory_space<vmem>> -> memref<128xf32, #tpu.memory_space<vmem>>
      %dma_start3A_22 = tpu.memref_slice %arg6[%mul3A_19] : memref<6272xi32, #tpu.memory_space<vmem>> -> memref<128xi32, #tpu.memory_space<vmem>>
      %dma_start3A_23 = arith.constant 0 : i32
      %dma_start3A_24 = tpu.memref_slice %arg3[%dma_start3A_23] : memref<200832xf32, #tpu.memory_space<hbm>> -> memref<200832xf32, #tpu.memory_space<hbm>>
      tpu.enqueue_indirect_dma source(%dma_start3A_24 : memref<200832xf32, #tpu.memory_space<hbm>>) target(%dma_start3A : memref<128xf32, #tpu.memory_space<vmem>>) offsets(%dma_start3A_22 : memref<128xi32, #tpu.memory_space<vmem>>) semaphore(%arg10 : memref<!tpu.dma_semaphore, #tpu.memory_space<semaphore_mem>>)
      %mul3A_25 = arith.constant 128 : i32
      %mul3A_26 = arith.muli %scan3A_16, %mul3A_25 : i32
      %mul3A_27 = arith.constant 128 : i32
      %mul3A_28 = arith.muli %scan3A_16, %mul3A_27 : i32
      %dma_start3A_29 = tpu.memref_slice %arg8[%mul3A_28] : memref<6272xf32, #tpu.memory_space<vmem>> -> memref<128xf32, #tpu.memory_space<vmem>>
      %dma_start3A_30 = tpu.memref_slice %arg6[%mul3A_26] : memref<6272xi32, #tpu.memory_space<vmem>> -> memref<128xi32, #tpu.memory_space<vmem>>
      %dma_start3A_31 = arith.constant 0 : i32
      %dma_start3A_32 = tpu.memref_slice %arg4[%dma_start3A_31] : memref<200832xf32, #tpu.memory_space<hbm>> -> memref<200832xf32, #tpu.memory_space<hbm>>
      tpu.enqueue_indirect_dma source(%dma_start3A_32 : memref<200832xf32, #tpu.memory_space<hbm>>) target(%dma_start3A_29 : memref<128xf32, #tpu.memory_space<vmem>>) offsets(%dma_start3A_30 : memref<128xi32, #tpu.memory_space<vmem>>) semaphore(%arg10 : memref<!tpu.dma_semaphore, #tpu.memory_space<semaphore_mem>>)
      %mul3A_33 = arith.constant 128 : i32
      %mul3A_34 = arith.muli %scan3A_16, %mul3A_33 : i32
      %dma_wait3A = tpu.memref_slice %arg7[%mul3A_34] : memref<6272xf32, #tpu.memory_space<vmem>> -> memref<128xf32, #tpu.memory_space<vmem>>
      %dma_wait3A_35 = arith.constant 0 : i32
      %dma_wait3A_36 = tpu.memref_slice %arg3[%dma_wait3A_35] : memref<200832xf32, #tpu.memory_space<hbm>> -> memref<128xf32, #tpu.memory_space<hbm>>
      %dma_wait3A_37 = tpu.memref_slice %arg7[%mul3A_34] : memref<6272xf32, #tpu.memory_space<vmem>> -> memref<128xf32, #tpu.memory_space<vmem>>
      %dma_wait3A_38 = arith.constant 0 : i32
      %dma_wait3A_39 = tpu.memref_slice %arg3[%dma_wait3A_38] : memref<200832xf32, #tpu.memory_space<hbm>> -> memref<128xf32, #tpu.memory_space<hbm>>
      tpu.wait_dma2 semaphore(%arg10 : memref<!tpu.dma_semaphore, #tpu.memory_space<semaphore_mem>>) src(%dma_wait3A_39 : memref<128xf32, #tpu.memory_space<hbm>>) dst(%dma_wait3A_37 : memref<128xf32, #tpu.memory_space<vmem>>)
      %mul3A_40 = arith.constant 128 : i32
      %mul3A_41 = arith.muli %scan3A_16, %mul3A_40 : i32
      %dma_wait3A_42 = tpu.memref_slice %arg8[%mul3A_41] : memref<6272xf32, #tpu.memory_space<vmem>> -> memref<128xf32, #tpu.memory_space<vmem>>
      %dma_wait3A_43 = arith.constant 0 : i32
      %dma_wait3A_44 = tpu.memref_slice %arg4[%dma_wait3A_43] : memref<200832xf32, #tpu.memory_space<hbm>> -> memref<128xf32, #tpu.memory_space<hbm>>
      %dma_wait3A_45 = tpu.memref_slice %arg8[%mul3A_41] : memref<6272xf32, #tpu.memory_space<vmem>> -> memref<128xf32, #tpu.memory_space<vmem>>
      %dma_wait3A_46 = arith.constant 0 : i32
      %dma_wait3A_47 = tpu.memref_slice %arg4[%dma_wait3A_46] : memref<200832xf32, #tpu.memory_space<hbm>> -> memref<128xf32, #tpu.memory_space<hbm>>
      tpu.wait_dma2 semaphore(%arg10 : memref<!tpu.dma_semaphore, #tpu.memory_space<semaphore_mem>>) src(%dma_wait3A_47 : memref<128xf32, #tpu.memory_space<hbm>>) dst(%dma_wait3A_45 : memref<128xf32, #tpu.memory_space<vmem>>)
      %scan3A_48 = arith.constant 0 : i32
      scf.yield %scan3A_48 : i32
    }
    %scan3A_8 = arith.constant 49 : i32
    %scan3A_9 = arith.constant 0 : i32
    %scan3A_10 = arith.constant 0 : i32
    %scan3A_11 = arith.constant 392 : i32
    %scan3A_12 = arith.addi %scan3A_10, %scan3A_11 : i32
    %scan3A_13 = arith.constant 1 : i32
    %scan3A_14 = scf.for %scan3A_16 = %scan3A_10 to %scan3A_12 step %scan3A_13 iter_args(%scan3A_17 = %scan3A_9) -> (i32)  : i32 {
      %mul3A_18 = arith.constant 16 : i32
      %mul3A_19 = arith.muli %scan3A_16, %mul3A_18 : i32
      %get3A = arith.index_cast %mul3A_19 : i32 to index
      %get3A_20 = tpu.vector_load %arg7[%get3A] {strides = array<i32>} : memref<6272xf32, #tpu.memory_space<vmem>>, vector<16xf32>,
      %mul3A_21 = arith.constant 16 : i32
      %mul3A_22 = arith.muli %scan3A_16, %mul3A_21 : i32
      %get3A_23 = arith.index_cast %mul3A_22 : i32 to index
      %get3A_24 = tpu.vector_load %arg8[%get3A_23] {strides = array<i32>} : memref<6272xf32, #tpu.memory_space<vmem>>, vector<16xf32>,
      %add3A_25 = arith.addf %get3A_20, %get3A_24 : vector<16xf32>
      %gt3A = arith.constant 0.000000e+00 : f32
      %gt3A_26 = vector.broadcast %gt3A : f32 to vector<16xf32>
      %gt3A_27 = arith.cmpf ogt, %add3A_25, %gt3A_26 : vector<16xf32>
      %jit3A = arith.constant 1.000000e+00 : f32
      %jit3A_28 = arith.constant 0.000000e+00 : f32
      %broadcast_in_dim3A = vector.broadcast %jit3A : f32 to vector<16xf32>
      %broadcast_in_dim3A_29 = vector.broadcast %jit3A_28 : f32 to vector<16xf32>
      %select_n3A = arith.select %gt3A_27, %broadcast_in_dim3A, %broadcast_in_dim3A_29 : vector<16xi1>, vector<16xf32>
      %mul3A_30 = arith.constant 16 : i32
      %mul3A_31 = arith.muli %scan3A_16, %mul3A_30 : i32
      %swap3A = arith.index_cast %mul3A_31 : i32 to index
      %swap3A_32 = tpu.vector_load %arg9[%swap3A] {strides = array<i32>} : memref<6272xf32, #tpu.memory_space<vmem>>, vector<16xf32>,
      tpu.vector_store %arg9[%swap3A], %select_n3A {strides = array<i32>} : memref<6272xf32, #tpu.memory_space<vmem>>, vector<16xf32>,
      %scan3A_33 = arith.constant 0 : i32
      scf.yield %scan3A_33 : i32
    }
    %scan3A_15 = arith.constant 392 : i32
    "tpu.region"() ({
      %run_scoped3A = tpu.sem_alloc : memref<!tpu.dma_semaphore, #tpu.memory_space<semaphore_mem>>
      %dma_start3A = tpu.memref_slice %arg5[%mul3A_2] : memref<200704xf32, #tpu.memory_space<hbm>> -> memref<6272xf32, #tpu.memory_space<hbm>>
      %dma_start3A_16 = tpu.memref_slice %arg5[%mul3A_2] : memref<200704xf32, #tpu.memory_space<hbm>> -> memref<6272xf32, #tpu.memory_space<hbm>>
      tpu.enqueue_dma source(%arg9 : memref<6272xf32, #tpu.memory_space<vmem>>) target(%dma_start3A_16 : memref<6272xf32, #tpu.memory_space<hbm>>) target_semaphore(%run_scoped3A : memref<!tpu.dma_semaphore, #tpu.memory_space<semaphore_mem>>)
      %dma_wait3A = tpu.memref_slice %arg5[%mul3A_2] : memref<200704xf32, #tpu.memory_space<hbm>> -> memref<6272xf32, #tpu.memory_space<hbm>>
      %dma_wait3A_17 = tpu.memref_slice %arg5[%mul3A_2] : memref<200704xf32, #tpu.memory_space<hbm>> -> memref<6272xf32, #tpu.memory_space<hbm>>
      tpu.wait_dma2 semaphore(%run_scoped3A : memref<!tpu.dma_semaphore, #tpu.memory_space<semaphore_mem>>) src(%arg9 : memref<6272xf32, #tpu.memory_space<vmem>>) dst(%dma_wait3A_17 : memref<6272xf32, #tpu.memory_space<hbm>>)
      tpu.yield
    }) : () -> ()
    return
  }
}

#map = affine_map<(d0, d1) -> (0)>
module attributes {stable_mosaic.version = 14 : i64} {
  func.func @_k1(%arg0: i32, %arg1: i32, %arg2: memref<229376xi32, #tpu.memory_space<hbm>>, %arg3: memref<229376xi32, #tpu.memory_space<hbm>>, %arg4: memref<131072xi32, #tpu.memory_space<hbm>>, %arg5: memref<131072xi32, #tpu.memory_space<hbm>>, %arg6: memref<256xi32, #tpu.memory_space<hbm>>, %arg7: memref<256xi32, #tpu.memory_space<hbm>>, %arg8: memref<262144xi32, #tpu.memory_space<hbm>>, %arg9: memref<262144xi32, #tpu.memory_space<hbm>>, %arg10: memref<1024xi32, #tpu.memory_space<hbm>>, %arg11: memref<8192xi32, #tpu.memory_space<vmem>>, %arg12: memref<7168xi32, #tpu.memory_space<vmem>>, %arg13: memref<7168xi32, #tpu.memory_space<vmem>>, %arg14: memref<128xi32, #tpu.memory_space<vmem>>, %arg15: memref<128xi32, #tpu.memory_space<vmem>>, %arg16: memref<8192xi32, #tpu.memory_space<vmem>>, %arg17: memref<8192xi32, #tpu.memory_space<vmem>>, %arg18: memref<32xi32, #tpu.memory_space<vmem>>, %arg19: memref<32xi32, #tpu.memory_space<vmem>>, %arg20: memref<32xi32, #tpu.memory_space<vmem>>, %arg21: memref<131072xi32, #tpu.memory_space<vmem_shared>>) attributes {dimension_semantics = [#tpu.dimension_semantics<core_parallel>, #tpu.dimension_semantics<subcore_parallel>], iteration_bounds = array<i64: 2, 16>, scalar_prefetch = 0 : i64, scratch_operands = 11 : i64, tpu.core_type = #tpu.core_type<sc_vector_subcore>, window_params = [{transform_indices = #map}, {transform_indices = #map}, {transform_indices = #map}, {transform_indices = #map}, {transform_indices = #map}, {transform_indices = #map}, {transform_indices = #map}, {transform_indices = #map}, {transform_indices = #map}]} {
    %mul3A = arith.constant 16 : i32
    %mul3A_0 = arith.muli %arg0, %mul3A : i32
    %add3A = arith.addi %mul3A_0, %arg1 : i32
    %iota3A = tpu.iota {dimensions = array<i32: 0>} : vector<16xi32>
    %broadcast_in_dim3A = arith.constant 0 : i32
    %broadcast_in_dim3A_1 = vector.broadcast %broadcast_in_dim3A : i32 to vector<16xi32>
    %broadcast_in_dim3A_2 = arith.constant true
    %broadcast_in_dim3A_3 = vector.broadcast %broadcast_in_dim3A_2 : i1 to vector<16xi1>
    %unique3A, %unique3A_4 = tpu.scan_count mask(%broadcast_in_dim3A_3 : vector<16xi1>) value(%broadcast_in_dim3A_1 : vector<16xi32>) : vector<16xi1>, vector<16xi32>
    %reduce_min3A = arith.constant true
    %reduce_min3A_5 = vector.broadcast %reduce_min3A : i1 to vector<16xi1>
    %reduce_min3A_6 = arith.constant -2147483648 : i32
    %reduce_min3A_7 = vector.broadcast %reduce_min3A_6 : i32 to vector<16xi32>
    %reduce_min3A_8 = arith.xori %unique3A_4, %reduce_min3A_7 : vector<16xi32>
    %reduce_min3A_9 = tpu.scan <min>, %reduce_min3A_8 masked %reduce_min3A_5 : vector<16xi32>, vector<16xi1> -> vector<16xi32>
    %reduce_min3A_10 = arith.xori %reduce_min3A_9, %reduce_min3A_7 : vector<16xi32>
    %reduce_min3A_11 = vector.extract %reduce_min3A_10[15] : i32 from vector<16xi32>
    %broadcast_in_dim3A_12 = arith.constant 0 : i32
    %broadcast_in_dim3A_13 = vector.broadcast %broadcast_in_dim3A_12 : i32 to vector<16xi32>
    %scan3A = arith.constant 0 : i32
    %scan3A_14 = arith.constant 0 : i32
    %scan3A_15 = arith.constant 512 : i32
    %scan3A_16 = arith.addi %scan3A_14, %scan3A_15 : i32
    %scan3A_17 = arith.constant 1 : i32
    %scan3A_18 = scf.for %scan3A_93 = %scan3A_14 to %scan3A_16 step %scan3A_17 iter_args(%scan3A_94 = %scan3A) -> (i32)  : i32 {
      %mul3A_95 = arith.constant 16 : i32
      %mul3A_96 = arith.muli %scan3A_93, %mul3A_95 : i32
      %swap3A_97 = arith.index_cast %mul3A_96 : i32 to index
      %swap3A_98 = tpu.vector_load %arg11[%swap3A_97] {strides = array<i32>} : memref<8192xi32, #tpu.memory_space<vmem>>, vector<16xi32>,
      tpu.vector_store %arg11[%swap3A_97], %broadcast_in_dim3A_13 {strides = array<i32>} : memref<8192xi32, #tpu.memory_space<vmem>>, vector<16xi32>,
      %scan3A_99 = arith.constant 0 : i32
      scf.yield %scan3A_99 : i32
    }
    %scan3A_19 = arith.constant 512 : i32
    %mul3A_20 = arith.constant 8192 : i32
    %mul3A_21 = arith.muli %arg1, %mul3A_20 : i32
    "tpu.region"() ({
      %run_scoped3A = tpu.sem_alloc : memref<!tpu.dma_semaphore, #tpu.memory_space<semaphore_mem>>
      %dma_start3A = tpu.memref_slice %arg21[%mul3A_21] : memref<131072xi32, #tpu.memory_space<vmem_shared>> -> memref<8192xi32, #tpu.memory_space<vmem_shared>>
      %dma_start3A_93 = tpu.memref_slice %arg21[%mul3A_21] : memref<131072xi32, #tpu.memory_space<vmem_shared>> -> memref<8192xi32, #tpu.memory_space<vmem_shared>>
      tpu.enqueue_dma source(%arg11 : memref<8192xi32, #tpu.memory_space<vmem>>) target(%dma_start3A_93 : memref<8192xi32, #tpu.memory_space<vmem_shared>>) target_semaphore(%run_scoped3A : memref<!tpu.dma_semaphore, #tpu.memory_space<semaphore_mem>>)
      %dma_wait3A = tpu.memref_slice %arg21[%mul3A_21] : memref<131072xi32, #tpu.memory_space<vmem_shared>> -> memref<8192xi32, #tpu.memory_space<vmem_shared>>
      %dma_wait3A_94 = tpu.memref_slice %arg21[%mul3A_21] : memref<131072xi32, #tpu.memory_space<vmem_shared>> -> memref<8192xi32, #tpu.memory_space<vmem_shared>>
      tpu.wait_dma2 semaphore(%run_scoped3A : memref<!tpu.dma_semaphore, #tpu.memory_space<semaphore_mem>>) src(%arg11 : memref<8192xi32, #tpu.memory_space<vmem>>) dst(%dma_wait3A_94 : memref<8192xi32, #tpu.memory_space<vmem_shared>>)
      tpu.yield
    }) : () -> ()
    %scan3A_22 = arith.constant 0 : i32
    %scan3A_23 = arith.constant 0 : i32
    %scan3A_24 = arith.constant 8 : i32
    %scan3A_25 = arith.addi %scan3A_23, %scan3A_24 : i32
    %scan3A_26 = arith.constant 1 : i32
    %scan3A_27 = scf.for %scan3A_93 = %scan3A_23 to %scan3A_25 step %scan3A_26 iter_args(%scan3A_94 = %scan3A_22) -> (i32)  : i32 {
      %broadcast_in_dim3A_95 = arith.constant 1 : i32
      %broadcast_in_dim3A_96 = vector.broadcast %broadcast_in_dim3A_95 : i32 to vector<16xi32>
      %mul3A_97 = arith.constant 16 : i32
      %mul3A_98 = arith.muli %scan3A_93, %mul3A_97 : i32
      %swap3A_99 = arith.index_cast %mul3A_98 : i32 to index
      %swap3A_100 = tpu.vector_load %arg15[%swap3A_99] {strides = array<i32>} : memref<128xi32, #tpu.memory_space<vmem>>, vector<16xi32>,
      tpu.vector_store %arg15[%swap3A_99], %broadcast_in_dim3A_96 {strides = array<i32>} : memref<128xi32, #tpu.memory_space<vmem>>, vector<16xi32>,
      %scan3A_101 = arith.constant 0 : i32
      scf.yield %scan3A_101 : i32
    }
    %scan3A_28 = arith.constant 8 : i32
    %mul3A_29 = arith.constant 7168 : i32
    %mul3A_30 = arith.muli %add3A, %mul3A_29 : i32
    "tpu.region"() ({
      %run_scoped3A = tpu.sem_alloc : memref<!tpu.dma_semaphore, #tpu.memory_space<semaphore_mem>>
      %dma_start3A = tpu.memref_slice %arg2[%mul3A_30] : memref<229376xi32, #tpu.memory_space<hbm>> -> memref<7168xi32, #tpu.memory_space<hbm>>
      %dma_start3A_93 = tpu.memref_slice %arg2[%mul3A_30] : memref<229376xi32, #tpu.memory_space<hbm>> -> memref<7168xi32, #tpu.memory_space<hbm>>
      tpu.enqueue_dma source(%dma_start3A_93 : memref<7168xi32, #tpu.memory_space<hbm>>) target(%arg12 : memref<7168xi32, #tpu.memory_space<vmem>>) target_semaphore(%run_scoped3A : memref<!tpu.dma_semaphore, #tpu.memory_space<semaphore_mem>>)
      %dma_wait3A = tpu.memref_slice %arg2[%mul3A_30] : memref<229376xi32, #tpu.memory_space<hbm>> -> memref<7168xi32, #tpu.memory_space<hbm>>
      %dma_wait3A_94 = tpu.memref_slice %arg2[%mul3A_30] : memref<229376xi32, #tpu.memory_space<hbm>> -> memref<7168xi32, #tpu.memory_space<hbm>>
      tpu.wait_dma2 semaphore(%run_scoped3A : memref<!tpu.dma_semaphore, #tpu.memory_space<semaphore_mem>>) src(%dma_wait3A_94 : memref<7168xi32, #tpu.memory_space<hbm>>) dst(%arg12 : memref<7168xi32, #tpu.memory_space<vmem>>)
      tpu.yield
    }) : () -> ()
    %mul3A_31 = arith.constant 7168 : i32
    %mul3A_32 = arith.muli %add3A, %mul3A_31 : i32
    "tpu.region"() ({
      %run_scoped3A = tpu.sem_alloc : memref<!tpu.dma_semaphore, #tpu.memory_space<semaphore_mem>>
      %dma_start3A = tpu.memref_slice %arg3[%mul3A_32] : memref<229376xi32, #tpu.memory_space<hbm>> -> memref<7168xi32, #tpu.memory_space<hbm>>
      %dma_start3A_93 = tpu.memref_slice %arg3[%mul3A_32] : memref<229376xi32, #tpu.memory_space<hbm>> -> memref<7168xi32, #tpu.memory_space<hbm>>
      tpu.enqueue_dma source(%dma_start3A_93 : memref<7168xi32, #tpu.memory_space<hbm>>) target(%arg13 : memref<7168xi32, #tpu.memory_space<vmem>>) target_semaphore(%run_scoped3A : memref<!tpu.dma_semaphore, #tpu.memory_space<semaphore_mem>>)
      %dma_wait3A = tpu.memref_slice %arg3[%mul3A_32] : memref<229376xi32, #tpu.memory_space<hbm>> -> memref<7168xi32, #tpu.memory_space<hbm>>
      %dma_wait3A_94 = tpu.memref_slice %arg3[%mul3A_32] : memref<229376xi32, #tpu.memory_space<hbm>> -> memref<7168xi32, #tpu.memory_space<hbm>>
      tpu.wait_dma2 semaphore(%run_scoped3A : memref<!tpu.dma_semaphore, #tpu.memory_space<semaphore_mem>>) src(%dma_wait3A_94 : memref<7168xi32, #tpu.memory_space<hbm>>) dst(%arg13 : memref<7168xi32, #tpu.memory_space<vmem>>)
      tpu.yield
    }) : () -> ()
    %barrier3A = arith.constant 0 : index
    tpu.barrier barrier_id(%barrier3A)
    %scan3A_33 = arith.constant 0 : i32
    %scan3A_34 = arith.constant 0 : i32
    %scan3A_35 = arith.constant 56 : i32
    %scan3A_36 = arith.addi %scan3A_34, %scan3A_35 : i32
    %scan3A_37 = arith.constant 1 : i32
    %scan3A_38 = scf.for %scan3A_93 = %scan3A_34 to %scan3A_36 step %scan3A_37 iter_args(%scan3A_94 = %scan3A_33) -> (i32)  : i32 {
      %scan3A_95 = arith.constant 0 : i32
      %scan3A_96 = arith.constant 0 : i32
      %scan3A_97 = arith.constant 8 : i32
      %scan3A_98 = arith.addi %scan3A_96, %scan3A_97 : i32
      %scan3A_99 = arith.constant 1 : i32
      %scan3A_100 = scf.for %scan3A_103 = %scan3A_96 to %scan3A_98 step %scan3A_99 iter_args(%scan3A_104 = %scan3A_95) -> (i32)  : i32 {
        %mul3A_105 = arith.constant 128 : i32
        %mul3A_106 = arith.muli %scan3A_93, %mul3A_105 : i32
        %mul3A_107 = arith.constant 16 : i32
        %mul3A_108 = arith.muli %scan3A_103, %mul3A_107 : i32
        %add3A_109 = arith.addi %mul3A_106, %mul3A_108 : i32
        %get3A = arith.index_cast %add3A_109 : i32 to index
        %get3A_110 = tpu.vector_load %arg12[%get3A] {strides = array<i32>} : memref<7168xi32, #tpu.memory_space<vmem>>, vector<16xi32>,
        %mul3A_111 = arith.constant 16 : i32
        %mul3A_112 = arith.muli %scan3A_103, %mul3A_111 : i32
        %swap3A_113 = arith.index_cast %mul3A_112 : i32 to index
        %swap3A_114 = tpu.vector_load %arg14[%swap3A_113] {strides = array<i32>} : memref<128xi32, #tpu.memory_space<vmem>>, vector<16xi32>,
        tpu.vector_store %arg14[%swap3A_113], %get3A_110 {strides = array<i32>} : memref<128xi32, #tpu.memory_space<vmem>>, vector<16xi32>,
        %scan3A_115 = arith.constant 0 : i32
        scf.yield %scan3A_115 : i32
      }
      %scan3A_101 = arith.constant 8 : i32
      "tpu.region"() ({
        %run_scoped3A = tpu.sem_alloc : memref<!tpu.dma_semaphore, #tpu.memory_space<semaphore_mem>>
        %dma_start3A = arith.constant 0 : i32
        %dma_start3A_103 = tpu.memref_slice %arg21[%dma_start3A] : memref<131072xi32, #tpu.memory_space<vmem_shared>> -> memref<131072xi32, #tpu.memory_space<vmem_shared>>
        tpu.enqueue_indirect_dma source(%arg15 : memref<128xi32, #tpu.memory_space<vmem>>) target(%dma_start3A_103 : memref<131072xi32, #tpu.memory_space<vmem_shared>>) offsets(%arg14 : memref<128xi32, #tpu.memory_space<vmem>>) semaphore(%run_scoped3A : memref<!tpu.dma_semaphore, #tpu.memory_space<semaphore_mem>>) {add = true}
        %dma_wait3A = arith.constant 0 : i32
        %dma_wait3A_104 = tpu.memref_slice %arg21[%dma_wait3A] : memref<131072xi32, #tpu.memory_space<vmem_shared>> -> memref<131072xi32, #tpu.memory_space<vmem_shared>>
        tpu.wait_indirect_dma semaphore(%run_scoped3A : memref<!tpu.dma_semaphore, #tpu.memory_space<semaphore_mem>>) src(%arg15 : memref<128xi32, #tpu.memory_space<vmem>>) dst(%dma_wait3A_104 : memref<131072xi32, #tpu.memory_space<vmem_shared>>)
        tpu.yield
      }) : () -> ()
      %scan3A_102 = arith.constant 0 : i32
      scf.yield %scan3A_102 : i32
    }
    %scan3A_39 = arith.constant 56 : i32
    %barrier3A_40 = arith.constant 0 : index
    tpu.barrier barrier_id(%barrier3A_40)
    %mul3A_41 = arith.constant 8192 : i32
    %mul3A_42 = arith.muli %arg1, %mul3A_41 : i32
    "tpu.region"() ({
      %run_scoped3A = tpu.sem_alloc : memref<!tpu.dma_semaphore, #tpu.memory_space<semaphore_mem>>
      %dma_start3A = tpu.memref_slice %arg21[%mul3A_42] : memref<131072xi32, #tpu.memory_space<vmem_shared>> -> memref<8192xi32, #tpu.memory_space<vmem_shared>>
      %dma_start3A_93 = tpu.memref_slice %arg21[%mul3A_42] : memref<131072xi32, #tpu.memory_space<vmem_shared>> -> memref<8192xi32, #tpu.memory_space<vmem_shared>>
      tpu.enqueue_dma source(%dma_start3A_93 : memref<8192xi32, #tpu.memory_space<vmem_shared>>) target(%arg11 : memref<8192xi32, #tpu.memory_space<vmem>>) target_semaphore(%run_scoped3A : memref<!tpu.dma_semaphore, #tpu.memory_space<semaphore_mem>>)
      %dma_wait3A = tpu.memref_slice %arg21[%mul3A_42] : memref<131072xi32, #tpu.memory_space<vmem_shared>> -> memref<8192xi32, #tpu.memory_space<vmem_shared>>
      %dma_wait3A_94 = tpu.memref_slice %arg21[%mul3A_42] : memref<131072xi32, #tpu.memory_space<vmem_shared>> -> memref<8192xi32, #tpu.memory_space<vmem_shared>>
      tpu.wait_dma2 semaphore(%run_scoped3A : memref<!tpu.dma_semaphore, #tpu.memory_space<semaphore_mem>>) src(%dma_wait3A_94 : memref<8192xi32, #tpu.memory_space<vmem_shared>>) dst(%arg11 : memref<8192xi32, #tpu.memory_space<vmem>>)
      tpu.yield
    }) : () -> ()
    %eq3A = arith.constant 0 : i32
    %eq3A_43 = arith.cmpi eq, %arg0, %eq3A : i32
    %convert_element_type3A = arith.extui %eq3A_43 : i1 to i32
    %cond3A = arith.constant 0 : i32
    %cond3A_44 = arith.cmpi ne, %convert_element_type3A, %cond3A : i32
    scf.if %cond3A_44 {
      %mul3A_93 = arith.constant 8192 : i32
      %mul3A_94 = arith.muli %arg1, %mul3A_93 : i32
      "tpu.region"() ({
        %run_scoped3A = tpu.sem_alloc : memref<!tpu.dma_semaphore, #tpu.memory_space<semaphore_mem>>
        %dma_start3A = tpu.memref_slice %arg4[%mul3A_94] : memref<131072xi32, #tpu.memory_space<hbm>> -> memref<8192xi32, #tpu.memory_space<hbm>>
        %dma_start3A_95 = tpu.memref_slice %arg4[%mul3A_94] : memref<131072xi32, #tpu.memory_space<hbm>> -> memref<8192xi32, #tpu.memory_space<hbm>>
        tpu.enqueue_dma source(%arg11 : memref<8192xi32, #tpu.memory_space<vmem>>) target(%dma_start3A_95 : memref<8192xi32, #tpu.memory_space<hbm>>) target_semaphore(%run_scoped3A : memref<!tpu.dma_semaphore, #tpu.memory_space<semaphore_mem>>)
        %dma_wait3A = tpu.memref_slice %arg4[%mul3A_94] : memref<131072xi32, #tpu.memory_space<hbm>> -> memref<8192xi32, #tpu.memory_space<hbm>>
        %dma_wait3A_96 = tpu.memref_slice %arg4[%mul3A_94] : memref<131072xi32, #tpu.memory_space<hbm>> -> memref<8192xi32, #tpu.memory_space<hbm>>
        tpu.wait_dma2 semaphore(%run_scoped3A : memref<!tpu.dma_semaphore, #tpu.memory_space<semaphore_mem>>) src(%arg11 : memref<8192xi32, #tpu.memory_space<vmem>>) dst(%dma_wait3A_96 : memref<8192xi32, #tpu.memory_space<hbm>>)
        tpu.yield
      }) : () -> ()
    } else {
    }
    %eq3A_45 = arith.constant 1 : i32
    %eq3A_46 = arith.cmpi eq, %arg0, %eq3A_45 : i32
    %convert_element_type3A_47 = arith.extui %eq3A_46 : i1 to i32
    %cond3A_48 = arith.constant 0 : i32
    %cond3A_49 = arith.cmpi ne, %convert_element_type3A_47, %cond3A_48 : i32
    scf.if %cond3A_49 {
      %mul3A_93 = arith.constant 8192 : i32
      %mul3A_94 = arith.muli %arg1, %mul3A_93 : i32
      "tpu.region"() ({
        %run_scoped3A = tpu.sem_alloc : memref<!tpu.dma_semaphore, #tpu.memory_space<semaphore_mem>>
        %dma_start3A = tpu.memref_slice %arg5[%mul3A_94] : memref<131072xi32, #tpu.memory_space<hbm>> -> memref<8192xi32, #tpu.memory_space<hbm>>
        %dma_start3A_95 = tpu.memref_slice %arg5[%mul3A_94] : memref<131072xi32, #tpu.memory_space<hbm>> -> memref<8192xi32, #tpu.memory_space<hbm>>
        tpu.enqueue_dma source(%arg11 : memref<8192xi32, #tpu.memory_space<vmem>>) target(%dma_start3A_95 : memref<8192xi32, #tpu.memory_space<hbm>>) target_semaphore(%run_scoped3A : memref<!tpu.dma_semaphore, #tpu.memory_space<semaphore_mem>>)
        %dma_wait3A = tpu.memref_slice %arg5[%mul3A_94] : memref<131072xi32, #tpu.memory_space<hbm>> -> memref<8192xi32, #tpu.memory_space<hbm>>
        %dma_wait3A_96 = tpu.memref_slice %arg5[%mul3A_94] : memref<131072xi32, #tpu.memory_space<hbm>> -> memref<8192xi32, #tpu.memory_space<hbm>>
        tpu.wait_dma2 semaphore(%run_scoped3A : memref<!tpu.dma_semaphore, #tpu.memory_space<semaphore_mem>>) src(%arg11 : memref<8192xi32, #tpu.memory_space<vmem>>) dst(%dma_wait3A_96 : memref<8192xi32, #tpu.memory_space<hbm>>)
        tpu.yield
      }) : () -> ()
    } else {
    }
    %scan3A_50 = arith.constant 0 : i32
    %scan3A_51 = arith.constant 0 : i32
    %scan3A_52 = arith.constant 0 : i32
    %scan3A_53 = arith.constant 512 : i32
    %scan3A_54 = arith.addi %scan3A_52, %scan3A_53 : i32
    %scan3A_55 = arith.constant 1 : i32
    %scan3A_56:2 = scf.for %scan3A_93 = %scan3A_52 to %scan3A_54 step %scan3A_55 iter_args(%scan3A_94 = %scan3A_50, %scan3A_95 = %scan3A_51) -> (i32, i32)  : i32 {
      %mul3A_96 = arith.constant 16 : i32
      %mul3A_97 = arith.muli %scan3A_93, %mul3A_96 : i32
      %get3A = arith.index_cast %mul3A_97 : i32 to index
      %get3A_98 = tpu.vector_load %arg11[%get3A] {strides = array<i32>} : memref<8192xi32, #tpu.memory_space<vmem>>, vector<16xi32>,
      %reduce_sum3A = arith.constant true
      %reduce_sum3A_99 = vector.broadcast %reduce_sum3A : i1 to vector<16xi1>
      %reduce_sum3A_100 = tpu.scan <sum>, %get3A_98 masked %reduce_sum3A_99 : vector<16xi32>, vector<16xi1> -> vector<16xi32>
      %reduce_sum3A_101 = vector.extract %reduce_sum3A_100[15] : i32 from vector<16xi32>
      %lt3A_102 = arith.constant 256 : i32
      %lt3A_103 = arith.cmpi slt, %scan3A_93, %lt3A_102 : i32
      %jit3A_104 = arith.constant 0 : i32
      %select_n3A_105 = arith.select %lt3A_103, %reduce_sum3A_101, %jit3A_104 : i32
      %add3A_106 = arith.addi %scan3A_94, %select_n3A_105 : i32
      %ge3A = arith.constant 256 : i32
      %ge3A_107 = arith.cmpi sge, %scan3A_93, %ge3A : i32
      %jit3A_108 = arith.constant 0 : i32
      %select_n3A_109 = arith.select %ge3A_107, %reduce_sum3A_101, %jit3A_108 : i32
      %add3A_110 = arith.addi %scan3A_95, %select_n3A_109 : i32
      scf.yield %add3A_106, %add3A_110 : i32, i32
    }
    %scan3A_57 = arith.constant 512 : i32
    %iota3A_58 = tpu.iota {dimensions = array<i32: 0>} : vector<16xi32>
    %eq3A_59 = arith.constant 0 : i32
    %eq3A_60 = vector.broadcast %eq3A_59 : i32 to vector<16xi32>
    %eq3A_61 = arith.cmpi eq, %iota3A_58, %eq3A_60 : vector<16xi32>
    %jit3A = arith.constant 0 : i32
    %broadcast_in_dim3A_62 = vector.broadcast %scan3A_56#0 : i32 to vector<16xi32>
    %broadcast_in_dim3A_63 = vector.broadcast %jit3A : i32 to vector<16xi32>
    %select_n3A = arith.select %eq3A_61, %broadcast_in_dim3A_62, %broadcast_in_dim3A_63 : vector<16xi1>, vector<16xi32>
    %eq3A_64 = arith.constant 1 : i32
    %eq3A_65 = vector.broadcast %eq3A_64 : i32 to vector<16xi32>
    %eq3A_66 = arith.cmpi eq, %iota3A_58, %eq3A_65 : vector<16xi32>
    %jit3A_67 = arith.constant 0 : i32
    %broadcast_in_dim3A_68 = vector.broadcast %scan3A_56#1 : i32 to vector<16xi32>
    %broadcast_in_dim3A_69 = vector.broadcast %jit3A_67 : i32 to vector<16xi32>
    %select_n3A_70 = arith.select %eq3A_66, %broadcast_in_dim3A_68, %broadcast_in_dim3A_69 : vector<16xi1>, vector<16xi32>
    %add3A_71 = arith.addi %select_n3A, %select_n3A_70 : vector<16xi32>
    %swap3A = arith.constant 0 : index
    %swap3A_72 = tpu.vector_load %arg11[%swap3A] {strides = array<i32>} : memref<8192xi32, #tpu.memory_space<vmem>>, vector<16xi32>,
    tpu.vector_store %arg11[%swap3A], %add3A_71 {strides = array<i32>} : memref<8192xi32, #tpu.memory_space<vmem>>, vector<16xi32>,
    %eq3A_73 = arith.constant 0 : i32
    %eq3A_74 = arith.cmpi eq, %arg0, %eq3A_73 : i32
    %convert_element_type3A_75 = arith.extui %eq3A_74 : i1 to i32
    %cond3A_76 = arith.constant 0 : i32
    %cond3A_77 = arith.cmpi ne, %convert_element_type3A_75, %cond3A_76 : i32
    scf.if %cond3A_77 {
      %mul3A_93 = arith.constant 16 : i32
      %mul3A_94 = arith.muli %arg1, %mul3A_93 : i32
      "tpu.region"() ({
        %run_scoped3A = tpu.sem_alloc : memref<!tpu.dma_semaphore, #tpu.memory_space<semaphore_mem>>
        %dma_start3A = arith.constant 0 : i32
        %dma_start3A_95 = tpu.memref_slice %arg11[%dma_start3A] : memref<8192xi32, #tpu.memory_space<vmem>> -> memref<16xi32, #tpu.memory_space<vmem>>
        %dma_start3A_96 = tpu.memref_slice %arg6[%mul3A_94] : memref<256xi32, #tpu.memory_space<hbm>> -> memref<16xi32, #tpu.memory_space<hbm>>
        %dma_start3A_97 = tpu.memref_slice %arg6[%mul3A_94] : memref<256xi32, #tpu.memory_space<hbm>> -> memref<16xi32, #tpu.memory_space<hbm>>
        %dma_start3A_98 = arith.constant 0 : i32
        %dma_start3A_99 = tpu.memref_slice %arg11[%dma_start3A_98] : memref<8192xi32, #tpu.memory_space<vmem>> -> memref<16xi32, #tpu.memory_space<vmem>>
        tpu.enqueue_dma source(%dma_start3A_99 : memref<16xi32, #tpu.memory_space<vmem>>) target(%dma_start3A_97 : memref<16xi32, #tpu.memory_space<hbm>>) target_semaphore(%run_scoped3A : memref<!tpu.dma_semaphore, #tpu.memory_space<semaphore_mem>>)
        %dma_wait3A = arith.constant 0 : i32
        %dma_wait3A_100 = tpu.memref_slice %arg11[%dma_wait3A] : memref<8192xi32, #tpu.memory_space<vmem>> -> memref<16xi32, #tpu.memory_space<vmem>>
        %dma_wait3A_101 = tpu.memref_slice %arg6[%mul3A_94] : memref<256xi32, #tpu.memory_space<hbm>> -> memref<16xi32, #tpu.memory_space<hbm>>
        %dma_wait3A_102 = tpu.memref_slice %arg6[%mul3A_94] : memref<256xi32, #tpu.memory_space<hbm>> -> memref<16xi32, #tpu.memory_space<hbm>>
        %dma_wait3A_103 = arith.constant 0 : i32
        %dma_wait3A_104 = tpu.memref_slice %arg11[%dma_wait3A_103] : memref<8192xi32, #tpu.memory_space<vmem>> -> memref<16xi32, #tpu.memory_space<vmem>>
        tpu.wait_dma2 semaphore(%run_scoped3A : memref<!tpu.dma_semaphore, #tpu.memory_space<semaphore_mem>>) src(%dma_wait3A_104 : memref<16xi32, #tpu.memory_space<vmem>>) dst(%dma_wait3A_102 : memref<16xi32, #tpu.memory_space<hbm>>)
        tpu.yield
      }) : () -> ()
    } else {
    }
    %eq3A_78 = arith.constant 1 : i32
    %eq3A_79 = arith.cmpi eq, %arg0, %eq3A_78 : i32
    %convert_element_type3A_80 = arith.extui %eq3A_79 : i1 to i32
    %cond3A_81 = arith.constant 0 : i32
    %cond3A_82 = arith.cmpi ne, %convert_element_type3A_80, %cond3A_81 : i32
    scf.if %cond3A_82 {
      %mul3A_93 = arith.constant 16 : i32
      %mul3A_94 = arith.muli %arg1, %mul3A_93 : i32
      "tpu.region"() ({
        %run_scoped3A = tpu.sem_alloc : memref<!tpu.dma_semaphore, #tpu.memory_space<semaphore_mem>>
        %dma_start3A = arith.constant 0 : i32
        %dma_start3A_95 = tpu.memref_slice %arg11[%dma_start3A] : memref<8192xi32, #tpu.memory_space<vmem>> -> memref<16xi32, #tpu.memory_space<vmem>>
        %dma_start3A_96 = tpu.memref_slice %arg7[%mul3A_94] : memref<256xi32, #tpu.memory_space<hbm>> -> memref<16xi32, #tpu.memory_space<hbm>>
        %dma_start3A_97 = tpu.memref_slice %arg7[%mul3A_94] : memref<256xi32, #tpu.memory_space<hbm>> -> memref<16xi32, #tpu.memory_space<hbm>>
        %dma_start3A_98 = arith.constant 0 : i32
        %dma_start3A_99 = tpu.memref_slice %arg11[%dma_start3A_98] : memref<8192xi32, #tpu.memory_space<vmem>> -> memref<16xi32, #tpu.memory_space<vmem>>
        tpu.enqueue_dma source(%dma_start3A_99 : memref<16xi32, #tpu.memory_space<vmem>>) target(%dma_start3A_97 : memref<16xi32, #tpu.memory_space<hbm>>) target_semaphore(%run_scoped3A : memref<!tpu.dma_semaphore, #tpu.memory_space<semaphore_mem>>)
        %dma_wait3A = arith.constant 0 : i32
        %dma_wait3A_100 = tpu.memref_slice %arg11[%dma_wait3A] : memref<8192xi32, #tpu.memory_space<vmem>> -> memref<16xi32, #tpu.memory_space<vmem>>
        %dma_wait3A_101 = tpu.memref_slice %arg7[%mul3A_94] : memref<256xi32, #tpu.memory_space<hbm>> -> memref<16xi32, #tpu.memory_space<hbm>>
        %dma_wait3A_102 = tpu.memref_slice %arg7[%mul3A_94] : memref<256xi32, #tpu.memory_space<hbm>> -> memref<16xi32, #tpu.memory_space<hbm>>
        %dma_wait3A_103 = arith.constant 0 : i32
        %dma_wait3A_104 = tpu.memref_slice %arg11[%dma_wait3A_103] : memref<8192xi32, #tpu.memory_space<vmem>> -> memref<16xi32, #tpu.memory_space<vmem>>
        tpu.wait_dma2 semaphore(%run_scoped3A : memref<!tpu.dma_semaphore, #tpu.memory_space<semaphore_mem>>) src(%dma_wait3A_104 : memref<16xi32, #tpu.memory_space<vmem>>) dst(%dma_wait3A_102 : memref<16xi32, #tpu.memory_space<hbm>>)
        tpu.yield
      }) : () -> ()
    } else {
    }
    %swap3A_83 = arith.constant 0 : index
    %swap3A_84 = tpu.vector_load %arg20[%swap3A_83] {strides = array<i32>} : memref<32xi32, #tpu.memory_space<vmem>>, vector<16xi32>,
    tpu.vector_store %arg20[%swap3A_83], %broadcast_in_dim3A_13 {strides = array<i32>} : memref<32xi32, #tpu.memory_space<vmem>>, vector<16xi32>,
    %swap3A_85 = arith.constant 16 : index
    %swap3A_86 = tpu.vector_load %arg20[%swap3A_85] {strides = array<i32>} : memref<32xi32, #tpu.memory_space<vmem>>, vector<16xi32>,
    tpu.vector_store %arg20[%swap3A_85], %broadcast_in_dim3A_13 {strides = array<i32>} : memref<32xi32, #tpu.memory_space<vmem>>, vector<16xi32>,
    %lt3A = arith.constant 28 : i32
    %lt3A_87 = arith.cmpi slt, %add3A, %lt3A : i32
    %convert_element_type3A_88 = arith.extui %lt3A_87 : i1 to i32
    %cond3A_89 = arith.constant 0 : i32
    %cond3A_90 = arith.cmpi ne, %convert_element_type3A_88, %cond3A_89 : i32
    scf.if %cond3A_90 {
      %swap3A_93 = arith.constant 0 : index
      %swap3A_94 = tpu.vector_load %arg18[%swap3A_93] {strides = array<i32>} : memref<32xi32, #tpu.memory_space<vmem>>, vector<16xi32>,
      tpu.vector_store %arg18[%swap3A_93], %broadcast_in_dim3A_13 {strides = array<i32>} : memref<32xi32, #tpu.memory_space<vmem>>, vector<16xi32>,
      %swap3A_95 = arith.constant 16 : index
      %swap3A_96 = tpu.vector_load %arg18[%swap3A_95] {strides = array<i32>} : memref<32xi32, #tpu.memory_space<vmem>>, vector<16xi32>,
      tpu.vector_store %arg18[%swap3A_95], %broadcast_in_dim3A_13 {strides = array<i32>} : memref<32xi32, #tpu.memory_space<vmem>>, vector<16xi32>,
      %scan3A_97 = arith.constant 0 : i32
      %scan3A_98 = arith.constant 0 : i32
      %scan3A_99 = arith.constant 448 : i32
      %scan3A_100 = arith.addi %scan3A_98, %scan3A_99 : i32
      %scan3A_101 = arith.constant 1 : i32
      %scan3A_102 = scf.for %scan3A_155 = %scan3A_98 to %scan3A_100 step %scan3A_101 iter_args(%scan3A_156 = %scan3A_97) -> (i32)  : i32 {
        %mul3A_157 = arith.constant 16 : i32
        %mul3A_158 = arith.muli %scan3A_155, %mul3A_157 : i32
        %get3A_159 = arith.index_cast %mul3A_158 : i32 to index
        %get3A_160 = tpu.vector_load %arg12[%get3A_159] {strides = array<i32>} : memref<7168xi32, #tpu.memory_space<vmem>>, vector<16xi32>,
        %shift_right_logical3A = arith.constant 12 : i32
        %shift_right_logical3A_161 = vector.broadcast %shift_right_logical3A : i32 to vector<16xi32>
        %shift_right_logical3A_162 = arith.shrui %get3A_160, %shift_right_logical3A_161 : vector<16xi32>
        %broadcast_in_dim3A_163 = arith.constant true
        %broadcast_in_dim3A_164 = vector.broadcast %broadcast_in_dim3A_163 : i1 to vector<16xi1>
        %unique3A_165, %unique3A_166 = tpu.scan_count mask(%broadcast_in_dim3A_164 : vector<16xi1>) value(%shift_right_logical3A_162 : vector<16xi32>) : vector<16xi1>, vector<16xi32>
        %sub3A_167 = vector.broadcast %reduce_min3A_11 : i32 to vector<16xi32>
        %sub3A_168 = arith.subi %unique3A_166, %sub3A_167 : vector<16xi32>
        %add3A_169 = arith.constant 1 : i32
        %add3A_170 = vector.broadcast %add3A_169 : i32 to vector<16xi32>
        %add3A_171 = arith.addi %sub3A_168, %add3A_170 : vector<16xi32>
        tpu.vector_store_idx %arg18[%shift_right_logical3A_162], %add3A_171 masked %unique3A_165 {add = true} : memref<32xi32, #tpu.memory_space<vmem>>[vector<16xi32>], vector<16xi32>, vector<16xi1>
        %scan3A_172 = arith.constant 0 : i32
        scf.yield %scan3A_172 : i32
      }
      %scan3A_103 = arith.constant 448 : i32
      %get3A = arith.constant 0 : index
      %get3A_104 = tpu.vector_load %arg18[%get3A] {strides = array<i32>} : memref<32xi32, #tpu.memory_space<vmem>>, vector<16xi32>,
      %get3A_105 = arith.constant 16 : index
      %get3A_106 = tpu.vector_load %arg18[%get3A_105] {strides = array<i32>} : memref<32xi32, #tpu.memory_space<vmem>>, vector<16xi32>,
      %add3A_107 = arith.constant 7 : i32
      %add3A_108 = vector.broadcast %add3A_107 : i32 to vector<16xi32>
      %add3A_109 = arith.addi %get3A_104, %add3A_108 : vector<16xi32>
      %and3A = arith.constant -8 : i32
      %and3A_110 = vector.broadcast %and3A : i32 to vector<16xi32>
      %and3A_111 = arith.andi %add3A_109, %and3A_110 : vector<16xi32>
      %add3A_112 = arith.constant 7 : i32
      %add3A_113 = vector.broadcast %add3A_112 : i32 to vector<16xi32>
      %add3A_114 = arith.addi %get3A_106, %add3A_113 : vector<16xi32>
      %and3A_115 = arith.constant -8 : i32
      %and3A_116 = vector.broadcast %and3A_115 : i32 to vector<16xi32>
      %and3A_117 = arith.andi %add3A_114, %and3A_116 : vector<16xi32>
      %broadcast_in_dim3A_118 = arith.constant true
      %broadcast_in_dim3A_119 = vector.broadcast %broadcast_in_dim3A_118 : i1 to vector<16xi1>
      %masked_cumsum3A = tpu.scan <sum>, %and3A_111 masked %broadcast_in_dim3A_119 : vector<16xi32>, vector<16xi1> -> vector<16xi32>
      %sub3A = arith.subi %masked_cumsum3A, %and3A_111 : vector<16xi32>
      %broadcast_in_dim3A_120 = arith.constant true
      %broadcast_in_dim3A_121 = vector.broadcast %broadcast_in_dim3A_120 : i1 to vector<16xi1>
      %masked_cumsum3A_122 = tpu.scan <sum>, %and3A_117 masked %broadcast_in_dim3A_121 : vector<16xi32>, vector<16xi1> -> vector<16xi32>
      %sub3A_123 = arith.subi %masked_cumsum3A_122, %and3A_117 : vector<16xi32>
      %reduce_sum3A = arith.constant true
      %reduce_sum3A_124 = vector.broadcast %reduce_sum3A : i1 to vector<16xi1>
      %reduce_sum3A_125 = tpu.scan <sum>, %and3A_111 masked %reduce_sum3A_124 : vector<16xi32>, vector<16xi1> -> vector<16xi32>
      %reduce_sum3A_126 = vector.extract %reduce_sum3A_125[15] : i32 from vector<16xi32>
      %add3A_127 = vector.broadcast %reduce_sum3A_126 : i32 to vector<16xi32>
      %add3A_128 = arith.addi %sub3A_123, %add3A_127 : vector<16xi32>
      %swap3A_129 = arith.constant 0 : index
      %swap3A_130 = tpu.vector_load %arg19[%swap3A_129] {strides = array<i32>} : memref<32xi32, #tpu.memory_space<vmem>>, vector<16xi32>,
      tpu.vector_store %arg19[%swap3A_129], %sub3A {strides = array<i32>} : memref<32xi32, #tpu.memory_space<vmem>>, vector<16xi32>,
      %swap3A_131 = arith.constant 16 : index
      %swap3A_132 = tpu.vector_load %arg19[%swap3A_131] {strides = array<i32>} : memref<32xi32, #tpu.memory_space<vmem>>, vector<16xi32>,
      tpu.vector_store %arg19[%swap3A_131], %add3A_128 {strides = array<i32>} : memref<32xi32, #tpu.memory_space<vmem>>, vector<16xi32>,
      %swap3A_133 = arith.constant 0 : index
      %swap3A_134 = tpu.vector_load %arg20[%swap3A_133] {strides = array<i32>} : memref<32xi32, #tpu.memory_space<vmem>>, vector<16xi32>,
      tpu.vector_store %arg20[%swap3A_133], %and3A_111 {strides = array<i32>} : memref<32xi32, #tpu.memory_space<vmem>>, vector<16xi32>,
      %swap3A_135 = arith.constant 16 : index
      %swap3A_136 = tpu.vector_load %arg20[%swap3A_135] {strides = array<i32>} : memref<32xi32, #tpu.memory_space<vmem>>, vector<16xi32>,
      tpu.vector_store %arg20[%swap3A_135], %and3A_117 {strides = array<i32>} : memref<32xi32, #tpu.memory_space<vmem>>, vector<16xi32>,
      %scan3A_137 = arith.constant 0 : i32
      %scan3A_138 = arith.constant 0 : i32
      %scan3A_139 = arith.constant 512 : i32
      %scan3A_140 = arith.addi %scan3A_138, %scan3A_139 : i32
      %scan3A_141 = arith.constant 1 : i32
      %scan3A_142 = scf.for %scan3A_155 = %scan3A_138 to %scan3A_140 step %scan3A_141 iter_args(%scan3A_156 = %scan3A_137) -> (i32)  : i32 {
        %broadcast_in_dim3A_157 = arith.constant -1 : i32
        %broadcast_in_dim3A_158 = vector.broadcast %broadcast_in_dim3A_157 : i32 to vector<16xi32>
        %mul3A_159 = arith.constant 16 : i32
        %mul3A_160 = arith.muli %scan3A_155, %mul3A_159 : i32
        %swap3A_161 = arith.index_cast %mul3A_160 : i32 to index
        %swap3A_162 = tpu.vector_load %arg16[%swap3A_161] {strides = array<i32>} : memref<8192xi32, #tpu.memory_space<vmem>>, vector<16xi32>,
        tpu.vector_store %arg16[%swap3A_161], %broadcast_in_dim3A_158 {strides = array<i32>} : memref<8192xi32, #tpu.memory_space<vmem>>, vector<16xi32>,
        %scan3A_163 = arith.constant 0 : i32
        scf.yield %scan3A_163 : i32
      }
      %scan3A_143 = arith.constant 512 : i32
      %scan3A_144 = arith.constant 0 : i32
      %scan3A_145 = arith.constant 0 : i32
      %scan3A_146 = arith.constant 448 : i32
      %scan3A_147 = arith.addi %scan3A_145, %scan3A_146 : i32
      %scan3A_148 = arith.constant 1 : i32
      %scan3A_149 = scf.for %scan3A_155 = %scan3A_145 to %scan3A_147 step %scan3A_148 iter_args(%scan3A_156 = %scan3A_144) -> (i32)  : i32 {
        %mul3A_157 = arith.constant 16 : i32
        %mul3A_158 = arith.muli %scan3A_155, %mul3A_157 : i32
        %get3A_159 = arith.index_cast %mul3A_158 : i32 to index
        %get3A_160 = tpu.vector_load %arg12[%get3A_159] {strides = array<i32>} : memref<7168xi32, #tpu.memory_space<vmem>>, vector<16xi32>,
        %mul3A_161 = arith.constant 16 : i32
        %mul3A_162 = arith.muli %scan3A_155, %mul3A_161 : i32
        %get3A_163 = arith.index_cast %mul3A_162 : i32 to index
        %get3A_164 = tpu.vector_load %arg13[%get3A_163] {strides = array<i32>} : memref<7168xi32, #tpu.memory_space<vmem>>, vector<16xi32>,
        %shift_right_logical3A = arith.constant 12 : i32
        %shift_right_logical3A_165 = vector.broadcast %shift_right_logical3A : i32 to vector<16xi32>
        %shift_right_logical3A_166 = arith.shrui %get3A_160, %shift_right_logical3A_165 : vector<16xi32>
        %broadcast_in_dim3A_167 = arith.constant true
        %broadcast_in_dim3A_168 = vector.broadcast %broadcast_in_dim3A_167 : i1 to vector<16xi1>
        %unique3A_169, %unique3A_170 = tpu.scan_count mask(%broadcast_in_dim3A_168 : vector<16xi1>) value(%shift_right_logical3A_166 : vector<16xi32>) : vector<16xi1>, vector<16xi32>
        %gather3A = tpu.vector_load_idx %arg19[%shift_right_logical3A_166] : memref<32xi32, #tpu.memory_space<vmem>>[vector<16xi32>], vector<16xi32>,
        %sub3A_171 = vector.broadcast %reduce_min3A_11 : i32 to vector<16xi32>
        %sub3A_172 = arith.subi %unique3A_170, %sub3A_171 : vector<16xi32>
        %add3A_173 = arith.addi %gather3A, %sub3A_172 : vector<16xi32>
        %add3A_174 = arith.constant 1 : i32
        %add3A_175 = vector.broadcast %add3A_174 : i32 to vector<16xi32>
        %add3A_176 = arith.addi %add3A_173, %add3A_175 : vector<16xi32>
        tpu.vector_store_idx %arg19[%shift_right_logical3A_166], %add3A_176 masked %unique3A_169 : memref<32xi32, #tpu.memory_space<vmem>>[vector<16xi32>], vector<16xi32>, vector<16xi1>
        %mul3A_177 = arith.constant 7168 : i32
        %mul3A_178 = arith.muli %add3A, %mul3A_177 : i32
        %mul3A_179 = arith.constant 16 : i32
        %mul3A_180 = arith.muli %scan3A_155, %mul3A_179 : i32
        %add3A_181 = arith.addi %mul3A_178, %mul3A_180 : i32
        %add3A_182 = vector.broadcast %add3A_181 : i32 to vector<16xi32>
        %add3A_183 = arith.addi %add3A_182, %iota3A_58 : vector<16xi32>
        %and3A_184 = arith.constant 4095 : i32
        %and3A_185 = vector.broadcast %and3A_184 : i32 to vector<16xi32>
        %and3A_186 = arith.andi %get3A_160, %and3A_185 : vector<16xi32>
        %shift_left3A = arith.constant 18 : i32
        %shift_left3A_187 = vector.broadcast %shift_left3A : i32 to vector<16xi32>
        %shift_left3A_188 = arith.shli %and3A_186, %shift_left3A_187 : vector<16xi32>
        %or3A = arith.ori %shift_left3A_188, %add3A_183 : vector<16xi32>
        tpu.vector_store_idx %arg16[%add3A_173], %or3A : memref<8192xi32, #tpu.memory_space<vmem>>[vector<16xi32>], vector<16xi32>,
        tpu.vector_store_idx %arg17[%add3A_173], %get3A_164 : memref<8192xi32, #tpu.memory_space<vmem>>[vector<16xi32>], vector<16xi32>,
        %scan3A_189 = arith.constant 0 : i32
        scf.yield %scan3A_189 : i32
      }
      %scan3A_150 = arith.constant 448 : i32
      %mul3A_151 = arith.constant 8192 : i32
      %mul3A_152 = arith.muli %add3A, %mul3A_151 : i32
      "tpu.region"() ({
        %run_scoped3A = tpu.sem_alloc : memref<!tpu.dma_semaphore, #tpu.memory_space<semaphore_mem>>
        %dma_start3A = tpu.memref_slice %arg8[%mul3A_152] : memref<262144xi32, #tpu.memory_space<hbm>> -> memref<8192xi32, #tpu.memory_space<hbm>>
        %dma_start3A_155 = tpu.memref_slice %arg8[%mul3A_152] : memref<262144xi32, #tpu.memory_space<hbm>> -> memref<8192xi32, #tpu.memory_space<hbm>>
        tpu.enqueue_dma source(%arg16 : memref<8192xi32, #tpu.memory_space<vmem>>) target(%dma_start3A_155 : memref<8192xi32, #tpu.memory_space<hbm>>) target_semaphore(%run_scoped3A : memref<!tpu.dma_semaphore, #tpu.memory_space<semaphore_mem>>)
        %dma_wait3A = tpu.memref_slice %arg8[%mul3A_152] : memref<262144xi32, #tpu.memory_space<hbm>> -> memref<8192xi32, #tpu.memory_space<hbm>>
        %dma_wait3A_156 = tpu.memref_slice %arg8[%mul3A_152] : memref<262144xi32, #tpu.memory_space<hbm>> -> memref<8192xi32, #tpu.memory_space<hbm>>
        tpu.wait_dma2 semaphore(%run_scoped3A : memref<!tpu.dma_semaphore, #tpu.memory_space<semaphore_mem>>) src(%arg16 : memref<8192xi32, #tpu.memory_space<vmem>>) dst(%dma_wait3A_156 : memref<8192xi32, #tpu.memory_space<hbm>>)
        tpu.yield
      }) : () -> ()
      %mul3A_153 = arith.constant 8192 : i32
      %mul3A_154 = arith.muli %add3A, %mul3A_153 : i32
      "tpu.region"() ({
        %run_scoped3A = tpu.sem_alloc : memref<!tpu.dma_semaphore, #tpu.memory_space<semaphore_mem>>
        %dma_start3A = tpu.memref_slice %arg9[%mul3A_154] : memref<262144xi32, #tpu.memory_space<hbm>> -> memref<8192xi32, #tpu.memory_space<hbm>>
        %dma_start3A_155 = tpu.memref_slice %arg9[%mul3A_154] : memref<262144xi32, #tpu.memory_space<hbm>> -> memref<8192xi32, #tpu.memory_space<hbm>>
        tpu.enqueue_dma source(%arg17 : memref<8192xi32, #tpu.memory_space<vmem>>) target(%dma_start3A_155 : memref<8192xi32, #tpu.memory_space<hbm>>) target_semaphore(%run_scoped3A : memref<!tpu.dma_semaphore, #tpu.memory_space<semaphore_mem>>)
        %dma_wait3A = tpu.memref_slice %arg9[%mul3A_154] : memref<262144xi32, #tpu.memory_space<hbm>> -> memref<8192xi32, #tpu.memory_space<hbm>>
        %dma_wait3A_156 = tpu.memref_slice %arg9[%mul3A_154] : memref<262144xi32, #tpu.memory_space<hbm>> -> memref<8192xi32, #tpu.memory_space<hbm>>
        tpu.wait_dma2 semaphore(%run_scoped3A : memref<!tpu.dma_semaphore, #tpu.memory_space<semaphore_mem>>) src(%arg17 : memref<8192xi32, #tpu.memory_space<vmem>>) dst(%dma_wait3A_156 : memref<8192xi32, #tpu.memory_space<hbm>>)
        tpu.yield
      }) : () -> ()
    } else {
    }
    %mul3A_91 = arith.constant 32 : i32
    %mul3A_92 = arith.muli %add3A, %mul3A_91 : i32
    "tpu.region"() ({
      %run_scoped3A = tpu.sem_alloc : memref<!tpu.dma_semaphore, #tpu.memory_space<semaphore_mem>>
      %dma_start3A = tpu.memref_slice %arg10[%mul3A_92] : memref<1024xi32, #tpu.memory_space<hbm>> -> memref<32xi32, #tpu.memory_space<hbm>>
      %dma_start3A_93 = tpu.memref_slice %arg10[%mul3A_92] : memref<1024xi32, #tpu.memory_space<hbm>> -> memref<32xi32, #tpu.memory_space<hbm>>
      tpu.enqueue_dma source(%arg20 : memref<32xi32, #tpu.memory_space<vmem>>) target(%dma_start3A_93 : memref<32xi32, #tpu.memory_space<hbm>>) target_semaphore(%run_scoped3A : memref<!tpu.dma_semaphore, #tpu.memory_space<semaphore_mem>>)
      %dma_wait3A = tpu.memref_slice %arg10[%mul3A_92] : memref<1024xi32, #tpu.memory_space<hbm>> -> memref<32xi32, #tpu.memory_space<hbm>>
      %dma_wait3A_94 = tpu.memref_slice %arg10[%mul3A_92] : memref<1024xi32, #tpu.memory_space<hbm>> -> memref<32xi32, #tpu.memory_space<hbm>>
      tpu.wait_dma2 semaphore(%run_scoped3A : memref<!tpu.dma_semaphore, #tpu.memory_space<semaphore_mem>>) src(%arg20 : memref<32xi32, #tpu.memory_space<vmem>>) dst(%dma_wait3A_94 : memref<32xi32, #tpu.memory_space<hbm>>)
      tpu.yield
    }) : () -> ()
    return
  }
}

</mosaic_0001>

<sc_bundles>
// kernel: kernel.12.cloned.1.call-start
scs
__scs_entry_jumppad:
0x0: {  	(pc) =	sbr.rel $0x88, $3  }
0x1: {  	(tag) =	ssettag $0x0;
	lr =	simm.s32 $0x1  }
0x2: {  	[smem:$0x3F9F] =	sst lr;
	_ =	strace $0xD0000000  }
0x3: {  	_ = 	snop  }
0x4: {  	_ = 	snop  }
0x5: {  	_ = 	snop  }
0x6: {  	_ = 	snop  }
0x7: {  	_ = 	snop  }
__scs_overlays_trampoline_lowered:
0x8: {  	[smem:$0x3FAE] =	sst s0  }
0x9: {  	[smem:$0x3FAF] =	sst s1  }
0xa: {  	[smem:$0x3FB0] =	sst s2  }
0xb: {  	[smem:$0x3FB1] =	sst s3  }
0xc: {  	[smem:$0x3FB2] =	sst s4  }
0xd: {  	[smem:$0x3FB3] =	sst s5  }
0xe: {  	[smem:$0x3FB4] =	sst s6  }
0xf: {  	[smem:$0x3FB5] =	sst s7  }
0x10: {  	[smem:$0x3FB6] =	sst s8  }
0x11: {  	[smem:$0x3FB7] =	sst s9;
	s0 =	simm.s32 @!p0 $0x0  }
0x12: {  	s1 =	sld [smem:$0x3F9D];
	s0 =	simm.s32 @p0 $0x1  }
0x13: {  	[smem:$0x3FB8] =	sst s0;
	s0 =	simm.s32 @!p1 $0x0  }
0x14: {  	s2 =	sld [smem:$0x3F9C];
	s0 =	simm.s32 @p1 $0x1  }
0x15: {  	[smem:$0x3FB9] =	sst s0;
	s0 =	simm.s32 @!p2 $0x0  }
0x16: {  	s3 =	sld [smem:$0x3FDB];
	s0 =	simm.s32 @p2 $0x1  }
0x17: {  	s4 =	simm.s32 $0x1BF5;
	[smem:$0x3FBB] =	sst s0  }
0x18: {  	s0 =	sld [smem:$0x3F9E];
	_ =	swait.ge [sflag:s4], $0x0  }
0x19: {  	s7 =	sld [smem:$0x3F9F]  }
0x1a: {  	s8 =	sadd.s32 $0xFFFFE003, lr  }
0x1b: {  	s9 =	sadd.s32 $0xFFFFFEF7, lr;
	s5 =	simm.s32 $0xFFFFFFFF;
	p2 =	slt.u32 s8, $0xFFFFF086  }
0x1c: {  	p1 =	slt.u32 s9, $0xF7A;
	s5 =	simm.s32 @!p2 $0x0  }
0x1d: {  	s5 =	simm.s32 @p1 $0x1;
	p0 =	seq.s32 s7, s2  }
0x1e: {  	s7 =	smul.u32 @!p0 $0xF7A, s2;
	p2 =	seq.s32 @!p0 s5, $0x0  }
0x1f: {  	s9 =	smul.u32 $0xF7A, s1;
	s8 =	simm.s32 @!p0 $0x1BF5;
	p2 =	por !p2, p0  }
0x20: {  	[sflag:s8] =	ssyncset.s32 @!p0 $0xFFFFF086;
	s6 =	sadd.s32 @!p0 s3, s7;
	s7 =	simm.s32 @!p0 $0x108  }
0x21: {  	s3 =	sadd.s32 s3, s9;
	s6 =	sadd.s32 @!p0 $0x88, s6;
	s7 =	simm.s32 @p2 $0x1082  }
0x22: {  	[simem:s7], [sflag:s8] =	dma.local @!p0 [hbm:s6], $0xF7A  }
0x23: {  	s9 =	sor.u32 $0xD0000000, s2;
	s6 =	simm.s32 $0x108;
	_ =	swait.ge @!p0 [sflag:s8], $0x0  }
0x24: {  	s3 =	sadd.s32 $0x88, s3;
	s6 =	simm.s32 @!p1 $0x1082;
	[sflag:s4] =	ssyncset.s32 $0xFFFFF086  }
0x25: {  	[simem:s6], [sflag:s4] =	dma.local [hbm:s3], $0xF7A  }
0x26: {  	[smem:$0x3F9F] =	sst s1;
	(tag) =	ssettag s2;
	_ =	strace s9  }
0x27: {  	s1 =	sld [smem:$0x3FAF]  }
0x28: {  	s2 =	sld [smem:$0x3FB0]  }
0x29: {  	s4 =	sld [smem:$0x3FB2]  }
0x2a: {  	p0 =	seq.s32 s5, $0x0;
	s5 =	sld [smem:$0x3FB3]  }
0x2b: {  	s6 =	sld [smem:$0x3FB4]  }
0x2c: {  	s7 =	sld [smem:$0x3FB5]  }
0x2d: {  	s3 =	simm.s32 $0x108;
	s8 =	sld [smem:$0x3FB6]  }
0x2e: {  	s3 =	simm.s32 @!p0 $0x1082;
	s9 =	sld [smem:$0x3FB7]  }
0x2f: {  	lr =	sadd.s32 s0, s3;
	s0 =	sld [smem:$0x3FAE]  }
0x30: {  	s3 =	sld [smem:$0x3FB1]  }
0x31: {  	[smem:$0x3FBA] =	sst s10  }
0x32: {  	s10 =	sld [smem:$0x3FB8];
	_ =	sdelay $0x3  }
0x33: {  	p0 =	seq.s32 s10, $0x1;
	s10 =	sld [smem:$0x3FBA];
	_ =	sdelay $0x3  }
0x34: {  	[smem:$0x3FBA] =	sst s10  }
0x35: {  	s10 =	sld [smem:$0x3FB9];
	_ =	sdelay $0x3  }
0x36: {  	p1 =	seq.s32 s10, $0x1;
	s10 =	sld [smem:$0x3FBA];
	_ =	sdelay $0x3  }
0x37: {  	[smem:$0x3FBA] =	sst s10  }
0x38: {  	s10 =	sld [smem:$0x3FBB]  }
0x39: {  	_ = 	snop;
	(pc) =	sbr.ind lr, $3  }
0x3a: {  	_ = 	snop  }
0x3b: {  	_ = 	snop  }
0x3c: {  	p2 =	seq.s32 s10, $0x1;
	s10 =	sld [smem:$0x3FBA]  }
0x3d: {  	_ =	shalt  }
0x3e: {  	_ =	shalt  }
0x3f: {  	_ =	shalt  }
0x40: {  	_ =	shalt  }
0x41: {  	_ =	shalt  }
0x42: {  	_ =	shalt  }
0x43: {  	_ =	shalt  }
0x44: {  	_ =	shalt  }
0x45: {  	_ =	shalt  }
0x46: {  	_ =	shalt  }
0x47: {  	_ =	shalt  }
0x48: {  	_ =	shalt  }
0x49: {  	_ =	shalt  }
0x4a: {  	_ =	shalt  }
0x4b: {  	_ =	shalt  }
0x4c: {  	_ =	shalt  }
0x4d: {  	_ =	shalt  }
0x4e: {  	_ =	shalt  }
0x4f: {  	_ =	shalt  }
0x50: {  	_ =	shalt  }
0x51: {  	_ =	shalt  }
0x52: {  	_ =	shalt  }
0x53: {  	_ =	shalt  }
0x54: {  	_ =	shalt  }
0x55: {  	_ =	shalt  }
0x56: {  	_ =	shalt  }
0x57: {  	_ =	shalt  }
0x58: {  	_ =	shalt  }
0x59: {  	_ =	shalt  }
0x5a: {  	_ =	shalt  }
0x5b: {  	_ =	shalt  }
0x5c: {  	_ =	shalt  }
0x5d: {  	_ =	shalt  }
0x5e: {  	_ =	shalt  }
0x5f: {  	_ =	shalt  }
0x60: {  	_ =	shalt  }
0x61: {  	_ =	shalt  }
0x62: {  	_ =	shalt  }
0x63: {  	_ =	shalt  }
0x64: {  	_ =	shalt  }
0x65: {  	_ =	shalt  }
0x66: {  	_ =	shalt  }
0x67: {  	_ =	shalt  }
0x68: {  	_ =	shalt  }
0x69: {  	_ =	shalt  }
0x6a: {  	_ =	shalt  }
0x6b: {  	_ =	shalt  }
0x6c: {  	_ =	shalt  }
0x6d: {  	_ =	shalt  }
0x6e: {  	_ =	shalt  }
0x6f: {  	_ =	shalt  }
0x70: {  	_ =	shalt  }
0x71: {  	_ =	shalt  }
0x72: {  	_ =	shalt  }
0x73: {  	_ =	shalt  }
0x74: {  	_ =	shalt  }
0x75: {  	_ =	shalt  }
0x76: {  	_ =	shalt  }
0x77: {  	_ =	shalt  }
0x78: {  	_ =	shalt  }
0x79: {  	_ =	shalt  }
0x7a: {  	_ =	shalt  }
0x7b: {  	_ =	shalt  }
0x7c: {  	_ =	shalt  }
0x7d: {  	_ =	shalt  }
0x7e: {  	_ =	shalt  }
0x7f: {  	_ =	shalt  }
0x80: {  	_ =	shalt  }
0x81: {  	_ =	shalt  }
0x82: {  	_ =	shalt  }
0x83: {  	_ =	shalt  }
0x84: {  	_ =	shalt  }
0x85: {  	_ =	shalt  }
0x86: {  	_ =	shalt  }
0x87: {  	_ =	shalt  }
.Lfunc_end0:
.L_simem_size_0:
called_computation.2_lowered:
.L_overlay_start_0:
0x88: {  	s2 =	sld [smem:$0x3FD9]  }
0x89: {  	s3 =	sld [smem:$0x3FFE];
	_ =	sdelay $0x1  }
0x8a: {  	s1 =	srdreg.scid  }
0x8b: {  	s0 =	sand.u32 $0x1, s1  }
0x8c: {  	s17 =	sshll.u32 s0, $0xA;
	s2 =	sadd.s32 s3, s2  }
0x8d: {  	s2 =	sadd.s32 s2, s17  }
0x8e: {  	[smem:$0x3FC6] =	sst s2  }
0x8f: {  	_ = 	snop  }
0x90: {  	s2 =	sld [smem:$0x3FD0];
	(tm) =	ssettm $0x1  }
0x91: {  	s18 =	sld [smem:$0x3FFB];
	_ =	sdelay $0x3  }
0x92: {  	_ =	strace s18  }
0x93: {  	s3 =	sld [smem:$0x3FFC];
	_ =	sdelay $0x3  }
0x94: {  	_ =	strace s3  }
0x95: {  	s3 =	sld [smem:$0x3FFD];
	_ =	sdelay $0x3  }
0x96: {  	_ =	strace s3  }
0x97: {  	_ =	strace $0x8FFFFFFF  }
0x98: {  	s19 =	sld [smem:$0x3FDB];
	_ =	sdelay $0x1  }
0x99: {  	s4 =	simm.s32 $_scs_section_size  }
0x9a: {  	s5 =	simm.s32 $_size__tile_overlayer_lowered;
	s6 =	simm.s32 $_tile_overlayer_lowered  }
0x9b: {  	s22 =	simm.s32 $0x1BFF;
	s21 =	sshll.u32 s6, $0x1;
	s3 =	sadd.s32 s4, s19  }
0x9c: {  	s7 =	simm.s32 $0x0;
	s20 =	sshll.u32 s5, $0x1;
	s5 =	sadd.s32 s21, s3  }
0x9d: {  	[timem:s7], [sflag:s22] =	dma.local [hbm:s5], s20  }
0x9e: {  	_ =	swait.ge [sflag:s22], s20  }
0x9f: {  	s4 =	ssub.s32 $0x0, s20;
	[sflag:s22] =	ssyncset.done $0x0  }
0xa0: {  	[sflag:s22] =	ssyncadd.s32 s4;
	_ =	sdelay $0x1  }
0xa1: {  	s23 =	simm.s32 $0x1B8B  }
0xa2: {  	_ =	swait.ge [sflag:s23], $0x1  }
0xa3: {  	[sflag:s23] =	ssyncset.done $0x0  }
0xa4: {  	s25 =	simm.s32 $0x1B8E;
	s24 =	sld [smem:$0x3FFE];
	[sflag:s23] =	ssyncadd.s32 $0xFFFFFFFF  }
0xa5: {  	s26 =	simm.s32 $execute0_lowered;
	[smem:$0x3FD2] =	sst s25  }
0xa6: {  	s5 =	sshll.u32 s26, $0x1;
	_ =	strace $0x8000004C;
	[dreg:$0x1] =	wrdreg $0xFFFFFFFF  }
0xa7: {  	s28 =	simm.s32 $_size_execute0_lowered;
	s3 =	sadd.s32 s3, s5;
	[dreg:$0x0] =	wrdreg $0x0  }
0xa8: {  	s5 =	sshll.u32 s28, $0x1;
	[dreg:$0x2] =	wrdreg s3  }
0xa9: {  	[dreg:$0x3] =	wrdreg s5  }
0xaa: {  	[dreg:$0x4] =	wrdreg $0xC0  }
0xab: {  	_ =	task [dreg:s7], $0x5FFFF  }
0xac: {  	[dreg:$0x1] =	wrdreg $0xFFFFFFFF  }
0xad: {  	[dreg:$0x0] =	wrdreg $0x60  }
0xae: {  	[dreg:$0x2] =	wrdreg s24  }
0xaf: {  	[dreg:$0x3] =	wrdreg s2  }
0xb0: {  	[dreg:$0x4] =	wrdreg $0x9  }
0xb1: {  	_ =	task.clear_ibuf [dreg:s7], $0x5FFFF;
	_ =	strace $0x9000004C  }
0xb2: {  	s29 =	simm.s32 $0x9;
	_ =	strace $0x8000004E  }
0xb3: {  	_ =	swait.ge [sflag:s29], $0x1  }
0xb4: {  	[sflag:s29] =	ssyncadd.s32 $0xFFFFFFFF  }
0xb5: {  	_ =	strace $0x9000004E  }
0xb6: {  	_ =	sfence  }
0xb7: {  	s30 =	sld [smem:$0x0];
	_ =	sdelay $0x2  }
0xb8: {  	s31 =	sshll.u32 s1, $0xD;
	s1 =	sshrl.u32 s1, $0x2  }
0xb9: {  	s3 =	sand.u32 $0x4000, s31;
	s1 =	sadd.s32 s1, s30  }
0xba: {  	s0 =	sor.u32 s3, s0;
	s1 =	sshll.u32 s1, $0x11  }
0xbb: {  	s0 =	sor.u32 s1, s0  }
0xbc: {  	s0 =	sadd.s32 $0x8F2B, s0  }
0xbd: {  	[sflag:s0] =	ssyncadd.remote.s32 $0x1  }
0xbe: {  	_ =	sfence.sel $0xFFFF  }
0xbf: {  	[dreg:$0x0] =	wrdreg $0xFFFFFFFF;
	(pc) =	sbr.abs _section_cstart, $3  }
0xc0: {  	[dreg:$0x1] =	wrdreg $0xFFFFFFFF  }
0xc1: {  	_ =	task.clear_ibuf [dreg:s7], $0x2FFFF;
	_ =	strace $0x9FFFFFFF  }
0xc2: {  	(tm) =	ssettm $0x7FFFFFFF  }
0xc3: {  	_ =	shalt  }
tec
execute0_lowered:
.L_overlay_start_1:
0x0: {  	(tag) =	ssettag $0x1  }
0x1: {  	s0 =	rddreg [dreg:$0x0]  }
0x2: {  	s2 =	simm.s32 $0x0;
	s1 =	srdreg.scid;
	s11 =	stileid.u32  }
0x3: {  	s8 =	simm.s32 $0xE000;
	[smem:$0x7FF] =	sst s2;
	s1 =	sand.u32 $0x1, s1  }
0x4: {  	s4 =	sadd.s32 $0x27E00, s0;
	s5 =	sadd.s32 $0x89E00, s0;
	s3 =	ssub.s32 $0x2, s1  }
0x5: {  	s7 =	smul.u32 $0x3108, s11;
	p0 =	seq.s32 s1, $0x0;
	s9 =	sshrl.u32 s3, $0x1  }
0x6: {  	s6 =	sadd.s32 $0x7C00, s0;
	s8 =	simm.s32 @!p0 $0x14400;
	s13 =	ssub.s32 s3, s9  }
0x7: {  	s10 =	sshrl.u32 s7, $0x3;
	s7 =	sadd.s32 s8, s0;
	s0 =	smax.u32 s13, $0x1  }
0x8: {  	_ =	strace $0x8000004D;
	s14 =	sadd.s32 s7, s10;
	[dreg:$0x4] =	wrdreg s0  }
0x9: {  	s15 =	sadd.s32 $0x80, s14;
	[dreg:$0x3] =	wrdreg s14  }
0xa: {  	s16 =	sadd.s32 $0x100, s14;
	[dreg:$0x5] =	wrdreg s15  }
0xb: {  	s17 =	sadd.s32 $0x180, s14;
	[dreg:$0x6] =	wrdreg s16  }
0xc: {  	s18 =	sadd.s32 $0x200, s14;
	[dreg:$0x7] =	wrdreg s17  }
0xd: {  	s28 =	simm.s32 $0x1A000;
	s19 =	sadd.s32 $0x280, s14;
	[dreg:$0x8] =	wrdreg s18  }
0xe: {  	s29 =	simm.s32 $0x1A800;
	s20 =	sadd.s32 $0x300, s14;
	[dreg:$0x9] =	wrdreg s19  }
0xf: {  	s30 =	simm.s32 $0x1F800;
	s21 =	sadd.s32 $0x380, s14;
	[dreg:$0xa] =	wrdreg s20  }
0x10: {  	s31 =	simm.s32 $0x80;
	s22 =	sadd.s32 $0x400, s14;
	[dreg:$0xb] =	wrdreg s21  }
0x11: {  	s1 =	sshll.u32 s1, $0x4;
	s23 =	sadd.s32 $0x480, s14;
	[dreg:$0xc] =	wrdreg s22  }
.Ltmp0:
0x12: {  	s24 =	sadd.s32 $0x500, s14;
	[dreg:$0xd] =	wrdreg s23;
	(pc) =	sbr.rel .LBB2_1-.Ltmp0, $4  }
0x13: {  	s1 =	sor.u32 s11, s1;
	s25 =	sadd.s32 $0x580, s14;
	[dreg:$0xe] =	wrdreg s24  }
0x14: {  	s9 =	smul.u32 $0x18800, s1;
	s26 =	sadd.s32 $0x600, s14;
	[dreg:$0xf] =	wrdreg s25  }
0x15: {  	v0 =	vimm.f32 $0.0e+00;
	v1 =	vimm.s32 $0x31000;
	s3 =	simm.s32 $0x0;
	s0 =	simm.s32 $0x1;
	[dreg:$0x10] =	wrdreg s26  }
0x16: {  	v2 =	vimm.f32 $1.000000000e+00;
	v3 =	vimm.s32 $0x0;
	v4 =	vlaneseq.u32;
	s24 =	simm.s32 $0x2;
	s25 =	simm.s32 $0x19000;
	s26 =	simm.s32 $0x19800  }
.LBB2_8:
0x17: {  	p0 =	slt.s32 s10, $0x1  }
0x18: {  	s1 =	simm.s32 @!p0 $0x80;
	s3 =	simm.s32 @!p0 $0x1F800;
	s8 =	simm.s32 @!p0 $0x1F880  }
0x19: {  	[hbm4b:s7+s1] =	stream.indirect.scatter @!p0 [tilespmem:s8], [sflag:$0x2], $0x1, s3, s1, $0xb8;
	[tilespmem:$0x1FD00] =	vst v63  }
0x1a: {  	s1 =	simm.s32 @!p0 $0x2  }
0x1b: {  	_ =	swait.ge @!p0 [sflag:s1], $0x80  }
0x1c: {  	[sflag:s1] =	ssyncset.done @!p0 $0x0  }
0x1d: {  	v5 =	vimm.s32 @!p0 $0x31000;
	[sflag:s1] =	ssyncadd.s32 @!p0 $0xFFFFFF80  }
0x1e: {  	s22 =	rddreg [dreg:$0x11];
	[tilespmem:$0x1F800] =	vst @!p0 v5  }
0x1f: {  	s23 =	rddreg [dreg:$0x4];
	s3 =	sadd.s32 $0x1, s22;
	[tilespmem:$0x1F810] =	vst @!p0 v5  }
0x20: {  	[tilespmem:$0x1F820] =	vst @!p0 v5;
	p1 =	sne.s32 s3, s23  }
.Ltmp1:
0x21: {  	[tilespmem:$0x1F830] =	vst @!p0 v5;
	(pc) =	sbr.rel @!p1 .LBB2_9-.Ltmp1, $4  }
0x22: {  	[tilespmem:$0x1F840] =	vst @!p0 v5  }
0x23: {  	[tilespmem:$0x1F850] =	vst @!p0 v5  }
0x24: {  	[tilespmem:$0x1F860] =	vst @!p0 v5  }
0x25: {  	[tilespmem:$0x1F870] =	vst @!p0 v5  }
.LBB2_1:
0x26: {  	[dreg:$0x11] =	wrdreg s3;
	s1 =	simm.s32 $0x40;
	s3 =	simm.s32 $0x0  }
.LBB2_2:
0x27: {  	p0 =	sne.s32 s1, $0xFC0;
	[tilespmem:s3+$0x1F900] =	vst v0;
	s3 =	smov.u32 s1;
	s1 =	sadd.s32 $0x40, s1  }
.Ltmp2:
0x28: {  	(pc) =	sbr.rel @p0 .LBB2_2-.Ltmp2, $2  }
0x29: {  	_ =	sdelay $0x2  }
0x2a: {  	s3 =	sshra.s32 s3, $0x2  }
0x2b: {  	[tilespmem:s3+$0x1F900] =	vst v0;
	s1 =	simm.s32 $0x0;
	s10 =	rddreg [dreg:$0x3];
	s8 =	simm.s32 $0x1F900  }
0x2c: {  	[hbm4b:s10+s1] =	stream.linear.scatter [tilespmem:s8], [sflag:$0x2], $0x400, $0x38;
	[tilespmem:$0x1FD00] =	vst v63  }
0x2d: {  	_ =	swait.ge [sflag:s24], $0x400  }
0x2e: {  	[sflag:s24] =	ssyncset.done $0x0  }
0x2f: {  	s11 =	rddreg [dreg:$0x5];
	[sflag:s24] =	ssyncadd.s32 $0xFFFFFC00  }
0x30: {  	[hbm4b:s11+s1] =	stream.linear.scatter [tilespmem:s8], [sflag:$0x2], $0x400, $0x38;
	[tilespmem:$0x1FD00] =	vst v63  }
0x31: {  	_ =	swait.ge [sflag:s24], $0x400  }
0x32: {  	[sflag:s24] =	ssyncset.done $0x0  }
0x33: {  	s12 =	rddreg [dreg:$0x6];
	[sflag:s24] =	ssyncadd.s32 $0xFFFFFC00  }
0x34: {  	[hbm4b:s12+s1] =	stream.linear.scatter [tilespmem:s8], [sflag:$0x2], $0x400, $0x38;
	[tilespmem:$0x1FD00] =	vst v63  }
0x35: {  	_ =	swait.ge [sflag:s24], $0x400  }
0x36: {  	[sflag:s24] =	ssyncset.done $0x0  }
0x37: {  	s13 =	rddreg [dreg:$0x7];
	[sflag:s24] =	ssyncadd.s32 $0xFFFFFC00  }
0x38: {  	[hbm4b:s13+s1] =	stream.linear.scatter [tilespmem:s8], [sflag:$0x2], $0x400, $0x38;
	[tilespmem:$0x1FD00] =	vst v63  }
0x39: {  	_ =	swait.ge [sflag:s24], $0x400  }
0x3a: {  	[sflag:s24] =	ssyncset.done $0x0  }
0x3b: {  	s14 =	rddreg [dreg:$0x8];
	[sflag:s24] =	ssyncadd.s32 $0xFFFFFC00  }
0x3c: {  	[hbm4b:s14+s1] =	stream.linear.scatter [tilespmem:s8], [sflag:$0x2], $0x400, $0x38;
	[tilespmem:$0x1FD00] =	vst v63  }
0x3d: {  	_ =	swait.ge [sflag:s24], $0x400  }
0x3e: {  	[sflag:s24] =	ssyncset.done $0x0  }
0x3f: {  	s15 =	rddreg [dreg:$0x9];
	[sflag:s24] =	ssyncadd.s32 $0xFFFFFC00  }
0x40: {  	[hbm4b:s15+s1] =	stream.linear.scatter [tilespmem:s8], [sflag:$0x2], $0x400, $0x38;
	[tilespmem:$0x1FD00] =	vst v63  }
0x41: {  	_ =	swait.ge [sflag:s24], $0x400  }
0x42: {  	[sflag:s24] =	ssyncset.done $0x0  }
0x43: {  	s16 =	rddreg [dreg:$0xa];
	[sflag:s24] =	ssyncadd.s32 $0xFFFFFC00  }
0x44: {  	[hbm4b:s16+s1] =	stream.linear.scatter [tilespmem:s8], [sflag:$0x2], $0x400, $0x38;
	[tilespmem:$0x1FD00] =	vst v63  }
0x45: {  	_ =	swait.ge [sflag:s24], $0x400  }
0x46: {  	[sflag:s24] =	ssyncset.done $0x0  }
0x47: {  	s17 =	rddreg [dreg:$0xb];
	[sflag:s24] =	ssyncadd.s32 $0xFFFFFC00  }
0x48: {  	[hbm4b:s17+s1] =	stream.linear.scatter [tilespmem:s8], [sflag:$0x2], $0x400, $0x38;
	[tilespmem:$0x1FD00] =	vst v63  }
0x49: {  	_ =	swait.ge [sflag:s24], $0x400  }
0x4a: {  	[sflag:s24] =	ssyncset.done $0x0  }
0x4b: {  	s18 =	rddreg [dreg:$0xc];
	[sflag:s24] =	ssyncadd.s32 $0xFFFFFC00  }
0x4c: {  	[hbm4b:s18+s1] =	stream.linear.scatter [tilespmem:s8], [sflag:$0x2], $0x400, $0x38;
	[tilespmem:$0x1FD00] =	vst v63  }
0x4d: {  	_ =	swait.ge [sflag:s24], $0x400  }
0x4e: {  	[sflag:s24] =	ssyncset.done $0x0  }
0x4f: {  	s19 =	rddreg [dreg:$0xd];
	[sflag:s24] =	ssyncadd.s32 $0xFFFFFC00  }
0x50: {  	[hbm4b:s19+s1] =	stream.linear.scatter [tilespmem:s8], [sflag:$0x2], $0x400, $0x38;
	[tilespmem:$0x1FD00] =	vst v63  }
0x51: {  	_ =	swait.ge [sflag:s24], $0x400  }
0x52: {  	[sflag:s24] =	ssyncset.done $0x0  }
0x53: {  	s20 =	rddreg [dreg:$0xe];
	[sflag:s24] =	ssyncadd.s32 $0xFFFFFC00  }
0x54: {  	[hbm4b:s20+s1] =	stream.linear.scatter [tilespmem:s8], [sflag:$0x2], $0x400, $0x38;
	[tilespmem:$0x1FD00] =	vst v63  }
0x55: {  	_ =	swait.ge [sflag:s24], $0x400  }
0x56: {  	[sflag:s24] =	ssyncset.done $0x0  }
0x57: {  	s21 =	rddreg [dreg:$0xf];
	[sflag:s24] =	ssyncadd.s32 $0xFFFFFC00  }
0x58: {  	[hbm4b:s21+s1] =	stream.linear.scatter [tilespmem:s8], [sflag:$0x2], $0x400, $0x38;
	[tilespmem:$0x1FD00] =	vst v63  }
0x59: {  	_ =	swait.ge [sflag:s24], $0x400  }
0x5a: {  	[sflag:s24] =	ssyncset.done $0x0  }
0x5b: {  	s22 =	rddreg [dreg:$0x10];
	[sflag:s24] =	ssyncadd.s32 $0xFFFFFC00  }
0x5c: {  	[hbm4b:s22+s1] =	stream.linear.scatter [tilespmem:s8], [sflag:$0x2], $0x108, $0x38;
	[tilespmem:$0x1FD00] =	vst v63  }
0x5d: {  	_ =	swait.ge [sflag:s24], $0x108  }
0x5e: {  	[sflag:s24] =	ssyncset.done $0x0  }
0x5f: {  	[sflag:s24] =	ssyncadd.s32 $0xFFFFFEF8  }
0x60: {  	[tilespmem:$0x1F800] =	vst v1  }
0x61: {  	[tilespmem:$0x1F880] =	vst v2  }
0x62: {  	[tilespmem:$0x1F810] =	vst v1  }
0x63: {  	[tilespmem:$0x1F890] =	vst v2  }
0x64: {  	[tilespmem:$0x1F820] =	vst v1  }
0x65: {  	[tilespmem:$0x1F8A0] =	vst v2  }
0x66: {  	[tilespmem:$0x1F830] =	vst v1  }
0x67: {  	[tilespmem:$0x1F8B0] =	vst v2  }
0x68: {  	[tilespmem:$0x1F840] =	vst v1  }
0x69: {  	[tilespmem:$0x1F8C0] =	vst v2  }
0x6a: {  	[tilespmem:$0x1F850] =	vst v1  }
0x6b: {  	[tilespmem:$0x1F8D0] =	vst v2  }
0x6c: {  	[tilespmem:$0x1F860] =	vst v1  }
0x6d: {  	[tilespmem:$0x1F8E0] =	vst v2  }
0x6e: {  	[tilespmem:$0x1F870] =	vst v1  }
0x6f: {  	[tilespmem:$0x1F8F0] =	vst v2;
	s23 =	rddreg [dreg:$0x1]  }
0x70: {  	[tilespmem:s1], [sflag:$0x2] =	stream.linear.gather [hbm4b:s23+s1], $0x18800, $0x38;
	[tilespmem:$0x1FD00] =	vst v63  }
.Ltmp3:
0x71: {  	_ =	swait.ge [sflag:s24], $0x18800;
	(pc) =	sbr.rel .LBB2_4-.Ltmp3, $4  }
0x72: {  	[sflag:s24] =	ssyncset.done $0x0  }
0x73: {  	[sflag:s24] =	ssyncadd.s32 $0xFFFE7800  }
0x74: {  	[bflag:$0x0] =	sbarrier.arrive $0xFFFF  }
0x75: {  	s10 =	simm.s32 $0x0;
	s11 =	simm.s32 $0x0  }
.LBB2_7:
0x76: {  	s11 =	sadd.s32 $0x1, s11  }
0x77: {  	p0 =	sne.s32 s11, $0x31  }
.Ltmp4:
0x78: {  	_ = 	snop;
	(pc) =	sbr.rel @!p0 .LBB2_8-.Ltmp4, $1  }
0x79: {  	_ =	sdelay $0x3  }
.LBB2_4:
0x7a: {  	s3 =	sshll.u32 s11, $0xB  }
0x7b: {  	s3 =	sadd.s32 s9, s3  }
0x7c: {  	s8 =	sshrl.u32 s3, $0x3  }
0x7d: {  	s23 =	simm.s32 $0x18800;
	s12 =	sadd.s32 s4, s8  }
0x7e: {  	[tilespmem:s23], [sflag:$0x2] =	stream.linear.gather [hbm4b:s12+s1], $0x800, $0x38;
	[tilespmem:$0x1FD00] =	vst v63  }
0x7f: {  	_ =	swait.ge [sflag:s24], $0x800  }
0x80: {  	[sflag:s24] =	ssyncset.done $0x0  }
0x81: {  	s8 =	sadd.s32 s5, s8;
	[sflag:s24] =	ssyncadd.s32 $0xFFFFF800  }
0x82: {  	[tilespmem:s25], [sflag:$0x2] =	stream.linear.gather [hbm4b:s8+s1], $0x800, $0x38;
	[tilespmem:$0x1FD00] =	vst v63  }
0x83: {  	_ =	swait.ge [sflag:s24], $0x800  }
0x84: {  	[sflag:s24] =	ssyncset.done $0x0  }
0x85: {  	[sflag:s24] =	ssyncadd.s32 $0xFFFFF800  }
0x86: {  	v5 =	vld [tilespmem:s23+$0x0];
	_ =	sdelay $0x4  }
0x87: {  	v6 =	vadd.s32 $0x1, v5;
	_ =	sdelay $0x3  }
0x88: {  	v5 =	vld.idx.msk [tilespmem:v5+s2+$0x0], $0xffff  }
0x89: {  	v6 =	vld.idx.msk [tilespmem:v6+s2+$0x0], $0xffff;
	_ =	sdelay $0x4  }
0x8a: {  	vm0 =	vgt.s32 v6, v5  }
0x8b: {  	v7 =	vsel vm0, $0x1, v3  }
0x8c: {  	(xrf0) =	vadd.scan.msk.s32 $0xffff, v7;
	_ =	sdelay $0x2  }
0x8d: {  	v7 =	vmov s1  }
0x8e: {  	v7 =	vadd.s32 $0xFFFFFFFF, v7  }
0x8f: {  	v7 =	vbroadcast v7, $0x0  }
0x90: {  	v8, _, _ =	vpop (xrf0)  }
0x91: {  	v7 =	vadd.s32 v8, v7;
	(v2sf) =	vpush v8, $0xF;
	_ =	sdelay $0x4  }
0x92: {  	[tilespmem:v7+s26+$0x0] =	vst.idx.msk vm0, v5  }
0x93: {  	v5 =	vor.u32 s1, v4;
	[tilespmem:v7+s28+$0x0] =	vst.idx.msk vm0, v6  }
0x94: {  	s13 =	simm.s32 $0x18810;
	[tilespmem:v7+s29+$0x0] =	vst.idx.msk vm0, v5  }
0x95: {  	s14 =	simm.s32 $0x20;
	s12 =	simm.s32 $0x10;
	s8 =	simm.s32 $0x0;
	v5 =	vld [tilespmem:s13+$0x0]  }
.LBB2_5:
0x96: {  	p0 =	seq.s32 s14, $0x7F0;
	_ =	sdelay $0x3  }
0x97: {  	v6 =	vadd.s32 $0x1, v5;
	_ =	sdelay $0x1  }
0x98: {  	s3 =	spop (v2sf)  }
0x99: {  	s8 =	sadd.s32 s8, s3  }
0x9a: {  	v5 =	vld.idx.msk [tilespmem:v5+s2+$0x0], $0xffff;
	v7 =	vmov s8  }
0x9b: {  	v6 =	vld.idx.msk [tilespmem:v6+s2+$0x0], $0xffff;
	v7 =	vadd.s32 $0xFFFFFFFF, v7  }
0x9c: {  	v7 =	vbroadcast v7, $0x0;
	_ =	sdelay $0x4  }
0x9d: {  	vm0 =	vgt.s32 v6, v5  }
0x9e: {  	v8 =	vsel vm0, $0x1, v3  }
0x9f: {  	(xrf0) =	vadd.scan.msk.s32 $0xffff, v8;
	_ =	sdelay $0x5  }
0xa0: {  	v8, _, _ =	vpop (xrf0)  }
0xa1: {  	v7 =	vadd.s32 v8, v7;
	(v2sf) =	vpush v8, $0xF;
	_ =	sdelay $0x3  }
.Ltmp5:
0xa2: {  	(pc) =	sbr.rel @!p0 .LBB2_5-.Ltmp5, $4  }
0xa3: {  	[tilespmem:v7+s26+$0x0] =	vst.idx.msk vm0, v5  }
0xa4: {  	v5 =	vor.u32 s12, v4;
	s12 =	smov.u32 s14;
	[tilespmem:v7+s28+$0x0] =	vst.idx.msk vm0, v6  }
0xa5: {  	s13 =	sadd.s32 $0x10, s13;
	[tilespmem:v7+s29+$0x0] =	vst.idx.msk vm0, v5  }
0xa6: {  	s14 =	sadd.s32 $0x10, s14;
	v5 =	vld [tilespmem:s13+$0x0]  }
0xa7: {  	_ =	sdelay $0x3  }
0xa8: {  	v6 =	vadd.s32 $0x1, v5;
	_ =	sdelay $0x3  }
0xa9: {  	v5 =	vld.idx.msk [tilespmem:v5+s2+$0x0], $0xffff  }
0xaa: {  	v6 =	vld.idx.msk [tilespmem:v6+s2+$0x0], $0xffff;
	_ =	sdelay $0x4  }
0xab: {  	vm0 =	vgt.s32 v6, v5  }
0xac: {  	v7 =	vsel vm0, $0x1, v3  }
0xad: {  	(xrf0) =	vadd.scan.msk.s32 $0xffff, v7;
	_ =	sdelay $0x5  }
0xae: {  	v7, _, _ =	vpop (xrf0)  }
0xaf: {  	(v2sf) =	vpush v7, $0xF;
	_ =	sdelay $0x4  }
0xb0: {  	s3 =	spop (v2sf)  }
0xb1: {  	s3 =	sadd.s32 s8, s3  }
0xb2: {  	v8 =	vmov s3  }
0xb3: {  	v8 =	vadd.s32 $0xFFFFFFFF, v8  }
0xb4: {  	v8 =	vbroadcast v8, $0x0;
	_ =	sdelay $0x1  }
0xb5: {  	v7 =	vadd.s32 v7, v8;
	_ =	sdelay $0x3  }
0xb6: {  	s23 =	spop (v2sf)  }
0xb7: {  	[tilespmem:v7+s26+$0x0] =	vst.idx.msk vm0, v5;
	v5 =	vor.u32 s12, v4;
	s12 =	sadd.s32 s3, s23  }
0xb8: {  	p0 =	sgt.s32 s12, $0x0  }
.Ltmp6:
0xb9: {  	_ = 	snop;
	(pc) =	sbr.rel @p0 .LBB2_11-.Ltmp6, $4  }
.Ltmp7:
0xba: {  	_ = 	snop;
	(pc) =	sbr.rel @!p0 .LBB2_7-.Ltmp7, $4  }
0xbb: {  	_ = 	snop  }
0xbc: {  	[tilespmem:v7+s28+$0x0] =	vst.idx.msk vm0, v6  }
0xbd: {  	[tilespmem:v7+s29+$0x0] =	vst.idx.msk vm0, v5  }
0xbe: {  	_ = 	snop  }
.LBB2_31:
0xbf: {  	[sflag:s3] =	ssyncadd.s32 @!p1 $0xFFFFFF80  }
0xc0: {  	[tilespmem:$0x1F800] =	vst @!p1 v5  }
0xc1: {  	[tilespmem:$0x1F870] =	vst @!p1 v5  }
0xc2: {  	[tilespmem:$0x1F860] =	vst @!p1 v5  }
0xc3: {  	[tilespmem:$0x1F850] =	vst @!p1 v5  }
0xc4: {  	[tilespmem:$0x1F840] =	vst @!p1 v5  }
0xc5: {  	[tilespmem:$0x1F830] =	vst @!p1 v5  }
0xc6: {  	[tilespmem:$0x1F820] =	vst @!p1 v5  }
0xc7: {  	[tilespmem:$0x1F810] =	vst @!p1 v5  }
.LBB2_10:
0xc8: {  	p0 =	slt.s32 s12, $0x1  }
.Ltmp8:
0xc9: {  	_ = 	snop;
	(pc) =	sbr.rel @p0 .LBB2_7-.Ltmp8, $1  }
0xca: {  	_ =	sdelay $0x3  }
.LBB2_11:
0xcb: {  	p0 =	sgt.u32 s12, $0x1800  }
.Ltmp9:
0xcc: {  	_ = 	snop;
	(pc) =	sbr.rel @p0 .LBB2_19-.Ltmp9, $2  }
0xcd: {  	_ =	sdelay $0x2  }
0xce: {  	s14 =	simm.s32 $0x0;
	s13 =	simm.s32 $0x0  }
.LBB2_12:
0xcf: {  	s3 =	simm.s32 $0x19800  }
0xd0: {  	s8 =	simm.s32 $0x1A000;
	s15 =	sadd.s32 $0xF, s12;
	v8 =	vld [tilespmem:s3+$0x0]  }
0xd1: {  	v5 =	vld [tilespmem:s8+$0x0];
	s23 =	sshrl.u32 s15, $0x4  }
0xd2: {  	p1 =	sne.s32 s23, $0x1  }
.Ltmp10:
0xd3: {  	_ = 	snop;
	(pc) =	sbr.rel @!p1 .LBB2_13-.Ltmp10, $4  }
0xd4: {  	_ = 	snop  }
0xd5: {  	s22 =	sshll.u32 s13, $0x2;
	v7 =	vmov s12;
	v9 =	vor.u32 s14, v4;
	v6 =	vadd.s32 $0x1, v8  }
0xd6: {  	s17 =	simm.s32 $0x1A800;
	p0 =	por $0x0, $0x0;
	s3 =	sshra.s32 s22, $0x2;
	vm1 =	vlt.s32 v9, v7;
	vm0 =	vlt.s32 v6, v5  }
0xd7: {  	s18 =	sadd.s32 $0x1B000, s3;
	s16 =	sadd.s32 $0x1C800, s3;
	s12 =	sadd.s32 $0xFFFFFFFF, s23;
	v8 =	vnsel vm1, $0x31000, v8;
	vm0 =	vmand vm1, vm0  }
0xd8: {  	v9 =	vsel vm0, $0x1, v3  }
0xd9: {  	(xrf0) =	vadd.scan.msk.s32 $0xffff, v9;
	_ =	sdelay $0x2  }
0xda: {  	v9 =	vmov s14  }
0xdb: {  	v9 =	vadd.s32 $0xFFFFFFFF, v9  }
0xdc: {  	v10 =	vld [tilespmem:s17+$0x0];
	v9 =	vbroadcast v9, $0x0  }
0xdd: {  	v11, _, _ =	vpop (xrf0)  }
0xde: {  	(v2sf) =	vpush v11, $0xF;
	v9 =	vadd.s32 v11, v9;
	_ =	sdelay $0x2  }
0xdf: {  	[tilespmem:s18+$0x0] =	vst v8;
	v8 =	vnsel vm1, $0x0, v10  }
0xe0: {  	[tilespmem:s16+$0x0] =	vst v8  }
0xe1: {  	[tilespmem:v9+s26+$0x0] =	vst.idx.msk vm0, v6  }
0xe2: {  	[tilespmem:v9+s28+$0x0] =	vst.idx.msk vm0, v5  }
0xe3: {  	s19 =	simm.s32 $0x19810;
	[tilespmem:v9+s29+$0x0] =	vst.idx.msk vm0, v10  }
0xe4: {  	s20 =	simm.s32 $0x1A010;
	v8 =	vld [tilespmem:s19+$0x0]  }
0xe5: {  	v5 =	vld [tilespmem:s20+$0x0]  }
0xe6: {  	p1 =	sne.s32 s12, $0x1  }
.Ltmp11:
0xe7: {  	_ = 	snop;
	(pc) =	sbr.rel @!p1 .LBB2_15-.Ltmp11, $4  }
0xe8: {  	s8 =	simm.s32 $0x10  }
0xe9: {  	s23 =	sadd.s32 $0xFFFFFFFF, s12;
	v9 =	vor.u32 s8, v4;
	v6 =	vadd.s32 $0x1, v8  }
0xea: {  	p0 =	por $0x1, $0x1;
	s21 =	simm.s32 $0x0;
	s22 =	simm.s32 $0x1A800;
	vm1 =	vlt.s32 v9, v7;
	vm0 =	vlt.s32 v6, v5  }
0xeb: {  	s12 =	smov.u32 s18;
	s16 =	sadd.s32 $0x10, s16;
	v8 =	vnsel vm1, $0x31000, v8;
	s3 =	spop (v2sf);
	vm0 =	vmand vm1, vm0  }
.LBB2_16:
0xec: {  	v9 =	vsel vm0, $0x1, v3;
	s21 =	sadd.s32 s21, s3;
	s22 =	sadd.s32 $0x10, s22;
	s12 =	sadd.s32 $0x10, s12  }
0xed: {  	p1 =	sne.s32 s23, $0x1;
	s23 =	sadd.s32 $0xFFFFFFFF, s23;
	v10 =	vmov s21;
	(xrf0) =	vadd.scan.msk.s32 $0xffff, v9  }
0xee: {  	v9 =	vadd.s32 $0xFFFFFFFF, v10;
	_ =	sdelay $0x3  }
0xef: {  	v9 =	vbroadcast v9, $0x0;
	v10 =	vld [tilespmem:s22+$0x0]  }
0xf0: {  	v11, _, _ =	vpop (xrf0)  }
0xf1: {  	v9 =	vadd.s32 v11, v9;
	(v2sf) =	vpush v11, $0xF;
	_ =	sdelay $0x2  }
0xf2: {  	[tilespmem:s12+$0x0] =	vst v8;
	v8 =	vnsel vm1, $0x0, v10  }
0xf3: {  	[tilespmem:s16+$0x0] =	vst v8  }
0xf4: {  	[tilespmem:v9+s26+$0x0] =	vst.idx.msk vm0, v6  }
0xf5: {  	[tilespmem:v9+s28+$0x0] =	vst.idx.msk vm0, v5  }
0xf6: {  	s19 =	sadd.s32 $0x10, s19;
	[tilespmem:v9+s29+$0x0] =	vst.idx.msk vm0, v10  }
0xf7: {  	s20 =	sadd.s32 $0x10, s20;
	v6 =	vld [tilespmem:s19+$0x0]  }
0xf8: {  	v5 =	vld [tilespmem:s20+$0x0]  }
0xf9: {  	s8 =	sadd.s32 $0x10, s8  }
.Ltmp12:
0xfa: {  	v8 =	vor.u32 s8, v4;
	(pc) =	sbr.rel @p1 .LBB2_16-.Ltmp12, $4  }
0xfb: {  	vm1 =	vlt.s32 v8, v7  }
0xfc: {  	v8 =	vnsel vm1, $0x31000, v6;
	v6 =	vadd.s32 $0x1, v6  }
0xfd: {  	vm0 =	vlt.s32 v6, v5  }
0xfe: {  	s16 =	sadd.s32 $0x10, s16;
	vm0 =	vmand vm1, vm0;
	s3 =	spop (v2sf)  }
.LBB2_17:
0xff: {  	v7 =	vsel vm0, $0x1, v3  }
0x100: {  	(xrf0) =	vadd.scan.msk.s32 $0xffff, v7;
	_ =	sdelay $0x5  }
0x101: {  	v7, _, _ =	vpop (xrf0)  }
0x102: {  	(v2sf) =	vpush v7, $0xF;
	_ =	sdelay $0xa  }
0x103: {  	s3 =	sadd.s32 @p0 s21, s3;
	s8 =	simm.s32 $0x0  }
0x104: {  	s8 =	smov.u32 @p0 s3  }
0x105: {  	s3 =	sadd.s32 @p0 $0x10, s22;
	v9 =	vmov s8  }
0x106: {  	s17 =	smov.u32 @p0 s3;
	v9 =	vadd.s32 $0xFFFFFFFF, v9  }
0x107: {  	s15 =	sand.u32 $0xFFFFFFF0, s15;
	v10 =	vld [tilespmem:s17+$0x0];
	v9 =	vbroadcast v9, $0x0;
	s23 =	spop (v2sf)  }
0x108: {  	s13 =	sadd.s32 s13, s15;
	s3 =	sadd.s32 @p0 $0x10, s12;
	s12 =	sadd.s32 s8, s23  }
0x109: {  	s18 =	smov.u32 @p0 s3;
	v7 =	vadd.s32 v7, v9;
	p0 =	slt.s32 s12, $0x1;
	s3 =	sadd.s32 s12, s13  }
0x10a: {  	p1 =	slt.s32 @!p0 s3, $0x1801  }
0x10b: {  	p1 =	por p0, !p1  }
.Ltmp13:
0x10c: {  	[tilespmem:s18+$0x0] =	vst v8;
	v63 =	vnsel vm1, $0x0, v10;
	(pc) =	sbr.rel @!p1 .LBB2_12-.Ltmp13, $4  }
.Ltmp14:
0x10d: {  	[tilespmem:s16+$0x0] =	vst v63;
	(pc) =	sbr.rel @p1 .LBB2_18-.Ltmp14, $4  }
0x10e: {  	[tilespmem:v7+s26+$0x0] =	vst.idx.msk vm0, v6  }
0x10f: {  	[tilespmem:v7+s28+$0x0] =	vst.idx.msk vm0, v5  }
0x110: {  	[tilespmem:v7+s29+$0x0] =	vst.idx.msk vm0, v10  }
0x111: {  	_ = 	snop  }
.LBB2_13:
.Ltmp15:
0x112: {  	(pc) =	sbr.rel .LBB2_17-.Ltmp15, $2  }
0x113: {  	_ =	sdelay $0x2  }
0x114: {  	s21 =	simm.s32 $0x0;
	s22 =	simm.s32 $0x1A800;
	s12 =	smov.u32 s18  }
.LBB2_15:
.Ltmp16:
0x115: {  	(pc) =	sbr.rel .LBB2_17-.Ltmp16, $2  }
0x116: {  	_ =	sdelay $0x2  }
0x117: {  	s21 =	simm.s32 $0x0;
	s22 =	simm.s32 $0x1A800;
	s12 =	smov.u32 s18  }
.LBB2_18:
0x118: {  	s13 =	smov.u32 @p0 s13  }
0x119: {  	s12 =	smov.u32 @p0 s12;
	s14 =	smov.u32 s13  }
.LBB2_19:
0x11a: {  	s3 =	sadd.s32 $0x70, s14  }
0x11b: {  	s8 =	sand.u32 $0xFFFFFF80, s3  }
0x11c: {  	p0 =	seq.s32 s8, s14  }
.Ltmp17:
0x11d: {  	_ = 	snop;
	(pc) =	sbr.rel @p0 .LBB2_22-.Ltmp17, $1  }
0x11e: {  	_ =	sdelay $0x3  }
0x11f: {  	s8 =	ssub.s32 s8, s14  }
0x120: {  	s8 =	sshrl.u32 s8, $0x4  }
0x121: {  	s8 =	smax.u32 s8, $0x1  }
0x122: {  	s8 =	ssub.s32 $0x0, s8  }
0x123: {  	s8 =	sadd.s32 $0x1, s8  }
0x124: {  	p0 =	seq.s32 s8, $0x0  }
.Ltmp18:
0x125: {  	_ = 	snop;
	(pc) =	sbr.rel @p0 .LBB2_22-.Ltmp18, $3  }
0x126: {  	_ =	sdelay $0x1  }
0x127: {  	s13 =	sadd.s32 $0x1B000, s14  }
0x128: {  	[tilespmem:s13+$0x0] =	vst v1  }
.LBB2_21:
0x129: {  	s8 =	sadd.s32 $0x1, s8  }
0x12a: {  	p0 =	seq.s32 s8, $0x0  }
.Ltmp19:
0x12b: {  	_ = 	snop;
	(pc) =	sbr.rel @!p0 .LBB2_21-.Ltmp19, $3  }
0x12c: {  	_ =	sdelay $0x1  }
0x12d: {  	s13 =	sadd.s32 $0x10, s13  }
0x12e: {  	[tilespmem:s13+$0x0] =	vst v1  }
.LBB2_22:
0x12f: {  	s3 =	sshrl.u32 s3, $0x7  }
0x130: {  	p0 =	seq.s32 s3, $0x0  }
.Ltmp20:
0x131: {  	_ = 	snop;
	(pc) =	sbr.rel @p0 .LBB2_28-.Ltmp20, $1  }
0x132: {  	_ =	sdelay $0x3  }
0x133: {  	p0 =	sne.s32 s3, $0x1  }
.Ltmp21:
0x134: {  	_ = 	snop;
	(pc) =	sbr.rel @!p0 .LBB2_25-.Ltmp21, $3  }
0x135: {  	_ =	sdelay $0x1  }
0x136: {  	s8 =	simm.s32 $0x1E000;
	s13 =	simm.s32 $0x1B000;
	s15 =	sadd.s32 $0xFFFFFFFF, s3  }
0x137: {  	[tilespmem:s8], [sflag:$0x1] =	stream.indirect.gather [hbm4b:s6+s31], $0x1, s13, s31, $0xb8;
	[tilespmem:$0x1FD00] =	vst v63  }
.LBB2_24:
0x138: {  	p1 =	sne.s32 s15, $0x1  }
.Ltmp22:
0x139: {  	_ = 	snop;
	(pc) =	sbr.rel @p1 .LBB2_24-.Ltmp22, $4  }
0x13a: {  	_ = 	snop  }
0x13b: {  	s8 =	sadd.s32 $0x80, s8;
	s13 =	sadd.s32 $0x80, s13  }
0x13c: {  	s15 =	sadd.s32 $0xFFFFFFFF, s15  }
0x13d: {  	[tilespmem:s8], [sflag:$0x1] =	stream.indirect.gather [hbm4b:s6+s31], $0x1, s13, s31, $0xb8;
	[tilespmem:$0x1FD00] =	vst v63  }
.LBB2_25:
.Ltmp23:
0x13e: {  	(pc) =	sbr.rel @!p0 .LBB2_27-.Ltmp23, $3  }
0x13f: {  	_ =	sdelay $0x1  }
0x140: {  	_ =	swait.ge [sflag:s0], $0x80  }
0x141: {  	s3 =	sadd.s32 $0xFFFFFFFF, s3;
	[sflag:s0] =	ssyncset.done $0x0  }
.LBB2_26:
0x142: {  	p0 =	sne.s32 s3, $0x1;
	s3 =	sadd.s32 $0xFFFFFFFF, s3;
	[sflag:s0] =	ssyncadd.s32 $0xFFFFFF80  }
.Ltmp24:
0x143: {  	(pc) =	sbr.rel @p0 .LBB2_26-.Ltmp24, $3  }
0x144: {  	_ =	sdelay $0x1  }
0x145: {  	_ =	swait.ge [sflag:s0], $0x80  }
0x146: {  	[sflag:s0] =	ssyncset.done $0x0  }
.LBB2_27:
0x147: {  	[sflag:s0] =	ssyncadd.s32 $0xFFFFFF80  }
.LBB2_28:
0x148: {  	p0 =	seq.s32 s14, $0x0  }
.Ltmp25:
0x149: {  	_ = 	snop;
	(pc) =	sbr.rel @p0 .LBB2_10-.Ltmp25, $1  }
0x14a: {  	_ =	sdelay $0x3  }
0x14b: {  	s3 =	simm.s32 $0x1C800  }
0x14c: {  	v5 =	vld [tilespmem:s3+$0x0];
	_ =	sdelay $0x4  }
0x14d: {  	s13 =	simm.s32 $0x1B000  }
0x14e: {  	s21 =	simm.s32 $0x1E000;
	v6 =	vld [tilespmem:s13+$0x0]  }
0x14f: {  	v7 =	vld [tilespmem:s21+$0x0]  }
0x150: {  	v5 =	vld.idx.msk [tilespmem:v5+s25+$0x0], $0xffff;
	_ =	sdelay $0x4  }
0x151: {  	vm0 =	vne.s32 v6, $0x31000;
	vm1 =	veq.s32 v7, v5  }
0x152: {  	vm0 =	vmand vm0, vm1  }
0x153: {  	v5 =	vsel vm0, $0x1, v3  }
0x154: {  	(xrf0) =	vadd.scan.msk.s32 $0xffff, v5;
	_ =	sdelay $0x5  }
0x155: {  	v5, _, _ =	vpop (xrf0)  }
0x156: {  	(v2sf) =	vpush v5, $0xF;
	_ =	sdelay $0x8  }
0x157: {  	v7 =	vmov s10  }
0x158: {  	v7 =	vadd.s32 $0xFFFFFFFF, v7  }
0x159: {  	v7 =	vbroadcast v7, $0x0;
	_ =	sdelay $0x1  }
0x15a: {  	v5 =	vadd.s32 v5, v7;
	_ =	sdelay $0x1  }
0x15b: {  	s22 =	spop (v2sf)  }
0x15c: {  	s8 =	sshrl.u32 s14, $0x4;
	s10 =	sadd.s32 s10, s22  }
0x15d: {  	s23 =	smax.u32 s8, $0x1;
	p1 =	slt.s32 s10, $0x70  }
0x15e: {  	[tilespmem:v5+s30+$0x0] =	vst.idx.msk vm0, v6;
	s8 =	simm.s32 @!p1 $0x80;
	s14 =	simm.s32 @!p1 $0x1F800;
	s15 =	simm.s32 @!p1 $0x1F880  }
0x15f: {  	[hbm4b:s7+s8] =	stream.indirect.scatter @!p1 [tilespmem:s15], [sflag:$0x2], $0x1, s14, s8, $0xb8;
	[tilespmem:$0x1FD00] =	vst v63  }
0x160: {  	s14 =	sadd.s32 $0xFFFFFFFF, s23  }
0x161: {  	p0 =	seq.s32 s14, $0x0  }
.Ltmp26:
0x162: {  	_ = 	snop;
	(pc) =	sbr.rel @p0 .LBB2_31-.Ltmp26, $4  }
0x163: {  	_ = 	snop  }
0x164: {  	s3 =	simm.s32 @!p1 $0x2  }
0x165: {  	s16 =	simm.s32 $0x1C810;
	_ =	swait.ge @!p1 [sflag:s3], $0x80  }
0x166: {  	s10 =	simm.s32 @!p1 $0x0;
	v5 =	vimm.s32 @!p1 $0x31000;
	s15 =	simm.s32 $0x1E010;
	[sflag:s3] =	ssyncset.done @!p1 $0x0  }
.LBB2_30:
0x167: {  	s14 =	sadd.s32 $0xFFFFFFFF, s14;
	[sflag:s3] =	ssyncadd.s32 @!p1 $0xFFFFFF80;
	s13 =	sadd.s32 $0x10, s13  }
0x168: {  	p0 =	seq.s32 s14, $0x0;
	[tilespmem:$0x1F800] =	vst @!p1 v5  }
0x169: {  	[tilespmem:$0x1F870] =	vst @!p1 v5  }
0x16a: {  	[tilespmem:$0x1F860] =	vst @!p1 v5  }
0x16b: {  	[tilespmem:$0x1F850] =	vst @!p1 v5  }
0x16c: {  	[tilespmem:$0x1F840] =	vst @!p1 v5  }
0x16d: {  	[tilespmem:$0x1F830] =	vst @!p1 v5  }
0x16e: {  	[tilespmem:$0x1F820] =	vst @!p1 v5  }
0x16f: {  	[tilespmem:$0x1F810] =	vst @!p1 v5  }
0x170: {  	v5 =	vld [tilespmem:s16+$0x0];
	_ =	sdelay $0x6  }
0x171: {  	v6 =	vld [tilespmem:s13+$0x0]  }
0x172: {  	v5 =	vld.idx.msk [tilespmem:v5+s25+$0x0], $0xffff  }
0x173: {  	v7 =	vld [tilespmem:s15+$0x0];
	_ =	sdelay $0x4  }
0x174: {  	vm0 =	vne.s32 v6, $0x31000;
	vm1 =	veq.s32 v7, v5  }
0x175: {  	vm0 =	vmand vm0, vm1  }
0x176: {  	v5 =	vsel vm0, $0x1, v3  }
0x177: {  	(xrf0) =	vadd.scan.msk.s32 $0xffff, v5;
	_ =	sdelay $0x2  }
0x178: {  	v5 =	vmov s10  }
0x179: {  	v5 =	vadd.s32 $0xFFFFFFFF, v5  }
0x17a: {  	v5 =	vbroadcast v5, $0x0  }
0x17b: {  	v7, _, _ =	vpop (xrf0)  }
0x17c: {  	v5 =	vadd.s32 v7, v5;
	(v2sf) =	vpush v7, $0xF;
	_ =	sdelay $0x4  }
0x17d: {  	[tilespmem:v5+s30+$0x0] =	vst.idx.msk vm0, v6;
	_ =	sdelay $0x9  }
0x17e: {  	s3 =	spop (v2sf)  }
0x17f: {  	s10 =	sadd.s32 s10, s3  }
0x180: {  	p1 =	slt.s32 s10, $0x70  }
0x181: {  	s3 =	simm.s32 @!p1 $0x80  }
.Ltmp27:
0x182: {  	s8 =	simm.s32 @!p1 $0x1F800;
	s17 =	simm.s32 @!p1 $0x1F880;
	v5 =	vimm.s32 @!p1 $0x31000;
	(pc) =	sbr.rel @!p0 .LBB2_30-.Ltmp27, $4  }
0x183: {  	[hbm4b:s7+s3] =	stream.indirect.scatter @!p1 [tilespmem:s17], [sflag:$0x2], $0x1, s8, s3, $0xb8;
	[tilespmem:$0x1FD00] =	vst v63  }
0x184: {  	s10 =	simm.s32 @!p1 $0x0;
	s3 =	simm.s32 @!p1 $0x2  }
0x185: {  	_ =	swait.ge @!p1 [sflag:s3], $0x80  }
0x186: {  	s16 =	sadd.s32 $0x10, s16;
	s15 =	sadd.s32 $0x10, s15;
	[sflag:s3] =	ssyncset.done @!p1 $0x0  }
.Ltmp28:
0x187: {  	_ = 	snop;
	(pc) =	sbr.rel .LBB2_31-.Ltmp28, $1  }
0x188: {  	_ =	sdelay $0x3  }
.LBB2_9:
0x189: {  	_ =	sfence.sel $0x180000  }
0x18a: {  	[bflag:$0x0] =	sbarrier.arrive $0xFFFF  }
0x18b: {  	_ =	strace $0x9000004D  }
0x18c: {  	s0 =	stileid.u32;
	[bflag:$0x2] =	sbarrier.arrive $0xFFFF  }
0x18d: {  	p0 =	sne.s32 s0, $0x0;
	s0 =	rddreg [dreg:$0x2]  }
0x18e: {  	s0 =	sadd.s32 @!p0 $0x100000, s0  }
0x18f: {  	[sflag:s0] =	ssyncadd.tile.s32 @!p0 $0x1;
	_ =	shalt  }
.Lfunc_end2:
_tile_overlayer_lowered:
.L_overlay_start_2:
0x190: {  	(tag) =	ssettag $0x2  }
0x191: {  	s0 =	rddreg [dreg:$0x0];
	s2 =	stileid.u32  }
0x192: {  	s1 =	rddreg [dreg:$0x1];
	p0 =	sne.s32 s2, $0x0  }
0x193: {  	s3 =	rddreg [dreg:$0x2];
	[bflag:$0x3] =	sbarrier.arrive $0xFFFF;
	s2 =	simm.s32 @!p0 $0x1C02  }
0x194: {  	[timem:s3], [sflag:s2] =	dma.local @!p0 [hbm:s0], s1  }
0x195: {  	s0 =	simm.s32 @!p0 $0x2  }
0x196: {  	_ =	swait.ge @!p0 [sflag:s0], s1  }
0x197: {  	s1 =	ssub.s32 @!p0 $0x0, s1;
	[sflag:s0] =	ssyncset.done @!p0 $0x0  }
0x198: {  	[sflag:s0] =	ssyncadd.s32 @!p0 s1  }
0x199: {  	[bflag:$0x3] =	sbarrier.arrive $0xFFFF  }
0x19a: {  	_ =	shalt  }

// kernel: kernel.15.cloned.1.call-start
scs
__scs_entry_jumppad:
0x0: {  	(pc) =	sbr.rel $0x88, $3  }
0x1: {  	(tag) =	ssettag $0x0;
	lr =	simm.s32 $0x1  }
0x2: {  	[smem:$0x3F9F] =	sst lr;
	_ =	strace $0xD0000000  }
0x3: {  	_ = 	snop  }
0x4: {  	_ = 	snop  }
0x5: {  	_ = 	snop  }
0x6: {  	_ = 	snop  }
0x7: {  	_ = 	snop  }
__scs_overlays_trampoline_lowered:
0x8: {  	[smem:$0x3FAE] =	sst s0  }
0x9: {  	[smem:$0x3FAF] =	sst s1  }
0xa: {  	[smem:$0x3FB0] =	sst s2  }
0xb: {  	[smem:$0x3FB1] =	sst s3  }
0xc: {  	[smem:$0x3FB2] =	sst s4  }
0xd: {  	[smem:$0x3FB3] =	sst s5  }
0xe: {  	[smem:$0x3FB4] =	sst s6  }
0xf: {  	[smem:$0x3FB5] =	sst s7  }
0x10: {  	[smem:$0x3FB6] =	sst s8  }
0x11: {  	[smem:$0x3FB7] =	sst s9;
	s0 =	simm.s32 @!p0 $0x0  }
0x12: {  	s1 =	sld [smem:$0x3F9D];
	s0 =	simm.s32 @p0 $0x1  }
0x13: {  	[smem:$0x3FB8] =	sst s0;
	s0 =	simm.s32 @!p1 $0x0  }
0x14: {  	s2 =	sld [smem:$0x3F9C];
	s0 =	simm.s32 @p1 $0x1  }
0x15: {  	[smem:$0x3FB9] =	sst s0;
	s0 =	simm.s32 @!p2 $0x0  }
0x16: {  	s3 =	sld [smem:$0x3FDB];
	s0 =	simm.s32 @p2 $0x1  }
0x17: {  	s4 =	simm.s32 $0x1BF5;
	[smem:$0x3FBB] =	sst s0  }
0x18: {  	s0 =	sld [smem:$0x3F9E];
	_ =	swait.ge [sflag:s4], $0x0  }
0x19: {  	s7 =	sld [smem:$0x3F9F]  }
0x1a: {  	s8 =	sadd.s32 $0xFFFFE003, lr  }
0x1b: {  	s9 =	sadd.s32 $0xFFFFFEF7, lr;
	s5 =	simm.s32 $0xFFFFFFFF;
	p2 =	slt.u32 s8, $0xFFFFF086  }
0x1c: {  	p1 =	slt.u32 s9, $0xF7A;
	s5 =	simm.s32 @!p2 $0x0  }
0x1d: {  	s5 =	simm.s32 @p1 $0x1;
	p0 =	seq.s32 s7, s2  }
0x1e: {  	s7 =	smul.u32 @!p0 $0xF7A, s2;
	p2 =	seq.s32 @!p0 s5, $0x0  }
0x1f: {  	s9 =	smul.u32 $0xF7A, s1;
	s8 =	simm.s32 @!p0 $0x1BF5;
	p2 =	por !p2, p0  }
0x20: {  	[sflag:s8] =	ssyncset.s32 @!p0 $0xFFFFF086;
	s6 =	sadd.s32 @!p0 s3, s7;
	s7 =	simm.s32 @!p0 $0x108  }
0x21: {  	s3 =	sadd.s32 s3, s9;
	s6 =	sadd.s32 @!p0 $0x88, s6;
	s7 =	simm.s32 @p2 $0x1082  }
0x22: {  	[simem:s7], [sflag:s8] =	dma.local @!p0 [hbm:s6], $0xF7A  }
0x23: {  	s9 =	sor.u32 $0xD0000000, s2;
	s6 =	simm.s32 $0x108;
	_ =	swait.ge @!p0 [sflag:s8], $0x0  }
0x24: {  	s3 =	sadd.s32 $0x88, s3;
	s6 =	simm.s32 @!p1 $0x1082;
	[sflag:s4] =	ssyncset.s32 $0xFFFFF086  }
0x25: {  	[simem:s6], [sflag:s4] =	dma.local [hbm:s3], $0xF7A  }
0x26: {  	[smem:$0x3F9F] =	sst s1;
	(tag) =	ssettag s2;
	_ =	strace s9  }
0x27: {  	s1 =	sld [smem:$0x3FAF]  }
0x28: {  	s2 =	sld [smem:$0x3FB0]  }
0x29: {  	s4 =	sld [smem:$0x3FB2]  }
0x2a: {  	p0 =	seq.s32 s5, $0x0;
	s5 =	sld [smem:$0x3FB3]  }
0x2b: {  	s6 =	sld [smem:$0x3FB4]  }
0x2c: {  	s7 =	sld [smem:$0x3FB5]  }
0x2d: {  	s3 =	simm.s32 $0x108;
	s8 =	sld [smem:$0x3FB6]  }
0x2e: {  	s3 =	simm.s32 @!p0 $0x1082;
	s9 =	sld [smem:$0x3FB7]  }
0x2f: {  	lr =	sadd.s32 s0, s3;
	s0 =	sld [smem:$0x3FAE]  }
0x30: {  	s3 =	sld [smem:$0x3FB1]  }
0x31: {  	[smem:$0x3FBA] =	sst s10  }
0x32: {  	s10 =	sld [smem:$0x3FB8];
	_ =	sdelay $0x3  }
0x33: {  	p0 =	seq.s32 s10, $0x1;
	s10 =	sld [smem:$0x3FBA];
	_ =	sdelay $0x3  }
0x34: {  	[smem:$0x3FBA] =	sst s10  }
0x35: {  	s10 =	sld [smem:$0x3FB9];
	_ =	sdelay $0x3  }
0x36: {  	p1 =	seq.s32 s10, $0x1;
	s10 =	sld [smem:$0x3FBA];
	_ =	sdelay $0x3  }
0x37: {  	[smem:$0x3FBA] =	sst s10  }
0x38: {  	s10 =	sld [smem:$0x3FBB]  }
0x39: {  	_ = 	snop;
	(pc) =	sbr.ind lr, $3  }
0x3a: {  	_ = 	snop  }
0x3b: {  	_ = 	snop  }
0x3c: {  	p2 =	seq.s32 s10, $0x1;
	s10 =	sld [smem:$0x3FBA]  }
0x3d: {  	_ =	shalt  }
0x3e: {  	_ =	shalt  }
0x3f: {  	_ =	shalt  }
0x40: {  	_ =	shalt  }
0x41: {  	_ =	shalt  }
0x42: {  	_ =	shalt  }
0x43: {  	_ =	shalt  }
0x44: {  	_ =	shalt  }
0x45: {  	_ =	shalt  }
0x46: {  	_ =	shalt  }
0x47: {  	_ =	shalt  }
0x48: {  	_ =	shalt  }
0x49: {  	_ =	shalt  }
0x4a: {  	_ =	shalt  }
0x4b: {  	_ =	shalt  }
0x4c: {  	_ =	shalt  }
0x4d: {  	_ =	shalt  }
0x4e: {  	_ =	shalt  }
0x4f: {  	_ =	shalt  }
0x50: {  	_ =	shalt  }
0x51: {  	_ =	shalt  }
0x52: {  	_ =	shalt  }
0x53: {  	_ =	shalt  }
0x54: {  	_ =	shalt  }
0x55: {  	_ =	shalt  }
0x56: {  	_ =	shalt  }
0x57: {  	_ =	shalt  }
0x58: {  	_ =	shalt  }
0x59: {  	_ =	shalt  }
0x5a: {  	_ =	shalt  }
0x5b: {  	_ =	shalt  }
0x5c: {  	_ =	shalt  }
0x5d: {  	_ =	shalt  }
0x5e: {  	_ =	shalt  }
0x5f: {  	_ =	shalt  }
0x60: {  	_ =	shalt  }
0x61: {  	_ =	shalt  }
0x62: {  	_ =	shalt  }
0x63: {  	_ =	shalt  }
0x64: {  	_ =	shalt  }
0x65: {  	_ =	shalt  }
0x66: {  	_ =	shalt  }
0x67: {  	_ =	shalt  }
0x68: {  	_ =	shalt  }
0x69: {  	_ =	shalt  }
0x6a: {  	_ =	shalt  }
0x6b: {  	_ =	shalt  }
0x6c: {  	_ =	shalt  }
0x6d: {  	_ =	shalt  }
0x6e: {  	_ =	shalt  }
0x6f: {  	_ =	shalt  }
0x70: {  	_ =	shalt  }
0x71: {  	_ =	shalt  }
0x72: {  	_ =	shalt  }
0x73: {  	_ =	shalt  }
0x74: {  	_ =	shalt  }
0x75: {  	_ =	shalt  }
0x76: {  	_ =	shalt  }
0x77: {  	_ =	shalt  }
0x78: {  	_ =	shalt  }
0x79: {  	_ =	shalt  }
0x7a: {  	_ =	shalt  }
0x7b: {  	_ =	shalt  }
0x7c: {  	_ =	shalt  }
0x7d: {  	_ =	shalt  }
0x7e: {  	_ =	shalt  }
0x7f: {  	_ =	shalt  }
0x80: {  	_ =	shalt  }
0x81: {  	_ =	shalt  }
0x82: {  	_ =	shalt  }
0x83: {  	_ =	shalt  }
0x84: {  	_ =	shalt  }
0x85: {  	_ =	shalt  }
0x86: {  	_ =	shalt  }
0x87: {  	_ =	shalt  }
.Lfunc_end0:
.L_simem_size_0:
called_computation.3_lowered:
.L_overlay_start_0:
0x88: {  	s2 =	sld [smem:$0x3FD9]  }
0x89: {  	s3 =	sld [smem:$0x3FFE];
	_ =	sdelay $0x1  }
0x8a: {  	s1 =	srdreg.scid  }
0x8b: {  	s0 =	sand.u32 $0x1, s1  }
0x8c: {  	s17 =	sshll.u32 s0, $0xA;
	s2 =	sadd.s32 s3, s2  }
0x8d: {  	s2 =	sadd.s32 s2, s17  }
0x8e: {  	[smem:$0x3FC6] =	sst s2  }
0x8f: {  	_ = 	snop  }
0x90: {  	s2 =	sld [smem:$0x3FD0];
	(tm) =	ssettm $0x1  }
0x91: {  	s18 =	sld [smem:$0x3FFB];
	_ =	sdelay $0x3  }
0x92: {  	_ =	strace s18  }
0x93: {  	s3 =	sld [smem:$0x3FFC];
	_ =	sdelay $0x3  }
0x94: {  	_ =	strace s3  }
0x95: {  	s3 =	sld [smem:$0x3FFD];
	_ =	sdelay $0x3  }
0x96: {  	_ =	strace s3  }
0x97: {  	_ =	strace $0x8FFFFFFF  }
0x98: {  	s19 =	sld [smem:$0x3FDB];
	_ =	sdelay $0x1  }
0x99: {  	s4 =	simm.s32 $_scs_section_size  }
0x9a: {  	s5 =	simm.s32 $_size__tile_overlayer_lowered;
	s6 =	simm.s32 $_tile_overlayer_lowered  }
0x9b: {  	s22 =	simm.s32 $0x1BFF;
	s21 =	sshll.u32 s6, $0x1;
	s3 =	sadd.s32 s4, s19  }
0x9c: {  	s7 =	simm.s32 $0x0;
	s20 =	sshll.u32 s5, $0x1;
	s5 =	sadd.s32 s21, s3  }
0x9d: {  	[timem:s7], [sflag:s22] =	dma.local [hbm:s5], s20  }
0x9e: {  	_ =	swait.ge [sflag:s22], s20  }
0x9f: {  	s4 =	ssub.s32 $0x0, s20;
	[sflag:s22] =	ssyncset.done $0x0  }
0xa0: {  	[sflag:s22] =	ssyncadd.s32 s4;
	_ =	sdelay $0x1  }
0xa1: {  	s23 =	simm.s32 $0x1B8B  }
0xa2: {  	_ =	swait.ge [sflag:s23], $0x1  }
0xa3: {  	[sflag:s23] =	ssyncset.done $0x0  }
0xa4: {  	s25 =	simm.s32 $0x1B8E;
	s24 =	sld [smem:$0x3FFE];
	[sflag:s23] =	ssyncadd.s32 $0xFFFFFFFF  }
0xa5: {  	s26 =	simm.s32 $execute0_lowered;
	[smem:$0x3FD2] =	sst s25  }
0xa6: {  	s5 =	sshll.u32 s26, $0x1;
	_ =	strace $0x8000004F;
	[dreg:$0x1] =	wrdreg $0xFFFFFFFF  }
0xa7: {  	s28 =	simm.s32 $_size_execute0_lowered;
	s3 =	sadd.s32 s3, s5;
	[dreg:$0x0] =	wrdreg $0x0  }
0xa8: {  	s5 =	sshll.u32 s28, $0x1;
	[dreg:$0x2] =	wrdreg s3  }
0xa9: {  	[dreg:$0x3] =	wrdreg s5  }
0xaa: {  	[dreg:$0x4] =	wrdreg $0xC0  }
0xab: {  	_ =	task [dreg:s7], $0x5FFFF  }
0xac: {  	[dreg:$0x1] =	wrdreg $0xFFFFFFFF  }
0xad: {  	[dreg:$0x0] =	wrdreg $0x60  }
0xae: {  	[dreg:$0x2] =	wrdreg s24  }
0xaf: {  	[dreg:$0x3] =	wrdreg s2  }
0xb0: {  	[dreg:$0x4] =	wrdreg $0x9  }
0xb1: {  	_ =	task.clear_ibuf [dreg:s7], $0x5FFFF;
	_ =	strace $0x9000004F  }
0xb2: {  	s29 =	simm.s32 $0x9;
	_ =	strace $0x80000051  }
0xb3: {  	_ =	swait.ge [sflag:s29], $0x1  }
0xb4: {  	[sflag:s29] =	ssyncadd.s32 $0xFFFFFFFF  }
0xb5: {  	_ =	strace $0x90000051  }
0xb6: {  	_ =	sfence  }
0xb7: {  	s30 =	sld [smem:$0x0];
	_ =	sdelay $0x2  }
0xb8: {  	s31 =	sshll.u32 s1, $0xD;
	s1 =	sshrl.u32 s1, $0x2  }
0xb9: {  	s3 =	sand.u32 $0x4000, s31;
	s1 =	sadd.s32 s1, s30  }
0xba: {  	s0 =	sor.u32 s3, s0;
	s1 =	sshll.u32 s1, $0x11  }
0xbb: {  	s0 =	sor.u32 s1, s0  }
0xbc: {  	s0 =	sadd.s32 $0x8F2B, s0  }
0xbd: {  	[sflag:s0] =	ssyncadd.remote.s32 $0x1  }
0xbe: {  	_ =	sfence.sel $0xFFFF  }
0xbf: {  	[dreg:$0x0] =	wrdreg $0xFFFFFFFF;
	(pc) =	sbr.abs _section_cstart, $3  }
0xc0: {  	[dreg:$0x1] =	wrdreg $0xFFFFFFFF  }
0xc1: {  	_ =	task.clear_ibuf [dreg:s7], $0x2FFFF;
	_ =	strace $0x9FFFFFFF  }
0xc2: {  	(tm) =	ssettm $0x7FFFFFFF  }
0xc3: {  	_ =	shalt  }
tec
execute0_lowered:
.L_overlay_start_1:
0x0: {  	(tag) =	ssettag $0x1  }
0x1: {  	s0 =	srdreg.scid;
	s4 =	rddreg [dreg:$0x0]  }
0x2: {  	s6 =	rddreg [dreg:$0x1];
	s2 =	simm.s32 $0x0;
	s10 =	simm.s32 $0x1  }
0x3: {  	s11 =	simm.s32 $0x4980;
	s12 =	simm.s32 $0x0;
	s3 =	sand.u32 $0x1, s0  }
0x4: {  	s0 =	stileid.u32;
	[smem:$0x7FF] =	sst s2;
	s1 =	sshll.u32 s3, $0x4  }
0x5: {  	s8 =	ssub.s32 $0x2, s3;
	s3 =	sadd.s32 $0xE000, s4;
	s5 =	sor.u32 s0, s1  }
0x6: {  	s1 =	rddreg [dreg:$0x2];
	s9 =	sshrl.u32 s8, $0x1;
	s7 =	smul.u32 $0x310, s5  }
0x7: {  	_ =	strace $0x80000050;
	s8 =	ssub.s32 s8, s9;
	s9 =	simm.s32 $0x80  }
0x8: {  	s5 =	sadd.s32 s7, s4;
	s4 =	sadd.s32 $0x14400, s4;
	s6 =	sadd.s32 s6, s7  }
0x9: {  	v0 =	vimm.f32 $0.0e+00;
	s7 =	smax.u32 s8, $0x1;
	s8 =	simm.s32 $0x2;
	s5 =	sadd.s32 $0x1800, s5  }
.LBB2_1:
0xa: {  	[tilespmem:s2], [sflag:$0x2] =	stream.linear.gather [hbm4b:s5+s2], $0x1880, $0x38;
	[tilespmem:$0x6200] =	vst v63  }
0xb: {  	_ =	swait.ge [sflag:s8], $0x1880  }
0xc: {  	[sflag:s8] =	ssyncset.done $0x0  }
0xd: {  	s13 =	simm.s32 $0x0;
	s14 =	simm.s32 $0x1880;
	[sflag:s8] =	ssyncadd.s32 $0xFFFFE780  }
0xe: {  	[tilespmem:s14], [sflag:$0x1] =	stream.indirect.gather [hbm4b:s3+s9], $0x1, s13, s9, $0xb8;
	[tilespmem:$0x6200] =	vst v63  }
0xf: {  	s31 =	simm.s32 $0x3100  }
0x10: {  	[tilespmem:s31], [sflag:$0x1] =	stream.indirect.gather [hbm4b:s4+s9], $0x1, s13, s9, $0xb8;
	[tilespmem:$0x6200] =	vst v63  }
0x11: {  	_ =	swait.ge [sflag:s10], $0x80  }
0x12: {  	[sflag:s10] =	ssyncset.done $0x0  }
0x13: {  	[sflag:s10] =	ssyncadd.s32 $0xFFFFFF80  }
0x14: {  	_ =	swait.ge [sflag:s10], $0x80  }
0x15: {  	s14 =	simm.s32 $0x400;
	s13 =	simm.s32 $0x80;
	[sflag:s10] =	ssyncset.done $0x0  }
.LBB2_2:
0x16: {  	s15 =	sadd.s32 $0x1880, s13  }
0x17: {  	[sflag:s10] =	ssyncadd.s32 $0xFFFFFF80;
	s16 =	smov.u32 s14;
	s17 =	sadd.s32 $0x200, s14  }
0x18: {  	[tilespmem:s15], [sflag:$0x1] =	stream.indirect.gather [hbm4b:s3+s9], $0x1, s13, s9, $0xb8;
	[tilespmem:$0x6200] =	vst v63  }
0x19: {  	p0 =	sne.s32 s14, $0x6000;
	s14 =	sadd.s32 $0x3100, s13  }
0x1a: {  	[tilespmem:s14], [sflag:$0x1] =	stream.indirect.gather [hbm4b:s4+s9], $0x1, s13, s9, $0xb8;
	[tilespmem:$0x6200] =	vst v63  }
.Ltmp0:
0x1b: {  	_ =	swait.ge [sflag:s10], $0x80;
	(pc) =	sbr.rel @p0 .LBB2_2-.Ltmp0, $4  }
0x1c: {  	[sflag:s10] =	ssyncset.done $0x0  }
0x1d: {  	[sflag:s10] =	ssyncadd.s32 $0xFFFFFF80  }
0x1e: {  	_ =	swait.ge [sflag:s10], $0x80  }
0x1f: {  	s13 =	sshra.s32 s16, $0x2;
	s14 =	smov.u32 s17;
	[sflag:s10] =	ssyncset.done $0x0  }
0x20: {  	s14 =	sadd.s32 $0x1880, s13;
	[sflag:s10] =	ssyncadd.s32 $0xFFFFFF80  }
0x21: {  	[tilespmem:s14], [sflag:$0x1] =	stream.indirect.gather [hbm4b:s3+s9], $0x1, s13, s9, $0xb8;
	[tilespmem:$0x6200] =	vst v63  }
0x22: {  	s31 =	sadd.s32 $0x3100, s13  }
0x23: {  	[tilespmem:s31], [sflag:$0x1] =	stream.indirect.gather [hbm4b:s4+s9], $0x1, s13, s9, $0xb8;
	[tilespmem:$0x6200] =	vst v63  }
0x24: {  	_ =	swait.ge [sflag:s10], $0x80  }
0x25: {  	[sflag:s10] =	ssyncset.done $0x0  }
0x26: {  	[sflag:s10] =	ssyncadd.s32 $0xFFFFFF80  }
0x27: {  	_ =	swait.ge [sflag:s10], $0x80  }
0x28: {  	[sflag:s10] =	ssyncset.done $0x0  }
0x29: {  	s13 =	simm.s32 $0x0;
	[sflag:s10] =	ssyncadd.s32 $0xFFFFFF80  }
0x2a: {  	v1 =	vld [tilespmem:s13+$0x1880]  }
0x2b: {  	v2 =	vld [tilespmem:s13+$0x3100];
	_ =	sdelay $0x2  }
0x2c: {  	s14 =	simm.s32 $0x40  }
.LBB2_4:
0x2d: {  	s15 =	sshra.s32 s14, $0x2;
	p0 =	sne.s32 s14, $0x61C0  }
.Ltmp1:
0x2e: {  	s14 =	sadd.s32 $0x40, s14;
	v3 =	vadd.f32 v2, v1;
	v1 =	vld [tilespmem:s15+$0x1880];
	(pc) =	sbr.rel @p0 .LBB2_4-.Ltmp1, $4  }
0x2f: {  	v2 =	vld [tilespmem:s15+$0x3100]  }
0x30: {  	vm0 =	vgt.f32 v3, $0.0e+00  }
0x31: {  	v3 =	vsel vm0, $0x3F800000, v0  }
0x32: {  	[tilespmem:s13+$0x4980] =	vst v3;
	s13 =	smov.u32 s15  }
0x33: {  	_ = 	snop  }
0x34: {  	v1 =	vadd.f32 v2, v1;
	_ =	sdelay $0x1  }
0x35: {  	s12 =	sadd.s32 $0x1, s12;
	vm0 =	vgt.f32 v1, $0.0e+00  }
0x36: {  	p0 =	sne.s32 s12, s7;
	v1 =	vsel vm0, $0x3F800000, v0  }
.Ltmp2:
0x37: {  	[tilespmem:s13+$0x4980] =	vst v1;
	(pc) =	sbr.rel @p0 .LBB2_1-.Ltmp2, $4  }
0x38: {  	[hbm4b:s6+s2] =	stream.linear.scatter [tilespmem:s11], [sflag:$0x2], $0x1880, $0x38;
	[tilespmem:$0x6200] =	vst v63  }
0x39: {  	_ =	swait.ge [sflag:s8], $0x1880  }
0x3a: {  	[sflag:s8] =	ssyncset.done $0x0  }
0x3b: {  	[sflag:s8] =	ssyncadd.s32 $0xFFFFE780  }
0x3c: {  	_ =	sfence.sel $0x180000  }
0x3d: {  	[bflag:$0x0] =	sbarrier.arrive $0xFFFF  }
0x3e: {  	p0 =	sne.s32 s0, $0x0;
	_ =	strace $0x90000050  }
0x3f: {  	s0 =	sadd.s32 @!p0 $0x100000, s1;
	[bflag:$0x2] =	sbarrier.arrive $0xFFFF  }
0x40: {  	[sflag:s0] =	ssyncadd.tile.s32 @!p0 $0x1;
	_ =	shalt  }
.Lfunc_end2:
_tile_overlayer_lowered:
.L_overlay_start_2:
0x41: {  	(tag) =	ssettag $0x2  }
0x42: {  	s0 =	rddreg [dreg:$0x0];
	s2 =	stileid.u32  }
0x43: {  	s1 =	rddreg [dreg:$0x1];
	p0 =	sne.s32 s2, $0x0  }
0x44: {  	s3 =	rddreg [dreg:$0x2];
	[bflag:$0x3] =	sbarrier.arrive $0xFFFF;
	s2 =	simm.s32 @!p0 $0x1C02  }
0x45: {  	[timem:s3], [sflag:s2] =	dma.local @!p0 [hbm:s0], s1  }
0x46: {  	s0 =	simm.s32 @!p0 $0x2  }
0x47: {  	_ =	swait.ge @!p0 [sflag:s0], s1  }
0x48: {  	s1 =	ssub.s32 @!p0 $0x0, s1;
	[sflag:s0] =	ssyncset.done @!p0 $0x0  }
0x49: {  	[sflag:s0] =	ssyncadd.s32 @!p0 s1  }
0x4a: {  	[bflag:$0x3] =	sbarrier.arrive $0xFFFF  }
0x4b: {  	_ =	shalt  }

// kernel: kernel.6.cloned.1.call-start
scs
__scs_entry_jumppad:
0x0: {  	(pc) =	sbr.rel $0x88, $3  }
0x1: {  	(tag) =	ssettag $0x0;
	lr =	simm.s32 $0x1  }
0x2: {  	[smem:$0x3F9F] =	sst lr;
	_ =	strace $0xD0000000  }
0x3: {  	_ = 	snop  }
0x4: {  	_ = 	snop  }
0x5: {  	_ = 	snop  }
0x6: {  	_ = 	snop  }
0x7: {  	_ = 	snop  }
__scs_overlays_trampoline_lowered:
0x8: {  	[smem:$0x3FAE] =	sst s0  }
0x9: {  	[smem:$0x3FAF] =	sst s1  }
0xa: {  	[smem:$0x3FB0] =	sst s2  }
0xb: {  	[smem:$0x3FB1] =	sst s3  }
0xc: {  	[smem:$0x3FB2] =	sst s4  }
0xd: {  	[smem:$0x3FB3] =	sst s5  }
0xe: {  	[smem:$0x3FB4] =	sst s6  }
0xf: {  	[smem:$0x3FB5] =	sst s7  }
0x10: {  	[smem:$0x3FB6] =	sst s8  }
0x11: {  	[smem:$0x3FB7] =	sst s9;
	s0 =	simm.s32 @!p0 $0x0  }
0x12: {  	s1 =	sld [smem:$0x3F9D];
	s0 =	simm.s32 @p0 $0x1  }
0x13: {  	[smem:$0x3FB8] =	sst s0;
	s0 =	simm.s32 @!p1 $0x0  }
0x14: {  	s2 =	sld [smem:$0x3F9C];
	s0 =	simm.s32 @p1 $0x1  }
0x15: {  	[smem:$0x3FB9] =	sst s0;
	s0 =	simm.s32 @!p2 $0x0  }
0x16: {  	s3 =	sld [smem:$0x3FDB];
	s0 =	simm.s32 @p2 $0x1  }
0x17: {  	s4 =	simm.s32 $0x1BF5;
	[smem:$0x3FBB] =	sst s0  }
0x18: {  	s0 =	sld [smem:$0x3F9E];
	_ =	swait.ge [sflag:s4], $0x0  }
0x19: {  	s7 =	sld [smem:$0x3F9F]  }
0x1a: {  	s8 =	sadd.s32 $0xFFFFE003, lr  }
0x1b: {  	s9 =	sadd.s32 $0xFFFFFEF7, lr;
	s5 =	simm.s32 $0xFFFFFFFF;
	p2 =	slt.u32 s8, $0xFFFFF086  }
0x1c: {  	p1 =	slt.u32 s9, $0xF7A;
	s5 =	simm.s32 @!p2 $0x0  }
0x1d: {  	s5 =	simm.s32 @p1 $0x1;
	p0 =	seq.s32 s7, s2  }
0x1e: {  	s7 =	smul.u32 @!p0 $0xF7A, s2;
	p2 =	seq.s32 @!p0 s5, $0x0  }
0x1f: {  	s9 =	smul.u32 $0xF7A, s1;
	s8 =	simm.s32 @!p0 $0x1BF5;
	p2 =	por !p2, p0  }
0x20: {  	[sflag:s8] =	ssyncset.s32 @!p0 $0xFFFFF086;
	s6 =	sadd.s32 @!p0 s3, s7;
	s7 =	simm.s32 @!p0 $0x108  }
0x21: {  	s3 =	sadd.s32 s3, s9;
	s6 =	sadd.s32 @!p0 $0x88, s6;
	s7 =	simm.s32 @p2 $0x1082  }
0x22: {  	[simem:s7], [sflag:s8] =	dma.local @!p0 [hbm:s6], $0xF7A  }
0x23: {  	s9 =	sor.u32 $0xD0000000, s2;
	s6 =	simm.s32 $0x108;
	_ =	swait.ge @!p0 [sflag:s8], $0x0  }
0x24: {  	s3 =	sadd.s32 $0x88, s3;
	s6 =	simm.s32 @!p1 $0x1082;
	[sflag:s4] =	ssyncset.s32 $0xFFFFF086  }
0x25: {  	[simem:s6], [sflag:s4] =	dma.local [hbm:s3], $0xF7A  }
0x26: {  	[smem:$0x3F9F] =	sst s1;
	(tag) =	ssettag s2;
	_ =	strace s9  }
0x27: {  	s1 =	sld [smem:$0x3FAF]  }
0x28: {  	s2 =	sld [smem:$0x3FB0]  }
0x29: {  	s4 =	sld [smem:$0x3FB2]  }
0x2a: {  	p0 =	seq.s32 s5, $0x0;
	s5 =	sld [smem:$0x3FB3]  }
0x2b: {  	s6 =	sld [smem:$0x3FB4]  }
0x2c: {  	s7 =	sld [smem:$0x3FB5]  }
0x2d: {  	s3 =	simm.s32 $0x108;
	s8 =	sld [smem:$0x3FB6]  }
0x2e: {  	s3 =	simm.s32 @!p0 $0x1082;
	s9 =	sld [smem:$0x3FB7]  }
0x2f: {  	lr =	sadd.s32 s0, s3;
	s0 =	sld [smem:$0x3FAE]  }
0x30: {  	s3 =	sld [smem:$0x3FB1]  }
0x31: {  	[smem:$0x3FBA] =	sst s10  }
0x32: {  	s10 =	sld [smem:$0x3FB8];
	_ =	sdelay $0x3  }
0x33: {  	p0 =	seq.s32 s10, $0x1;
	s10 =	sld [smem:$0x3FBA];
	_ =	sdelay $0x3  }
0x34: {  	[smem:$0x3FBA] =	sst s10  }
0x35: {  	s10 =	sld [smem:$0x3FB9];
	_ =	sdelay $0x3  }
0x36: {  	p1 =	seq.s32 s10, $0x1;
	s10 =	sld [smem:$0x3FBA];
	_ =	sdelay $0x3  }
0x37: {  	[smem:$0x3FBA] =	sst s10  }
0x38: {  	s10 =	sld [smem:$0x3FBB]  }
0x39: {  	_ = 	snop;
	(pc) =	sbr.ind lr, $3  }
0x3a: {  	_ = 	snop  }
0x3b: {  	_ = 	snop  }
0x3c: {  	p2 =	seq.s32 s10, $0x1;
	s10 =	sld [smem:$0x3FBA]  }
0x3d: {  	_ =	shalt  }
0x3e: {  	_ =	shalt  }
0x3f: {  	_ =	shalt  }
0x40: {  	_ =	shalt  }
0x41: {  	_ =	shalt  }
0x42: {  	_ =	shalt  }
0x43: {  	_ =	shalt  }
0x44: {  	_ =	shalt  }
0x45: {  	_ =	shalt  }
0x46: {  	_ =	shalt  }
0x47: {  	_ =	shalt  }
0x48: {  	_ =	shalt  }
0x49: {  	_ =	shalt  }
0x4a: {  	_ =	shalt  }
0x4b: {  	_ =	shalt  }
0x4c: {  	_ =	shalt  }
0x4d: {  	_ =	shalt  }
0x4e: {  	_ =	shalt  }
0x4f: {  	_ =	shalt  }
0x50: {  	_ =	shalt  }
0x51: {  	_ =	shalt  }
0x52: {  	_ =	shalt  }
0x53: {  	_ =	shalt  }
0x54: {  	_ =	shalt  }
0x55: {  	_ =	shalt  }
0x56: {  	_ =	shalt  }
0x57: {  	_ =	shalt  }
0x58: {  	_ =	shalt  }
0x59: {  	_ =	shalt  }
0x5a: {  	_ =	shalt  }
0x5b: {  	_ =	shalt  }
0x5c: {  	_ =	shalt  }
0x5d: {  	_ =	shalt  }
0x5e: {  	_ =	shalt  }
0x5f: {  	_ =	shalt  }
0x60: {  	_ =	shalt  }
0x61: {  	_ =	shalt  }
0x62: {  	_ =	shalt  }
0x63: {  	_ =	shalt  }
0x64: {  	_ =	shalt  }
0x65: {  	_ =	shalt  }
0x66: {  	_ =	shalt  }
0x67: {  	_ =	shalt  }
0x68: {  	_ =	shalt  }
0x69: {  	_ =	shalt  }
0x6a: {  	_ =	shalt  }
0x6b: {  	_ =	shalt  }
0x6c: {  	_ =	shalt  }
0x6d: {  	_ =	shalt  }
0x6e: {  	_ =	shalt  }
0x6f: {  	_ =	shalt  }
0x70: {  	_ =	shalt  }
0x71: {  	_ =	shalt  }
0x72: {  	_ =	shalt  }
0x73: {  	_ =	shalt  }
0x74: {  	_ =	shalt  }
0x75: {  	_ =	shalt  }
0x76: {  	_ =	shalt  }
0x77: {  	_ =	shalt  }
0x78: {  	_ =	shalt  }
0x79: {  	_ =	shalt  }
0x7a: {  	_ =	shalt  }
0x7b: {  	_ =	shalt  }
0x7c: {  	_ =	shalt  }
0x7d: {  	_ =	shalt  }
0x7e: {  	_ =	shalt  }
0x7f: {  	_ =	shalt  }
0x80: {  	_ =	shalt  }
0x81: {  	_ =	shalt  }
0x82: {  	_ =	shalt  }
0x83: {  	_ =	shalt  }
0x84: {  	_ =	shalt  }
0x85: {  	_ =	shalt  }
0x86: {  	_ =	shalt  }
0x87: {  	_ =	shalt  }
.Lfunc_end0:
.L_simem_size_0:
called_computation_lowered:
.L_overlay_start_0:
0x88: {  	s2 =	sld [smem:$0x3FD9]  }
0x89: {  	s3 =	sld [smem:$0x3FFE];
	_ =	sdelay $0x1  }
0x8a: {  	s1 =	srdreg.scid  }
0x8b: {  	s0 =	sand.u32 $0x1, s1  }
0x8c: {  	s16 =	sshll.u32 s0, $0xA;
	s2 =	sadd.s32 s3, s2  }
0x8d: {  	s2 =	sadd.s32 s2, s16  }
0x8e: {  	[smem:$0x3FC6] =	sst s2  }
0x8f: {  	_ = 	snop  }
0x90: {  	(tm) =	ssettm $0x1  }
0x91: {  	s17 =	sld [smem:$0x3FFB];
	_ =	sdelay $0x3  }
0x92: {  	_ =	strace s17  }
0x93: {  	s2 =	sld [smem:$0x3FFC];
	_ =	sdelay $0x3  }
0x94: {  	_ =	strace s2  }
0x95: {  	s2 =	sld [smem:$0x3FFD];
	_ =	sdelay $0x3  }
0x96: {  	_ =	strace s2  }
0x97: {  	_ =	strace $0x8FFFFFFF  }
0x98: {  	s18 =	sld [smem:$0x3FDB];
	_ =	sdelay $0x1  }
0x99: {  	s19 =	simm.s32 $_scs_section_size  }
0x9a: {  	s4 =	simm.s32 $_size__tile_overlayer_lowered;
	s5 =	simm.s32 $_tile_overlayer_lowered  }
0x9b: {  	s22 =	simm.s32 $0x1BFF;
	s21 =	sshll.u32 s5, $0x1;
	s2 =	sadd.s32 s19, s18  }
0x9c: {  	s6 =	simm.s32 $0x0;
	s20 =	sshll.u32 s4, $0x1;
	s4 =	sadd.s32 s21, s2  }
0x9d: {  	[timem:s6], [sflag:s22] =	dma.local [hbm:s4], s20  }
0x9e: {  	_ =	swait.ge [sflag:s22], s20  }
0x9f: {  	s3 =	ssub.s32 $0x0, s20;
	[sflag:s22] =	ssyncset.done $0x0  }
0xa0: {  	[sflag:s22] =	ssyncadd.s32 s3;
	_ =	sdelay $0x1  }
0xa1: {  	s23 =	simm.s32 $0x1B8B  }
0xa2: {  	_ =	swait.ge [sflag:s23], $0x1  }
0xa3: {  	[sflag:s23] =	ssyncset.done $0x0  }
0xa4: {  	s25 =	simm.s32 $0x1B8E;
	s24 =	sld [smem:$0x3FFE];
	[sflag:s23] =	ssyncadd.s32 $0xFFFFFFFF  }
0xa5: {  	s26 =	simm.s32 $execute0_lowered;
	[smem:$0x3FD2] =	sst s25  }
0xa6: {  	s4 =	sshll.u32 s26, $0x1;
	_ =	strace $0x80000046;
	[dreg:$0x1] =	wrdreg $0xFFFFFFFF  }
0xa7: {  	s28 =	simm.s32 $_size_execute0_lowered;
	s2 =	sadd.s32 s2, s4;
	[dreg:$0x0] =	wrdreg $0x0  }
0xa8: {  	s4 =	sshll.u32 s28, $0x1;
	[dreg:$0x2] =	wrdreg s2  }
0xa9: {  	[dreg:$0x3] =	wrdreg s4  }
0xaa: {  	[dreg:$0x4] =	wrdreg $0xC0  }
0xab: {  	_ =	task [dreg:s6], $0x5FFFF  }
0xac: {  	[dreg:$0x1] =	wrdreg $0xFFFFFFFF  }
0xad: {  	[dreg:$0x0] =	wrdreg $0x60  }
0xae: {  	[dreg:$0x2] =	wrdreg s24  }
0xaf: {  	[dreg:$0x3] =	wrdreg $0x9A800  }
0xb0: {  	[dreg:$0x4] =	wrdreg $0x9  }
0xb1: {  	_ =	task.clear_ibuf [dreg:s6], $0x5FFFF;
	_ =	strace $0x90000046  }
0xb2: {  	s29 =	simm.s32 $0x9;
	_ =	strace $0x80000048  }
0xb3: {  	_ =	swait.ge [sflag:s29], $0x1  }
0xb4: {  	[sflag:s29] =	ssyncadd.s32 $0xFFFFFFFF  }
0xb5: {  	_ =	strace $0x90000048  }
0xb6: {  	_ =	sfence  }
0xb7: {  	s30 =	sld [smem:$0x0];
	_ =	sdelay $0x2  }
0xb8: {  	s31 =	sshll.u32 s1, $0xD;
	s1 =	sshrl.u32 s1, $0x2  }
0xb9: {  	s3 =	sand.u32 $0x4000, s31;
	s1 =	sadd.s32 s1, s30  }
0xba: {  	s0 =	sor.u32 s3, s0;
	s1 =	sshll.u32 s1, $0x11  }
0xbb: {  	s0 =	sor.u32 s1, s0  }
0xbc: {  	s0 =	sadd.s32 $0x8F2B, s0  }
0xbd: {  	[sflag:s0] =	ssyncadd.remote.s32 $0x1  }
0xbe: {  	_ =	sfence.sel $0xFFFF  }
0xbf: {  	[dreg:$0x0] =	wrdreg $0xFFFFFFFF;
	(pc) =	sbr.abs _section_cstart, $3  }
0xc0: {  	[dreg:$0x1] =	wrdreg $0xFFFFFFFF  }
0xc1: {  	_ =	task.clear_ibuf [dreg:s6], $0x2FFFF;
	_ =	strace $0x9FFFFFFF  }
0xc2: {  	(tm) =	ssettm $0x7FFFFFFF  }
0xc3: {  	_ =	shalt  }
tec
execute0_lowered:
.L_overlay_start_1:
0x0: {  	(tag) =	ssettag $0x1  }
0x1: {  	s0 =	rddreg [dreg:$0x0];
	s2 =	simm.s32 $0x0  }
0x2: {  	[smem:$0x7FF] =	sst s2  }
0x3: {  	s1 =	rddreg [dreg:$0x1];
	v0 =	vimm.s32 $0x0;
	_ =	strace $0x80000047  }
0x4: {  	(xrf1) =	vunique.msk.u32 $0xffff, v0;
	_ =	sdelay $0xd  }
0x5: {  	_, v1, _ =	vpop (xrf1)  }
0x6: {  	v1 =	vxor.u32 $0x80000000, v1  }
0x7: {  	(xrf0) =	vmin.scan.msk.u32 $0xffff, v1;
	_ =	sdelay $0x5  }
0x8: {  	v1, _, _ =	vpop (xrf0)  }
0x9: {  	(v2sf) =	vpush v1, $0xF;
	_ =	sdelay $0x1  }
0xa: {  	s3 =	srdreg.scid;
	s19 =	stileid.u32  }
0xb: {  	s20 =	simm.s32 $0x9900;
	s21 =	simm.s32 $0x9980;
	s22 =	simm.s32 $0x5900  }
0xc: {  	s23 =	simm.s32 $0x7900;
	s3 =	sand.u32 $0x1, s3;
	s10 =	sadd.s32 $0xF800, s0  }
0xd: {  	s11 =	sadd.s32 $0x13800, s0;
	s12 =	sadd.s32 $0x17800, s0;
	s13 =	sadd.s32 $0x17A00, s0  }
0xe: {  	s28 =	sshll.u32 s19, $0xD;
	s17 =	sshll.u32 s19, $0xA;
	s18 =	sshll.u32 s19, $0x1  }
0xf: {  	s31 =	smul.u32 $0x1C00, s19;
	s4 =	sshll.u32 s3, $0x4;
	s5 =	ssub.s32 $0x2, s3  }
0x10: {  	p0 =	seq.s32 s3, $0x0;
	s3 =	smul.u32 $0x1C000, s3;
	s15 =	sor.u32 s19, s4  }
0x11: {  	s26 =	sshrl.u32 s5, $0x1;
	s11 =	smov.u32 @p0 s10;
	s13 =	smov.u32 @p0 s12  }
0x12: {  	s19 =	simm.s32 $0x5880;
	s4 =	smul.u32 $0x1C00, s15;
	s24 =	sshll.u32 s15, $0xA  }
0x13: {  	s25 =	sshll.u32 s15, $0x2;
	s14 =	ssub.s32 s5, s26;
	s11 =	sadd.s32 s11, s17  }
0x14: {  	s12 =	sadd.s32 s13, s18;
	s13 =	sadd.s32 s31, s3;
	s17 =	simm.s32 $0x80  }
0x15: {  	s18 =	simm.s32 $0x5800;
	p0 =	sgt.u32 s15, $0x1B;
	s8 =	sadd.s32 s24, s0  }
0x16: {  	s10 =	smax.u32 s14, $0x1;
	s14 =	simm.s32 $0x1;
	s24 =	simm.s32 $0x9A00  }
.Ltmp0:
0x17: {  	s4 =	sshrl.u32 s4, $0x3;
	s7 =	spop (v2sf);
	(pc) =	sbr.rel .LBB2_1-.Ltmp0, $4  }
0x18: {  	s29 =	sadd.s32 $0x17C00, s8;
	s30 =	sadd.s32 $0x1FC00, s8;
	s16 =	sxor.u32 $0x80000000, s7  }
0x19: {  	v3 =	vimm.s32 $0x1;
	s6 =	sadd.s32 s4, s0;
	s0 =	sadd.s32 s25, s0;
	[dreg:$0x3] =	wrdreg s29;
	v1 =	vmov s16  }
0x1a: {  	vm0 =	vcmask $0x300;
	vm1 =	vcmask $0x704;
	s4 =	sadd.s32 s28, s1;
	[dreg:$0x4] =	wrdreg s30;
	s25 =	simm.s32 $0x0;
	v2 =	vsub.s32 $0x1, v1  }
0x1b: {  	v4 =	vimm.s32 $0xFFFFFFFF;
	v5 =	vlaneseq.u32;
	s5 =	sadd.s32 $0x8800, s6;
	s6 =	sadd.s32 $0x1800, s6;
	s9 =	sadd.s32 $0x27C00, s0;
	v2 =	vbroadcast v2, $0x0  }
.LBB2_14:
0x1c: {  	v7 =	vshrl.u32 v6, $0xC  }
0x1d: {  	(xrf1) =	vunique.msk.u32 $0xffff, v7;
	_ =	sdelay $0xa  }
0x1e: {  	v8 =	vld.idx.msk [tilespmem:v7+s21+$0x0], $0xffff;
	_ =	sdelay $0x2  }
0x1f: {  	_, v9, vm2 =	vpop (xrf1)  }
0x20: {  	v9 =	vsub.s32 v9, v1  }
0x21: {  	v8 =	vadd.s32 v8, v9  }
0x22: {  	v63 =	vld [tilespmem:s0+$0x3C00];
	v6 =	vshll.u32 v6, $0x12  }
0x23: {  	s29 =	sadd.s32 $0x10, s26;
	v6 =	vand.u32 $0x3FFC0000, v6  }
0x24: {  	v6 =	vor.u32 s29, v6;
	v10 =	vadd.s32 $0x1, v8  }
0x25: {  	v6 =	vor.u32 v5, v6;
	[tilespmem:v7+s21+$0x0] =	vst.idx.msk vm2, v10  }
0x26: {  	[tilespmem:v8+s22+$0x0] =	vst.idx.msk $0xffff, v6  }
0x27: {  	s30 =	rddreg [dreg:$0x3];
	[tilespmem:v8+s23+$0x0] =	vst.idx.msk $0xffff, v63  }
0x28: {  	[hbm4b:s30+s2] =	stream.linear.scatter [tilespmem:s22], [sflag:$0x1], $0x2000, $0x38;
	[tilespmem:$0xBA80] =	vst v63  }
0x29: {  	_ =	swait.ge [sflag:s14], $0x2000  }
0x2a: {  	[sflag:s14] =	ssyncset.done $0x0  }
0x2b: {  	s31 =	rddreg [dreg:$0x4];
	[sflag:s14] =	ssyncadd.s32 $0xFFFFE000  }
0x2c: {  	[hbm4b:s31+s2] =	stream.linear.scatter [tilespmem:s23], [sflag:$0x1], $0x2000, $0x38;
	[tilespmem:$0xBA80] =	vst v63  }
0x2d: {  	_ =	swait.ge [sflag:s14], $0x2000  }
0x2e: {  	[sflag:s14] =	ssyncset.done $0x0  }
0x2f: {  	[sflag:s14] =	ssyncadd.s32 $0xFFFFE000  }
.LBB2_15:
0x30: {  	s25 =	sadd.s32 $0x1, s25  }
0x31: {  	p1 =	sne.s32 s25, s10  }
.Ltmp1:
0x32: {  	_ = 	snop;
	(pc) =	sbr.rel @!p1 .LBB2_16-.Ltmp1, $4  }
0x33: {  	[hbm4b:s9+s2] =	stream.linear.scatter [tilespmem:s24], [sflag:$0x1], $0x20, $0x38;
	[tilespmem:$0xBA80] =	vst v63  }
0x34: {  	_ =	swait.ge [sflag:s14], $0x20  }
0x35: {  	[sflag:s14] =	ssyncset.done $0x0  }
0x36: {  	[sflag:s14] =	ssyncadd.s32 $0xFFFFFFE0  }
.LBB2_1:
0x37: {  	s0 =	simm.s32 $0x40;
	s3 =	simm.s32 $0x0  }
.LBB2_2:
0x38: {  	p1 =	sne.s32 s0, $0x7FC0;
	[tilespmem:s3+$0x0] =	vst v0;
	s3 =	smov.u32 s0;
	s0 =	sadd.s32 $0x40, s0  }
.Ltmp2:
0x39: {  	(pc) =	sbr.rel @p1 .LBB2_2-.Ltmp2, $2  }
0x3a: {  	_ =	sdelay $0x2  }
0x3b: {  	s3 =	sshra.s32 s3, $0x2  }
0x3c: {  	[tilespmem:s3+$0x0] =	vst v0;
	s0 =	simm.s32 $0x0  }
0x3d: {  	[spmem:s4] =	stream.linear.scatter [tilespmem:s0], [sflag:$0x1], $0x2000, $0x38;
	[tilespmem:$0xBA80] =	vst v63  }
0x3e: {  	_ =	swait.ge [sflag:s14], $0x2000  }
0x3f: {  	[sflag:s14] =	ssyncset.done $0x0  }
0x40: {  	[sflag:s14] =	ssyncadd.s32 $0xFFFFE000  }
0x41: {  	[tilespmem:$0x5880] =	vst v3  }
0x42: {  	[tilespmem:$0x5890] =	vst v3  }
0x43: {  	[tilespmem:$0x58A0] =	vst v3  }
0x44: {  	[tilespmem:$0x58B0] =	vst v3  }
0x45: {  	[tilespmem:$0x58C0] =	vst v3  }
0x46: {  	[tilespmem:$0x58D0] =	vst v3  }
0x47: {  	[tilespmem:$0x58E0] =	vst v3  }
0x48: {  	s29 =	simm.s32 $0x2000;
	[tilespmem:$0x58F0] =	vst v3  }
0x49: {  	[tilespmem:s29], [sflag:$0x1] =	stream.linear.gather [hbm4b:s5+s0], $0x1C00, $0x38;
	[tilespmem:$0xBA80] =	vst v63  }
0x4a: {  	_ =	swait.ge [sflag:s14], $0x1C00  }
0x4b: {  	[sflag:s14] =	ssyncset.done $0x0  }
0x4c: {  	s30 =	simm.s32 $0x3C00;
	[sflag:s14] =	ssyncadd.s32 $0xFFFFE400  }
0x4d: {  	[tilespmem:s30], [sflag:$0x1] =	stream.linear.gather [hbm4b:s6+s0], $0x1C00, $0x38;
	[tilespmem:$0xBA80] =	vst v63  }
0x4e: {  	_ =	swait.ge [sflag:s14], $0x1C00  }
0x4f: {  	[sflag:s14] =	ssyncset.done $0x0  }
0x50: {  	[sflag:s14] =	ssyncadd.s32 $0xFFFFE400  }
0x51: {  	s31 =	simm.s32 $0x0;
	[bflag:$0x0] =	sbarrier.arrive $0xFFFF  }
0x52: {  	v6 =	vld [tilespmem:s31+$0x2000];
	_ =	sdelay $0x4  }
0x53: {  	[tilespmem:$0x5800] =	vst v6  }
0x54: {  	v6 =	vld [tilespmem:s31+$0x2010];
	_ =	sdelay $0x4  }
0x55: {  	[tilespmem:$0x5810] =	vst v6  }
0x56: {  	v6 =	vld [tilespmem:s31+$0x2020];
	_ =	sdelay $0x4  }
0x57: {  	[tilespmem:$0x5820] =	vst v6  }
0x58: {  	v6 =	vld [tilespmem:s31+$0x2030];
	_ =	sdelay $0x4  }
0x59: {  	[tilespmem:$0x5830] =	vst v6  }
0x5a: {  	v6 =	vld [tilespmem:s31+$0x2040];
	_ =	sdelay $0x4  }
0x5b: {  	[tilespmem:$0x5840] =	vst v6  }
0x5c: {  	v6 =	vld [tilespmem:s31+$0x2050];
	_ =	sdelay $0x4  }
0x5d: {  	[tilespmem:$0x5850] =	vst v6  }
0x5e: {  	v6 =	vld [tilespmem:s31+$0x2060];
	_ =	sdelay $0x4  }
0x5f: {  	[tilespmem:$0x5860] =	vst v6  }
0x60: {  	v6 =	vld [tilespmem:s31+$0x2070];
	_ =	sdelay $0x4  }
0x61: {  	[tilespmem:$0x5870] =	vst v6  }
0x62: {  	[spmem:s1] =	stream.indirect.scatter.add.s32 [tilespmem:s19], [sflag:$0x1], $0x1, s18, s17, $0xb8;
	[tilespmem:$0xBA80] =	vst v63  }
0x63: {  	_ =	swait.ge [sflag:s14], $0x80  }
0x64: {  	s26 =	simm.s32 $0x200;
	s0 =	simm.s32 $0x400;
	[sflag:s14] =	ssyncset.done $0x0  }
.LBB2_4:
0x65: {  	s3 =	sshra.s32 s26, $0x2  }
0x66: {  	[sflag:s14] =	ssyncadd.s32 $0xFFFFFF80;
	s26 =	smov.u32 s0;
	s28 =	sadd.s32 $0x200, s0  }
0x67: {  	p1 =	sne.s32 s0, $0x6E00;
	v6 =	vld [tilespmem:s3+$0x2000];
	_ =	sdelay $0x4  }
0x68: {  	[tilespmem:$0x5800] =	vst v6  }
0x69: {  	v6 =	vld [tilespmem:s3+$0x2010];
	_ =	sdelay $0x4  }
0x6a: {  	[tilespmem:$0x5810] =	vst v6  }
0x6b: {  	v6 =	vld [tilespmem:s3+$0x2020];
	_ =	sdelay $0x4  }
0x6c: {  	[tilespmem:$0x5820] =	vst v6  }
0x6d: {  	v6 =	vld [tilespmem:s3+$0x2030];
	_ =	sdelay $0x4  }
0x6e: {  	[tilespmem:$0x5830] =	vst v6  }
0x6f: {  	v6 =	vld [tilespmem:s3+$0x2040];
	_ =	sdelay $0x4  }
0x70: {  	[tilespmem:$0x5840] =	vst v6  }
0x71: {  	v6 =	vld [tilespmem:s3+$0x2050];
	_ =	sdelay $0x4  }
0x72: {  	[tilespmem:$0x5850] =	vst v6  }
0x73: {  	v6 =	vld [tilespmem:s3+$0x2060];
	_ =	sdelay $0x4  }
0x74: {  	[tilespmem:$0x5860] =	vst v6  }
0x75: {  	v6 =	vld [tilespmem:s3+$0x2070];
	_ =	sdelay $0x3  }
.Ltmp3:
0x76: {  	(pc) =	sbr.rel @p1 .LBB2_4-.Ltmp3, $4  }
0x77: {  	[tilespmem:$0x5870] =	vst v6  }
0x78: {  	[spmem:s1] =	stream.indirect.scatter.add.s32 [tilespmem:s19], [sflag:$0x1], $0x1, s18, s17, $0xb8;
	[tilespmem:$0xBA80] =	vst v63  }
0x79: {  	_ =	swait.ge [sflag:s14], $0x80  }
0x7a: {  	s0 =	smov.u32 s28;
	[sflag:s14] =	ssyncset.done $0x0  }
0x7b: {  	s0 =	sshra.s32 s26, $0x2;
	[sflag:s14] =	ssyncadd.s32 $0xFFFFFF80  }
0x7c: {  	v6 =	vld [tilespmem:s0+$0x2000];
	_ =	sdelay $0x4  }
0x7d: {  	[tilespmem:$0x5800] =	vst v6  }
0x7e: {  	v6 =	vld [tilespmem:s0+$0x2010];
	_ =	sdelay $0x4  }
0x7f: {  	[tilespmem:$0x5810] =	vst v6  }
0x80: {  	v6 =	vld [tilespmem:s0+$0x2020];
	_ =	sdelay $0x4  }
0x81: {  	[tilespmem:$0x5820] =	vst v6  }
0x82: {  	v6 =	vld [tilespmem:s0+$0x2030];
	_ =	sdelay $0x4  }
0x83: {  	[tilespmem:$0x5830] =	vst v6  }
0x84: {  	v6 =	vld [tilespmem:s0+$0x2040];
	_ =	sdelay $0x4  }
0x85: {  	[tilespmem:$0x5840] =	vst v6  }
0x86: {  	v6 =	vld [tilespmem:s0+$0x2050];
	_ =	sdelay $0x4  }
0x87: {  	[tilespmem:$0x5850] =	vst v6  }
0x88: {  	v6 =	vld [tilespmem:s0+$0x2060];
	_ =	sdelay $0x4  }
0x89: {  	[tilespmem:$0x5860] =	vst v6  }
0x8a: {  	v6 =	vld [tilespmem:s0+$0x2070];
	_ =	sdelay $0x4  }
0x8b: {  	[tilespmem:$0x5870] =	vst v6  }
0x8c: {  	[spmem:s1] =	stream.indirect.scatter.add.s32 [tilespmem:s19], [sflag:$0x1], $0x1, s18, s17, $0xb8;
	[tilespmem:$0xBA80] =	vst v63  }
0x8d: {  	_ =	swait.ge [sflag:s14], $0x80  }
0x8e: {  	[sflag:s14] =	ssyncset.done $0x0  }
0x8f: {  	[sflag:s14] =	ssyncadd.s32 $0xFFFFFF80  }
0x90: {  	s28 =	simm.s32 $0x0;
	[bflag:$0x0] =	sbarrier.arrive $0xFFFF  }
0x91: {  	[tilespmem:s28], [sflag:$0x1] =	stream.linear.gather [spmem:s4], $0x2000, $0x38;
	[tilespmem:$0xBA80] =	vst v63  }
0x92: {  	_ =	swait.ge [sflag:s14], $0x2000  }
0x93: {  	[sflag:s14] =	ssyncset.done $0x0  }
0x94: {  	[sflag:s14] =	ssyncadd.s32 $0xFFFFE000  }
0x95: {  	[hbm4b:s11+s28] =	stream.linear.scatter [tilespmem:s28], [sflag:$0x1], $0x2000, $0x38;
	[tilespmem:$0xBA80] =	vst v63  }
0x96: {  	_ =	swait.ge [sflag:s14], $0x2000  }
0x97: {  	[sflag:s14] =	ssyncset.done $0x0  }
0x98: {  	[sflag:s14] =	ssyncadd.s32 $0xFFFFE000  }
0x99: {  	v6 =	vld [tilespmem:s28+$0x0];
	_ =	sdelay $0x1  }
0x9a: {  	s15 =	simm.s32 $0x10  }
0x9b: {  	v7 =	vld [tilespmem:s15+$0x0];
	_ =	sdelay $0x1  }
0x9c: {  	(xrf0) =	vadd.scan.msk.s32 $0xffff, v6;
	_ =	sdelay $0x2  }
0x9d: {  	(xrf0) =	vadd.scan.msk.s32 $0xffff, v7;
	_ =	sdelay $0x1  }
0x9e: {  	s16 =	simm.s32 $0x20  }
0x9f: {  	v8 =	vld [tilespmem:s16+$0x0];
	v7, _, _ =	vpop (xrf0)  }
0xa0: {  	(v2sf) =	vpush v7, $0xF;
	_ =	sdelay $0x1  }
0xa1: {  	v7, _, _ =	vpop (xrf0)  }
0xa2: {  	(v2sf) =	vpush v7, $0xF  }
0xa3: {  	s26 =	simm.s32 $0x30;
	(xrf0) =	vadd.scan.msk.s32 $0xffff, v8  }
0xa4: {  	v6 =	vld [tilespmem:s26+$0x0];
	_ =	sdelay $0x2  }
0xa5: {  	s30 =	simm.s32 $0x1  }
0xa6: {  	s29 =	simm.s32 $0x2;
	s3 =	simm.s32 $0x4;
	s31 =	simm.s32 $0x0  }
0xa7: {  	s0 =	simm.s32 $0x0;
	s15 =	simm.s32 $0x40;
	s26 =	simm.s32 $0x3;
	(xrf0) =	vadd.scan.msk.s32 $0xffff, v6;
	v6, _, _ =	vpop (xrf0)  }
.LBB2_6:
0xa8: {  	p1 =	sne.s32 s3, $0x1FF;
	s16 =	smov.u32 s30;
	s30 =	smov.u32 s29  }
0xa9: {  	v7 =	vld [tilespmem:s15+$0x0];
	(v2sf) =	vpush v6, $0xF;
	s29 =	smov.u32 s26;
	s26 =	smov.u32 s3;
	s3 =	sadd.s32 $0x1, s3  }
0xaa: {  	_ = 	snop  }
.Ltmp4:
0xab: {  	(pc) =	sbr.rel @p1 .LBB2_6-.Ltmp4, $4  }
0xac: {  	s7 =	spop (v2sf)  }
0xad: {  	p2 =	slt.u32 s28, $0x100;
	p3 =	sgt.u32 s28, $0xFF;
	s8 =	smov.u32 s7  }
0xae: {  	s28 =	smov.u32 s16;
	s7 =	simm.s32 @!p3 $0x0;
	s8 =	simm.s32 @!p2 $0x0  }
0xaf: {  	s15 =	sadd.s32 $0x10, s15;
	s31 =	sadd.s32 s31, s7;
	(xrf0) =	vadd.scan.msk.s32 $0xffff, v7;
	v6, _, _ =	vpop (xrf0);
	s0 =	sadd.s32 s0, s8  }
0xb0: {  	_ =	sdelay $0x3  }
0xb1: {  	(v2sf) =	vpush v6, $0xF  }
0xb2: {  	v6, _, _ =	vpop (xrf0)  }
0xb3: {  	(v2sf) =	vpush v6, $0xF;
	_ =	sdelay $0x6  }
0xb4: {  	s3 =	spop (v2sf)  }
0xb5: {  	p1 =	slt.u32 s28, $0x100;
	s7 =	smov.u32 s3  }
0xb6: {  	p2 =	sgt.u32 s28, $0xFF;
	s7 =	simm.s32 @!p1 $0x0;
	s8 =	spop (v2sf)  }
0xb7: {  	p1 =	slt.u32 s30, $0x100;
	s0 =	sadd.s32 s0, s7;
	s7 =	smov.u32 s8  }
0xb8: {  	s3 =	simm.s32 @!p2 $0x0;
	p2 =	slt.u32 s29, $0x100;
	s7 =	simm.s32 @!p1 $0x0  }
0xb9: {  	s3 =	sadd.s32 s31, s3;
	p1 =	sgt.u32 s30, $0xFF;
	s0 =	sadd.s32 s0, s7  }
0xba: {  	s8 =	simm.s32 @!p1 $0x0;
	p1 =	sgt.u32 s29, $0xFF;
	s15 =	spop (v2sf)  }
0xbb: {  	s3 =	sadd.s32 s3, s8;
	s7 =	smov.u32 s15;
	s15 =	simm.s32 @!p1 $0x0  }
0xbc: {  	p1 =	slt.u32 s26, $0x100;
	s7 =	simm.s32 @!p2 $0x0;
	s8 =	spop (v2sf)  }
0xbd: {  	p2 =	sgt.u32 s26, $0xFF;
	s0 =	sadd.s32 s0, s7;
	s7 =	smov.u32 s8  }
0xbe: {  	s3 =	sadd.s32 s3, s15;
	s8 =	simm.s32 @!p2 $0x0;
	s7 =	simm.s32 @!p1 $0x0  }
0xbf: {  	s3 =	sadd.s32 s3, s8;
	s0 =	sadd.s32 s0, s7  }
0xc0: {  	v7 =	vmov s3;
	v6 =	vmov s0  }
0xc1: {  	v7 =	vnsel vm1, $0x0, v7;
	v6 =	vnsel vm0, $0x0, v6  }
0xc2: {  	v6 =	vadd.s32 v6, v7  }
0xc3: {  	[tilespmem:$0x0] =	vst v6  }
0xc4: {  	[hbm4b:s12+s2] =	stream.linear.scatter [tilespmem:s2], [sflag:$0x1], $0x10, $0x38;
	[tilespmem:$0xBA80] =	vst v63  }
.Ltmp5:
0xc5: {  	_ =	swait.ge [sflag:s14], $0x10;
	(pc) =	sbr.rel @p0 .LBB2_15-.Ltmp5, $4  }
0xc6: {  	[sflag:s14] =	ssyncset.done $0x0  }
0xc7: {  	[sflag:s14] =	ssyncadd.s32 $0xFFFFFFF0  }
0xc8: {  	[tilespmem:$0x9A00] =	vst v0  }
0xc9: {  	[tilespmem:$0x9A10] =	vst v0  }
0xca: {  	[tilespmem:$0x9900] =	vst v0  }
0xcb: {  	[tilespmem:$0x9910] =	vst v0;
	s3 =	simm.s32 $0x0;
	s0 =	simm.s32 $0x40  }
.LBB2_9:
0xcc: {  	p1 =	sne.s32 s0, $0x6FC0;
	v6 =	vld [tilespmem:s3+$0x2000];
	_ =	sdelay $0x4  }
0xcd: {  	v6 =	vshrl.u32 v6, $0xC  }
0xce: {  	(xrf1) =	vunique.msk.u32 $0xffff, v6;
	_ =	sdelay $0xd  }
0xcf: {  	_, v7, vm2 =	vpop (xrf1);
	_ =	sdelay $0x1  }
.Ltmp6:
0xd0: {  	(pc) =	sbr.rel @p1 .LBB2_9-.Ltmp6, $3  }
0xd1: {  	_ =	sdelay $0x1  }
0xd2: {  	v7 =	vadd.s32 v7, v2  }
0xd3: {  	s3 =	sshra.s32 s0, $0x2;
	s0 =	sadd.s32 $0x40, s0;
	[tilespmem:v6+s20+$0x0] =	vst.idx.add.s32.msk vm2, v7  }
0xd4: {  	v6 =	vld [tilespmem:s3+$0x2000];
	_ =	sdelay $0x4  }
0xd5: {  	v6 =	vshrl.u32 v6, $0xC  }
0xd6: {  	(xrf1) =	vunique.msk.u32 $0xffff, v6;
	_ =	sdelay $0xd  }
0xd7: {  	_, v7, vm2 =	vpop (xrf1);
	_ =	sdelay $0x4  }
0xd8: {  	v7 =	vadd.s32 v7, v2  }
0xd9: {  	[tilespmem:v6+s20+$0x0] =	vst.idx.add.s32.msk vm2, v7  }
0xda: {  	v6 =	vld [tilespmem:$0x9900]  }
0xdb: {  	v7 =	vld [tilespmem:$0x9910];
	_ =	sdelay $0x3  }
0xdc: {  	v6 =	vadd.s32 $0x7, v6  }
0xdd: {  	v7 =	vadd.s32 $0x7, v7;
	v6 =	vand.u32 $0xFFFFFFF8, v6  }
0xde: {  	v7 =	vand.u32 $0xFFFFFFF8, v7;
	(xrf0) =	vadd.scan.msk.s32 $0xffff, v6  }
0xdf: {  	(xrf0) =	vadd.scan.msk.s32 $0xffff, v7;
	_ =	sdelay $0x4  }
0xe0: {  	v8, _, _ =	vpop (xrf0)  }
0xe1: {  	[tilespmem:$0x9A00] =	vst v6;
	v9, _, _ =	vpop (xrf0);
	v10 =	vbroadcast v8, $0xF  }
0xe2: {  	[tilespmem:$0x9A10] =	vst v7;
	v8 =	vsub.s32 v8, v6;
	v9 =	vsub.s32 v9, v7  }
0xe3: {  	[tilespmem:$0x9980] =	vst v8;
	v9 =	vadd.s32 v10, v9  }
0xe4: {  	s0 =	simm.s32 $0x40;
	s3 =	simm.s32 $0x0;
	[tilespmem:$0x9990] =	vst v9  }
.LBB2_11:
0xe5: {  	p1 =	sne.s32 s0, $0x7FC0;
	[tilespmem:s3+$0x5900] =	vst v4;
	s3 =	smov.u32 s0;
	s0 =	sadd.s32 $0x40, s0  }
.Ltmp7:
0xe6: {  	(pc) =	sbr.rel @p1 .LBB2_11-.Ltmp7, $2  }
0xe7: {  	_ =	sdelay $0x2  }
0xe8: {  	s3 =	sshra.s32 s3, $0x2  }
0xe9: {  	[tilespmem:s3+$0x5900] =	vst v4;
	s0 =	simm.s32 $0x0  }
0xea: {  	v6 =	vld [tilespmem:s0+$0x2000];
	_ =	sdelay $0x4  }
0xeb: {  	v7 =	vshrl.u32 v6, $0xC  }
0xec: {  	(xrf1) =	vunique.msk.u32 $0xffff, v7;
	_ =	sdelay $0xa  }
0xed: {  	v8 =	vld.idx.msk [tilespmem:v7+s21+$0x0], $0xffff;
	_ =	sdelay $0x2  }
0xee: {  	_, v9, vm2 =	vpop (xrf1)  }
0xef: {  	v9 =	vsub.s32 v9, v1  }
0xf0: {  	v8 =	vadd.s32 v8, v9  }
0xf1: {  	v63 =	vld [tilespmem:s0+$0x3C00];
	v6 =	vshll.u32 v6, $0x12  }
0xf2: {  	v6 =	vand.u32 $0x3FFC0000, v6  }
0xf3: {  	v6 =	vor.u32 s13, v6;
	v10 =	vadd.s32 $0x1, v8  }
0xf4: {  	v6 =	vor.u32 v5, v6;
	[tilespmem:v7+s21+$0x0] =	vst.idx.msk vm2, v10  }
0xf5: {  	[tilespmem:v8+s22+$0x0] =	vst.idx.msk $0xffff, v6  }
0xf6: {  	s0 =	simm.s32 $0x10;
	[tilespmem:v8+s23+$0x0] =	vst.idx.msk $0xffff, v63  }
0xf7: {  	s28 =	simm.s32 $0x80;
	s26 =	smov.u32 s13;
	v6 =	vld [tilespmem:s0+$0x2000]  }
.LBB2_13:
0xf8: {  	p1 =	sne.s32 s28, $0x6FC0;
	v7 =	vld [tilespmem:s0+$0x3C00];
	_ =	sdelay $0x3  }
0xf9: {  	v8 =	vshrl.u32 v6, $0xC;
	v6 =	vshll.u32 v6, $0x12  }
0xfa: {  	(xrf1) =	vunique.msk.u32 $0xffff, v8;
	_ =	sdelay $0x9  }
0xfb: {  	v9 =	vld.idx.msk [tilespmem:v8+s21+$0x0], $0xffff;
	_ =	sdelay $0x3  }
0xfc: {  	_, v10, vm2 =	vpop (xrf1)  }
0xfd: {  	v10 =	vsub.s32 v10, v1  }
0xfe: {  	v9 =	vadd.s32 v9, v10;
	_ =	sdelay $0x1  }
0xff: {  	s26 =	sadd.s32 $0x10, s26;
	v6 =	vand.u32 $0x3FFC0000, v6  }
.Ltmp8:
0x100: {  	v6 =	vor.u32 s26, v6;
	v10 =	vadd.s32 $0x1, v9;
	(pc) =	sbr.rel @p1 .LBB2_13-.Ltmp8, $4  }
0x101: {  	v6 =	vor.u32 v5, v6;
	[tilespmem:v8+s21+$0x0] =	vst.idx.msk vm2, v10  }
0x102: {  	[tilespmem:v9+s22+$0x0] =	vst.idx.msk $0xffff, v6  }
0x103: {  	s0 =	sshra.s32 s28, $0x2;
	[tilespmem:v9+s23+$0x0] =	vst.idx.msk $0xffff, v7  }
0x104: {  	s28 =	sadd.s32 $0x40, s28;
	v6 =	vld [tilespmem:s0+$0x2000]  }
.Ltmp9:
0x105: {  	_ = 	snop;
	(pc) =	sbr.rel .LBB2_14-.Ltmp9, $1  }
0x106: {  	_ =	sdelay $0x3  }
.LBB2_16:
0x107: {  	_ =	sfence.sel $0x180000  }
0x108: {  	[bflag:$0x0] =	sbarrier.arrive $0xFFFF  }
0x109: {  	_ =	strace $0x90000047  }
0x10a: {  	s0 =	stileid.u32;
	[bflag:$0x2] =	sbarrier.arrive $0xFFFF  }
0x10b: {  	p0 =	sne.s32 s0, $0x0;
	s0 =	rddreg [dreg:$0x2]  }
0x10c: {  	s0 =	sadd.s32 @!p0 $0x100000, s0  }
0x10d: {  	[sflag:s0] =	ssyncadd.tile.s32 @!p0 $0x1;
	_ =	shalt  }
.Lfunc_end2:
_tile_overlayer_lowered:
.L_overlay_start_2:
0x10e: {  	(tag) =	ssettag $0x2  }
0x10f: {  	s0 =	rddreg [dreg:$0x0];
	s2 =	stileid.u32  }
0x110: {  	s1 =	rddreg [dreg:$0x1];
	p0 =	sne.s32 s2, $0x0  }
0x111: {  	s3 =	rddreg [dreg:$0x2];
	[bflag:$0x3] =	sbarrier.arrive $0xFFFF;
	s2 =	simm.s32 @!p0 $0x1C01  }
0x112: {  	[timem:s3], [sflag:s2] =	dma.local @!p0 [hbm:s0], s1  }
0x113: {  	s0 =	simm.s32 @!p0 $0x1  }
0x114: {  	_ =	swait.ge @!p0 [sflag:s0], s1  }
0x115: {  	s1 =	ssub.s32 @!p0 $0x0, s1;
	[sflag:s0] =	ssyncset.done @!p0 $0x0  }
0x116: {  	[sflag:s0] =	ssyncadd.s32 @!p0 s1  }
0x117: {  	[bflag:$0x3] =	sbarrier.arrive $0xFFFF  }
0x118: {  	_ =	shalt  }

// kernel: kernel.9.cloned.1.call-start
scs
__scs_entry_jumppad:
0x0: {  	(pc) =	sbr.rel $0x88, $3  }
0x1: {  	(tag) =	ssettag $0x0;
	lr =	simm.s32 $0x1  }
0x2: {  	[smem:$0x3F9F] =	sst lr;
	_ =	strace $0xD0000000  }
0x3: {  	_ = 	snop  }
0x4: {  	_ = 	snop  }
0x5: {  	_ = 	snop  }
0x6: {  	_ = 	snop  }
0x7: {  	_ = 	snop  }
__scs_overlays_trampoline_lowered:
0x8: {  	[smem:$0x3FAE] =	sst s0  }
0x9: {  	[smem:$0x3FAF] =	sst s1  }
0xa: {  	[smem:$0x3FB0] =	sst s2  }
0xb: {  	[smem:$0x3FB1] =	sst s3  }
0xc: {  	[smem:$0x3FB2] =	sst s4  }
0xd: {  	[smem:$0x3FB3] =	sst s5  }
0xe: {  	[smem:$0x3FB4] =	sst s6  }
0xf: {  	[smem:$0x3FB5] =	sst s7  }
0x10: {  	[smem:$0x3FB6] =	sst s8  }
0x11: {  	[smem:$0x3FB7] =	sst s9;
	s0 =	simm.s32 @!p0 $0x0  }
0x12: {  	s1 =	sld [smem:$0x3F9D];
	s0 =	simm.s32 @p0 $0x1  }
0x13: {  	[smem:$0x3FB8] =	sst s0;
	s0 =	simm.s32 @!p1 $0x0  }
0x14: {  	s2 =	sld [smem:$0x3F9C];
	s0 =	simm.s32 @p1 $0x1  }
0x15: {  	[smem:$0x3FB9] =	sst s0;
	s0 =	simm.s32 @!p2 $0x0  }
0x16: {  	s3 =	sld [smem:$0x3FDB];
	s0 =	simm.s32 @p2 $0x1  }
0x17: {  	s4 =	simm.s32 $0x1BF5;
	[smem:$0x3FBB] =	sst s0  }
0x18: {  	s0 =	sld [smem:$0x3F9E];
	_ =	swait.ge [sflag:s4], $0x0  }
0x19: {  	s7 =	sld [smem:$0x3F9F]  }
0x1a: {  	s8 =	sadd.s32 $0xFFFFE003, lr  }
0x1b: {  	s9 =	sadd.s32 $0xFFFFFEF7, lr;
	s5 =	simm.s32 $0xFFFFFFFF;
	p2 =	slt.u32 s8, $0xFFFFF086  }
0x1c: {  	p1 =	slt.u32 s9, $0xF7A;
	s5 =	simm.s32 @!p2 $0x0  }
0x1d: {  	s5 =	simm.s32 @p1 $0x1;
	p0 =	seq.s32 s7, s2  }
0x1e: {  	s7 =	smul.u32 @!p0 $0xF7A, s2;
	p2 =	seq.s32 @!p0 s5, $0x0  }
0x1f: {  	s9 =	smul.u32 $0xF7A, s1;
	s8 =	simm.s32 @!p0 $0x1BF5;
	p2 =	por !p2, p0  }
0x20: {  	[sflag:s8] =	ssyncset.s32 @!p0 $0xFFFFF086;
	s6 =	sadd.s32 @!p0 s3, s7;
	s7 =	simm.s32 @!p0 $0x108  }
0x21: {  	s3 =	sadd.s32 s3, s9;
	s6 =	sadd.s32 @!p0 $0x88, s6;
	s7 =	simm.s32 @p2 $0x1082  }
0x22: {  	[simem:s7], [sflag:s8] =	dma.local @!p0 [hbm:s6], $0xF7A  }
0x23: {  	s9 =	sor.u32 $0xD0000000, s2;
	s6 =	simm.s32 $0x108;
	_ =	swait.ge @!p0 [sflag:s8], $0x0  }
0x24: {  	s3 =	sadd.s32 $0x88, s3;
	s6 =	simm.s32 @!p1 $0x1082;
	[sflag:s4] =	ssyncset.s32 $0xFFFFF086  }
0x25: {  	[simem:s6], [sflag:s4] =	dma.local [hbm:s3], $0xF7A  }
0x26: {  	[smem:$0x3F9F] =	sst s1;
	(tag) =	ssettag s2;
	_ =	strace s9  }
0x27: {  	s1 =	sld [smem:$0x3FAF]  }
0x28: {  	s2 =	sld [smem:$0x3FB0]  }
0x29: {  	s4 =	sld [smem:$0x3FB2]  }
0x2a: {  	p0 =	seq.s32 s5, $0x0;
	s5 =	sld [smem:$0x3FB3]  }
0x2b: {  	s6 =	sld [smem:$0x3FB4]  }
0x2c: {  	s7 =	sld [smem:$0x3FB5]  }
0x2d: {  	s3 =	simm.s32 $0x108;
	s8 =	sld [smem:$0x3FB6]  }
0x2e: {  	s3 =	simm.s32 @!p0 $0x1082;
	s9 =	sld [smem:$0x3FB7]  }
0x2f: {  	lr =	sadd.s32 s0, s3;
	s0 =	sld [smem:$0x3FAE]  }
0x30: {  	s3 =	sld [smem:$0x3FB1]  }
0x31: {  	[smem:$0x3FBA] =	sst s10  }
0x32: {  	s10 =	sld [smem:$0x3FB8];
	_ =	sdelay $0x3  }
0x33: {  	p0 =	seq.s32 s10, $0x1;
	s10 =	sld [smem:$0x3FBA];
	_ =	sdelay $0x3  }
0x34: {  	[smem:$0x3FBA] =	sst s10  }
0x35: {  	s10 =	sld [smem:$0x3FB9];
	_ =	sdelay $0x3  }
0x36: {  	p1 =	seq.s32 s10, $0x1;
	s10 =	sld [smem:$0x3FBA];
	_ =	sdelay $0x3  }
0x37: {  	[smem:$0x3FBA] =	sst s10  }
0x38: {  	s10 =	sld [smem:$0x3FBB]  }
0x39: {  	_ = 	snop;
	(pc) =	sbr.ind lr, $3  }
0x3a: {  	_ = 	snop  }
0x3b: {  	_ = 	snop  }
0x3c: {  	p2 =	seq.s32 s10, $0x1;
	s10 =	sld [smem:$0x3FBA]  }
0x3d: {  	_ =	shalt  }
0x3e: {  	_ =	shalt  }
0x3f: {  	_ =	shalt  }
0x40: {  	_ =	shalt  }
0x41: {  	_ =	shalt  }
0x42: {  	_ =	shalt  }
0x43: {  	_ =	shalt  }
0x44: {  	_ =	shalt  }
0x45: {  	_ =	shalt  }
0x46: {  	_ =	shalt  }
0x47: {  	_ =	shalt  }
0x48: {  	_ =	shalt  }
0x49: {  	_ =	shalt  }
0x4a: {  	_ =	shalt  }
0x4b: {  	_ =	shalt  }
0x4c: {  	_ =	shalt  }
0x4d: {  	_ =	shalt  }
0x4e: {  	_ =	shalt  }
0x4f: {  	_ =	shalt  }
0x50: {  	_ =	shalt  }
0x51: {  	_ =	shalt  }
0x52: {  	_ =	shalt  }
0x53: {  	_ =	shalt  }
0x54: {  	_ =	shalt  }
0x55: {  	_ =	shalt  }
0x56: {  	_ =	shalt  }
0x57: {  	_ =	shalt  }
0x58: {  	_ =	shalt  }
0x59: {  	_ =	shalt  }
0x5a: {  	_ =	shalt  }
0x5b: {  	_ =	shalt  }
0x5c: {  	_ =	shalt  }
0x5d: {  	_ =	shalt  }
0x5e: {  	_ =	shalt  }
0x5f: {  	_ =	shalt  }
0x60: {  	_ =	shalt  }
0x61: {  	_ =	shalt  }
0x62: {  	_ =	shalt  }
0x63: {  	_ =	shalt  }
0x64: {  	_ =	shalt  }
0x65: {  	_ =	shalt  }
0x66: {  	_ =	shalt  }
0x67: {  	_ =	shalt  }
0x68: {  	_ =	shalt  }
0x69: {  	_ =	shalt  }
0x6a: {  	_ =	shalt  }
0x6b: {  	_ =	shalt  }
0x6c: {  	_ =	shalt  }
0x6d: {  	_ =	shalt  }
0x6e: {  	_ =	shalt  }
0x6f: {  	_ =	shalt  }
0x70: {  	_ =	shalt  }
0x71: {  	_ =	shalt  }
0x72: {  	_ =	shalt  }
0x73: {  	_ =	shalt  }
0x74: {  	_ =	shalt  }
0x75: {  	_ =	shalt  }
0x76: {  	_ =	shalt  }
0x77: {  	_ =	shalt  }
0x78: {  	_ =	shalt  }
0x79: {  	_ =	shalt  }
0x7a: {  	_ =	shalt  }
0x7b: {  	_ =	shalt  }
0x7c: {  	_ =	shalt  }
0x7d: {  	_ =	shalt  }
0x7e: {  	_ =	shalt  }
0x7f: {  	_ =	shalt  }
0x80: {  	_ =	shalt  }
0x81: {  	_ =	shalt  }
0x82: {  	_ =	shalt  }
0x83: {  	_ =	shalt  }
0x84: {  	_ =	shalt  }
0x85: {  	_ =	shalt  }
0x86: {  	_ =	shalt  }
0x87: {  	_ =	shalt  }
.Lfunc_end0:
.L_simem_size_0:
called_computation.1_lowered:
.L_overlay_start_0:
0x88: {  	s2 =	sld [smem:$0x3FD9]  }
0x89: {  	s3 =	sld [smem:$0x3FFE];
	_ =	sdelay $0x1  }
0x8a: {  	s1 =	srdreg.scid  }
0x8b: {  	s0 =	sand.u32 $0x1, s1  }
0x8c: {  	s17 =	sshll.u32 s0, $0xA;
	s2 =	sadd.s32 s3, s2  }
0x8d: {  	s2 =	sadd.s32 s2, s17  }
0x8e: {  	[smem:$0x3FC6] =	sst s2  }
0x8f: {  	_ = 	snop  }
0x90: {  	s2 =	sld [smem:$0x3FD0];
	(tm) =	ssettm $0x1  }
0x91: {  	s18 =	sld [smem:$0x3FFB];
	_ =	sdelay $0x3  }
0x92: {  	_ =	strace s18  }
0x93: {  	s3 =	sld [smem:$0x3FFC];
	_ =	sdelay $0x3  }
0x94: {  	_ =	strace s3  }
0x95: {  	s3 =	sld [smem:$0x3FFD];
	_ =	sdelay $0x3  }
0x96: {  	_ =	strace s3  }
0x97: {  	_ =	strace $0x8FFFFFFF  }
0x98: {  	s19 =	sld [smem:$0x3FDB];
	_ =	sdelay $0x1  }
0x99: {  	s4 =	simm.s32 $_scs_section_size  }
0x9a: {  	s5 =	simm.s32 $_size__tile_overlayer_lowered;
	s6 =	simm.s32 $_tile_overlayer_lowered  }
0x9b: {  	s22 =	simm.s32 $0x1BFF;
	s21 =	sshll.u32 s6, $0x1;
	s3 =	sadd.s32 s4, s19  }
0x9c: {  	s7 =	simm.s32 $0x0;
	s20 =	sshll.u32 s5, $0x1;
	s5 =	sadd.s32 s21, s3  }
0x9d: {  	[timem:s7], [sflag:s22] =	dma.local [hbm:s5], s20  }
0x9e: {  	_ =	swait.ge [sflag:s22], s20  }
0x9f: {  	s4 =	ssub.s32 $0x0, s20;
	[sflag:s22] =	ssyncset.done $0x0  }
0xa0: {  	[sflag:s22] =	ssyncadd.s32 s4;
	_ =	sdelay $0x1  }
0xa1: {  	s23 =	simm.s32 $0x1B8B  }
0xa2: {  	_ =	swait.ge [sflag:s23], $0x1  }
0xa3: {  	[sflag:s23] =	ssyncset.done $0x0  }
0xa4: {  	s25 =	simm.s32 $0x1B8E;
	s24 =	sld [smem:$0x3FFE];
	[sflag:s23] =	ssyncadd.s32 $0xFFFFFFFF  }
0xa5: {  	s26 =	simm.s32 $execute0_lowered;
	[smem:$0x3FD2] =	sst s25  }
0xa6: {  	s5 =	sshll.u32 s26, $0x1;
	_ =	strace $0x80000049;
	[dreg:$0x1] =	wrdreg $0xFFFFFFFF  }
0xa7: {  	s28 =	simm.s32 $_size_execute0_lowered;
	s3 =	sadd.s32 s3, s5;
	[dreg:$0x0] =	wrdreg $0x0  }
0xa8: {  	s5 =	sshll.u32 s28, $0x1;
	[dreg:$0x2] =	wrdreg s3  }
0xa9: {  	[dreg:$0x3] =	wrdreg s5  }
0xaa: {  	[dreg:$0x4] =	wrdreg $0xC0  }
0xab: {  	_ =	task [dreg:s7], $0x5FFFF  }
0xac: {  	[dreg:$0x1] =	wrdreg $0xFFFFFFFF  }
0xad: {  	[dreg:$0x0] =	wrdreg $0x60  }
0xae: {  	[dreg:$0x2] =	wrdreg s24  }
0xaf: {  	[dreg:$0x3] =	wrdreg s2  }
0xb0: {  	[dreg:$0x4] =	wrdreg $0x9  }
0xb1: {  	_ =	task.clear_ibuf [dreg:s7], $0x5FFFF;
	_ =	strace $0x90000049  }
0xb2: {  	s29 =	simm.s32 $0x9;
	_ =	strace $0x8000004B  }
0xb3: {  	_ =	swait.ge [sflag:s29], $0x1  }
0xb4: {  	[sflag:s29] =	ssyncadd.s32 $0xFFFFFFFF  }
0xb5: {  	_ =	strace $0x9000004B  }
0xb6: {  	_ =	sfence  }
0xb7: {  	s30 =	sld [smem:$0x0];
	_ =	sdelay $0x2  }
0xb8: {  	s31 =	sshll.u32 s1, $0xD;
	s1 =	sshrl.u32 s1, $0x2  }
0xb9: {  	s3 =	sand.u32 $0x4000, s31;
	s1 =	sadd.s32 s1, s30  }
0xba: {  	s0 =	sor.u32 s3, s0;
	s1 =	sshll.u32 s1, $0x11  }
0xbb: {  	s0 =	sor.u32 s1, s0  }
0xbc: {  	s0 =	sadd.s32 $0x8F2B, s0  }
0xbd: {  	[sflag:s0] =	ssyncadd.remote.s32 $0x1  }
0xbe: {  	_ =	sfence.sel $0xFFFF  }
0xbf: {  	[dreg:$0x0] =	wrdreg $0xFFFFFFFF;
	(pc) =	sbr.abs _section_cstart, $3  }
0xc0: {  	[dreg:$0x1] =	wrdreg $0xFFFFFFFF  }
0xc1: {  	_ =	task.clear_ibuf [dreg:s7], $0x2FFFF;
	_ =	strace $0x9FFFFFFF  }
0xc2: {  	(tm) =	ssettm $0x7FFFFFFF  }
0xc3: {  	_ =	shalt  }
tec
execute0_lowered:
.L_overlay_start_1:
0x0: {  	(tag) =	ssettag $0x1  }
0x1: {  	s0 =	rddreg [dreg:$0x0];
	s1 =	simm.s32 $0x0  }
0x2: {  	[smem:$0x7FF] =	sst s1  }
0x3: {  	s2 =	rddreg [dreg:$0x1];
	v0 =	vimm.s32 $0x0;
	_ =	strace $0x8000004A  }
0x4: {  	(xrf1) =	vunique.msk.u32 $0xffff, v0;
	_ =	sdelay $0xd  }
0x5: {  	_, v1, _ =	vpop (xrf1)  }
0x6: {  	v1 =	vxor.u32 $0x80000000, v1  }
0x7: {  	(xrf0) =	vmin.scan.msk.u32 $0xffff, v1;
	_ =	sdelay $0x5  }
0x8: {  	v1, _, _ =	vpop (xrf0)  }
0x9: {  	(v2sf) =	vpush v1, $0xF;
	_ =	sdelay $0x3  }
0xa: {  	s3 =	srdreg.scid;
	s16 =	stileid.u32;
	s14 =	simm.s32 $0x1  }
0xb: {  	s17 =	simm.s32 $0x80;
	s18 =	simm.s32 $0x5200;
	s19 =	simm.s32 $0x5280  }
0xc: {  	s20 =	simm.s32 $0x5300;
	s21 =	simm.s32 $0x3200;
	s22 =	simm.s32 $0x3400  }
0xd: {  	s23 =	simm.s32 $0x2000;
	s24 =	simm.s32 $0x3A00;
	s28 =	simm.s32 $0x0  }
0xe: {  	s3 =	sand.u32 $0x1, s3;
	s5 =	sadd.s32 $0x17800, s0;
	s25 =	sadd.s32 $0x17A00, s0  }
0xf: {  	s6 =	sadd.s32 $0x1FC00, s0;
	s8 =	sadd.s32 $0x27C00, s0;
	[dreg:$0x3] =	wrdreg s5  }
0x10: {  	s9 =	sadd.s32 $0x1800, s0;
	s4 =	sshll.u32 s3, $0x4;
	[dreg:$0x4] =	wrdreg s25  }
0x11: {  	s5 =	sadd.s32 $0x17C00, s0;
	s11 =	ssub.s32 $0x2, s3;
	[dreg:$0x5] =	wrdreg s8  }
0x12: {  	s8 =	sadd.s32 $0x7C00, s0;
	p0 =	seq.s32 s3, $0x0;
	s25 =	simm.s32 $0x4200  }
.Ltmp0:
0x13: {  	s4 =	sor.u32 s16, s4;
	s12 =	sshrl.u32 s11, $0x1;
	(pc) =	sbr.rel .LBB2_1-.Ltmp0, $4  }
0x14: {  	s7 =	sshll.u32 s4, $0x9;
	s26 =	ssub.s32 s11, s12;
	s31 =	sadd.s32 $0xFFFFFFF0, s4  }
0x15: {  	v3 =	vlaneseq.u32;
	vm0 =	vmmov $0x3;
	v5 =	vmov s16;
	s10 =	sadd.s32 s7, s0;
	s12 =	sadd.s32 s2, s7;
	s29 =	spop (v2sf)  }
0x16: {  	vm1 =	veq.s32 v5, v3;
	s13 =	smax.u32 s26, $0x1;
	v4 =	vmov s31;
	s30 =	sadd.s32 $0xF800, s10;
	v1 =	vmov s4;
	s15 =	sxor.u32 $0x80000000, s29  }
0x17: {  	s26 =	simm.s32 $0x4A00;
	s11 =	sadd.s32 $0x13800, s10;
	vm2 =	vgt.s32 v4, v3;
	[dreg:$0x6] =	wrdreg s30;
	vm3 =	vgt.u32 v1, v3;
	v2 =	vmov s15  }
.LBB2_21:
0x18: {  	s28 =	sadd.s32 $0x1, s28  }
0x19: {  	p1 =	sne.s32 s28, s13  }
.Ltmp1:
0x1a: {  	_ = 	snop;
	(pc) =	sbr.rel @!p1 .LBB2_22-.Ltmp1, $1  }
0x1b: {  	_ =	sdelay $0x3  }
.LBB2_1:
0x1c: {  	s0 =	simm.s32 $0x3000;
	s2 =	rddreg [dreg:$0x3]  }
0x1d: {  	[tilespmem:s0], [sflag:$0x1] =	stream.linear.gather [hbm4b:s2+s1], $0x100, $0x38;
	[tilespmem:$0x5380] =	vst v63  }
0x1e: {  	_ =	swait.ge [sflag:s14], $0x100  }
0x1f: {  	[sflag:s14] =	ssyncset.done $0x0  }
0x20: {  	s30 =	simm.s32 $0x3100;
	s3 =	rddreg [dreg:$0x4];
	[sflag:s14] =	ssyncadd.s32 $0xFFFFFF00  }
0x21: {  	[tilespmem:s30], [sflag:$0x1] =	stream.linear.gather [hbm4b:s3+s1], $0x100, $0x38;
	[tilespmem:$0x5380] =	vst v63  }
0x22: {  	_ =	swait.ge [sflag:s14], $0x100  }
0x23: {  	[sflag:s14] =	ssyncset.done $0x0  }
0x24: {  	[sflag:s14] =	ssyncadd.s32 $0xFFFFFF00  }
0x25: {  	v4 =	vld [tilespmem:s0+$0x0]  }
0x26: {  	v5 =	vld [tilespmem:s30+$0x0]  }
0x27: {  	s31 =	simm.s32 $0x3010  }
0x28: {  	s2 =	simm.s32 $0x3110;
	v6 =	vld [tilespmem:s31+$0x0]  }
0x29: {  	v10 =	vadd.s32 s1, v3;
	s3 =	simm.s32 $0x3020;
	v7 =	vld [tilespmem:s2+$0x0]  }
0x2a: {  	s4 =	simm.s32 $0x3120;
	vm4 =	vlt.u32 v10, v1;
	v8 =	vld [tilespmem:s3+$0x0]  }
0x2b: {  	vm4 =	vmand vm4, vm0;
	v9 =	vld [tilespmem:s4+$0x0];
	v4 =	vadd.s32 v4, v5  }
0x2c: {  	s7 =	simm.s32 $0x2;
	v4 =	vnsel vm4, $0x0, v4  }
0x2d: {  	s10 =	simm.s32 $0x4;
	v11 =	vadd.s32 s7, v3;
	(xrf0) =	vadd.scan.msk.s32 $0xffff, v4  }
0x2e: {  	vm5 =	vlt.u32 v11, v1;
	v5 =	vadd.s32 v6, v7;
	v6 =	vadd.s32 s10, v3  }
0x2f: {  	vm5 =	vmand vm5, vm0;
	vm4 =	vlt.u32 v6, v1  }
0x30: {  	v5 =	vnsel vm5, $0x0, v5;
	v4 =	vadd.s32 v8, v9;
	vm4 =	vmand vm4, vm0  }
0x31: {  	s16 =	simm.s32 $0x3130;
	(xrf0) =	vadd.scan.msk.s32 $0xffff, v5;
	v4 =	vnsel vm4, $0x0, v4  }
0x32: {  	s15 =	simm.s32 $0x3030;
	v6 =	vld [tilespmem:s16+$0x0];
	(xrf0) =	vadd.scan.msk.s32 $0xffff, v4  }
0x33: {  	s29 =	simm.s32 $0x6;
	v5 =	vld [tilespmem:s15+$0x0];
	v7, _, _ =	vpop (xrf0)  }
0x34: {  	v4 =	vadd.s32 s29, v3;
	(v2sf) =	vpush v7, $0xF;
	_ =	sdelay $0x2  }
0x35: {  	vm4 =	vlt.u32 v4, v1;
	v4, _, _ =	vpop (xrf0)  }
0x36: {  	v5 =	vadd.s32 v5, v6;
	(v2sf) =	vpush v4, $0xF;
	v6, _, _ =	vpop (xrf0)  }
0x37: {  	(v2sf) =	vpush v6, $0xF;
	_ =	sdelay $0x2  }
0x38: {  	s31 =	simm.s32 $0x3040;
	vm4 =	vmand vm4, vm0  }
0x39: {  	s0 =	simm.s32 $0x3140;
	v5 =	vnsel vm4, $0x0, v5;
	v4 =	vld [tilespmem:s31+$0x0]  }
0x3a: {  	(xrf0) =	vadd.scan.msk.s32 $0xffff, v5;
	v5 =	vld [tilespmem:s0+$0x0]  }
0x3b: {  	s30 =	simm.s32 $0x8  }
0x3c: {  	v7 =	vadd.s32 s30, v3  }
0x3d: {  	s3 =	simm.s32 $0xA;
	s4 =	simm.s32 $0x3050;
	s2 =	simm.s32 $0x0;
	vm4 =	vlt.u32 v7, v1  }
.LBB2_2:
0x3e: {  	s0 =	sadd.s32 $0x10, s0  }
0x3f: {  	v8 =	vadd.s32 v4, v5;
	v4 =	vld [tilespmem:s4+$0x0];
	vm4 =	vmand vm4, vm0;
	s7 =	spop (v2sf);
	s10 =	smov.u32 s3;
	p1 =	sne.s32 s3, $0x1E  }
.Ltmp2:
0x40: {  	s3 =	sadd.s32 $0x2, s3;
	v5 =	vld [tilespmem:s0+$0x0];
	v7 =	vnsel vm4, $0x0, v8;
	s2 =	sadd.s32 s2, s7;
	(pc) =	sbr.rel @p1 .LBB2_2-.Ltmp2, $4  }
0x41: {  	(xrf0) =	vadd.scan.msk.s32 $0xffff, v7;
	v6, _, _ =	vpop (xrf0)  }
0x42: {  	(v2sf) =	vpush v6, $0xF  }
0x43: {  	v6 =	vadd.s32 s10, v3  }
0x44: {  	s4 =	sadd.s32 $0x10, s4;
	vm4 =	vlt.u32 v6, v1  }
0x45: {  	v4 =	vadd.s32 v4, v5;
	vm4 =	vmand vm4, vm0  }
0x46: {  	v4 =	vnsel vm4, $0x0, v4  }
0x47: {  	(xrf0) =	vadd.scan.msk.s32 $0xffff, v4;
	_ =	sdelay $0x4  }
0x48: {  	v4, _, _ =	vpop (xrf0)  }
0x49: {  	(v2sf) =	vpush v4, $0xF;
	v4, _, _ =	vpop (xrf0)  }
0x4a: {  	(v2sf) =	vpush v4, $0xF;
	_ =	sdelay $0x9  }
0x4b: {  	s3 =	spop (v2sf)  }
0x4c: {  	s0 =	simm.s32 $0x0;
	s16 =	rddreg [dreg:$0x6];
	s4 =	spop (v2sf)  }
0x4d: {  	[tilespmem:s0], [sflag:$0x1] =	stream.linear.gather [hbm4b:s16+s0], $0x1000, $0x38;
	[tilespmem:$0x5380] =	vst v63  }
0x4e: {  	s7 =	spop (v2sf)  }
0x4f: {  	s10 =	spop (v2sf)  }
0x50: {  	s15 =	spop (v2sf)  }
0x51: {  	_ =	swait.ge [sflag:s14], $0x1000  }
0x52: {  	[sflag:s14] =	ssyncset.done $0x0  }
0x53: {  	s29 =	simm.s32 $0x1000;
	[sflag:s14] =	ssyncadd.s32 $0xFFFFF000  }
0x54: {  	[tilespmem:s29], [sflag:$0x1] =	stream.linear.gather [hbm4b:s11+s0], $0x1000, $0x38;
	[tilespmem:$0x5380] =	vst v63  }
0x55: {  	_ =	swait.ge [sflag:s14], $0x1000  }
0x56: {  	[sflag:s14] =	ssyncset.done $0x0  }
0x57: {  	s30 =	simm.s32 $0x0;
	[sflag:s14] =	ssyncadd.s32 $0xFFFFF000  }
0x58: {  	v4 =	vld [tilespmem:s30+$0x1000]  }
0x59: {  	v5 =	vld [tilespmem:s30+$0x0];
	_ =	sdelay $0x4  }
0x5a: {  	v4 =	vadd.s32 v5, v4  }
0x5b: {  	(xrf0) =	vadd.scan.msk.s32 $0xffff, v4;
	_ =	sdelay $0x1  }
0x5c: {  	s2 =	sadd.s32 s2, s3  }
0x5d: {  	s2 =	sadd.s32 s2, s4  }
0x5e: {  	s2 =	sadd.s32 s2, s7  }
0x5f: {  	s2 =	sadd.s32 s2, s10  }
0x60: {  	s2 =	sadd.s32 s2, s15;
	v5, _, _ =	vpop (xrf0)  }
0x61: {  	s31 =	sadd.s32 $0x0, s2;
	v4 =	vsub.s32 v5, v4;
	(v2sf) =	vpush v5, $0xF  }
0x62: {  	v6 =	vadd.s32 s31, v4  }
0x63: {  	s3 =	simm.s32 $0x10;
	[tilespmem:s30+$0x0] =	vst v6  }
0x64: {  	s4 =	simm.s32 $0x80;
	v4 =	vld [tilespmem:s3+$0x1000];
	[tilespmem:s30+$0x2000] =	vst v6  }
.LBB2_4:
0x65: {  	p1 =	sne.s32 s4, $0x3FC0;
	v5 =	vld [tilespmem:s3+$0x0];
	_ =	sdelay $0x4  }
0x66: {  	v4 =	vadd.s32 v5, v4  }
0x67: {  	(xrf0) =	vadd.scan.msk.s32 $0xffff, v4;
	_ =	sdelay $0x4  }
0x68: {  	s7 =	spop (v2sf)  }
.Ltmp3:
0x69: {  	v5, _, _ =	vpop (xrf0);
	s0 =	sadd.s32 s0, s7;
	(pc) =	sbr.rel @p1 .LBB2_4-.Ltmp3, $4  }
0x6a: {  	v4 =	vsub.s32 v5, v4;
	s7 =	sadd.s32 s2, s0;
	(v2sf) =	vpush v5, $0xF  }
0x6b: {  	v5 =	vadd.s32 s7, v4  }
0x6c: {  	s7 =	sshra.s32 s4, $0x2;
	[tilespmem:s3+$0x0] =	vst v5  }
0x6d: {  	s4 =	sadd.s32 $0x40, s4;
	v4 =	vld [tilespmem:s7+$0x1000];
	[tilespmem:s3+$0x2000] =	vst v5;
	s3 =	smov.u32 s7  }
0x6e: {  	v5 =	vld [tilespmem:s3+$0x0];
	_ =	sdelay $0x4  }
0x6f: {  	v4 =	vadd.s32 v5, v4  }
0x70: {  	(xrf0) =	vadd.scan.msk.s32 $0xffff, v4;
	_ =	sdelay $0x5  }
0x71: {  	v5, _, _ =	vpop (xrf0)  }
0x72: {  	(v2sf) =	vpush v5, $0xF;
	_ =	sdelay $0x7  }
0x73: {  	s4 =	spop (v2sf)  }
0x74: {  	s0 =	sadd.s32 s0, s4  }
0x75: {  	v4 =	vsub.s32 v5, v4;
	s0 =	sadd.s32 s2, s0  }
0x76: {  	v4 =	vadd.s32 s0, v4  }
0x77: {  	[tilespmem:s3+$0x0] =	vst v4  }
0x78: {  	[tilespmem:s3+$0x2000] =	vst v4;
	s3 =	simm.s32 $0x0  }
0x79: {  	[hbm4b:s12+s3] =	stream.linear.scatter [tilespmem:s3], [sflag:$0x1], $0x1000, $0x38;
	[tilespmem:$0x5380] =	vst v63  }
0x7a: {  	s16 =	spop (v2sf)  }
0x7b: {  	_ =	swait.ge [sflag:s14], $0x1000  }
0x7c: {  	s31 =	simm.s32 $0x3600;
	[sflag:s14] =	ssyncset.done $0x0  }
.Ltmp4:
0x7d: {  	s0 =	rddreg [dreg:$0x5];
	[sflag:s14] =	ssyncadd.s32 $0xFFFFF000;
	(pc) =	sbr.rel .LBB2_6-.Ltmp4, $4  }
0x7e: {  	[tilespmem:s31], [sflag:$0x1] =	stream.linear.gather [hbm4b:s0+s3], $0x400, $0x38;
	[tilespmem:$0x5380] =	vst v63  }
0x7f: {  	_ =	swait.ge [sflag:s14], $0x400  }
0x80: {  	[sflag:s14] =	ssyncset.done $0x0  }
0x81: {  	s30 =	simm.s32 $0x0;
	s29 =	simm.s32 $0x0;
	[sflag:s14] =	ssyncadd.s32 $0xFFFFFC00  }
.LBB2_16:
0x82: {  	s29 =	sadd.s32 $0x1, s29  }
0x83: {  	p1 =	sne.s32 s29, $0x20  }
.Ltmp5:
0x84: {  	_ = 	snop;
	(pc) =	sbr.rel @!p1 .LBB2_17-.Ltmp5, $1  }
0x85: {  	_ =	sdelay $0x3  }
.LBB2_6:
0x86: {  	s0 =	sshll.u32 s29, $0x5  }
0x87: {  	s0 =	sand.u32 $0x3FFFFFE0, s0  }
0x88: {  	v4 =	vld [tilespmem:s0+$0x3600]  }
0x89: {  	v5 =	vld [tilespmem:s0+$0x3610];
	_ =	sdelay $0x3  }
0x8a: {  	v6 =	vnsel vm3, $0x0, v4  }
0x8b: {  	v4 =	vpsel p0, v4, v5;
	(xrf0) =	vadd.scan.msk.s32 $0xffff, v6;
	v6 =	vnsel vm2, $0x0, v5  }
0x8c: {  	v4 =	vnsel vm1, $0x0, v4;
	(xrf0) =	vadd.scan.msk.s32 $0xffff, v6  }
0x8d: {  	(xrf0) =	vadd.scan.msk.s32 $0xffff, v4;
	_ =	sdelay $0x3  }
0x8e: {  	v4, _, _ =	vpop (xrf0)  }
0x8f: {  	v5, _, _ =	vpop (xrf0);
	(v2sf) =	vpush v4, $0xF  }
0x90: {  	(v2sf) =	vpush v5, $0xF;
	v4, _, _ =	vpop (xrf0)  }
0x91: {  	(v2sf) =	vpush v4, $0xF;
	_ =	sdelay $0xc  }
0x92: {  	s0 =	spop (v2sf)  }
0x93: {  	s2 =	spop (v2sf)  }
0x94: {  	s4 =	spop (v2sf)  }
0x95: {  	s4 =	sadd.s32 $0x1FF, s4  }
0x96: {  	s31 =	sshrl.u32 s4, $0x9  }
0x97: {  	p1 =	seq.s32 s31, $0x0  }
.Ltmp6:
0x98: {  	_ = 	snop;
	(pc) =	sbr.rel @p1 .LBB2_16-.Ltmp6, $1  }
0x99: {  	_ =	sdelay $0x3  }
.Ltmp7:
0x9a: {  	(pc) =	sbr.rel .LBB2_8-.Ltmp7, $3  }
0x9b: {  	_ =	sdelay $0x1  }
0x9c: {  	s0 =	sadd.s32 s0, s2;
	s16 =	sshll.u32 s29, $0xD;
	s2 =	simm.s32 $0x0  }
0x9d: {  	v4 =	vbroadcast v4, $0xF;
	s15 =	simm.s32 $0x0;
	s0 =	sadd.s32 s16, s0;
	s16 =	simm.s32 $0x0  }
.LBB2_14:
0x9e: {  	s4 =	sand.u32 $0x780, s4;
	[sflag:s14] =	ssyncadd.s32 @p1 $0xFFFFFF80  }
0x9f: {  	v5 =	vld [tilespmem:s4+$0x3A00];
	_ =	sdelay $0x4  }
0xa0: {  	[tilespmem:$0x5200] =	vst v5  }
0xa1: {  	v5 =	vld [tilespmem:s4+$0x4200];
	_ =	sdelay $0x4  }
0xa2: {  	[tilespmem:$0x5280] =	vst v5  }
0xa3: {  	v5 =	vld [tilespmem:s4+$0x4A00];
	_ =	sdelay $0x4  }
0xa4: {  	[tilespmem:$0x5300] =	vst v5  }
0xa5: {  	v5 =	vld [tilespmem:s4+$0x3A10];
	_ =	sdelay $0x4  }
0xa6: {  	[tilespmem:$0x5210] =	vst v5  }
0xa7: {  	v5 =	vld [tilespmem:s4+$0x4210];
	_ =	sdelay $0x4  }
0xa8: {  	[tilespmem:$0x5290] =	vst v5  }
0xa9: {  	v5 =	vld [tilespmem:s4+$0x4A10];
	_ =	sdelay $0x4  }
0xaa: {  	[tilespmem:$0x5310] =	vst v5  }
0xab: {  	v5 =	vld [tilespmem:s4+$0x3A20];
	_ =	sdelay $0x4  }
0xac: {  	[tilespmem:$0x5220] =	vst v5  }
0xad: {  	v5 =	vld [tilespmem:s4+$0x4220];
	_ =	sdelay $0x4  }
0xae: {  	[tilespmem:$0x52A0] =	vst v5  }
0xaf: {  	v5 =	vld [tilespmem:s4+$0x4A20];
	_ =	sdelay $0x4  }
0xb0: {  	[tilespmem:$0x5320] =	vst v5  }
0xb1: {  	v5 =	vld [tilespmem:s4+$0x3A30];
	_ =	sdelay $0x4  }
0xb2: {  	[tilespmem:$0x5230] =	vst v5  }
0xb3: {  	v5 =	vld [tilespmem:s4+$0x4230];
	_ =	sdelay $0x4  }
0xb4: {  	[tilespmem:$0x52B0] =	vst v5  }
0xb5: {  	v5 =	vld [tilespmem:s4+$0x4A30];
	_ =	sdelay $0x4  }
0xb6: {  	[tilespmem:$0x5330] =	vst v5  }
0xb7: {  	v5 =	vld [tilespmem:s4+$0x3A40];
	_ =	sdelay $0x4  }
0xb8: {  	[tilespmem:$0x5240] =	vst v5  }
0xb9: {  	v5 =	vld [tilespmem:s4+$0x4240];
	_ =	sdelay $0x4  }
0xba: {  	[tilespmem:$0x52C0] =	vst v5  }
0xbb: {  	v5 =	vld [tilespmem:s4+$0x4A40];
	_ =	sdelay $0x4  }
0xbc: {  	[tilespmem:$0x5340] =	vst v5  }
0xbd: {  	v5 =	vld [tilespmem:s4+$0x3A50];
	_ =	sdelay $0x4  }
0xbe: {  	[tilespmem:$0x5250] =	vst v5  }
0xbf: {  	v5 =	vld [tilespmem:s4+$0x4250];
	_ =	sdelay $0x4  }
0xc0: {  	[tilespmem:$0x52D0] =	vst v5  }
0xc1: {  	v5 =	vld [tilespmem:s4+$0x4A50];
	_ =	sdelay $0x4  }
0xc2: {  	[tilespmem:$0x5350] =	vst v5  }
0xc3: {  	v5 =	vld [tilespmem:s4+$0x3A60];
	_ =	sdelay $0x4  }
0xc4: {  	[tilespmem:$0x5260] =	vst v5  }
0xc5: {  	v5 =	vld [tilespmem:s4+$0x4260];
	_ =	sdelay $0x4  }
0xc6: {  	[tilespmem:$0x52E0] =	vst v5  }
0xc7: {  	v5 =	vld [tilespmem:s4+$0x4A60];
	_ =	sdelay $0x4  }
0xc8: {  	[tilespmem:$0x5360] =	vst v5  }
0xc9: {  	v5 =	vld [tilespmem:s4+$0x3A70];
	_ =	sdelay $0x4  }
0xca: {  	[tilespmem:$0x5270] =	vst v5  }
0xcb: {  	v5 =	vld [tilespmem:s4+$0x4270];
	_ =	sdelay $0x4  }
0xcc: {  	[tilespmem:$0x52F0] =	vst v5  }
0xcd: {  	v5 =	vld [tilespmem:s4+$0x4A70];
	_ =	sdelay $0x4  }
0xce: {  	[tilespmem:$0x5370] =	vst v5  }
0xcf: {  	[hbm4b:s8+s17] =	stream.indirect.scatter [tilespmem:s19], [sflag:$0x1], $0x1, s18, s17, $0xb8;
	[tilespmem:$0x5380] =	vst v63  }
0xd0: {  	_ =	swait.ge [sflag:s14], $0x80  }
0xd1: {  	[sflag:s14] =	ssyncset.done $0x0  }
0xd2: {  	[sflag:s14] =	ssyncadd.s32 $0xFFFFFF80  }
0xd3: {  	[hbm4b:s9+s17] =	stream.indirect.scatter [tilespmem:s18], [sflag:$0x1], $0x1, s20, s17, $0xb8;
	[tilespmem:$0x5380] =	vst v63  }
0xd4: {  	_ =	swait.ge [sflag:s14], $0x80  }
0xd5: {  	[sflag:s14] =	ssyncset.done $0x0  }
0xd6: {  	[sflag:s14] =	ssyncadd.s32 $0xFFFFFF80  }
.LBB2_15:
0xd7: {  	s16 =	sadd.s32 $0x1, s16  }
0xd8: {  	p1 =	sne.s32 s16, s31  }
.Ltmp8:
0xd9: {  	_ = 	snop;
	(pc) =	sbr.rel @!p1 .LBB2_16-.Ltmp8, $2  }
0xda: {  	_ =	sdelay $0x2  }
0xdb: {  	s15 =	sadd.s32 $0x200, s15  }
.LBB2_8:
0xdc: {  	s4 =	sshll.u32 s16, $0x9  }
0xdd: {  	s4 =	sadd.s32 s4, s0  }
0xde: {  	s4 =	sshrl.u32 s4, $0x3  }
0xdf: {  	s7 =	sadd.s32 s5, s4  }
0xe0: {  	[tilespmem:s21], [sflag:$0x1] =	stream.linear.gather [hbm4b:s7+s2], $0x200, $0x38;
	[tilespmem:$0x5380] =	vst v63  }
0xe1: {  	_ =	swait.ge [sflag:s14], $0x200  }
0xe2: {  	[sflag:s14] =	ssyncset.done $0x0  }
0xe3: {  	s4 =	sadd.s32 s6, s4;
	[sflag:s14] =	ssyncadd.s32 $0xFFFFFE00  }
0xe4: {  	[tilespmem:s22], [sflag:$0x1] =	stream.linear.gather [hbm4b:s4+s2], $0x200, $0x38;
	[tilespmem:$0x5380] =	vst v63  }
0xe5: {  	_ =	swait.ge [sflag:s14], $0x200  }
0xe6: {  	[sflag:s14] =	ssyncset.done $0x0  }
0xe7: {  	s10 =	simm.s32 $0x0;
	[sflag:s14] =	ssyncadd.s32 $0xFFFFFE00  }
0xe8: {  	v5 =	vld [tilespmem:s10+$0x3200];
	_ =	sdelay $0x3  }
0xe9: {  	v6 =	vor.u32 s15, v3  }
0xea: {  	vm4 =	vlt.s32 v6, v4;
	vm5 =	vgt.s32 v5, $0xFFFFFFFF;
	v6 =	vshrl.u32 v5, $0x12  }
0xeb: {  	vm4 =	vmand vm4, vm5;
	v6 =	vand.u32 $0xFFF, v6  }
0xec: {  	(xrf1) =	vunique.msk.u32 vm4, v6;
	_ =	sdelay $0x7  }
0xed: {  	v7 =	vsel vm4, $0x1, v0  }
0xee: {  	(xrf0) =	vadd.scan.msk.s32 $0xffff, v7;
	_ =	sdelay $0x2  }
0xef: {  	v7 =	vmov s30  }
0xf0: {  	v7 =	vadd.s32 $0x7FF, v7  }
0xf1: {  	v7 =	vbroadcast v7, $0x0;
	v8 =	vld.idx.msk [tilespmem:v6+s23+$0x0], vm4;
	_, v9, vm5 =	vpop (xrf1)  }
0xf2: {  	v10, _, _ =	vpop (xrf0);
	vm5 =	vmand vm4, vm5  }
0xf3: {  	v7 =	vadd.s32 v10, v7;
	(v2sf) =	vpush v10, $0xF  }
0xf4: {  	v7 =	vand.u32 $0x7FF, v7  }
0xf5: {  	v11 =	vld [tilespmem:s10+$0x3400];
	v9 =	vsub.s32 v9, v2  }
0xf6: {  	v8 =	vadd.s32 v8, v9  }
0xf7: {  	v9 =	vadd.s32 $0x1, v8  }
0xf8: {  	[tilespmem:v6+s23+$0x0] =	vst.idx.msk vm5, v9  }
0xf9: {  	[tilespmem:v7+s24+$0x0] =	vst.idx.msk vm4, v8  }
0xfa: {  	s7 =	simm.s32 $0x80;
	v5 =	vand.u32 $0x3FFFF, v5;
	[tilespmem:v7+s25+$0x0] =	vst.idx.msk vm4, v11  }
0xfb: {  	s4 =	smov.u32 s3;
	s3 =	smov.u32 s15;
	s10 =	simm.s32 $0x10;
	[tilespmem:v7+s26+$0x0] =	vst.idx.msk vm4, v5  }
.LBB2_9:
0xfc: {  	p1 =	sne.s32 s7, $0x7C0;
	v5 =	vld [tilespmem:s10+$0x3200]  }
0xfd: {  	v6 =	vld [tilespmem:s10+$0x3400];
	_ =	sdelay $0x1  }
0xfe: {  	s3 =	sadd.s32 $0x10, s3  }
0xff: {  	v7 =	vor.u32 s3, v3  }
0x100: {  	vm4 =	vlt.s32 v7, v4;
	vm5 =	vgt.s32 v5, $0xFFFFFFFF;
	v7 =	vshrl.u32 v5, $0x12  }
0x101: {  	vm4 =	vmand vm4, vm5;
	v7 =	vand.u32 $0xFFF, v7;
	s10 =	spop (v2sf)  }
0x102: {  	(xrf1) =	vunique.msk.u32 vm4, v7;
	s30 =	sadd.s32 s30, s10;
	_ =	sdelay $0x7  }
0x103: {  	v8 =	vsel vm4, $0x1, v0  }
0x104: {  	(xrf0) =	vadd.scan.msk.s32 $0xffff, v8;
	_ =	sdelay $0x2  }
0x105: {  	v8 =	vmov s30  }
0x106: {  	v8 =	vadd.s32 $0x7FF, v8;
	v9 =	vld.idx.msk [tilespmem:v7+s23+$0x0], vm4  }
0x107: {  	v8 =	vbroadcast v8, $0x0;
	_, v10, vm5 =	vpop (xrf1)  }
0x108: {  	vm5 =	vmand vm4, vm5;
	v11, _, _ =	vpop (xrf0)  }
0x109: {  	v8 =	vadd.s32 v11, v8;
	(v2sf) =	vpush v11, $0xF  }
0x10a: {  	v8 =	vand.u32 $0x7FF, v8  }
0x10b: {  	v10 =	vsub.s32 v10, v2  }
0x10c: {  	v9 =	vadd.s32 v9, v10  }
.Ltmp9:
0x10d: {  	v10 =	vadd.s32 $0x1, v9;
	(pc) =	sbr.rel @p1 .LBB2_9-.Ltmp9, $4  }
0x10e: {  	[tilespmem:v7+s23+$0x0] =	vst.idx.msk vm5, v10  }
0x10f: {  	[tilespmem:v8+s24+$0x0] =	vst.idx.msk vm4, v9  }
0x110: {  	v5 =	vand.u32 $0x3FFFF, v5;
	[tilespmem:v8+s25+$0x0] =	vst.idx.msk vm4, v6  }
0x111: {  	s10 =	sshra.s32 s7, $0x2;
	s7 =	sadd.s32 $0x40, s7;
	[tilespmem:v8+s26+$0x0] =	vst.idx.msk vm4, v5  }
0x112: {  	v5 =	vld [tilespmem:s10+$0x3200];
	_ =	sdelay $0x2  }
0x113: {  	s3 =	sadd.s32 $0x10, s3  }
0x114: {  	v6 =	vor.u32 s3, v3  }
0x115: {  	vm4 =	vlt.s32 v6, v4;
	vm5 =	vgt.s32 v5, $0xFFFFFFFF  }
0x116: {  	vm4 =	vmand vm4, vm5  }
0x117: {  	v6 =	vsel vm4, $0x1, v0  }
0x118: {  	(xrf0) =	vadd.scan.msk.s32 $0xffff, v6;
	_ =	sdelay $0x2  }
0x119: {  	v7 =	vshrl.u32 v5, $0x12;
	_ =	sdelay $0x1  }
0x11a: {  	v6 =	vand.u32 $0xFFF, v7  }
0x11b: {  	(xrf1) =	vunique.msk.u32 vm4, v6;
	v7, _, _ =	vpop (xrf0)  }
0x11c: {  	(v2sf) =	vpush v7, $0xF;
	_ =	sdelay $0x8  }
0x11d: {  	s7 =	spop (v2sf)  }
0x11e: {  	s3 =	sadd.s32 s30, s7  }
0x11f: {  	v8 =	vmov s3  }
0x120: {  	v8 =	vadd.s32 $0x7FF, v8  }
0x121: {  	v8 =	vbroadcast v8, $0x0;
	v9 =	vld.idx.msk [tilespmem:v6+s23+$0x0], vm4;
	_, v10, vm5 =	vpop (xrf1)  }
0x122: {  	vm5 =	vmand vm4, vm5  }
0x123: {  	v7 =	vadd.s32 v7, v8;
	s7 =	spop (v2sf)  }
0x124: {  	v7 =	vand.u32 $0x7FF, v7;
	s30 =	sadd.s32 s3, s7  }
0x125: {  	v63 =	vld [tilespmem:s10+$0x3400];
	v10 =	vsub.s32 v10, v2;
	s3 =	sshrl.u32 s30, $0x7  }
0x126: {  	v9 =	vadd.s32 v9, v10;
	p1 =	sge.u32 s4, s3  }
.Ltmp10:
0x127: {  	v10 =	vadd.s32 $0x1, v9;
	(pc) =	sbr.rel @p1 .LBB2_15-.Ltmp10, $4  }
0x128: {  	[tilespmem:v6+s23+$0x0] =	vst.idx.msk vm5, v10  }
0x129: {  	[tilespmem:v7+s24+$0x0] =	vst.idx.msk vm4, v9  }
0x12a: {  	v5 =	vand.u32 $0x3FFFF, v5;
	[tilespmem:v7+s25+$0x0] =	vst.idx.msk vm4, v63  }
0x12b: {  	[tilespmem:v7+s26+$0x0] =	vst.idx.msk vm4, v5  }
0x12c: {  	s7 =	ssub.s32 s3, s4  }
0x12d: {  	p2 =	sne.s32 s7, $0x1  }
.Ltmp11:
0x12e: {  	_ = 	snop;
	(pc) =	sbr.rel @!p2 .LBB2_14-.Ltmp11, $2  }
0x12f: {  	_ =	sdelay $0x2  }
0x130: {  	s4 =	sshll.u32 s4, $0x7;
	p1 =	por $0x0, $0x0;
	s7 =	sadd.s32 $0xFFFFFFFF, s7  }
0x131: {  	s10 =	sand.u32 $0x780, s4  }
0x132: {  	v5 =	vld [tilespmem:s10+$0x3A00];
	_ =	sdelay $0x4  }
0x133: {  	[tilespmem:$0x5200] =	vst v5  }
0x134: {  	v5 =	vld [tilespmem:s10+$0x4200];
	_ =	sdelay $0x4  }
0x135: {  	[tilespmem:$0x5280] =	vst v5  }
0x136: {  	v5 =	vld [tilespmem:s10+$0x4A00];
	_ =	sdelay $0x4  }
0x137: {  	[tilespmem:$0x5300] =	vst v5  }
0x138: {  	v5 =	vld [tilespmem:s10+$0x3A10];
	_ =	sdelay $0x4  }
0x139: {  	[tilespmem:$0x5210] =	vst v5  }
0x13a: {  	v5 =	vld [tilespmem:s10+$0x4210];
	_ =	sdelay $0x4  }
0x13b: {  	[tilespmem:$0x5290] =	vst v5  }
0x13c: {  	v5 =	vld [tilespmem:s10+$0x4A10];
	_ =	sdelay $0x4  }
0x13d: {  	[tilespmem:$0x5310] =	vst v5  }
0x13e: {  	v5 =	vld [tilespmem:s10+$0x3A20];
	_ =	sdelay $0x4  }
0x13f: {  	[tilespmem:$0x5220] =	vst v5  }
0x140: {  	v5 =	vld [tilespmem:s10+$0x4220];
	_ =	sdelay $0x4  }
0x141: {  	[tilespmem:$0x52A0] =	vst v5  }
0x142: {  	v5 =	vld [tilespmem:s10+$0x4A20];
	_ =	sdelay $0x4  }
0x143: {  	[tilespmem:$0x5320] =	vst v5  }
0x144: {  	v5 =	vld [tilespmem:s10+$0x3A30];
	_ =	sdelay $0x4  }
0x145: {  	[tilespmem:$0x5230] =	vst v5  }
0x146: {  	v5 =	vld [tilespmem:s10+$0x4230];
	_ =	sdelay $0x4  }
0x147: {  	[tilespmem:$0x52B0] =	vst v5  }
0x148: {  	v5 =	vld [tilespmem:s10+$0x4A30];
	_ =	sdelay $0x4  }
0x149: {  	[tilespmem:$0x5330] =	vst v5  }
0x14a: {  	v5 =	vld [tilespmem:s10+$0x3A40];
	_ =	sdelay $0x4  }
0x14b: {  	[tilespmem:$0x5240] =	vst v5  }
0x14c: {  	v5 =	vld [tilespmem:s10+$0x4240];
	_ =	sdelay $0x4  }
0x14d: {  	[tilespmem:$0x52C0] =	vst v5  }
0x14e: {  	v5 =	vld [tilespmem:s10+$0x4A40];
	_ =	sdelay $0x4  }
0x14f: {  	[tilespmem:$0x5340] =	vst v5  }
0x150: {  	v5 =	vld [tilespmem:s10+$0x3A50];
	_ =	sdelay $0x4  }
0x151: {  	[tilespmem:$0x5250] =	vst v5  }
0x152: {  	v5 =	vld [tilespmem:s10+$0x4250];
	_ =	sdelay $0x4  }
0x153: {  	[tilespmem:$0x52D0] =	vst v5  }
0x154: {  	v5 =	vld [tilespmem:s10+$0x4A50];
	_ =	sdelay $0x4  }
0x155: {  	[tilespmem:$0x5350] =	vst v5  }
0x156: {  	v5 =	vld [tilespmem:s10+$0x3A60];
	_ =	sdelay $0x4  }
0x157: {  	[tilespmem:$0x5260] =	vst v5  }
0x158: {  	v5 =	vld [tilespmem:s10+$0x4260];
	_ =	sdelay $0x4  }
0x159: {  	[tilespmem:$0x52E0] =	vst v5  }
0x15a: {  	v5 =	vld [tilespmem:s10+$0x4A60];
	_ =	sdelay $0x4  }
0x15b: {  	[tilespmem:$0x5360] =	vst v5  }
0x15c: {  	v5 =	vld [tilespmem:s10+$0x3A70];
	_ =	sdelay $0x4  }
0x15d: {  	[tilespmem:$0x5270] =	vst v5  }
0x15e: {  	v5 =	vld [tilespmem:s10+$0x4270];
	_ =	sdelay $0x4  }
0x15f: {  	[tilespmem:$0x52F0] =	vst v5  }
0x160: {  	v5 =	vld [tilespmem:s10+$0x4A70];
	_ =	sdelay $0x4  }
0x161: {  	[tilespmem:$0x5370] =	vst v5  }
0x162: {  	[hbm4b:s8+s17] =	stream.indirect.scatter [tilespmem:s19], [sflag:$0x1], $0x1, s18, s17, $0xb8;
	[tilespmem:$0x5380] =	vst v63  }
0x163: {  	p2 =	sne.s32 s7, $0x1;
	_ =	swait.ge [sflag:s14], $0x80  }
.Ltmp12:
0x164: {  	[sflag:s14] =	ssyncset.done $0x0;
	(pc) =	sbr.rel @!p2 .LBB2_14-.Ltmp12, $4  }
0x165: {  	[sflag:s14] =	ssyncadd.s32 $0xFFFFFF80  }
0x166: {  	[hbm4b:s9+s17] =	stream.indirect.scatter [tilespmem:s18], [sflag:$0x1], $0x1, s20, s17, $0xb8;
	[tilespmem:$0x5380] =	vst v63  }
0x167: {  	s7 =	sadd.s32 $0xFFFFFFFF, s7;
	_ =	swait.ge [sflag:s14], $0x80  }
0x168: {  	s4 =	sadd.s32 $0x80, s4;
	p1 =	por $0x1, $0x1;
	[sflag:s14] =	ssyncset.done $0x0  }
.LBB2_13:
0x169: {  	p2 =	sne.s32 s7, $0x1;
	s10 =	sand.u32 $0x780, s4;
	[sflag:s14] =	ssyncadd.s32 $0xFFFFFF80  }
0x16a: {  	s7 =	sadd.s32 $0xFFFFFFFF, s7;
	v5 =	vld [tilespmem:s10+$0x3A00];
	_ =	sdelay $0x4  }
0x16b: {  	[tilespmem:$0x5200] =	vst v5  }
0x16c: {  	v5 =	vld [tilespmem:s10+$0x4200];
	_ =	sdelay $0x4  }
0x16d: {  	[tilespmem:$0x5280] =	vst v5  }
0x16e: {  	v5 =	vld [tilespmem:s10+$0x4A00];
	_ =	sdelay $0x4  }
0x16f: {  	[tilespmem:$0x5300] =	vst v5  }
0x170: {  	v5 =	vld [tilespmem:s10+$0x3A10];
	_ =	sdelay $0x4  }
0x171: {  	[tilespmem:$0x5210] =	vst v5  }
0x172: {  	v5 =	vld [tilespmem:s10+$0x4210];
	_ =	sdelay $0x4  }
0x173: {  	[tilespmem:$0x5290] =	vst v5  }
0x174: {  	v5 =	vld [tilespmem:s10+$0x4A10];
	_ =	sdelay $0x4  }
0x175: {  	[tilespmem:$0x5310] =	vst v5  }
0x176: {  	v5 =	vld [tilespmem:s10+$0x3A20];
	_ =	sdelay $0x4  }
0x177: {  	[tilespmem:$0x5220] =	vst v5  }
0x178: {  	v5 =	vld [tilespmem:s10+$0x4220];
	_ =	sdelay $0x4  }
0x179: {  	[tilespmem:$0x52A0] =	vst v5  }
0x17a: {  	v5 =	vld [tilespmem:s10+$0x4A20];
	_ =	sdelay $0x4  }
0x17b: {  	[tilespmem:$0x5320] =	vst v5  }
0x17c: {  	v5 =	vld [tilespmem:s10+$0x3A30];
	_ =	sdelay $0x4  }
0x17d: {  	[tilespmem:$0x5230] =	vst v5  }
0x17e: {  	v5 =	vld [tilespmem:s10+$0x4230];
	_ =	sdelay $0x4  }
0x17f: {  	[tilespmem:$0x52B0] =	vst v5  }
0x180: {  	v5 =	vld [tilespmem:s10+$0x4A30];
	_ =	sdelay $0x4  }
0x181: {  	[tilespmem:$0x5330] =	vst v5  }
0x182: {  	v5 =	vld [tilespmem:s10+$0x3A40];
	_ =	sdelay $0x4  }
0x183: {  	[tilespmem:$0x5240] =	vst v5  }
0x184: {  	v5 =	vld [tilespmem:s10+$0x4240];
	_ =	sdelay $0x4  }
0x185: {  	[tilespmem:$0x52C0] =	vst v5  }
0x186: {  	v5 =	vld [tilespmem:s10+$0x4A40];
	_ =	sdelay $0x4  }
0x187: {  	[tilespmem:$0x5340] =	vst v5  }
0x188: {  	v5 =	vld [tilespmem:s10+$0x3A50];
	_ =	sdelay $0x4  }
0x189: {  	[tilespmem:$0x5250] =	vst v5  }
0x18a: {  	v5 =	vld [tilespmem:s10+$0x4250];
	_ =	sdelay $0x4  }
0x18b: {  	[tilespmem:$0x52D0] =	vst v5  }
0x18c: {  	v5 =	vld [tilespmem:s10+$0x4A50];
	_ =	sdelay $0x4  }
0x18d: {  	[tilespmem:$0x5350] =	vst v5  }
0x18e: {  	v5 =	vld [tilespmem:s10+$0x3A60];
	_ =	sdelay $0x4  }
0x18f: {  	[tilespmem:$0x5260] =	vst v5  }
0x190: {  	v5 =	vld [tilespmem:s10+$0x4260];
	_ =	sdelay $0x4  }
0x191: {  	[tilespmem:$0x52E0] =	vst v5  }
0x192: {  	v5 =	vld [tilespmem:s10+$0x4A60];
	_ =	sdelay $0x4  }
0x193: {  	[tilespmem:$0x5360] =	vst v5  }
0x194: {  	v5 =	vld [tilespmem:s10+$0x3A70];
	_ =	sdelay $0x4  }
0x195: {  	[tilespmem:$0x5270] =	vst v5  }
0x196: {  	v5 =	vld [tilespmem:s10+$0x4270];
	_ =	sdelay $0x4  }
0x197: {  	[tilespmem:$0x52F0] =	vst v5  }
0x198: {  	v5 =	vld [tilespmem:s10+$0x4A70];
	_ =	sdelay $0x4  }
0x199: {  	[tilespmem:$0x5370] =	vst v5  }
0x19a: {  	[hbm4b:s8+s17] =	stream.indirect.scatter [tilespmem:s19], [sflag:$0x1], $0x1, s18, s17, $0xb8;
	[tilespmem:$0x5380] =	vst v63  }
0x19b: {  	_ =	swait.ge [sflag:s14], $0x80  }
.Ltmp13:
0x19c: {  	[sflag:s14] =	ssyncset.done $0x0;
	(pc) =	sbr.rel @p2 .LBB2_13-.Ltmp13, $4  }
0x19d: {  	[sflag:s14] =	ssyncadd.s32 $0xFFFFFF80  }
0x19e: {  	[hbm4b:s9+s17] =	stream.indirect.scatter [tilespmem:s18], [sflag:$0x1], $0x1, s20, s17, $0xb8;
	[tilespmem:$0x5380] =	vst v63  }
0x19f: {  	_ =	swait.ge [sflag:s14], $0x80  }
0x1a0: {  	s4 =	sadd.s32 $0x80, s4;
	[sflag:s14] =	ssyncset.done $0x0  }
.Ltmp14:
0x1a1: {  	_ = 	snop;
	(pc) =	sbr.rel .LBB2_14-.Ltmp14, $1  }
0x1a2: {  	_ =	sdelay $0x3  }
.LBB2_17:
0x1a3: {  	s0 =	sshll.u32 s3, $0x7  }
0x1a4: {  	p1 =	sle.s32 s30, s0  }
.Ltmp15:
0x1a5: {  	_ = 	snop;
	(pc) =	sbr.rel @p1 .LBB2_21-.Ltmp15, $1  }
0x1a6: {  	_ =	sdelay $0x3  }
0x1a7: {  	s0 =	sand.u32 $0x780, s0  }
0x1a8: {  	s2 =	sadd.s32 $0x3A00, s0  }
0x1a9: {  	v5 =	vld [tilespmem:s2+$0x0];
	_ =	sdelay $0x1  }
0x1aa: {  	s3 =	sand.u32 $0x7F, s30;
	s4 =	simm.s32 $0x0  }
0x1ab: {  	v4 =	vmov s3;
	v6 =	vor.u32 s4, v3  }
0x1ac: {  	vm4 =	vlt.u32 v6, v4  }
0x1ad: {  	v5 =	vnsel vm4, $0x31000, v5  }
0x1ae: {  	s3 =	sadd.s32 $0x4A00, s0;
	[tilespmem:s2+$0x0] =	vst v5  }
0x1af: {  	v5 =	vld [tilespmem:s3+$0x0];
	_ =	sdelay $0x4  }
0x1b0: {  	s4 =	simm.s32 $0x10;
	v5 =	vnsel vm4, $0x31000, v5  }
.LBB2_19:
0x1b1: {  	p1 =	sne.s32 s4, $0x70;
	[tilespmem:s3+$0x0] =	vst v5;
	s2 =	sadd.s32 $0x10, s2;
	s3 =	sadd.s32 $0x10, s3  }
0x1b2: {  	s7 =	smov.u32 s4;
	s4 =	sadd.s32 $0x10, s4;
	v5 =	vld [tilespmem:s2+$0x0];
	_ =	sdelay $0x2  }
0x1b3: {  	v6 =	vor.u32 s7, v3  }
0x1b4: {  	vm4 =	vlt.u32 v6, v4  }
0x1b5: {  	v5 =	vnsel vm4, $0x31000, v5  }
0x1b6: {  	[tilespmem:s2+$0x0] =	vst v5  }
0x1b7: {  	v5 =	vld [tilespmem:s3+$0x0]  }
.Ltmp16:
0x1b8: {  	(pc) =	sbr.rel @p1 .LBB2_19-.Ltmp16, $2  }
0x1b9: {  	_ =	sdelay $0x2  }
0x1ba: {  	v5 =	vnsel vm4, $0x31000, v5  }
0x1bb: {  	[tilespmem:s3+$0x0] =	vst v5  }
0x1bc: {  	v4 =	vld [tilespmem:s0+$0x3A00];
	_ =	sdelay $0x4  }
0x1bd: {  	[tilespmem:$0x5200] =	vst v4  }
0x1be: {  	v4 =	vld [tilespmem:s0+$0x4200];
	_ =	sdelay $0x4  }
0x1bf: {  	[tilespmem:$0x5280] =	vst v4  }
0x1c0: {  	v4 =	vld [tilespmem:s0+$0x4A00];
	_ =	sdelay $0x4  }
0x1c1: {  	[tilespmem:$0x5300] =	vst v4  }
0x1c2: {  	v4 =	vld [tilespmem:s0+$0x3A10];
	_ =	sdelay $0x4  }
0x1c3: {  	[tilespmem:$0x5210] =	vst v4  }
0x1c4: {  	v4 =	vld [tilespmem:s0+$0x4210];
	_ =	sdelay $0x4  }
0x1c5: {  	[tilespmem:$0x5290] =	vst v4  }
0x1c6: {  	v4 =	vld [tilespmem:s0+$0x4A10];
	_ =	sdelay $0x4  }
0x1c7: {  	[tilespmem:$0x5310] =	vst v4  }
0x1c8: {  	v4 =	vld [tilespmem:s0+$0x3A20];
	_ =	sdelay $0x4  }
0x1c9: {  	[tilespmem:$0x5220] =	vst v4  }
0x1ca: {  	v4 =	vld [tilespmem:s0+$0x4220];
	_ =	sdelay $0x4  }
0x1cb: {  	[tilespmem:$0x52A0] =	vst v4  }
0x1cc: {  	v4 =	vld [tilespmem:s0+$0x4A20];
	_ =	sdelay $0x4  }
0x1cd: {  	[tilespmem:$0x5320] =	vst v4  }
0x1ce: {  	v4 =	vld [tilespmem:s0+$0x3A30];
	_ =	sdelay $0x4  }
0x1cf: {  	[tilespmem:$0x5230] =	vst v4  }
0x1d0: {  	v4 =	vld [tilespmem:s0+$0x4230];
	_ =	sdelay $0x4  }
0x1d1: {  	[tilespmem:$0x52B0] =	vst v4  }
0x1d2: {  	v4 =	vld [tilespmem:s0+$0x4A30];
	_ =	sdelay $0x4  }
0x1d3: {  	[tilespmem:$0x5330] =	vst v4  }
0x1d4: {  	v4 =	vld [tilespmem:s0+$0x3A40];
	_ =	sdelay $0x4  }
0x1d5: {  	[tilespmem:$0x5240] =	vst v4  }
0x1d6: {  	v4 =	vld [tilespmem:s0+$0x4240];
	_ =	sdelay $0x4  }
0x1d7: {  	[tilespmem:$0x52C0] =	vst v4  }
0x1d8: {  	v4 =	vld [tilespmem:s0+$0x4A40];
	_ =	sdelay $0x4  }
0x1d9: {  	[tilespmem:$0x5340] =	vst v4  }
0x1da: {  	v4 =	vld [tilespmem:s0+$0x3A50];
	_ =	sdelay $0x4  }
0x1db: {  	[tilespmem:$0x5250] =	vst v4  }
0x1dc: {  	v4 =	vld [tilespmem:s0+$0x4250];
	_ =	sdelay $0x4  }
0x1dd: {  	[tilespmem:$0x52D0] =	vst v4  }
0x1de: {  	v4 =	vld [tilespmem:s0+$0x4A50];
	_ =	sdelay $0x4  }
0x1df: {  	[tilespmem:$0x5350] =	vst v4  }
0x1e0: {  	v4 =	vld [tilespmem:s0+$0x3A60];
	_ =	sdelay $0x4  }
0x1e1: {  	[tilespmem:$0x5260] =	vst v4  }
0x1e2: {  	v4 =	vld [tilespmem:s0+$0x4260];
	_ =	sdelay $0x4  }
0x1e3: {  	[tilespmem:$0x52E0] =	vst v4  }
0x1e4: {  	v4 =	vld [tilespmem:s0+$0x4A60];
	_ =	sdelay $0x4  }
0x1e5: {  	[tilespmem:$0x5360] =	vst v4  }
0x1e6: {  	v4 =	vld [tilespmem:s0+$0x3A70];
	_ =	sdelay $0x4  }
0x1e7: {  	[tilespmem:$0x5270] =	vst v4  }
0x1e8: {  	v4 =	vld [tilespmem:s0+$0x4270];
	_ =	sdelay $0x4  }
0x1e9: {  	[tilespmem:$0x52F0] =	vst v4  }
0x1ea: {  	v4 =	vld [tilespmem:s0+$0x4A70];
	_ =	sdelay $0x4  }
0x1eb: {  	[tilespmem:$0x5370] =	vst v4  }
0x1ec: {  	[hbm4b:s8+s17] =	stream.indirect.scatter [tilespmem:s19], [sflag:$0x1], $0x1, s18, s17, $0xb8;
	[tilespmem:$0x5380] =	vst v63  }
0x1ed: {  	_ =	swait.ge [sflag:s14], $0x80  }
0x1ee: {  	[sflag:s14] =	ssyncset.done $0x0  }
.Ltmp17:
0x1ef: {  	[sflag:s14] =	ssyncadd.s32 $0xFFFFFF80;
	(pc) =	sbr.rel .LBB2_21-.Ltmp17, $4  }
0x1f0: {  	[hbm4b:s9+s17] =	stream.indirect.scatter [tilespmem:s18], [sflag:$0x1], $0x1, s20, s17, $0xb8;
	[tilespmem:$0x5380] =	vst v63  }
0x1f1: {  	_ =	swait.ge [sflag:s14], $0x80  }
0x1f2: {  	[sflag:s14] =	ssyncset.done $0x0  }
0x1f3: {  	[sflag:s14] =	ssyncadd.s32 $0xFFFFFF80  }
.LBB2_22:
0x1f4: {  	_ =	sfence.sel $0x180000  }
0x1f5: {  	[bflag:$0x0] =	sbarrier.arrive $0xFFFF  }
0x1f6: {  	_ =	strace $0x9000004A  }
0x1f7: {  	s0 =	stileid.u32;
	[bflag:$0x2] =	sbarrier.arrive $0xFFFF  }
0x1f8: {  	p0 =	sne.s32 s0, $0x0;
	s0 =	rddreg [dreg:$0x2]  }
0x1f9: {  	s0 =	sadd.s32 @!p0 $0x100000, s0  }
0x1fa: {  	[sflag:s0] =	ssyncadd.tile.s32 @!p0 $0x1;
	_ =	shalt  }
.Lfunc_end2:
_tile_overlayer_lowered:
.L_overlay_start_2:
0x1fb: {  	(tag) =	ssettag $0x2  }
0x1fc: {  	s0 =	rddreg [dreg:$0x0];
	s2 =	stileid.u32  }
0x1fd: {  	s1 =	rddreg [dreg:$0x1];
	p0 =	sne.s32 s2, $0x0  }
0x1fe: {  	s3 =	rddreg [dreg:$0x2];
	[bflag:$0x3] =	sbarrier.arrive $0xFFFF;
	s2 =	simm.s32 @!p0 $0x1C01  }
0x1ff: {  	[timem:s3], [sflag:s2] =	dma.local @!p0 [hbm:s0], s1  }
0x200: {  	s0 =	simm.s32 @!p0 $0x1  }
0x201: {  	_ =	swait.ge @!p0 [sflag:s0], s1  }
0x202: {  	s1 =	ssub.s32 @!p0 $0x0, s1;
	[sflag:s0] =	ssyncset.done @!p0 $0x0  }
0x203: {  	[sflag:s0] =	ssyncadd.s32 @!p0 s1  }
0x204: {  	[bflag:$0x3] =	sbarrier.arrive $0xFFFF  }
0x205: {  	_ =	shalt  }

</sc_bundles>
